<compile_context>
chip_gen: v7x
topology: tpu7x:2x2x1
jax: 0.10.2.dev20260603
libtpu: 0.0.44.dev20260713+nightly
codegen_flags: <defaults>
</compile_context>

<pallas_src>
import functools

import jax
import jax.numpy as jnp
from jax import lax
from jax.experimental import pallas as pl
from jax.experimental.pallas import tpu as pltpu
from jax.experimental.pallas import tpu_sc as plsc

NC = 2
NS = 16
NW = NC * NS
CH = 128
GRP = 8


def _sc_mesh():
    return plsc.VectorSubcoreMesh(core_axis_name="c", subcore_axis_name="s")


def _make_deg_kernel(nch, np_rows):
    sl = np_rows // NS

    @functools.partial(
        pl.kernel,
        mesh=_sc_mesh(),
        out_type=jax.ShapeDtypeStruct((NC, np_rows), jnp.float32),
        scratch_types=[
            pltpu.VMEM((nch, CH), jnp.int32),
            pltpu.VMEM((CH,), jnp.float32),
            pltpu.SemaphoreType.DMA,
            pltpu.VMEM_SHARED((np_rows,), jnp.float32),
        ],
    )
    def deg_kernel(dst_hbm, zeros_hbm, ones_hbm, dpart_hbm, idx_v, ones_v,
                   sem, deg_sp):
        c = lax.axis_index("c")
        s = lax.axis_index("s")
        w = c * NS + s
        pltpu.sync_copy(zeros_hbm.at[pl.ds(s * sl, sl)], deg_sp.at[pl.ds(s * sl, sl)])
        pltpu.sync_copy(dst_hbm.at[w], idx_v)
        pltpu.sync_copy(ones_hbm, ones_v)
        plsc.subcore_barrier()

        @pl.loop(0, nch)
        def _(j):
            pltpu.async_copy(ones_v, deg_sp.at[idx_v.at[j]], sem, add=True)

        @pl.loop(0, nch)
        def _(j):
            pltpu.make_async_copy(ones_v, deg_sp.at[idx_v.at[j]], sem).wait()

        plsc.subcore_barrier()
        pltpu.sync_copy(deg_sp.at[pl.ds(s * sl, sl)], dpart_hbm.at[c, pl.ds(s * sl, sl)])

    return deg_kernel


def _make_scatter_kernel(nch, np_rows, h):
    sl = np_rows // NS

    @functools.partial(
        pl.kernel,
        mesh=_sc_mesh(),
        out_type=jax.ShapeDtypeStruct((NC, np_rows, h), jnp.float32),
        scratch_types=[
            pltpu.VMEM((nch, CH), jnp.int32),
            pltpu.VMEM((GRP, CH), jnp.int32),
            pltpu.VMEM((GRP, CH), jnp.int32),
            pltpu.VMEM((CH, h), jnp.float32),
            pltpu.VMEM((CH, h), jnp.float32),
            pltpu.SemaphoreType.DMA,
            pltpu.SemaphoreType.DMA,
            pltpu.SemaphoreType.DMA,
            pltpu.SemaphoreType.DMA,
            pltpu.VMEM_SHARED((np_rows, h), jnp.float32),
        ],
    )
    def scat_kernel(hw_hbm, src_hbm, dst_hbm, zeros_hbm, out_hbm,
                    dst_v, sr0, sr1, buf0, buf1, gsem0, gsem1,
                    isem0, isem1, acc_sp):
        c = lax.axis_index("c")
        s = lax.axis_index("s")
        w = c * NS + s
        pltpu.sync_copy(zeros_hbm.at[pl.ds(s * sl, sl)], acc_sp.at[pl.ds(s * sl, sl)])
        pltpu.sync_copy(dst_hbm.at[w], dst_v)
        pltpu.sync_copy(src_hbm.at[w, pl.ds(0, GRP)], sr0)

        bufs = (buf0, buf1)
        gsems = (gsem0, gsem1)

        def start_g(b, ring, row):
            pltpu.async_copy(hw_hbm.at[ring.at[row]], bufs[b], gsems[b])

        def wait_g(b):
            pltpu.make_async_copy(hw_hbm.at[sr0.at[0]], bufs[b], gsems[b]).wait()

        plsc.subcore_barrier()
        start_g(0, sr0, 0)
        start_g(1, sr0, 1)

        @pl.loop(0, nch, step=2 * GRP)
        def _(j):
            pltpu.async_copy(src_hbm.at[w, pl.ds(j + GRP, GRP)], sr1, isem1)
            for k in range(2 * GRP):
                kk = j + k
                b = k % 2
                if k == GRP - 2:
                    pltpu.make_async_copy(
                        src_hbm.at[w, pl.ds(j + GRP, GRP)], sr1, isem1).wait()
                if k == GRP:
                    @pl.when(j + 2 * GRP < nch)
                    def _():
                        pltpu.async_copy(
                            src_hbm.at[w, pl.ds(j + 2 * GRP, GRP)], sr0, isem0)
                if k == 2 * GRP - 2:
                    @pl.when(j + 2 * GRP < nch)
                    def _():
                        pltpu.make_async_copy(
                            src_hbm.at[w, pl.ds(j + 2 * GRP, GRP)], sr0, isem0
                        ).wait()
                wait_g(b)
                pltpu.sync_copy(bufs[b], acc_sp.at[dst_v.at[kk]], add=True)
                ka = k + 2
                if ka < GRP:
                    start_g(b, sr0, ka)
                elif ka < 2 * GRP:
                    start_g(b, sr1, ka - GRP)
                else:
                    @pl.when(j + 2 * GRP < nch)
                    def _():
                        start_g(b, sr0, ka - 2 * GRP)

        plsc.subcore_barrier()
        pltpu.sync_copy(acc_sp.at[pl.ds(s * sl, sl)], out_hbm.at[c, pl.ds(s * sl, sl)])

    return scat_kernel


def _dinv_scale_body(d_ref, x_ref, w_ref, dinv_ref, hws_ref):
    deg = d_ref[0] + d_ref[1] + 1.0
    dinv = lax.rsqrt(deg)
    hw = jnp.dot(x_ref[...], w_ref[...], preferred_element_type=jnp.float32)
    dinv_b = jnp.broadcast_to(dinv, hw.shape)
    dinv_ref[...] = dinv_b
    hws_ref[...] = dinv_b * hw


def _layer_body(p_ref, hws_ref, dinv_ref, b_ref, w_ref, h_ref, hwsn_ref):
    agg = p_ref[0] + p_ref[1] + hws_ref[...]
    h = jnp.maximum(dinv_ref[...] * agg + b_ref[...], 0.0)
    h_ref[...] = h
    hwsn_ref[...] = dinv_ref[...] * jnp.dot(
        h, w_ref[...], preferred_element_type=jnp.float32)


def _final_body(p_ref, hws_ref, dinv_ref, b_ref, h1_ref, h2_ref,
                attw_ref, attb_ref, outw_ref, outb_ref, o_ref):
    agg = p_ref[0] + p_ref[1] + hws_ref[...]
    h3 = jnp.maximum(dinv_ref[...] * agg + b_ref[...], 0.0)
    h1 = h1_ref[...]
    h2 = h2_ref[...]
    aw = attw_ref[...]
    ab = attb_ref[0, 0]
    s1 = jnp.sum(h1 * aw, axis=1, keepdims=True) + ab
    s2 = jnp.sum(h2 * aw, axis=1, keepdims=True) + ab
    s3 = jnp.sum(h3 * aw, axis=1, keepdims=True) + ab
    m = jnp.maximum(jnp.maximum(s1, s2), s3)
    e1 = jnp.exp(s1 - m)
    e2 = jnp.exp(s2 - m)
    e3 = jnp.exp(s3 - m)
    denom = e1 + e2 + e3
    mix = (e1 * h1 + e2 * h2 + e3 * h3) / denom
    o_ref[...] = jnp.dot(mix, outw_ref[...],
                         preferred_element_type=jnp.float32) + outb_ref[...]


def kernel(x, edge_index, W0, b0, W1, b1, W2, b2, att_w, att_b, out_w, out_b):
    n, d = x.shape
    h = W0.shape[1]
    c_out = out_w.shape[1]
    e = edge_index.shape[1]

    per_w = -(-e // NW)
    nch = -(-per_w // (2 * GRP * CH)) * (2 * GRP)
    ep = NW * nch * CH
    np_rows = -(-n // 1024) * 1024
    br = n // 10

    src = edge_index[0].astype(jnp.int32)
    dst = edge_index[1].astype(jnp.int32)
    pad = ep - e
    pad_idx = jnp.arange(pad, dtype=jnp.int32)
    src_p = jnp.concatenate([src, pad_idx % n])
    dst_p = jnp.concatenate([dst, n + (pad_idx % CH)])
    src3 = src_p.reshape(NW, nch, CH)
    dst3 = dst_p.reshape(NW, nch, CH)

    zeros2d = jnp.zeros((np_rows, h), jnp.float32)
    zeros1d = jnp.zeros((np_rows,), jnp.float32)
    ones_ch = jnp.ones((CH,), jnp.float32)

    nb = n // br
    row_spec = pl.BlockSpec((br, h), lambda i: (i, 0))
    w_spec = pl.BlockSpec((d, h), lambda i: (0, 0))
    p_spec = pl.BlockSpec((NC, br, h), lambda i: (0, i, 0))
    bias_spec = pl.BlockSpec((1, h), lambda i: (0, 0))

    deg_kernel = _make_deg_kernel(nch, np_rows)
    scat_kernel = _make_scatter_kernel(nch, np_rows, h)

    dpart = deg_kernel(dst3, zeros1d, ones_ch)
    dpart3 = dpart[:, :, None]

    dinv_full, hw0s = pl.pallas_call(
        _dinv_scale_body,
        grid=(nb,),
        in_specs=[pl.BlockSpec((NC, br, 1), lambda i: (0, i, 0)),
                  pl.BlockSpec((br, d), lambda i: (i, 0)), w_spec],
        out_specs=(row_spec, row_spec),
        out_shape=(jax.ShapeDtypeStruct((n, h), jnp.float32),
                   jax.ShapeDtypeStruct((n, h), jnp.float32)),
    )(dpart3, x, W0)

    b0r = b0.reshape(1, h)
    b1r = b1.reshape(1, h)
    b2r = b2.reshape(1, h)

    hws = hw0s
    hs = []
    for bias, w_next in ((b0r, W1), (b1r, W2)):
        p = scat_kernel(hws, src3, dst3, zeros2d)
        h_i, hws = pl.pallas_call(
            _layer_body,
            grid=(nb,),
            in_specs=[p_spec, row_spec, row_spec, bias_spec, w_spec],
            out_specs=(row_spec, row_spec),
            out_shape=(jax.ShapeDtypeStruct((n, h), jnp.float32),
                       jax.ShapeDtypeStruct((n, h), jnp.float32)),
        )(p, hws, dinv_full, bias, w_next)
        hs.append(h_i)

    p = scat_kernel(hws, src3, dst3, zeros2d)
    out_full = pl.pallas_call(
        _final_body,
        grid=(nb,),
        in_specs=[p_spec, row_spec, row_spec, bias_spec, row_spec, row_spec,
                  pl.BlockSpec((1, h), lambda i: (0, 0)),
                  pl.BlockSpec((1, 1), lambda i: (0, 0), memory_space=pltpu.SMEM),
                  pl.BlockSpec((h, c_out), lambda i: (0, 0)),
                  pl.BlockSpec((1, c_out), lambda i: (0, 0))],
        out_specs=pl.BlockSpec((br, c_out), lambda i: (i, 0)),
        out_shape=jax.ShapeDtypeStruct((n, c_out), jnp.float32),
    )(p, hws, dinv_full, b2r, hs[0], hs[1],
      att_w.reshape(1, h), att_b.reshape(1, 1), out_w, out_b.reshape(1, c_out))

    return out_full

# --- scband reference (transcript-rebuilt; emitter-appended) ---
"""Pipeline reference for scband-twin-gcn-43662637531790 (READ-ONLY COPY).

The authoritative reference and input builder live on the scoring server;
editing this copy changes nothing except your own understanding.
"""

import jax, jax.numpy as jnp
import numpy as np

N = 10000
E = 320000
D = 128
H = 128
C = 40
L = 3
TEMP = 1.0

def _lin_init(key, shape):
    s = 1.0 / np.sqrt(shape[0])
    return jax.random.uniform(key, shape, minval=-s, maxval=s, dtype=jnp.float32)

def setup_inputs(seed: int = 0):
    key = jax.random.key(seed)
    ks = jax.random.split(key, 8)
    x = jax.random.normal(ks[0], (N, D), dtype=jnp.float32)
    edge_index = jax.random.randint(ks[1], (2, E), 0, N)
    W0 = _lin_init(ks[2], (D, H)); b0 = jnp.zeros((H,), dtype=jnp.float32)
    W1 = _lin_init(ks[3], (H, H)); b1 = jnp.zeros((H,), dtype=jnp.float32)
    W2 = _lin_init(ks[4], (H, H)); b2 = jnp.zeros((H,), dtype=jnp.float32)
    att_w = _lin_init(ks[5], (H, 1)); att_b = jnp.zeros((1,), dtype=jnp.float32)
    out_w = _lin_init(ks[6], (H, C)); out_b = jnp.zeros((C,), dtype=jnp.float32)
    return {"x": x, "edge_index": edge_index, "W0": W0, "b0": b0, "W1": W1, "b1": b1, "W2": W2, "b2": b2, "att_w": att_w, "att_b": att_b, "out_w": out_w, "out_b": out_b}

def _gcn_structure(edge_index, n):
    loop = jnp.arange(n, dtype=edge_index.dtype)
    src = jnp.concatenate([edge_index[0], loop])
    dst = jnp.concatenate([edge_index[1], loop])
    deg = jnp.zeros((n,), dtype=jnp.float32).at[dst].add(1.0)
    dinv = jnp.where(deg > 0.0, 1.0 / jnp.sqrt(jnp.maximum(deg, 1.0)), 0.0)
    norm = dinv[src] * dinv[dst]
    return src, dst, norm

def reference(x, edge_index, W0, b0, W1, b1, W2, b2, att_w, att_b, out_w, out_b):
    n = x.shape[0]
    src, dst, norm = _gcn_structure(edge_index, n)

    def conv(h, W, b):
        hw = h @ W
        msg = hw[src] * norm[:, None]
        return jax.ops.segment_sum(msg, dst, num_segments=n) + b

    # twin stream: detached copy of input (identical math in eval mode)
    x_ = jax.lax.stop_gradient(x)
    hs = []
    hs_ = []
    for (W, b) in ((W0, b0), (W1, b1), (W2, b2)):
        x = jax.nn.relu(conv(x, W, b))
        x_ = jax.nn.relu(conv(x_, W, b))
        # dropout is identity in eval mode
        hs.append(x)
        hs_.append(x_)

    # Summarize: layer-wise attention, scores from the twin (no-grad) stream
    scores = jnp.stack([(h_ @ att_w + att_b)[:, 0] for h_ in hs_], axis=1) / TEMP
    alpha = jax.nn.softmax(scores, axis=1)
    h = alpha[:, 0:1] * hs[0]
    for i in range(1, L):
        h = h + alpha[:, i:i + 1] * hs[i]
    return h @ out_w + out_b

if __name__ == "__main__":
    import jax
    _d = setup_inputs()
    print(jax.jit(kernel)(*tuple(_d.values())))

</pallas_src>

<mosaic_0001>
#map = affine_map<(d0, d1) -> (0, 0)>
#map1 = affine_map<(d0, d1) -> (0, 0, 0)>
module attributes {stable_mosaic.version = 14 : i64} {
  func.func @scat_kernel(%arg0: i32, %arg1: i32, %arg2: memref<10000x128xf32, #tpu.memory_space<hbm>>, %arg3: memref<32x80x128xi32, #tpu.memory_space<hbm>>, %arg4: memref<32x80x128xi32, #tpu.memory_space<hbm>>, %arg5: memref<10240x128xf32, #tpu.memory_space<hbm>>, %arg6: memref<2x10240x128xf32, #tpu.memory_space<hbm>>, %arg7: memref<80x128xi32, #tpu.memory_space<vmem>>, %arg8: memref<8x128xi32, #tpu.memory_space<vmem>>, %arg9: memref<8x128xi32, #tpu.memory_space<vmem>>, %arg10: memref<128x128xf32, #tpu.memory_space<vmem>>, %arg11: memref<128x128xf32, #tpu.memory_space<vmem>>, %arg12: memref<!tpu.dma_semaphore, #tpu.memory_space<semaphore_mem>>, %arg13: memref<!tpu.dma_semaphore, #tpu.memory_space<semaphore_mem>>, %arg14: memref<!tpu.dma_semaphore, #tpu.memory_space<semaphore_mem>>, %arg15: memref<!tpu.dma_semaphore, #tpu.memory_space<semaphore_mem>>, %arg16: memref<10240x128xf32, #tpu.memory_space<vmem_shared>>) attributes {dimension_semantics = [#tpu.dimension_semantics<core_parallel>, #tpu.dimension_semantics<subcore_parallel>], iteration_bounds = array<i64: 2, 16>, scalar_prefetch = 0 : i64, scratch_operands = 10 : i64, tpu.core_type = #tpu.core_type<sc_vector_subcore>, window_params = [{transform_indices = #map}, {transform_indices = #map1}, {transform_indices = #map1}, {transform_indices = #map}, {transform_indices = #map1}]} {
    %mul3A = arith.constant 16 : i32
    %mul3A_0 = arith.muli %arg0, %mul3A : i32
    %add3A = arith.addi %mul3A_0, %arg1 : i32
    %mul3A_1 = arith.constant 640 : i32
    %mul3A_2 = arith.muli %arg1, %mul3A_1 : i32
    %mul3A_3 = arith.constant 640 : i32
    %mul3A_4 = arith.muli %arg1, %mul3A_3 : i32
    "tpu.region"() ({
      %run_scoped3A = tpu.sem_alloc : memref<!tpu.dma_semaphore, #tpu.memory_space<semaphore_mem>>
      %dma_start3A_27 = arith.constant 0 : i32
      %dma_start3A_28 = tpu.memref_slice %arg16[%mul3A_4, %dma_start3A_27] : memref<10240x128xf32, #tpu.memory_space<vmem_shared>> -> memref<640x128xf32, #tpu.memory_space<vmem_shared>>
      %dma_start3A_29 = arith.constant 0 : i32
      %dma_start3A_30 = tpu.memref_slice %arg5[%mul3A_2, %dma_start3A_29] : memref<10240x128xf32, #tpu.memory_space<hbm>> -> memref<640x128xf32, #tpu.memory_space<hbm>>
      tpu.enqueue_dma source(%dma_start3A_30 : memref<640x128xf32, #tpu.memory_space<hbm>>) target(%dma_start3A_28 : memref<640x128xf32, #tpu.memory_space<vmem_shared>>) target_semaphore(%run_scoped3A : memref<!tpu.dma_semaphore, #tpu.memory_space<semaphore_mem>>)
      %dma_wait3A = arith.constant 0 : i32
      %dma_wait3A_31 = tpu.memref_slice %arg16[%mul3A_4, %dma_wait3A] : memref<10240x128xf32, #tpu.memory_space<vmem_shared>> -> memref<640x128xf32, #tpu.memory_space<vmem_shared>>
      %dma_wait3A_32 = arith.constant 0 : i32
      %dma_wait3A_33 = tpu.memref_slice %arg5[%mul3A_2, %dma_wait3A_32] : memref<10240x128xf32, #tpu.memory_space<hbm>> -> memref<640x128xf32, #tpu.memory_space<hbm>>
      tpu.wait_dma2 semaphore(%run_scoped3A : memref<!tpu.dma_semaphore, #tpu.memory_space<semaphore_mem>>) src(%dma_wait3A_33 : memref<640x128xf32, #tpu.memory_space<hbm>>) dst(%dma_wait3A_31 : memref<640x128xf32, #tpu.memory_space<vmem_shared>>)
      tpu.yield
    }) : () -> ()
    "tpu.region"() ({
      %run_scoped3A = tpu.sem_alloc : memref<!tpu.dma_semaphore, #tpu.memory_space<semaphore_mem>>
      %dma_start3A_27 = arith.constant 0 : i32
      %dma_start3A_28 = arith.constant 0 : i32
      %dma_start3A_29 = tpu.memref_slice %arg4[%add3A, %dma_start3A_27, %dma_start3A_28] : memref<32x80x128xi32, #tpu.memory_space<hbm>> -> memref<1x80x128xi32, #tpu.memory_space<hbm>>
      %dma_start3A_30 = tpu.memref_squeeze %dma_start3A_29 : memref<1x80x128xi32, #tpu.memory_space<hbm>> -> memref<80x128xi32, #tpu.memory_space<hbm>>
      %dma_start3A_31 = arith.constant 0 : i32
      %dma_start3A_32 = arith.constant 0 : i32
      %dma_start3A_33 = tpu.memref_slice %arg4[%add3A, %dma_start3A_31, %dma_start3A_32] : memref<32x80x128xi32, #tpu.memory_space<hbm>> -> memref<1x80x128xi32, #tpu.memory_space<hbm>>
      %dma_start3A_34 = tpu.memref_squeeze %dma_start3A_33 : memref<1x80x128xi32, #tpu.memory_space<hbm>> -> memref<80x128xi32, #tpu.memory_space<hbm>>
      tpu.enqueue_dma source(%dma_start3A_34 : memref<80x128xi32, #tpu.memory_space<hbm>>) target(%arg7 : memref<80x128xi32, #tpu.memory_space<vmem>>) target_semaphore(%run_scoped3A : memref<!tpu.dma_semaphore, #tpu.memory_space<semaphore_mem>>)
      %dma_wait3A = arith.constant 0 : i32
      %dma_wait3A_35 = arith.constant 0 : i32
      %dma_wait3A_36 = tpu.memref_slice %arg4[%add3A, %dma_wait3A, %dma_wait3A_35] : memref<32x80x128xi32, #tpu.memory_space<hbm>> -> memref<1x80x128xi32, #tpu.memory_space<hbm>>
      %dma_wait3A_37 = tpu.memref_squeeze %dma_wait3A_36 : memref<1x80x128xi32, #tpu.memory_space<hbm>> -> memref<80x128xi32, #tpu.memory_space<hbm>>
      %dma_wait3A_38 = arith.constant 0 : i32
      %dma_wait3A_39 = arith.constant 0 : i32
      %dma_wait3A_40 = tpu.memref_slice %arg4[%add3A, %dma_wait3A_38, %dma_wait3A_39] : memref<32x80x128xi32, #tpu.memory_space<hbm>> -> memref<1x80x128xi32, #tpu.memory_space<hbm>>
      %dma_wait3A_41 = tpu.memref_squeeze %dma_wait3A_40 : memref<1x80x128xi32, #tpu.memory_space<hbm>> -> memref<80x128xi32, #tpu.memory_space<hbm>>
      tpu.wait_dma2 semaphore(%run_scoped3A : memref<!tpu.dma_semaphore, #tpu.memory_space<semaphore_mem>>) src(%dma_wait3A_41 : memref<80x128xi32, #tpu.memory_space<hbm>>) dst(%arg7 : memref<80x128xi32, #tpu.memory_space<vmem>>)
      tpu.yield
    }) : () -> ()
    "tpu.region"() ({
      %run_scoped3A = tpu.sem_alloc : memref<!tpu.dma_semaphore, #tpu.memory_space<semaphore_mem>>
      %dma_start3A_27 = arith.constant 0 : i32
      %dma_start3A_28 = arith.constant 0 : i32
      %dma_start3A_29 = tpu.memref_slice %arg3[%add3A, %dma_start3A_27, %dma_start3A_28] : memref<32x80x128xi32, #tpu.memory_space<hbm>> -> memref<1x8x128xi32, #tpu.memory_space<hbm>>
      %dma_start3A_30 = tpu.memref_squeeze %dma_start3A_29 : memref<1x8x128xi32, #tpu.memory_space<hbm>> -> memref<8x128xi32, #tpu.memory_space<hbm>>
      %dma_start3A_31 = arith.constant 0 : i32
      %dma_start3A_32 = arith.constant 0 : i32
      %dma_start3A_33 = tpu.memref_slice %arg3[%add3A, %dma_start3A_31, %dma_start3A_32] : memref<32x80x128xi32, #tpu.memory_space<hbm>> -> memref<1x8x128xi32, #tpu.memory_space<hbm>>
      %dma_start3A_34 = tpu.memref_squeeze %dma_start3A_33 : memref<1x8x128xi32, #tpu.memory_space<hbm>> -> memref<8x128xi32, #tpu.memory_space<hbm>>
      tpu.enqueue_dma source(%dma_start3A_34 : memref<8x128xi32, #tpu.memory_space<hbm>>) target(%arg8 : memref<8x128xi32, #tpu.memory_space<vmem>>) target_semaphore(%run_scoped3A : memref<!tpu.dma_semaphore, #tpu.memory_space<semaphore_mem>>)
      %dma_wait3A = arith.constant 0 : i32
      %dma_wait3A_35 = arith.constant 0 : i32
      %dma_wait3A_36 = tpu.memref_slice %arg3[%add3A, %dma_wait3A, %dma_wait3A_35] : memref<32x80x128xi32, #tpu.memory_space<hbm>> -> memref<1x8x128xi32, #tpu.memory_space<hbm>>
      %dma_wait3A_37 = tpu.memref_squeeze %dma_wait3A_36 : memref<1x8x128xi32, #tpu.memory_space<hbm>> -> memref<8x128xi32, #tpu.memory_space<hbm>>
      %dma_wait3A_38 = arith.constant 0 : i32
      %dma_wait3A_39 = arith.constant 0 : i32
      %dma_wait3A_40 = tpu.memref_slice %arg3[%add3A, %dma_wait3A_38, %dma_wait3A_39] : memref<32x80x128xi32, #tpu.memory_space<hbm>> -> memref<1x8x128xi32, #tpu.memory_space<hbm>>
      %dma_wait3A_41 = tpu.memref_squeeze %dma_wait3A_40 : memref<1x8x128xi32, #tpu.memory_space<hbm>> -> memref<8x128xi32, #tpu.memory_space<hbm>>
      tpu.wait_dma2 semaphore(%run_scoped3A : memref<!tpu.dma_semaphore, #tpu.memory_space<semaphore_mem>>) src(%dma_wait3A_41 : memref<8x128xi32, #tpu.memory_space<hbm>>) dst(%arg8 : memref<8x128xi32, #tpu.memory_space<vmem>>)
      tpu.yield
    }) : () -> ()
    %barrier3A = arith.constant 0 : index
    tpu.barrier barrier_id(%barrier3A)
    %dma_start3A = arith.constant 0 : i32
    %dma_start3A_5 = arith.constant 0 : i32
    %dma_start3A_6 = tpu.memref_slice %arg8[%dma_start3A, %dma_start3A_5] : memref<8x128xi32, #tpu.memory_space<vmem>> -> memref<1x128xi32, #tpu.memory_space<vmem>>
    %dma_start3A_7 = tpu.memref_squeeze %dma_start3A_6 : memref<1x128xi32, #tpu.memory_space<vmem>> -> memref<128xi32, #tpu.memory_space<vmem>>
    %dma_start3A_8 = arith.constant 0 : i32
    %dma_start3A_9 = arith.constant 0 : i32
    %dma_start3A_10 = tpu.memref_slice %arg2[%dma_start3A_8, %dma_start3A_9] : memref<10000x128xf32, #tpu.memory_space<hbm>> -> memref<10000x128xf32, #tpu.memory_space<hbm>>
    tpu.enqueue_indirect_dma source(%dma_start3A_10 : memref<10000x128xf32, #tpu.memory_space<hbm>>) target(%arg10 : memref<128x128xf32, #tpu.memory_space<vmem>>) offsets(%dma_start3A_7 : memref<128xi32, #tpu.memory_space<vmem>>) semaphore(%arg12 : memref<!tpu.dma_semaphore, #tpu.memory_space<semaphore_mem>>)
    %dma_start3A_11 = arith.constant 1 : i32
    %dma_start3A_12 = arith.constant 0 : i32
    %dma_start3A_13 = tpu.memref_slice %arg8[%dma_start3A_11, %dma_start3A_12] : memref<8x128xi32, #tpu.memory_space<vmem>> -> memref<1x128xi32, #tpu.memory_space<vmem>>
    %dma_start3A_14 = tpu.memref_squeeze %dma_start3A_13 : memref<1x128xi32, #tpu.memory_space<vmem>> -> memref<128xi32, #tpu.memory_space<vmem>>
    %dma_start3A_15 = arith.constant 0 : i32
    %dma_start3A_16 = arith.constant 0 : i32
    %dma_start3A_17 = tpu.memref_slice %arg2[%dma_start3A_15, %dma_start3A_16] : memref<10000x128xf32, #tpu.memory_space<hbm>> -> memref<10000x128xf32, #tpu.memory_space<hbm>>
    tpu.enqueue_indirect_dma source(%dma_start3A_17 : memref<10000x128xf32, #tpu.memory_space<hbm>>) target(%arg11 : memref<128x128xf32, #tpu.memory_space<vmem>>) offsets(%dma_start3A_14 : memref<128xi32, #tpu.memory_space<vmem>>) semaphore(%arg13 : memref<!tpu.dma_semaphore, #tpu.memory_space<semaphore_mem>>)
    %scan3A = arith.constant 0 : i32
    %scan3A_18 = arith.constant 5 : i32
    %scan3A_19 = arith.addi %scan3A, %scan3A_18 : i32
    %scan3A_20 = arith.constant 1 : i32
    scf.for %scan3A_27 = %scan3A to %scan3A_19 step %scan3A_20  : i32 {
      %mul3A_28 = arith.constant 16 : i32
      %mul3A_29 = arith.muli %scan3A_27, %mul3A_28 : i32
      %add3A_30 = arith.constant 0 : i32
      %add3A_31 = arith.addi %add3A_30, %mul3A_29 : i32
      %add3A_32 = arith.constant 8 : i32
      %add3A_33 = arith.addi %add3A_31, %add3A_32 : i32
      %dma_start3A_34 = arith.constant 0 : i32
      %dma_start3A_35 = tpu.memref_slice %arg3[%add3A, %add3A_33, %dma_start3A_34] : memref<32x80x128xi32, #tpu.memory_space<hbm>> -> memref<1x8x128xi32, #tpu.memory_space<hbm>>
      %dma_start3A_36 = tpu.memref_squeeze %dma_start3A_35 : memref<1x8x128xi32, #tpu.memory_space<hbm>> -> memref<8x128xi32, #tpu.memory_space<hbm>>
      %dma_start3A_37 = arith.constant 0 : i32
      %dma_start3A_38 = tpu.memref_slice %arg3[%add3A, %add3A_33, %dma_start3A_37] : memref<32x80x128xi32, #tpu.memory_space<hbm>> -> memref<1x8x128xi32, #tpu.memory_space<hbm>>
      %dma_start3A_39 = tpu.memref_squeeze %dma_start3A_38 : memref<1x8x128xi32, #tpu.memory_space<hbm>> -> memref<8x128xi32, #tpu.memory_space<hbm>>
      tpu.enqueue_dma source(%dma_start3A_39 : memref<8x128xi32, #tpu.memory_space<hbm>>) target(%arg9 : memref<8x128xi32, #tpu.memory_space<vmem>>) target_semaphore(%arg15 : memref<!tpu.dma_semaphore, #tpu.memory_space<semaphore_mem>>)
      %add3A_40 = arith.constant 0 : i32
      %add3A_41 = arith.addi %add3A_31, %add3A_40 : i32
      %dma_wait3A = arith.constant 0 : i32
      %dma_wait3A_42 = arith.constant 0 : i32
      %dma_wait3A_43 = tpu.memref_slice %arg8[%dma_wait3A, %dma_wait3A_42] : memref<8x128xi32, #tpu.memory_space<vmem>> -> memref<1x128xi32, #tpu.memory_space<vmem>>
      %dma_wait3A_44 = tpu.memref_squeeze %dma_wait3A_43 : memref<1x128xi32, #tpu.memory_space<vmem>> -> memref<128xi32, #tpu.memory_space<vmem>>
      %dma_wait3A_45 = arith.constant 0 : i32
      %dma_wait3A_46 = arith.constant 0 : i32
      %dma_wait3A_47 = tpu.memref_slice %arg2[%dma_wait3A_45, %dma_wait3A_46] : memref<10000x128xf32, #tpu.memory_space<hbm>> -> memref<10000x128xf32, #tpu.memory_space<hbm>>
      tpu.wait_indirect_dma semaphore(%arg12 : memref<!tpu.dma_semaphore, #tpu.memory_space<semaphore_mem>>) src(%dma_wait3A_47 : memref<10000x128xf32, #tpu.memory_space<hbm>>) dst(%arg10 : memref<128x128xf32, #tpu.memory_space<vmem>>)
      "tpu.region"() ({
        %run_scoped3A = tpu.sem_alloc : memref<!tpu.dma_semaphore, #tpu.memory_space<semaphore_mem>>
        %dma_start3A_314 = arith.constant 0 : i32
        %dma_start3A_315 = tpu.memref_slice %arg7[%add3A_41, %dma_start3A_314] : memref<80x128xi32, #tpu.memory_space<vmem>> -> memref<1x128xi32, #tpu.memory_space<vmem>>
        %dma_start3A_316 = tpu.memref_squeeze %dma_start3A_315 : memref<1x128xi32, #tpu.memory_space<vmem>> -> memref<128xi32, #tpu.memory_space<vmem>>
        %dma_start3A_317 = arith.constant 0 : i32
        %dma_start3A_318 = arith.constant 0 : i32
        %dma_start3A_319 = tpu.memref_slice %arg16[%dma_start3A_317, %dma_start3A_318] : memref<10240x128xf32, #tpu.memory_space<vmem_shared>> -> memref<10240x128xf32, #tpu.memory_space<vmem_shared>>
        tpu.enqueue_indirect_dma source(%arg10 : memref<128x128xf32, #tpu.memory_space<vmem>>) target(%dma_start3A_319 : memref<10240x128xf32, #tpu.memory_space<vmem_shared>>) offsets(%dma_start3A_316 : memref<128xi32, #tpu.memory_space<vmem>>) semaphore(%run_scoped3A : memref<!tpu.dma_semaphore, #tpu.memory_space<semaphore_mem>>) {add = true}
        %dma_wait3A_320 = arith.constant 0 : i32
        %dma_wait3A_321 = tpu.memref_slice %arg7[%add3A_41, %dma_wait3A_320] : memref<80x128xi32, #tpu.memory_space<vmem>> -> memref<1x128xi32, #tpu.memory_space<vmem>>
        %dma_wait3A_322 = tpu.memref_squeeze %dma_wait3A_321 : memref<1x128xi32, #tpu.memory_space<vmem>> -> memref<128xi32, #tpu.memory_space<vmem>>
        %dma_wait3A_323 = arith.constant 0 : i32
        %dma_wait3A_324 = arith.constant 0 : i32
        %dma_wait3A_325 = tpu.memref_slice %arg16[%dma_wait3A_323, %dma_wait3A_324] : memref<10240x128xf32, #tpu.memory_space<vmem_shared>> -> memref<10240x128xf32, #tpu.memory_space<vmem_shared>>
        tpu.wait_indirect_dma semaphore(%run_scoped3A : memref<!tpu.dma_semaphore, #tpu.memory_space<semaphore_mem>>) src(%arg10 : memref<128x128xf32, #tpu.memory_space<vmem>>) dst(%dma_wait3A_325 : memref<10240x128xf32, #tpu.memory_space<vmem_shared>>)
        tpu.yield
      }) : () -> ()
      %dma_start3A_48 = arith.constant 2 : i32
      %dma_start3A_49 = arith.constant 0 : i32
      %dma_start3A_50 = tpu.memref_slice %arg8[%dma_start3A_48, %dma_start3A_49] : memref<8x128xi32, #tpu.memory_space<vmem>> -> memref<1x128xi32, #tpu.memory_space<vmem>>
      %dma_start3A_51 = tpu.memref_squeeze %dma_start3A_50 : memref<1x128xi32, #tpu.memory_space<vmem>> -> memref<128xi32, #tpu.memory_space<vmem>>
      %dma_start3A_52 = arith.constant 0 : i32
      %dma_start3A_53 = arith.constant 0 : i32
      %dma_start3A_54 = tpu.memref_slice %arg2[%dma_start3A_52, %dma_start3A_53] : memref<10000x128xf32, #tpu.memory_space<hbm>> -> memref<10000x128xf32, #tpu.memory_space<hbm>>
      tpu.enqueue_indirect_dma source(%dma_start3A_54 : memref<10000x128xf32, #tpu.memory_space<hbm>>) target(%arg10 : memref<128x128xf32, #tpu.memory_space<vmem>>) offsets(%dma_start3A_51 : memref<128xi32, #tpu.memory_space<vmem>>) semaphore(%arg12 : memref<!tpu.dma_semaphore, #tpu.memory_space<semaphore_mem>>)
      %add3A_55 = arith.constant 1 : i32
      %add3A_56 = arith.addi %add3A_31, %add3A_55 : i32
      %dma_wait3A_57 = arith.constant 0 : i32
      %dma_wait3A_58 = arith.constant 0 : i32
      %dma_wait3A_59 = tpu.memref_slice %arg8[%dma_wait3A_57, %dma_wait3A_58] : memref<8x128xi32, #tpu.memory_space<vmem>> -> memref<1x128xi32, #tpu.memory_space<vmem>>
      %dma_wait3A_60 = tpu.memref_squeeze %dma_wait3A_59 : memref<1x128xi32, #tpu.memory_space<vmem>> -> memref<128xi32, #tpu.memory_space<vmem>>
      %dma_wait3A_61 = arith.constant 0 : i32
      %dma_wait3A_62 = arith.constant 0 : i32
      %dma_wait3A_63 = tpu.memref_slice %arg2[%dma_wait3A_61, %dma_wait3A_62] : memref<10000x128xf32, #tpu.memory_space<hbm>> -> memref<10000x128xf32, #tpu.memory_space<hbm>>
      tpu.wait_indirect_dma semaphore(%arg13 : memref<!tpu.dma_semaphore, #tpu.memory_space<semaphore_mem>>) src(%dma_wait3A_63 : memref<10000x128xf32, #tpu.memory_space<hbm>>) dst(%arg11 : memref<128x128xf32, #tpu.memory_space<vmem>>)
      "tpu.region"() ({
        %run_scoped3A = tpu.sem_alloc : memref<!tpu.dma_semaphore, #tpu.memory_space<semaphore_mem>>
        %dma_start3A_314 = arith.constant 0 : i32
        %dma_start3A_315 = tpu.memref_slice %arg7[%add3A_56, %dma_start3A_314] : memref<80x128xi32, #tpu.memory_space<vmem>> -> memref<1x128xi32, #tpu.memory_space<vmem>>
        %dma_start3A_316 = tpu.memref_squeeze %dma_start3A_315 : memref<1x128xi32, #tpu.memory_space<vmem>> -> memref<128xi32, #tpu.memory_space<vmem>>
        %dma_start3A_317 = arith.constant 0 : i32
        %dma_start3A_318 = arith.constant 0 : i32
        %dma_start3A_319 = tpu.memref_slice %arg16[%dma_start3A_317, %dma_start3A_318] : memref<10240x128xf32, #tpu.memory_space<vmem_shared>> -> memref<10240x128xf32, #tpu.memory_space<vmem_shared>>
        tpu.enqueue_indirect_dma source(%arg11 : memref<128x128xf32, #tpu.memory_space<vmem>>) target(%dma_start3A_319 : memref<10240x128xf32, #tpu.memory_space<vmem_shared>>) offsets(%dma_start3A_316 : memref<128xi32, #tpu.memory_space<vmem>>) semaphore(%run_scoped3A : memref<!tpu.dma_semaphore, #tpu.memory_space<semaphore_mem>>) {add = true}
        %dma_wait3A_320 = arith.constant 0 : i32
        %dma_wait3A_321 = tpu.memref_slice %arg7[%add3A_56, %dma_wait3A_320] : memref<80x128xi32, #tpu.memory_space<vmem>> -> memref<1x128xi32, #tpu.memory_space<vmem>>
        %dma_wait3A_322 = tpu.memref_squeeze %dma_wait3A_321 : memref<1x128xi32, #tpu.memory_space<vmem>> -> memref<128xi32, #tpu.memory_space<vmem>>
        %dma_wait3A_323 = arith.constant 0 : i32
        %dma_wait3A_324 = arith.constant 0 : i32
        %dma_wait3A_325 = tpu.memref_slice %arg16[%dma_wait3A_323, %dma_wait3A_324] : memref<10240x128xf32, #tpu.memory_space<vmem_shared>> -> memref<10240x128xf32, #tpu.memory_space<vmem_shared>>
        tpu.wait_indirect_dma semaphore(%run_scoped3A : memref<!tpu.dma_semaphore, #tpu.memory_space<semaphore_mem>>) src(%arg11 : memref<128x128xf32, #tpu.memory_space<vmem>>) dst(%dma_wait3A_325 : memref<10240x128xf32, #tpu.memory_space<vmem_shared>>)
        tpu.yield
      }) : () -> ()
      %dma_start3A_64 = arith.constant 3 : i32
      %dma_start3A_65 = arith.constant 0 : i32
      %dma_start3A_66 = tpu.memref_slice %arg8[%dma_start3A_64, %dma_start3A_65] : memref<8x128xi32, #tpu.memory_space<vmem>> -> memref<1x128xi32, #tpu.memory_space<vmem>>
      %dma_start3A_67 = tpu.memref_squeeze %dma_start3A_66 : memref<1x128xi32, #tpu.memory_space<vmem>> -> memref<128xi32, #tpu.memory_space<vmem>>
      %dma_start3A_68 = arith.constant 0 : i32
      %dma_start3A_69 = arith.constant 0 : i32
      %dma_start3A_70 = tpu.memref_slice %arg2[%dma_start3A_68, %dma_start3A_69] : memref<10000x128xf32, #tpu.memory_space<hbm>> -> memref<10000x128xf32, #tpu.memory_space<hbm>>
      tpu.enqueue_indirect_dma source(%dma_start3A_70 : memref<10000x128xf32, #tpu.memory_space<hbm>>) target(%arg11 : memref<128x128xf32, #tpu.memory_space<vmem>>) offsets(%dma_start3A_67 : memref<128xi32, #tpu.memory_space<vmem>>) semaphore(%arg13 : memref<!tpu.dma_semaphore, #tpu.memory_space<semaphore_mem>>)
      %add3A_71 = arith.constant 2 : i32
      %add3A_72 = arith.addi %add3A_31, %add3A_71 : i32
      %dma_wait3A_73 = arith.constant 0 : i32
      %dma_wait3A_74 = arith.constant 0 : i32
      %dma_wait3A_75 = tpu.memref_slice %arg8[%dma_wait3A_73, %dma_wait3A_74] : memref<8x128xi32, #tpu.memory_space<vmem>> -> memref<1x128xi32, #tpu.memory_space<vmem>>
      %dma_wait3A_76 = tpu.memref_squeeze %dma_wait3A_75 : memref<1x128xi32, #tpu.memory_space<vmem>> -> memref<128xi32, #tpu.memory_space<vmem>>
      %dma_wait3A_77 = arith.constant 0 : i32
      %dma_wait3A_78 = arith.constant 0 : i32
      %dma_wait3A_79 = tpu.memref_slice %arg2[%dma_wait3A_77, %dma_wait3A_78] : memref<10000x128xf32, #tpu.memory_space<hbm>> -> memref<10000x128xf32, #tpu.memory_space<hbm>>
      tpu.wait_indirect_dma semaphore(%arg12 : memref<!tpu.dma_semaphore, #tpu.memory_space<semaphore_mem>>) src(%dma_wait3A_79 : memref<10000x128xf32, #tpu.memory_space<hbm>>) dst(%arg10 : memref<128x128xf32, #tpu.memory_space<vmem>>)
      "tpu.region"() ({
        %run_scoped3A = tpu.sem_alloc : memref<!tpu.dma_semaphore, #tpu.memory_space<semaphore_mem>>
        %dma_start3A_314 = arith.constant 0 : i32
        %dma_start3A_315 = tpu.memref_slice %arg7[%add3A_72, %dma_start3A_314] : memref<80x128xi32, #tpu.memory_space<vmem>> -> memref<1x128xi32, #tpu.memory_space<vmem>>
        %dma_start3A_316 = tpu.memref_squeeze %dma_start3A_315 : memref<1x128xi32, #tpu.memory_space<vmem>> -> memref<128xi32, #tpu.memory_space<vmem>>
        %dma_start3A_317 = arith.constant 0 : i32
        %dma_start3A_318 = arith.constant 0 : i32
        %dma_start3A_319 = tpu.memref_slice %arg16[%dma_start3A_317, %dma_start3A_318] : memref<10240x128xf32, #tpu.memory_space<vmem_shared>> -> memref<10240x128xf32, #tpu.memory_space<vmem_shared>>
        tpu.enqueue_indirect_dma source(%arg10 : memref<128x128xf32, #tpu.memory_space<vmem>>) target(%dma_start3A_319 : memref<10240x128xf32, #tpu.memory_space<vmem_shared>>) offsets(%dma_start3A_316 : memref<128xi32, #tpu.memory_space<vmem>>) semaphore(%run_scoped3A : memref<!tpu.dma_semaphore, #tpu.memory_space<semaphore_mem>>) {add = true}
        %dma_wait3A_320 = arith.constant 0 : i32
        %dma_wait3A_321 = tpu.memref_slice %arg7[%add3A_72, %dma_wait3A_320] : memref<80x128xi32, #tpu.memory_space<vmem>> -> memref<1x128xi32, #tpu.memory_space<vmem>>
        %dma_wait3A_322 = tpu.memref_squeeze %dma_wait3A_321 : memref<1x128xi32, #tpu.memory_space<vmem>> -> memref<128xi32, #tpu.memory_space<vmem>>
        %dma_wait3A_323 = arith.constant 0 : i32
        %dma_wait3A_324 = arith.constant 0 : i32
        %dma_wait3A_325 = tpu.memref_slice %arg16[%dma_wait3A_323, %dma_wait3A_324] : memref<10240x128xf32, #tpu.memory_space<vmem_shared>> -> memref<10240x128xf32, #tpu.memory_space<vmem_shared>>
        tpu.wait_indirect_dma semaphore(%run_scoped3A : memref<!tpu.dma_semaphore, #tpu.memory_space<semaphore_mem>>) src(%arg10 : memref<128x128xf32, #tpu.memory_space<vmem>>) dst(%dma_wait3A_325 : memref<10240x128xf32, #tpu.memory_space<vmem_shared>>)
        tpu.yield
      }) : () -> ()
      %dma_start3A_80 = arith.constant 4 : i32
      %dma_start3A_81 = arith.constant 0 : i32
      %dma_start3A_82 = tpu.memref_slice %arg8[%dma_start3A_80, %dma_start3A_81] : memref<8x128xi32, #tpu.memory_space<vmem>> -> memref<1x128xi32, #tpu.memory_space<vmem>>
      %dma_start3A_83 = tpu.memref_squeeze %dma_start3A_82 : memref<1x128xi32, #tpu.memory_space<vmem>> -> memref<128xi32, #tpu.memory_space<vmem>>
      %dma_start3A_84 = arith.constant 0 : i32
      %dma_start3A_85 = arith.constant 0 : i32
      %dma_start3A_86 = tpu.memref_slice %arg2[%dma_start3A_84, %dma_start3A_85] : memref<10000x128xf32, #tpu.memory_space<hbm>> -> memref<10000x128xf32, #tpu.memory_space<hbm>>
      tpu.enqueue_indirect_dma source(%dma_start3A_86 : memref<10000x128xf32, #tpu.memory_space<hbm>>) target(%arg10 : memref<128x128xf32, #tpu.memory_space<vmem>>) offsets(%dma_start3A_83 : memref<128xi32, #tpu.memory_space<vmem>>) semaphore(%arg12 : memref<!tpu.dma_semaphore, #tpu.memory_space<semaphore_mem>>)
      %add3A_87 = arith.constant 3 : i32
      %add3A_88 = arith.addi %add3A_31, %add3A_87 : i32
      %dma_wait3A_89 = arith.constant 0 : i32
      %dma_wait3A_90 = arith.constant 0 : i32
      %dma_wait3A_91 = tpu.memref_slice %arg8[%dma_wait3A_89, %dma_wait3A_90] : memref<8x128xi32, #tpu.memory_space<vmem>> -> memref<1x128xi32, #tpu.memory_space<vmem>>
      %dma_wait3A_92 = tpu.memref_squeeze %dma_wait3A_91 : memref<1x128xi32, #tpu.memory_space<vmem>> -> memref<128xi32, #tpu.memory_space<vmem>>
      %dma_wait3A_93 = arith.constant 0 : i32
      %dma_wait3A_94 = arith.constant 0 : i32
      %dma_wait3A_95 = tpu.memref_slice %arg2[%dma_wait3A_93, %dma_wait3A_94] : memref<10000x128xf32, #tpu.memory_space<hbm>> -> memref<10000x128xf32, #tpu.memory_space<hbm>>
      tpu.wait_indirect_dma semaphore(%arg13 : memref<!tpu.dma_semaphore, #tpu.memory_space<semaphore_mem>>) src(%dma_wait3A_95 : memref<10000x128xf32, #tpu.memory_space<hbm>>) dst(%arg11 : memref<128x128xf32, #tpu.memory_space<vmem>>)
      "tpu.region"() ({
        %run_scoped3A = tpu.sem_alloc : memref<!tpu.dma_semaphore, #tpu.memory_space<semaphore_mem>>
        %dma_start3A_314 = arith.constant 0 : i32
        %dma_start3A_315 = tpu.memref_slice %arg7[%add3A_88, %dma_start3A_314] : memref<80x128xi32, #tpu.memory_space<vmem>> -> memref<1x128xi32, #tpu.memory_space<vmem>>
        %dma_start3A_316 = tpu.memref_squeeze %dma_start3A_315 : memref<1x128xi32, #tpu.memory_space<vmem>> -> memref<128xi32, #tpu.memory_space<vmem>>
        %dma_start3A_317 = arith.constant 0 : i32
        %dma_start3A_318 = arith.constant 0 : i32
        %dma_start3A_319 = tpu.memref_slice %arg16[%dma_start3A_317, %dma_start3A_318] : memref<10240x128xf32, #tpu.memory_space<vmem_shared>> -> memref<10240x128xf32, #tpu.memory_space<vmem_shared>>
        tpu.enqueue_indirect_dma source(%arg11 : memref<128x128xf32, #tpu.memory_space<vmem>>) target(%dma_start3A_319 : memref<10240x128xf32, #tpu.memory_space<vmem_shared>>) offsets(%dma_start3A_316 : memref<128xi32, #tpu.memory_space<vmem>>) semaphore(%run_scoped3A : memref<!tpu.dma_semaphore, #tpu.memory_space<semaphore_mem>>) {add = true}
        %dma_wait3A_320 = arith.constant 0 : i32
        %dma_wait3A_321 = tpu.memref_slice %arg7[%add3A_88, %dma_wait3A_320] : memref<80x128xi32, #tpu.memory_space<vmem>> -> memref<1x128xi32, #tpu.memory_space<vmem>>
        %dma_wait3A_322 = tpu.memref_squeeze %dma_wait3A_321 : memref<1x128xi32, #tpu.memory_space<vmem>> -> memref<128xi32, #tpu.memory_space<vmem>>
        %dma_wait3A_323 = arith.constant 0 : i32
        %dma_wait3A_324 = arith.constant 0 : i32
        %dma_wait3A_325 = tpu.memref_slice %arg16[%dma_wait3A_323, %dma_wait3A_324] : memref<10240x128xf32, #tpu.memory_space<vmem_shared>> -> memref<10240x128xf32, #tpu.memory_space<vmem_shared>>
        tpu.wait_indirect_dma semaphore(%run_scoped3A : memref<!tpu.dma_semaphore, #tpu.memory_space<semaphore_mem>>) src(%arg11 : memref<128x128xf32, #tpu.memory_space<vmem>>) dst(%dma_wait3A_325 : memref<10240x128xf32, #tpu.memory_space<vmem_shared>>)
        tpu.yield
      }) : () -> ()
      %dma_start3A_96 = arith.constant 5 : i32
      %dma_start3A_97 = arith.constant 0 : i32
      %dma_start3A_98 = tpu.memref_slice %arg8[%dma_start3A_96, %dma_start3A_97] : memref<8x128xi32, #tpu.memory_space<vmem>> -> memref<1x128xi32, #tpu.memory_space<vmem>>
      %dma_start3A_99 = tpu.memref_squeeze %dma_start3A_98 : memref<1x128xi32, #tpu.memory_space<vmem>> -> memref<128xi32, #tpu.memory_space<vmem>>
      %dma_start3A_100 = arith.constant 0 : i32
      %dma_start3A_101 = arith.constant 0 : i32
      %dma_start3A_102 = tpu.memref_slice %arg2[%dma_start3A_100, %dma_start3A_101] : memref<10000x128xf32, #tpu.memory_space<hbm>> -> memref<10000x128xf32, #tpu.memory_space<hbm>>
      tpu.enqueue_indirect_dma source(%dma_start3A_102 : memref<10000x128xf32, #tpu.memory_space<hbm>>) target(%arg11 : memref<128x128xf32, #tpu.memory_space<vmem>>) offsets(%dma_start3A_99 : memref<128xi32, #tpu.memory_space<vmem>>) semaphore(%arg13 : memref<!tpu.dma_semaphore, #tpu.memory_space<semaphore_mem>>)
      %add3A_103 = arith.constant 4 : i32
      %add3A_104 = arith.addi %add3A_31, %add3A_103 : i32
      %dma_wait3A_105 = arith.constant 0 : i32
      %dma_wait3A_106 = arith.constant 0 : i32
      %dma_wait3A_107 = tpu.memref_slice %arg8[%dma_wait3A_105, %dma_wait3A_106] : memref<8x128xi32, #tpu.memory_space<vmem>> -> memref<1x128xi32, #tpu.memory_space<vmem>>
      %dma_wait3A_108 = tpu.memref_squeeze %dma_wait3A_107 : memref<1x128xi32, #tpu.memory_space<vmem>> -> memref<128xi32, #tpu.memory_space<vmem>>
      %dma_wait3A_109 = arith.constant 0 : i32
      %dma_wait3A_110 = arith.constant 0 : i32
      %dma_wait3A_111 = tpu.memref_slice %arg2[%dma_wait3A_109, %dma_wait3A_110] : memref<10000x128xf32, #tpu.memory_space<hbm>> -> memref<10000x128xf32, #tpu.memory_space<hbm>>
      tpu.wait_indirect_dma semaphore(%arg12 : memref<!tpu.dma_semaphore, #tpu.memory_space<semaphore_mem>>) src(%dma_wait3A_111 : memref<10000x128xf32, #tpu.memory_space<hbm>>) dst(%arg10 : memref<128x128xf32, #tpu.memory_space<vmem>>)
      "tpu.region"() ({
        %run_scoped3A = tpu.sem_alloc : memref<!tpu.dma_semaphore, #tpu.memory_space<semaphore_mem>>
        %dma_start3A_314 = arith.constant 0 : i32
        %dma_start3A_315 = tpu.memref_slice %arg7[%add3A_104, %dma_start3A_314] : memref<80x128xi32, #tpu.memory_space<vmem>> -> memref<1x128xi32, #tpu.memory_space<vmem>>
        %dma_start3A_316 = tpu.memref_squeeze %dma_start3A_315 : memref<1x128xi32, #tpu.memory_space<vmem>> -> memref<128xi32, #tpu.memory_space<vmem>>
        %dma_start3A_317 = arith.constant 0 : i32
        %dma_start3A_318 = arith.constant 0 : i32
        %dma_start3A_319 = tpu.memref_slice %arg16[%dma_start3A_317, %dma_start3A_318] : memref<10240x128xf32, #tpu.memory_space<vmem_shared>> -> memref<10240x128xf32, #tpu.memory_space<vmem_shared>>
        tpu.enqueue_indirect_dma source(%arg10 : memref<128x128xf32, #tpu.memory_space<vmem>>) target(%dma_start3A_319 : memref<10240x128xf32, #tpu.memory_space<vmem_shared>>) offsets(%dma_start3A_316 : memref<128xi32, #tpu.memory_space<vmem>>) semaphore(%run_scoped3A : memref<!tpu.dma_semaphore, #tpu.memory_space<semaphore_mem>>) {add = true}
        %dma_wait3A_320 = arith.constant 0 : i32
        %dma_wait3A_321 = tpu.memref_slice %arg7[%add3A_104, %dma_wait3A_320] : memref<80x128xi32, #tpu.memory_space<vmem>> -> memref<1x128xi32, #tpu.memory_space<vmem>>
        %dma_wait3A_322 = tpu.memref_squeeze %dma_wait3A_321 : memref<1x128xi32, #tpu.memory_space<vmem>> -> memref<128xi32, #tpu.memory_space<vmem>>
        %dma_wait3A_323 = arith.constant 0 : i32
        %dma_wait3A_324 = arith.constant 0 : i32
        %dma_wait3A_325 = tpu.memref_slice %arg16[%dma_wait3A_323, %dma_wait3A_324] : memref<10240x128xf32, #tpu.memory_space<vmem_shared>> -> memref<10240x128xf32, #tpu.memory_space<vmem_shared>>
        tpu.wait_indirect_dma semaphore(%run_scoped3A : memref<!tpu.dma_semaphore, #tpu.memory_space<semaphore_mem>>) src(%arg10 : memref<128x128xf32, #tpu.memory_space<vmem>>) dst(%dma_wait3A_325 : memref<10240x128xf32, #tpu.memory_space<vmem_shared>>)
        tpu.yield
      }) : () -> ()
      %dma_start3A_112 = arith.constant 6 : i32
      %dma_start3A_113 = arith.constant 0 : i32
      %dma_start3A_114 = tpu.memref_slice %arg8[%dma_start3A_112, %dma_start3A_113] : memref<8x128xi32, #tpu.memory_space<vmem>> -> memref<1x128xi32, #tpu.memory_space<vmem>>
      %dma_start3A_115 = tpu.memref_squeeze %dma_start3A_114 : memref<1x128xi32, #tpu.memory_space<vmem>> -> memref<128xi32, #tpu.memory_space<vmem>>
      %dma_start3A_116 = arith.constant 0 : i32
      %dma_start3A_117 = arith.constant 0 : i32
      %dma_start3A_118 = tpu.memref_slice %arg2[%dma_start3A_116, %dma_start3A_117] : memref<10000x128xf32, #tpu.memory_space<hbm>> -> memref<10000x128xf32, #tpu.memory_space<hbm>>
      tpu.enqueue_indirect_dma source(%dma_start3A_118 : memref<10000x128xf32, #tpu.memory_space<hbm>>) target(%arg10 : memref<128x128xf32, #tpu.memory_space<vmem>>) offsets(%dma_start3A_115 : memref<128xi32, #tpu.memory_space<vmem>>) semaphore(%arg12 : memref<!tpu.dma_semaphore, #tpu.memory_space<semaphore_mem>>)
      %add3A_119 = arith.constant 5 : i32
      %add3A_120 = arith.addi %add3A_31, %add3A_119 : i32
      %dma_wait3A_121 = arith.constant 0 : i32
      %dma_wait3A_122 = arith.constant 0 : i32
      %dma_wait3A_123 = tpu.memref_slice %arg8[%dma_wait3A_121, %dma_wait3A_122] : memref<8x128xi32, #tpu.memory_space<vmem>> -> memref<1x128xi32, #tpu.memory_space<vmem>>
      %dma_wait3A_124 = tpu.memref_squeeze %dma_wait3A_123 : memref<1x128xi32, #tpu.memory_space<vmem>> -> memref<128xi32, #tpu.memory_space<vmem>>
      %dma_wait3A_125 = arith.constant 0 : i32
      %dma_wait3A_126 = arith.constant 0 : i32
      %dma_wait3A_127 = tpu.memref_slice %arg2[%dma_wait3A_125, %dma_wait3A_126] : memref<10000x128xf32, #tpu.memory_space<hbm>> -> memref<10000x128xf32, #tpu.memory_space<hbm>>
      tpu.wait_indirect_dma semaphore(%arg13 : memref<!tpu.dma_semaphore, #tpu.memory_space<semaphore_mem>>) src(%dma_wait3A_127 : memref<10000x128xf32, #tpu.memory_space<hbm>>) dst(%arg11 : memref<128x128xf32, #tpu.memory_space<vmem>>)
      "tpu.region"() ({
        %run_scoped3A = tpu.sem_alloc : memref<!tpu.dma_semaphore, #tpu.memory_space<semaphore_mem>>
        %dma_start3A_314 = arith.constant 0 : i32
        %dma_start3A_315 = tpu.memref_slice %arg7[%add3A_120, %dma_start3A_314] : memref<80x128xi32, #tpu.memory_space<vmem>> -> memref<1x128xi32, #tpu.memory_space<vmem>>
        %dma_start3A_316 = tpu.memref_squeeze %dma_start3A_315 : memref<1x128xi32, #tpu.memory_space<vmem>> -> memref<128xi32, #tpu.memory_space<vmem>>
        %dma_start3A_317 = arith.constant 0 : i32
        %dma_start3A_318 = arith.constant 0 : i32
        %dma_start3A_319 = tpu.memref_slice %arg16[%dma_start3A_317, %dma_start3A_318] : memref<10240x128xf32, #tpu.memory_space<vmem_shared>> -> memref<10240x128xf32, #tpu.memory_space<vmem_shared>>
        tpu.enqueue_indirect_dma source(%arg11 : memref<128x128xf32, #tpu.memory_space<vmem>>) target(%dma_start3A_319 : memref<10240x128xf32, #tpu.memory_space<vmem_shared>>) offsets(%dma_start3A_316 : memref<128xi32, #tpu.memory_space<vmem>>) semaphore(%run_scoped3A : memref<!tpu.dma_semaphore, #tpu.memory_space<semaphore_mem>>) {add = true}
        %dma_wait3A_320 = arith.constant 0 : i32
        %dma_wait3A_321 = tpu.memref_slice %arg7[%add3A_120, %dma_wait3A_320] : memref<80x128xi32, #tpu.memory_space<vmem>> -> memref<1x128xi32, #tpu.memory_space<vmem>>
        %dma_wait3A_322 = tpu.memref_squeeze %dma_wait3A_321 : memref<1x128xi32, #tpu.memory_space<vmem>> -> memref<128xi32, #tpu.memory_space<vmem>>
        %dma_wait3A_323 = arith.constant 0 : i32
        %dma_wait3A_324 = arith.constant 0 : i32
        %dma_wait3A_325 = tpu.memref_slice %arg16[%dma_wait3A_323, %dma_wait3A_324] : memref<10240x128xf32, #tpu.memory_space<vmem_shared>> -> memref<10240x128xf32, #tpu.memory_space<vmem_shared>>
        tpu.wait_indirect_dma semaphore(%run_scoped3A : memref<!tpu.dma_semaphore, #tpu.memory_space<semaphore_mem>>) src(%arg11 : memref<128x128xf32, #tpu.memory_space<vmem>>) dst(%dma_wait3A_325 : memref<10240x128xf32, #tpu.memory_space<vmem_shared>>)
        tpu.yield
      }) : () -> ()
      %dma_start3A_128 = arith.constant 7 : i32
      %dma_start3A_129 = arith.constant 0 : i32
      %dma_start3A_130 = tpu.memref_slice %arg8[%dma_start3A_128, %dma_start3A_129] : memref<8x128xi32, #tpu.memory_space<vmem>> -> memref<1x128xi32, #tpu.memory_space<vmem>>
      %dma_start3A_131 = tpu.memref_squeeze %dma_start3A_130 : memref<1x128xi32, #tpu.memory_space<vmem>> -> memref<128xi32, #tpu.memory_space<vmem>>
      %dma_start3A_132 = arith.constant 0 : i32
      %dma_start3A_133 = arith.constant 0 : i32
      %dma_start3A_134 = tpu.memref_slice %arg2[%dma_start3A_132, %dma_start3A_133] : memref<10000x128xf32, #tpu.memory_space<hbm>> -> memref<10000x128xf32, #tpu.memory_space<hbm>>
      tpu.enqueue_indirect_dma source(%dma_start3A_134 : memref<10000x128xf32, #tpu.memory_space<hbm>>) target(%arg11 : memref<128x128xf32, #tpu.memory_space<vmem>>) offsets(%dma_start3A_131 : memref<128xi32, #tpu.memory_space<vmem>>) semaphore(%arg13 : memref<!tpu.dma_semaphore, #tpu.memory_space<semaphore_mem>>)
      %add3A_135 = arith.constant 6 : i32
      %add3A_136 = arith.addi %add3A_31, %add3A_135 : i32
      %add3A_137 = arith.constant 8 : i32
      %add3A_138 = arith.addi %add3A_31, %add3A_137 : i32
      %dma_wait3A_139 = arith.constant 0 : i32
      %dma_wait3A_140 = tpu.memref_slice %arg3[%add3A, %add3A_138, %dma_wait3A_139] : memref<32x80x128xi32, #tpu.memory_space<hbm>> -> memref<1x8x128xi32, #tpu.memory_space<hbm>>
      %dma_wait3A_141 = tpu.memref_squeeze %dma_wait3A_140 : memref<1x8x128xi32, #tpu.memory_space<hbm>> -> memref<8x128xi32, #tpu.memory_space<hbm>>
      %dma_wait3A_142 = arith.constant 0 : i32
      %dma_wait3A_143 = tpu.memref_slice %arg3[%add3A, %add3A_138, %dma_wait3A_142] : memref<32x80x128xi32, #tpu.memory_space<hbm>> -> memref<1x8x128xi32, #tpu.memory_space<hbm>>
      %dma_wait3A_144 = tpu.memref_squeeze %dma_wait3A_143 : memref<1x8x128xi32, #tpu.memory_space<hbm>> -> memref<8x128xi32, #tpu.memory_space<hbm>>
      tpu.wait_dma2 semaphore(%arg15 : memref<!tpu.dma_semaphore, #tpu.memory_space<semaphore_mem>>) src(%dma_wait3A_144 : memref<8x128xi32, #tpu.memory_space<hbm>>) dst(%arg9 : memref<8x128xi32, #tpu.memory_space<vmem>>)
      %dma_wait3A_145 = arith.constant 0 : i32
      %dma_wait3A_146 = arith.constant 0 : i32
      %dma_wait3A_147 = tpu.memref_slice %arg8[%dma_wait3A_145, %dma_wait3A_146] : memref<8x128xi32, #tpu.memory_space<vmem>> -> memref<1x128xi32, #tpu.memory_space<vmem>>
      %dma_wait3A_148 = tpu.memref_squeeze %dma_wait3A_147 : memref<1x128xi32, #tpu.memory_space<vmem>> -> memref<128xi32, #tpu.memory_space<vmem>>
      %dma_wait3A_149 = arith.constant 0 : i32
      %dma_wait3A_150 = arith.constant 0 : i32
      %dma_wait3A_151 = tpu.memref_slice %arg2[%dma_wait3A_149, %dma_wait3A_150] : memref<10000x128xf32, #tpu.memory_space<hbm>> -> memref<10000x128xf32, #tpu.memory_space<hbm>>
      tpu.wait_indirect_dma semaphore(%arg12 : memref<!tpu.dma_semaphore, #tpu.memory_space<semaphore_mem>>) src(%dma_wait3A_151 : memref<10000x128xf32, #tpu.memory_space<hbm>>) dst(%arg10 : memref<128x128xf32, #tpu.memory_space<vmem>>)
      "tpu.region"() ({
        %run_scoped3A = tpu.sem_alloc : memref<!tpu.dma_semaphore, #tpu.memory_space<semaphore_mem>>
        %dma_start3A_314 = arith.constant 0 : i32
        %dma_start3A_315 = tpu.memref_slice %arg7[%add3A_136, %dma_start3A_314] : memref<80x128xi32, #tpu.memory_space<vmem>> -> memref<1x128xi32, #tpu.memory_space<vmem>>
        %dma_start3A_316 = tpu.memref_squeeze %dma_start3A_315 : memref<1x128xi32, #tpu.memory_space<vmem>> -> memref<128xi32, #tpu.memory_space<vmem>>
        %dma_start3A_317 = arith.constant 0 : i32
        %dma_start3A_318 = arith.constant 0 : i32
        %dma_start3A_319 = tpu.memref_slice %arg16[%dma_start3A_317, %dma_start3A_318] : memref<10240x128xf32, #tpu.memory_space<vmem_shared>> -> memref<10240x128xf32, #tpu.memory_space<vmem_shared>>
        tpu.enqueue_indirect_dma source(%arg10 : memref<128x128xf32, #tpu.memory_space<vmem>>) target(%dma_start3A_319 : memref<10240x128xf32, #tpu.memory_space<vmem_shared>>) offsets(%dma_start3A_316 : memref<128xi32, #tpu.memory_space<vmem>>) semaphore(%run_scoped3A : memref<!tpu.dma_semaphore, #tpu.memory_space<semaphore_mem>>) {add = true}
        %dma_wait3A_320 = arith.constant 0 : i32
        %dma_wait3A_321 = tpu.memref_slice %arg7[%add3A_136, %dma_wait3A_320] : memref<80x128xi32, #tpu.memory_space<vmem>> -> memref<1x128xi32, #tpu.memory_space<vmem>>
        %dma_wait3A_322 = tpu.memref_squeeze %dma_wait3A_321 : memref<1x128xi32, #tpu.memory_space<vmem>> -> memref<128xi32, #tpu.memory_space<vmem>>
        %dma_wait3A_323 = arith.constant 0 : i32
        %dma_wait3A_324 = arith.constant 0 : i32
        %dma_wait3A_325 = tpu.memref_slice %arg16[%dma_wait3A_323, %dma_wait3A_324] : memref<10240x128xf32, #tpu.memory_space<vmem_shared>> -> memref<10240x128xf32, #tpu.memory_space<vmem_shared>>
        tpu.wait_indirect_dma semaphore(%run_scoped3A : memref<!tpu.dma_semaphore, #tpu.memory_space<semaphore_mem>>) src(%arg10 : memref<128x128xf32, #tpu.memory_space<vmem>>) dst(%dma_wait3A_325 : memref<10240x128xf32, #tpu.memory_space<vmem_shared>>)
        tpu.yield
      }) : () -> ()
      %dma_start3A_152 = arith.constant 0 : i32
      %dma_start3A_153 = arith.constant 0 : i32
      %dma_start3A_154 = tpu.memref_slice %arg9[%dma_start3A_152, %dma_start3A_153] : memref<8x128xi32, #tpu.memory_space<vmem>> -> memref<1x128xi32, #tpu.memory_space<vmem>>
      %dma_start3A_155 = tpu.memref_squeeze %dma_start3A_154 : memref<1x128xi32, #tpu.memory_space<vmem>> -> memref<128xi32, #tpu.memory_space<vmem>>
      %dma_start3A_156 = arith.constant 0 : i32
      %dma_start3A_157 = arith.constant 0 : i32
      %dma_start3A_158 = tpu.memref_slice %arg2[%dma_start3A_156, %dma_start3A_157] : memref<10000x128xf32, #tpu.memory_space<hbm>> -> memref<10000x128xf32, #tpu.memory_space<hbm>>
      tpu.enqueue_indirect_dma source(%dma_start3A_158 : memref<10000x128xf32, #tpu.memory_space<hbm>>) target(%arg10 : memref<128x128xf32, #tpu.memory_space<vmem>>) offsets(%dma_start3A_155 : memref<128xi32, #tpu.memory_space<vmem>>) semaphore(%arg12 : memref<!tpu.dma_semaphore, #tpu.memory_space<semaphore_mem>>)
      %add3A_159 = arith.constant 7 : i32
      %add3A_160 = arith.addi %add3A_31, %add3A_159 : i32
      %dma_wait3A_161 = arith.constant 0 : i32
      %dma_wait3A_162 = arith.constant 0 : i32
      %dma_wait3A_163 = tpu.memref_slice %arg8[%dma_wait3A_161, %dma_wait3A_162] : memref<8x128xi32, #tpu.memory_space<vmem>> -> memref<1x128xi32, #tpu.memory_space<vmem>>
      %dma_wait3A_164 = tpu.memref_squeeze %dma_wait3A_163 : memref<1x128xi32, #tpu.memory_space<vmem>> -> memref<128xi32, #tpu.memory_space<vmem>>
      %dma_wait3A_165 = arith.constant 0 : i32
      %dma_wait3A_166 = arith.constant 0 : i32
      %dma_wait3A_167 = tpu.memref_slice %arg2[%dma_wait3A_165, %dma_wait3A_166] : memref<10000x128xf32, #tpu.memory_space<hbm>> -> memref<10000x128xf32, #tpu.memory_space<hbm>>
      tpu.wait_indirect_dma semaphore(%arg13 : memref<!tpu.dma_semaphore, #tpu.memory_space<semaphore_mem>>) src(%dma_wait3A_167 : memref<10000x128xf32, #tpu.memory_space<hbm>>) dst(%arg11 : memref<128x128xf32, #tpu.memory_space<vmem>>)
      "tpu.region"() ({
        %run_scoped3A = tpu.sem_alloc : memref<!tpu.dma_semaphore, #tpu.memory_space<semaphore_mem>>
        %dma_start3A_314 = arith.constant 0 : i32
        %dma_start3A_315 = tpu.memref_slice %arg7[%add3A_160, %dma_start3A_314] : memref<80x128xi32, #tpu.memory_space<vmem>> -> memref<1x128xi32, #tpu.memory_space<vmem>>
        %dma_start3A_316 = tpu.memref_squeeze %dma_start3A_315 : memref<1x128xi32, #tpu.memory_space<vmem>> -> memref<128xi32, #tpu.memory_space<vmem>>
        %dma_start3A_317 = arith.constant 0 : i32
        %dma_start3A_318 = arith.constant 0 : i32
        %dma_start3A_319 = tpu.memref_slice %arg16[%dma_start3A_317, %dma_start3A_318] : memref<10240x128xf32, #tpu.memory_space<vmem_shared>> -> memref<10240x128xf32, #tpu.memory_space<vmem_shared>>
        tpu.enqueue_indirect_dma source(%arg11 : memref<128x128xf32, #tpu.memory_space<vmem>>) target(%dma_start3A_319 : memref<10240x128xf32, #tpu.memory_space<vmem_shared>>) offsets(%dma_start3A_316 : memref<128xi32, #tpu.memory_space<vmem>>) semaphore(%run_scoped3A : memref<!tpu.dma_semaphore, #tpu.memory_space<semaphore_mem>>) {add = true}
        %dma_wait3A_320 = arith.constant 0 : i32
        %dma_wait3A_321 = tpu.memref_slice %arg7[%add3A_160, %dma_wait3A_320] : memref<80x128xi32, #tpu.memory_space<vmem>> -> memref<1x128xi32, #tpu.memory_space<vmem>>
        %dma_wait3A_322 = tpu.memref_squeeze %dma_wait3A_321 : memref<1x128xi32, #tpu.memory_space<vmem>> -> memref<128xi32, #tpu.memory_space<vmem>>
        %dma_wait3A_323 = arith.constant 0 : i32
        %dma_wait3A_324 = arith.constant 0 : i32
        %dma_wait3A_325 = tpu.memref_slice %arg16[%dma_wait3A_323, %dma_wait3A_324] : memref<10240x128xf32, #tpu.memory_space<vmem_shared>> -> memref<10240x128xf32, #tpu.memory_space<vmem_shared>>
        tpu.wait_indirect_dma semaphore(%run_scoped3A : memref<!tpu.dma_semaphore, #tpu.memory_space<semaphore_mem>>) src(%arg11 : memref<128x128xf32, #tpu.memory_space<vmem>>) dst(%dma_wait3A_325 : memref<10240x128xf32, #tpu.memory_space<vmem_shared>>)
        tpu.yield
      }) : () -> ()
      %dma_start3A_168 = arith.constant 1 : i32
      %dma_start3A_169 = arith.constant 0 : i32
      %dma_start3A_170 = tpu.memref_slice %arg9[%dma_start3A_168, %dma_start3A_169] : memref<8x128xi32, #tpu.memory_space<vmem>> -> memref<1x128xi32, #tpu.memory_space<vmem>>
      %dma_start3A_171 = tpu.memref_squeeze %dma_start3A_170 : memref<1x128xi32, #tpu.memory_space<vmem>> -> memref<128xi32, #tpu.memory_space<vmem>>
      %dma_start3A_172 = arith.constant 0 : i32
      %dma_start3A_173 = arith.constant 0 : i32
      %dma_start3A_174 = tpu.memref_slice %arg2[%dma_start3A_172, %dma_start3A_173] : memref<10000x128xf32, #tpu.memory_space<hbm>> -> memref<10000x128xf32, #tpu.memory_space<hbm>>
      tpu.enqueue_indirect_dma source(%dma_start3A_174 : memref<10000x128xf32, #tpu.memory_space<hbm>>) target(%arg11 : memref<128x128xf32, #tpu.memory_space<vmem>>) offsets(%dma_start3A_171 : memref<128xi32, #tpu.memory_space<vmem>>) semaphore(%arg13 : memref<!tpu.dma_semaphore, #tpu.memory_space<semaphore_mem>>)
      %add3A_175 = arith.constant 8 : i32
      %add3A_176 = arith.addi %add3A_31, %add3A_175 : i32
      %add3A_177 = arith.constant 16 : i32
      %add3A_178 = arith.addi %add3A_31, %add3A_177 : i32
      %lt3A = arith.constant 80 : i32
      %lt3A_179 = arith.cmpi slt, %add3A_178, %lt3A : i32
      %convert_element_type3A = arith.extui %lt3A_179 : i1 to i32
      %cond3A = arith.constant 0 : i32
      %cond3A_180 = arith.cmpi ne, %convert_element_type3A, %cond3A : i32
      scf.if %cond3A_180 {
        %add3A_314 = arith.constant 16 : i32
        %add3A_315 = arith.addi %add3A_31, %add3A_314 : i32
        %dma_start3A_316 = arith.constant 0 : i32
        %dma_start3A_317 = tpu.memref_slice %arg3[%add3A, %add3A_315, %dma_start3A_316] : memref<32x80x128xi32, #tpu.memory_space<hbm>> -> memref<1x8x128xi32, #tpu.memory_space<hbm>>
        %dma_start3A_318 = tpu.memref_squeeze %dma_start3A_317 : memref<1x8x128xi32, #tpu.memory_space<hbm>> -> memref<8x128xi32, #tpu.memory_space<hbm>>
        %dma_start3A_319 = arith.constant 0 : i32
        %dma_start3A_320 = tpu.memref_slice %arg3[%add3A, %add3A_315, %dma_start3A_319] : memref<32x80x128xi32, #tpu.memory_space<hbm>> -> memref<1x8x128xi32, #tpu.memory_space<hbm>>
        %dma_start3A_321 = tpu.memref_squeeze %dma_start3A_320 : memref<1x8x128xi32, #tpu.memory_space<hbm>> -> memref<8x128xi32, #tpu.memory_space<hbm>>
        tpu.enqueue_dma source(%dma_start3A_321 : memref<8x128xi32, #tpu.memory_space<hbm>>) target(%arg8 : memref<8x128xi32, #tpu.memory_space<vmem>>) target_semaphore(%arg14 : memref<!tpu.dma_semaphore, #tpu.memory_space<semaphore_mem>>)
      } else {
      }
      %dma_wait3A_181 = arith.constant 0 : i32
      %dma_wait3A_182 = arith.constant 0 : i32
      %dma_wait3A_183 = tpu.memref_slice %arg8[%dma_wait3A_181, %dma_wait3A_182] : memref<8x128xi32, #tpu.memory_space<vmem>> -> memref<1x128xi32, #tpu.memory_space<vmem>>
      %dma_wait3A_184 = tpu.memref_squeeze %dma_wait3A_183 : memref<1x128xi32, #tpu.memory_space<vmem>> -> memref<128xi32, #tpu.memory_space<vmem>>
      %dma_wait3A_185 = arith.constant 0 : i32
      %dma_wait3A_186 = arith.constant 0 : i32
      %dma_wait3A_187 = tpu.memref_slice %arg2[%dma_wait3A_185, %dma_wait3A_186] : memref<10000x128xf32, #tpu.memory_space<hbm>> -> memref<10000x128xf32, #tpu.memory_space<hbm>>
      tpu.wait_indirect_dma semaphore(%arg12 : memref<!tpu.dma_semaphore, #tpu.memory_space<semaphore_mem>>) src(%dma_wait3A_187 : memref<10000x128xf32, #tpu.memory_space<hbm>>) dst(%arg10 : memref<128x128xf32, #tpu.memory_space<vmem>>)
      "tpu.region"() ({
        %run_scoped3A = tpu.sem_alloc : memref<!tpu.dma_semaphore, #tpu.memory_space<semaphore_mem>>
        %dma_start3A_314 = arith.constant 0 : i32
        %dma_start3A_315 = tpu.memref_slice %arg7[%add3A_176, %dma_start3A_314] : memref<80x128xi32, #tpu.memory_space<vmem>> -> memref<1x128xi32, #tpu.memory_space<vmem>>
        %dma_start3A_316 = tpu.memref_squeeze %dma_start3A_315 : memref<1x128xi32, #tpu.memory_space<vmem>> -> memref<128xi32, #tpu.memory_space<vmem>>
        %dma_start3A_317 = arith.constant 0 : i32
        %dma_start3A_318 = arith.constant 0 : i32
        %dma_start3A_319 = tpu.memref_slice %arg16[%dma_start3A_317, %dma_start3A_318] : memref<10240x128xf32, #tpu.memory_space<vmem_shared>> -> memref<10240x128xf32, #tpu.memory_space<vmem_shared>>
        tpu.enqueue_indirect_dma source(%arg10 : memref<128x128xf32, #tpu.memory_space<vmem>>) target(%dma_start3A_319 : memref<10240x128xf32, #tpu.memory_space<vmem_shared>>) offsets(%dma_start3A_316 : memref<128xi32, #tpu.memory_space<vmem>>) semaphore(%run_scoped3A : memref<!tpu.dma_semaphore, #tpu.memory_space<semaphore_mem>>) {add = true}
        %dma_wait3A_320 = arith.constant 0 : i32
        %dma_wait3A_321 = tpu.memref_slice %arg7[%add3A_176, %dma_wait3A_320] : memref<80x128xi32, #tpu.memory_space<vmem>> -> memref<1x128xi32, #tpu.memory_space<vmem>>
        %dma_wait3A_322 = tpu.memref_squeeze %dma_wait3A_321 : memref<1x128xi32, #tpu.memory_space<vmem>> -> memref<128xi32, #tpu.memory_space<vmem>>
        %dma_wait3A_323 = arith.constant 0 : i32
        %dma_wait3A_324 = arith.constant 0 : i32
        %dma_wait3A_325 = tpu.memref_slice %arg16[%dma_wait3A_323, %dma_wait3A_324] : memref<10240x128xf32, #tpu.memory_space<vmem_shared>> -> memref<10240x128xf32, #tpu.memory_space<vmem_shared>>
        tpu.wait_indirect_dma semaphore(%run_scoped3A : memref<!tpu.dma_semaphore, #tpu.memory_space<semaphore_mem>>) src(%arg10 : memref<128x128xf32, #tpu.memory_space<vmem>>) dst(%dma_wait3A_325 : memref<10240x128xf32, #tpu.memory_space<vmem_shared>>)
        tpu.yield
      }) : () -> ()
      %dma_start3A_188 = arith.constant 2 : i32
      %dma_start3A_189 = arith.constant 0 : i32
      %dma_start3A_190 = tpu.memref_slice %arg9[%dma_start3A_188, %dma_start3A_189] : memref<8x128xi32, #tpu.memory_space<vmem>> -> memref<1x128xi32, #tpu.memory_space<vmem>>
      %dma_start3A_191 = tpu.memref_squeeze %dma_start3A_190 : memref<1x128xi32, #tpu.memory_space<vmem>> -> memref<128xi32, #tpu.memory_space<vmem>>
      %dma_start3A_192 = arith.constant 0 : i32
      %dma_start3A_193 = arith.constant 0 : i32
      %dma_start3A_194 = tpu.memref_slice %arg2[%dma_start3A_192, %dma_start3A_193] : memref<10000x128xf32, #tpu.memory_space<hbm>> -> memref<10000x128xf32, #tpu.memory_space<hbm>>
      tpu.enqueue_indirect_dma source(%dma_start3A_194 : memref<10000x128xf32, #tpu.memory_space<hbm>>) target(%arg10 : memref<128x128xf32, #tpu.memory_space<vmem>>) offsets(%dma_start3A_191 : memref<128xi32, #tpu.memory_space<vmem>>) semaphore(%arg12 : memref<!tpu.dma_semaphore, #tpu.memory_space<semaphore_mem>>)
      %add3A_195 = arith.constant 9 : i32
      %add3A_196 = arith.addi %add3A_31, %add3A_195 : i32
      %dma_wait3A_197 = arith.constant 0 : i32
      %dma_wait3A_198 = arith.constant 0 : i32
      %dma_wait3A_199 = tpu.memref_slice %arg8[%dma_wait3A_197, %dma_wait3A_198] : memref<8x128xi32, #tpu.memory_space<vmem>> -> memref<1x128xi32, #tpu.memory_space<vmem>>
      %dma_wait3A_200 = tpu.memref_squeeze %dma_wait3A_199 : memref<1x128xi32, #tpu.memory_space<vmem>> -> memref<128xi32, #tpu.memory_space<vmem>>
      %dma_wait3A_201 = arith.constant 0 : i32
      %dma_wait3A_202 = arith.constant 0 : i32
      %dma_wait3A_203 = tpu.memref_slice %arg2[%dma_wait3A_201, %dma_wait3A_202] : memref<10000x128xf32, #tpu.memory_space<hbm>> -> memref<10000x128xf32, #tpu.memory_space<hbm>>
      tpu.wait_indirect_dma semaphore(%arg13 : memref<!tpu.dma_semaphore, #tpu.memory_space<semaphore_mem>>) src(%dma_wait3A_203 : memref<10000x128xf32, #tpu.memory_space<hbm>>) dst(%arg11 : memref<128x128xf32, #tpu.memory_space<vmem>>)
      "tpu.region"() ({
        %run_scoped3A = tpu.sem_alloc : memref<!tpu.dma_semaphore, #tpu.memory_space<semaphore_mem>>
        %dma_start3A_314 = arith.constant 0 : i32
        %dma_start3A_315 = tpu.memref_slice %arg7[%add3A_196, %dma_start3A_314] : memref<80x128xi32, #tpu.memory_space<vmem>> -> memref<1x128xi32, #tpu.memory_space<vmem>>
        %dma_start3A_316 = tpu.memref_squeeze %dma_start3A_315 : memref<1x128xi32, #tpu.memory_space<vmem>> -> memref<128xi32, #tpu.memory_space<vmem>>
        %dma_start3A_317 = arith.constant 0 : i32
        %dma_start3A_318 = arith.constant 0 : i32
        %dma_start3A_319 = tpu.memref_slice %arg16[%dma_start3A_317, %dma_start3A_318] : memref<10240x128xf32, #tpu.memory_space<vmem_shared>> -> memref<10240x128xf32, #tpu.memory_space<vmem_shared>>
        tpu.enqueue_indirect_dma source(%arg11 : memref<128x128xf32, #tpu.memory_space<vmem>>) target(%dma_start3A_319 : memref<10240x128xf32, #tpu.memory_space<vmem_shared>>) offsets(%dma_start3A_316 : memref<128xi32, #tpu.memory_space<vmem>>) semaphore(%run_scoped3A : memref<!tpu.dma_semaphore, #tpu.memory_space<semaphore_mem>>) {add = true}
        %dma_wait3A_320 = arith.constant 0 : i32
        %dma_wait3A_321 = tpu.memref_slice %arg7[%add3A_196, %dma_wait3A_320] : memref<80x128xi32, #tpu.memory_space<vmem>> -> memref<1x128xi32, #tpu.memory_space<vmem>>
        %dma_wait3A_322 = tpu.memref_squeeze %dma_wait3A_321 : memref<1x128xi32, #tpu.memory_space<vmem>> -> memref<128xi32, #tpu.memory_space<vmem>>
        %dma_wait3A_323 = arith.constant 0 : i32
        %dma_wait3A_324 = arith.constant 0 : i32
        %dma_wait3A_325 = tpu.memref_slice %arg16[%dma_wait3A_323, %dma_wait3A_324] : memref<10240x128xf32, #tpu.memory_space<vmem_shared>> -> memref<10240x128xf32, #tpu.memory_space<vmem_shared>>
        tpu.wait_indirect_dma semaphore(%run_scoped3A : memref<!tpu.dma_semaphore, #tpu.memory_space<semaphore_mem>>) src(%arg11 : memref<128x128xf32, #tpu.memory_space<vmem>>) dst(%dma_wait3A_325 : memref<10240x128xf32, #tpu.memory_space<vmem_shared>>)
        tpu.yield
      }) : () -> ()
      %dma_start3A_204 = arith.constant 3 : i32
      %dma_start3A_205 = arith.constant 0 : i32
      %dma_start3A_206 = tpu.memref_slice %arg9[%dma_start3A_204, %dma_start3A_205] : memref<8x128xi32, #tpu.memory_space<vmem>> -> memref<1x128xi32, #tpu.memory_space<vmem>>
      %dma_start3A_207 = tpu.memref_squeeze %dma_start3A_206 : memref<1x128xi32, #tpu.memory_space<vmem>> -> memref<128xi32, #tpu.memory_space<vmem>>
      %dma_start3A_208 = arith.constant 0 : i32
      %dma_start3A_209 = arith.constant 0 : i32
      %dma_start3A_210 = tpu.memref_slice %arg2[%dma_start3A_208, %dma_start3A_209] : memref<10000x128xf32, #tpu.memory_space<hbm>> -> memref<10000x128xf32, #tpu.memory_space<hbm>>
      tpu.enqueue_indirect_dma source(%dma_start3A_210 : memref<10000x128xf32, #tpu.memory_space<hbm>>) target(%arg11 : memref<128x128xf32, #tpu.memory_space<vmem>>) offsets(%dma_start3A_207 : memref<128xi32, #tpu.memory_space<vmem>>) semaphore(%arg13 : memref<!tpu.dma_semaphore, #tpu.memory_space<semaphore_mem>>)
      %add3A_211 = arith.constant 10 : i32
      %add3A_212 = arith.addi %add3A_31, %add3A_211 : i32
      %dma_wait3A_213 = arith.constant 0 : i32
      %dma_wait3A_214 = arith.constant 0 : i32
      %dma_wait3A_215 = tpu.memref_slice %arg8[%dma_wait3A_213, %dma_wait3A_214] : memref<8x128xi32, #tpu.memory_space<vmem>> -> memref<1x128xi32, #tpu.memory_space<vmem>>
      %dma_wait3A_216 = tpu.memref_squeeze %dma_wait3A_215 : memref<1x128xi32, #tpu.memory_space<vmem>> -> memref<128xi32, #tpu.memory_space<vmem>>
      %dma_wait3A_217 = arith.constant 0 : i32
      %dma_wait3A_218 = arith.constant 0 : i32
      %dma_wait3A_219 = tpu.memref_slice %arg2[%dma_wait3A_217, %dma_wait3A_218] : memref<10000x128xf32, #tpu.memory_space<hbm>> -> memref<10000x128xf32, #tpu.memory_space<hbm>>
      tpu.wait_indirect_dma semaphore(%arg12 : memref<!tpu.dma_semaphore, #tpu.memory_space<semaphore_mem>>) src(%dma_wait3A_219 : memref<10000x128xf32, #tpu.memory_space<hbm>>) dst(%arg10 : memref<128x128xf32, #tpu.memory_space<vmem>>)
      "tpu.region"() ({
        %run_scoped3A = tpu.sem_alloc : memref<!tpu.dma_semaphore, #tpu.memory_space<semaphore_mem>>
        %dma_start3A_314 = arith.constant 0 : i32
        %dma_start3A_315 = tpu.memref_slice %arg7[%add3A_212, %dma_start3A_314] : memref<80x128xi32, #tpu.memory_space<vmem>> -> memref<1x128xi32, #tpu.memory_space<vmem>>
        %dma_start3A_316 = tpu.memref_squeeze %dma_start3A_315 : memref<1x128xi32, #tpu.memory_space<vmem>> -> memref<128xi32, #tpu.memory_space<vmem>>
        %dma_start3A_317 = arith.constant 0 : i32
        %dma_start3A_318 = arith.constant 0 : i32
        %dma_start3A_319 = tpu.memref_slice %arg16[%dma_start3A_317, %dma_start3A_318] : memref<10240x128xf32, #tpu.memory_space<vmem_shared>> -> memref<10240x128xf32, #tpu.memory_space<vmem_shared>>
        tpu.enqueue_indirect_dma source(%arg10 : memref<128x128xf32, #tpu.memory_space<vmem>>) target(%dma_start3A_319 : memref<10240x128xf32, #tpu.memory_space<vmem_shared>>) offsets(%dma_start3A_316 : memref<128xi32, #tpu.memory_space<vmem>>) semaphore(%run_scoped3A : memref<!tpu.dma_semaphore, #tpu.memory_space<semaphore_mem>>) {add = true}
        %dma_wait3A_320 = arith.constant 0 : i32
        %dma_wait3A_321 = tpu.memref_slice %arg7[%add3A_212, %dma_wait3A_320] : memref<80x128xi32, #tpu.memory_space<vmem>> -> memref<1x128xi32, #tpu.memory_space<vmem>>
        %dma_wait3A_322 = tpu.memref_squeeze %dma_wait3A_321 : memref<1x128xi32, #tpu.memory_space<vmem>> -> memref<128xi32, #tpu.memory_space<vmem>>
        %dma_wait3A_323 = arith.constant 0 : i32
        %dma_wait3A_324 = arith.constant 0 : i32
        %dma_wait3A_325 = tpu.memref_slice %arg16[%dma_wait3A_323, %dma_wait3A_324] : memref<10240x128xf32, #tpu.memory_space<vmem_shared>> -> memref<10240x128xf32, #tpu.memory_space<vmem_shared>>
        tpu.wait_indirect_dma semaphore(%run_scoped3A : memref<!tpu.dma_semaphore, #tpu.memory_space<semaphore_mem>>) src(%arg10 : memref<128x128xf32, #tpu.memory_space<vmem>>) dst(%dma_wait3A_325 : memref<10240x128xf32, #tpu.memory_space<vmem_shared>>)
        tpu.yield
      }) : () -> ()
      %dma_start3A_220 = arith.constant 4 : i32
      %dma_start3A_221 = arith.constant 0 : i32
      %dma_start3A_222 = tpu.memref_slice %arg9[%dma_start3A_220, %dma_start3A_221] : memref<8x128xi32, #tpu.memory_space<vmem>> -> memref<1x128xi32, #tpu.memory_space<vmem>>
      %dma_start3A_223 = tpu.memref_squeeze %dma_start3A_222 : memref<1x128xi32, #tpu.memory_space<vmem>> -> memref<128xi32, #tpu.memory_space<vmem>>
      %dma_start3A_224 = arith.constant 0 : i32
      %dma_start3A_225 = arith.constant 0 : i32
      %dma_start3A_226 = tpu.memref_slice %arg2[%dma_start3A_224, %dma_start3A_225] : memref<10000x128xf32, #tpu.memory_space<hbm>> -> memref<10000x128xf32, #tpu.memory_space<hbm>>
      tpu.enqueue_indirect_dma source(%dma_start3A_226 : memref<10000x128xf32, #tpu.memory_space<hbm>>) target(%arg10 : memref<128x128xf32, #tpu.memory_space<vmem>>) offsets(%dma_start3A_223 : memref<128xi32, #tpu.memory_space<vmem>>) semaphore(%arg12 : memref<!tpu.dma_semaphore, #tpu.memory_space<semaphore_mem>>)
      %add3A_227 = arith.constant 11 : i32
      %add3A_228 = arith.addi %add3A_31, %add3A_227 : i32
      %dma_wait3A_229 = arith.constant 0 : i32
      %dma_wait3A_230 = arith.constant 0 : i32
      %dma_wait3A_231 = tpu.memref_slice %arg8[%dma_wait3A_229, %dma_wait3A_230] : memref<8x128xi32, #tpu.memory_space<vmem>> -> memref<1x128xi32, #tpu.memory_space<vmem>>
      %dma_wait3A_232 = tpu.memref_squeeze %dma_wait3A_231 : memref<1x128xi32, #tpu.memory_space<vmem>> -> memref<128xi32, #tpu.memory_space<vmem>>
      %dma_wait3A_233 = arith.constant 0 : i32
      %dma_wait3A_234 = arith.constant 0 : i32
      %dma_wait3A_235 = tpu.memref_slice %arg2[%dma_wait3A_233, %dma_wait3A_234] : memref<10000x128xf32, #tpu.memory_space<hbm>> -> memref<10000x128xf32, #tpu.memory_space<hbm>>
      tpu.wait_indirect_dma semaphore(%arg13 : memref<!tpu.dma_semaphore, #tpu.memory_space<semaphore_mem>>) src(%dma_wait3A_235 : memref<10000x128xf32, #tpu.memory_space<hbm>>) dst(%arg11 : memref<128x128xf32, #tpu.memory_space<vmem>>)
      "tpu.region"() ({
        %run_scoped3A = tpu.sem_alloc : memref<!tpu.dma_semaphore, #tpu.memory_space<semaphore_mem>>
        %dma_start3A_314 = arith.constant 0 : i32
        %dma_start3A_315 = tpu.memref_slice %arg7[%add3A_228, %dma_start3A_314] : memref<80x128xi32, #tpu.memory_space<vmem>> -> memref<1x128xi32, #tpu.memory_space<vmem>>
        %dma_start3A_316 = tpu.memref_squeeze %dma_start3A_315 : memref<1x128xi32, #tpu.memory_space<vmem>> -> memref<128xi32, #tpu.memory_space<vmem>>
        %dma_start3A_317 = arith.constant 0 : i32
        %dma_start3A_318 = arith.constant 0 : i32
        %dma_start3A_319 = tpu.memref_slice %arg16[%dma_start3A_317, %dma_start3A_318] : memref<10240x128xf32, #tpu.memory_space<vmem_shared>> -> memref<10240x128xf32, #tpu.memory_space<vmem_shared>>
        tpu.enqueue_indirect_dma source(%arg11 : memref<128x128xf32, #tpu.memory_space<vmem>>) target(%dma_start3A_319 : memref<10240x128xf32, #tpu.memory_space<vmem_shared>>) offsets(%dma_start3A_316 : memref<128xi32, #tpu.memory_space<vmem>>) semaphore(%run_scoped3A : memref<!tpu.dma_semaphore, #tpu.memory_space<semaphore_mem>>) {add = true}
        %dma_wait3A_320 = arith.constant 0 : i32
        %dma_wait3A_321 = tpu.memref_slice %arg7[%add3A_228, %dma_wait3A_320] : memref<80x128xi32, #tpu.memory_space<vmem>> -> memref<1x128xi32, #tpu.memory_space<vmem>>
        %dma_wait3A_322 = tpu.memref_squeeze %dma_wait3A_321 : memref<1x128xi32, #tpu.memory_space<vmem>> -> memref<128xi32, #tpu.memory_space<vmem>>
        %dma_wait3A_323 = arith.constant 0 : i32
        %dma_wait3A_324 = arith.constant 0 : i32
        %dma_wait3A_325 = tpu.memref_slice %arg16[%dma_wait3A_323, %dma_wait3A_324] : memref<10240x128xf32, #tpu.memory_space<vmem_shared>> -> memref<10240x128xf32, #tpu.memory_space<vmem_shared>>
        tpu.wait_indirect_dma semaphore(%run_scoped3A : memref<!tpu.dma_semaphore, #tpu.memory_space<semaphore_mem>>) src(%arg11 : memref<128x128xf32, #tpu.memory_space<vmem>>) dst(%dma_wait3A_325 : memref<10240x128xf32, #tpu.memory_space<vmem_shared>>)
        tpu.yield
      }) : () -> ()
      %dma_start3A_236 = arith.constant 5 : i32
      %dma_start3A_237 = arith.constant 0 : i32
      %dma_start3A_238 = tpu.memref_slice %arg9[%dma_start3A_236, %dma_start3A_237] : memref<8x128xi32, #tpu.memory_space<vmem>> -> memref<1x128xi32, #tpu.memory_space<vmem>>
      %dma_start3A_239 = tpu.memref_squeeze %dma_start3A_238 : memref<1x128xi32, #tpu.memory_space<vmem>> -> memref<128xi32, #tpu.memory_space<vmem>>
      %dma_start3A_240 = arith.constant 0 : i32
      %dma_start3A_241 = arith.constant 0 : i32
      %dma_start3A_242 = tpu.memref_slice %arg2[%dma_start3A_240, %dma_start3A_241] : memref<10000x128xf32, #tpu.memory_space<hbm>> -> memref<10000x128xf32, #tpu.memory_space<hbm>>
      tpu.enqueue_indirect_dma source(%dma_start3A_242 : memref<10000x128xf32, #tpu.memory_space<hbm>>) target(%arg11 : memref<128x128xf32, #tpu.memory_space<vmem>>) offsets(%dma_start3A_239 : memref<128xi32, #tpu.memory_space<vmem>>) semaphore(%arg13 : memref<!tpu.dma_semaphore, #tpu.memory_space<semaphore_mem>>)
      %add3A_243 = arith.constant 12 : i32
      %add3A_244 = arith.addi %add3A_31, %add3A_243 : i32
      %dma_wait3A_245 = arith.constant 0 : i32
      %dma_wait3A_246 = arith.constant 0 : i32
      %dma_wait3A_247 = tpu.memref_slice %arg8[%dma_wait3A_245, %dma_wait3A_246] : memref<8x128xi32, #tpu.memory_space<vmem>> -> memref<1x128xi32, #tpu.memory_space<vmem>>
      %dma_wait3A_248 = tpu.memref_squeeze %dma_wait3A_247 : memref<1x128xi32, #tpu.memory_space<vmem>> -> memref<128xi32, #tpu.memory_space<vmem>>
      %dma_wait3A_249 = arith.constant 0 : i32
      %dma_wait3A_250 = arith.constant 0 : i32
      %dma_wait3A_251 = tpu.memref_slice %arg2[%dma_wait3A_249, %dma_wait3A_250] : memref<10000x128xf32, #tpu.memory_space<hbm>> -> memref<10000x128xf32, #tpu.memory_space<hbm>>
      tpu.wait_indirect_dma semaphore(%arg12 : memref<!tpu.dma_semaphore, #tpu.memory_space<semaphore_mem>>) src(%dma_wait3A_251 : memref<10000x128xf32, #tpu.memory_space<hbm>>) dst(%arg10 : memref<128x128xf32, #tpu.memory_space<vmem>>)
      "tpu.region"() ({
        %run_scoped3A = tpu.sem_alloc : memref<!tpu.dma_semaphore, #tpu.memory_space<semaphore_mem>>
        %dma_start3A_314 = arith.constant 0 : i32
        %dma_start3A_315 = tpu.memref_slice %arg7[%add3A_244, %dma_start3A_314] : memref<80x128xi32, #tpu.memory_space<vmem>> -> memref<1x128xi32, #tpu.memory_space<vmem>>
        %dma_start3A_316 = tpu.memref_squeeze %dma_start3A_315 : memref<1x128xi32, #tpu.memory_space<vmem>> -> memref<128xi32, #tpu.memory_space<vmem>>
        %dma_start3A_317 = arith.constant 0 : i32
        %dma_start3A_318 = arith.constant 0 : i32
        %dma_start3A_319 = tpu.memref_slice %arg16[%dma_start3A_317, %dma_start3A_318] : memref<10240x128xf32, #tpu.memory_space<vmem_shared>> -> memref<10240x128xf32, #tpu.memory_space<vmem_shared>>
        tpu.enqueue_indirect_dma source(%arg10 : memref<128x128xf32, #tpu.memory_space<vmem>>) target(%dma_start3A_319 : memref<10240x128xf32, #tpu.memory_space<vmem_shared>>) offsets(%dma_start3A_316 : memref<128xi32, #tpu.memory_space<vmem>>) semaphore(%run_scoped3A : memref<!tpu.dma_semaphore, #tpu.memory_space<semaphore_mem>>) {add = true}
        %dma_wait3A_320 = arith.constant 0 : i32
        %dma_wait3A_321 = tpu.memref_slice %arg7[%add3A_244, %dma_wait3A_320] : memref<80x128xi32, #tpu.memory_space<vmem>> -> memref<1x128xi32, #tpu.memory_space<vmem>>
        %dma_wait3A_322 = tpu.memref_squeeze %dma_wait3A_321 : memref<1x128xi32, #tpu.memory_space<vmem>> -> memref<128xi32, #tpu.memory_space<vmem>>
        %dma_wait3A_323 = arith.constant 0 : i32
        %dma_wait3A_324 = arith.constant 0 : i32
        %dma_wait3A_325 = tpu.memref_slice %arg16[%dma_wait3A_323, %dma_wait3A_324] : memref<10240x128xf32, #tpu.memory_space<vmem_shared>> -> memref<10240x128xf32, #tpu.memory_space<vmem_shared>>
        tpu.wait_indirect_dma semaphore(%run_scoped3A : memref<!tpu.dma_semaphore, #tpu.memory_space<semaphore_mem>>) src(%arg10 : memref<128x128xf32, #tpu.memory_space<vmem>>) dst(%dma_wait3A_325 : memref<10240x128xf32, #tpu.memory_space<vmem_shared>>)
        tpu.yield
      }) : () -> ()
      %dma_start3A_252 = arith.constant 6 : i32
      %dma_start3A_253 = arith.constant 0 : i32
      %dma_start3A_254 = tpu.memref_slice %arg9[%dma_start3A_252, %dma_start3A_253] : memref<8x128xi32, #tpu.memory_space<vmem>> -> memref<1x128xi32, #tpu.memory_space<vmem>>
      %dma_start3A_255 = tpu.memref_squeeze %dma_start3A_254 : memref<1x128xi32, #tpu.memory_space<vmem>> -> memref<128xi32, #tpu.memory_space<vmem>>
      %dma_start3A_256 = arith.constant 0 : i32
      %dma_start3A_257 = arith.constant 0 : i32
      %dma_start3A_258 = tpu.memref_slice %arg2[%dma_start3A_256, %dma_start3A_257] : memref<10000x128xf32, #tpu.memory_space<hbm>> -> memref<10000x128xf32, #tpu.memory_space<hbm>>
      tpu.enqueue_indirect_dma source(%dma_start3A_258 : memref<10000x128xf32, #tpu.memory_space<hbm>>) target(%arg10 : memref<128x128xf32, #tpu.memory_space<vmem>>) offsets(%dma_start3A_255 : memref<128xi32, #tpu.memory_space<vmem>>) semaphore(%arg12 : memref<!tpu.dma_semaphore, #tpu.memory_space<semaphore_mem>>)
      %add3A_259 = arith.constant 13 : i32
      %add3A_260 = arith.addi %add3A_31, %add3A_259 : i32
      %dma_wait3A_261 = arith.constant 0 : i32
      %dma_wait3A_262 = arith.constant 0 : i32
      %dma_wait3A_263 = tpu.memref_slice %arg8[%dma_wait3A_261, %dma_wait3A_262] : memref<8x128xi32, #tpu.memory_space<vmem>> -> memref<1x128xi32, #tpu.memory_space<vmem>>
      %dma_wait3A_264 = tpu.memref_squeeze %dma_wait3A_263 : memref<1x128xi32, #tpu.memory_space<vmem>> -> memref<128xi32, #tpu.memory_space<vmem>>
      %dma_wait3A_265 = arith.constant 0 : i32
      %dma_wait3A_266 = arith.constant 0 : i32
      %dma_wait3A_267 = tpu.memref_slice %arg2[%dma_wait3A_265, %dma_wait3A_266] : memref<10000x128xf32, #tpu.memory_space<hbm>> -> memref<10000x128xf32, #tpu.memory_space<hbm>>
      tpu.wait_indirect_dma semaphore(%arg13 : memref<!tpu.dma_semaphore, #tpu.memory_space<semaphore_mem>>) src(%dma_wait3A_267 : memref<10000x128xf32, #tpu.memory_space<hbm>>) dst(%arg11 : memref<128x128xf32, #tpu.memory_space<vmem>>)
      "tpu.region"() ({
        %run_scoped3A = tpu.sem_alloc : memref<!tpu.dma_semaphore, #tpu.memory_space<semaphore_mem>>
        %dma_start3A_314 = arith.constant 0 : i32
        %dma_start3A_315 = tpu.memref_slice %arg7[%add3A_260, %dma_start3A_314] : memref<80x128xi32, #tpu.memory_space<vmem>> -> memref<1x128xi32, #tpu.memory_space<vmem>>
        %dma_start3A_316 = tpu.memref_squeeze %dma_start3A_315 : memref<1x128xi32, #tpu.memory_space<vmem>> -> memref<128xi32, #tpu.memory_space<vmem>>
        %dma_start3A_317 = arith.constant 0 : i32
        %dma_start3A_318 = arith.constant 0 : i32
        %dma_start3A_319 = tpu.memref_slice %arg16[%dma_start3A_317, %dma_start3A_318] : memref<10240x128xf32, #tpu.memory_space<vmem_shared>> -> memref<10240x128xf32, #tpu.memory_space<vmem_shared>>
        tpu.enqueue_indirect_dma source(%arg11 : memref<128x128xf32, #tpu.memory_space<vmem>>) target(%dma_start3A_319 : memref<10240x128xf32, #tpu.memory_space<vmem_shared>>) offsets(%dma_start3A_316 : memref<128xi32, #tpu.memory_space<vmem>>) semaphore(%run_scoped3A : memref<!tpu.dma_semaphore, #tpu.memory_space<semaphore_mem>>) {add = true}
        %dma_wait3A_320 = arith.constant 0 : i32
        %dma_wait3A_321 = tpu.memref_slice %arg7[%add3A_260, %dma_wait3A_320] : memref<80x128xi32, #tpu.memory_space<vmem>> -> memref<1x128xi32, #tpu.memory_space<vmem>>
        %dma_wait3A_322 = tpu.memref_squeeze %dma_wait3A_321 : memref<1x128xi32, #tpu.memory_space<vmem>> -> memref<128xi32, #tpu.memory_space<vmem>>
        %dma_wait3A_323 = arith.constant 0 : i32
        %dma_wait3A_324 = arith.constant 0 : i32
        %dma_wait3A_325 = tpu.memref_slice %arg16[%dma_wait3A_323, %dma_wait3A_324] : memref<10240x128xf32, #tpu.memory_space<vmem_shared>> -> memref<10240x128xf32, #tpu.memory_space<vmem_shared>>
        tpu.wait_indirect_dma semaphore(%run_scoped3A : memref<!tpu.dma_semaphore, #tpu.memory_space<semaphore_mem>>) src(%arg11 : memref<128x128xf32, #tpu.memory_space<vmem>>) dst(%dma_wait3A_325 : memref<10240x128xf32, #tpu.memory_space<vmem_shared>>)
        tpu.yield
      }) : () -> ()
      %dma_start3A_268 = arith.constant 7 : i32
      %dma_start3A_269 = arith.constant 0 : i32
      %dma_start3A_270 = tpu.memref_slice %arg9[%dma_start3A_268, %dma_start3A_269] : memref<8x128xi32, #tpu.memory_space<vmem>> -> memref<1x128xi32, #tpu.memory_space<vmem>>
      %dma_start3A_271 = tpu.memref_squeeze %dma_start3A_270 : memref<1x128xi32, #tpu.memory_space<vmem>> -> memref<128xi32, #tpu.memory_space<vmem>>
      %dma_start3A_272 = arith.constant 0 : i32
      %dma_start3A_273 = arith.constant 0 : i32
      %dma_start3A_274 = tpu.memref_slice %arg2[%dma_start3A_272, %dma_start3A_273] : memref<10000x128xf32, #tpu.memory_space<hbm>> -> memref<10000x128xf32, #tpu.memory_space<hbm>>
      tpu.enqueue_indirect_dma source(%dma_start3A_274 : memref<10000x128xf32, #tpu.memory_space<hbm>>) target(%arg11 : memref<128x128xf32, #tpu.memory_space<vmem>>) offsets(%dma_start3A_271 : memref<128xi32, #tpu.memory_space<vmem>>) semaphore(%arg13 : memref<!tpu.dma_semaphore, #tpu.memory_space<semaphore_mem>>)
      %add3A_275 = arith.constant 14 : i32
      %add3A_276 = arith.addi %add3A_31, %add3A_275 : i32
      %add3A_277 = arith.constant 16 : i32
      %add3A_278 = arith.addi %add3A_31, %add3A_277 : i32
      %lt3A_279 = arith.constant 80 : i32
      %lt3A_280 = arith.cmpi slt, %add3A_278, %lt3A_279 : i32
      %convert_element_type3A_281 = arith.extui %lt3A_280 : i1 to i32
      %cond3A_282 = arith.constant 0 : i32
      %cond3A_283 = arith.cmpi ne, %convert_element_type3A_281, %cond3A_282 : i32
      scf.if %cond3A_283 {
        %add3A_314 = arith.constant 16 : i32
        %add3A_315 = arith.addi %add3A_31, %add3A_314 : i32
        %dma_wait3A_316 = arith.constant 0 : i32
        %dma_wait3A_317 = tpu.memref_slice %arg3[%add3A, %add3A_315, %dma_wait3A_316] : memref<32x80x128xi32, #tpu.memory_space<hbm>> -> memref<1x8x128xi32, #tpu.memory_space<hbm>>
        %dma_wait3A_318 = tpu.memref_squeeze %dma_wait3A_317 : memref<1x8x128xi32, #tpu.memory_space<hbm>> -> memref<8x128xi32, #tpu.memory_space<hbm>>
        %dma_wait3A_319 = arith.constant 0 : i32
        %dma_wait3A_320 = tpu.memref_slice %arg3[%add3A, %add3A_315, %dma_wait3A_319] : memref<32x80x128xi32, #tpu.memory_space<hbm>> -> memref<1x8x128xi32, #tpu.memory_space<hbm>>
        %dma_wait3A_321 = tpu.memref_squeeze %dma_wait3A_320 : memref<1x8x128xi32, #tpu.memory_space<hbm>> -> memref<8x128xi32, #tpu.memory_space<hbm>>
        tpu.wait_dma2 semaphore(%arg14 : memref<!tpu.dma_semaphore, #tpu.memory_space<semaphore_mem>>) src(%dma_wait3A_321 : memref<8x128xi32, #tpu.memory_space<hbm>>) dst(%arg8 : memref<8x128xi32, #tpu.memory_space<vmem>>)
      } else {
      }
      %dma_wait3A_284 = arith.constant 0 : i32
      %dma_wait3A_285 = arith.constant 0 : i32
      %dma_wait3A_286 = tpu.memref_slice %arg8[%dma_wait3A_284, %dma_wait3A_285] : memref<8x128xi32, #tpu.memory_space<vmem>> -> memref<1x128xi32, #tpu.memory_space<vmem>>
      %dma_wait3A_287 = tpu.memref_squeeze %dma_wait3A_286 : memref<1x128xi32, #tpu.memory_space<vmem>> -> memref<128xi32, #tpu.memory_space<vmem>>
      %dma_wait3A_288 = arith.constant 0 : i32
      %dma_wait3A_289 = arith.constant 0 : i32
      %dma_wait3A_290 = tpu.memref_slice %arg2[%dma_wait3A_288, %dma_wait3A_289] : memref<10000x128xf32, #tpu.memory_space<hbm>> -> memref<10000x128xf32, #tpu.memory_space<hbm>>
      tpu.wait_indirect_dma semaphore(%arg12 : memref<!tpu.dma_semaphore, #tpu.memory_space<semaphore_mem>>) src(%dma_wait3A_290 : memref<10000x128xf32, #tpu.memory_space<hbm>>) dst(%arg10 : memref<128x128xf32, #tpu.memory_space<vmem>>)
      "tpu.region"() ({
        %run_scoped3A = tpu.sem_alloc : memref<!tpu.dma_semaphore, #tpu.memory_space<semaphore_mem>>
        %dma_start3A_314 = arith.constant 0 : i32
        %dma_start3A_315 = tpu.memref_slice %arg7[%add3A_276, %dma_start3A_314] : memref<80x128xi32, #tpu.memory_space<vmem>> -> memref<1x128xi32, #tpu.memory_space<vmem>>
        %dma_start3A_316 = tpu.memref_squeeze %dma_start3A_315 : memref<1x128xi32, #tpu.memory_space<vmem>> -> memref<128xi32, #tpu.memory_space<vmem>>
        %dma_start3A_317 = arith.constant 0 : i32
        %dma_start3A_318 = arith.constant 0 : i32
        %dma_start3A_319 = tpu.memref_slice %arg16[%dma_start3A_317, %dma_start3A_318] : memref<10240x128xf32, #tpu.memory_space<vmem_shared>> -> memref<10240x128xf32, #tpu.memory_space<vmem_shared>>
        tpu.enqueue_indirect_dma source(%arg10 : memref<128x128xf32, #tpu.memory_space<vmem>>) target(%dma_start3A_319 : memref<10240x128xf32, #tpu.memory_space<vmem_shared>>) offsets(%dma_start3A_316 : memref<128xi32, #tpu.memory_space<vmem>>) semaphore(%run_scoped3A : memref<!tpu.dma_semaphore, #tpu.memory_space<semaphore_mem>>) {add = true}
        %dma_wait3A_320 = arith.constant 0 : i32
        %dma_wait3A_321 = tpu.memref_slice %arg7[%add3A_276, %dma_wait3A_320] : memref<80x128xi32, #tpu.memory_space<vmem>> -> memref<1x128xi32, #tpu.memory_space<vmem>>
        %dma_wait3A_322 = tpu.memref_squeeze %dma_wait3A_321 : memref<1x128xi32, #tpu.memory_space<vmem>> -> memref<128xi32, #tpu.memory_space<vmem>>
        %dma_wait3A_323 = arith.constant 0 : i32
        %dma_wait3A_324 = arith.constant 0 : i32
        %dma_wait3A_325 = tpu.memref_slice %arg16[%dma_wait3A_323, %dma_wait3A_324] : memref<10240x128xf32, #tpu.memory_space<vmem_shared>> -> memref<10240x128xf32, #tpu.memory_space<vmem_shared>>
        tpu.wait_indirect_dma semaphore(%run_scoped3A : memref<!tpu.dma_semaphore, #tpu.memory_space<semaphore_mem>>) src(%arg10 : memref<128x128xf32, #tpu.memory_space<vmem>>) dst(%dma_wait3A_325 : memref<10240x128xf32, #tpu.memory_space<vmem_shared>>)
        tpu.yield
      }) : () -> ()
      %add3A_291 = arith.constant 16 : i32
      %add3A_292 = arith.addi %add3A_31, %add3A_291 : i32
      %lt3A_293 = arith.constant 80 : i32
      %lt3A_294 = arith.cmpi slt, %add3A_292, %lt3A_293 : i32
      %convert_element_type3A_295 = arith.extui %lt3A_294 : i1 to i32
      %cond3A_296 = arith.constant 0 : i32
      %cond3A_297 = arith.cmpi ne, %convert_element_type3A_295, %cond3A_296 : i32
      scf.if %cond3A_297 {
        %dma_start3A_314 = arith.constant 0 : i32
        %dma_start3A_315 = arith.constant 0 : i32
        %dma_start3A_316 = tpu.memref_slice %arg8[%dma_start3A_314, %dma_start3A_315] : memref<8x128xi32, #tpu.memory_space<vmem>> -> memref<1x128xi32, #tpu.memory_space<vmem>>
        %dma_start3A_317 = tpu.memref_squeeze %dma_start3A_316 : memref<1x128xi32, #tpu.memory_space<vmem>> -> memref<128xi32, #tpu.memory_space<vmem>>
        %dma_start3A_318 = arith.constant 0 : i32
        %dma_start3A_319 = arith.constant 0 : i32
        %dma_start3A_320 = tpu.memref_slice %arg2[%dma_start3A_318, %dma_start3A_319] : memref<10000x128xf32, #tpu.memory_space<hbm>> -> memref<10000x128xf32, #tpu.memory_space<hbm>>
        tpu.enqueue_indirect_dma source(%dma_start3A_320 : memref<10000x128xf32, #tpu.memory_space<hbm>>) target(%arg10 : memref<128x128xf32, #tpu.memory_space<vmem>>) offsets(%dma_start3A_317 : memref<128xi32, #tpu.memory_space<vmem>>) semaphore(%arg12 : memref<!tpu.dma_semaphore, #tpu.memory_space<semaphore_mem>>)
      } else {
      }
      %add3A_298 = arith.constant 15 : i32
      %add3A_299 = arith.addi %add3A_31, %add3A_298 : i32
      %dma_wait3A_300 = arith.constant 0 : i32
      %dma_wait3A_301 = arith.constant 0 : i32
      %dma_wait3A_302 = tpu.memref_slice %arg8[%dma_wait3A_300, %dma_wait3A_301] : memref<8x128xi32, #tpu.memory_space<vmem>> -> memref<1x128xi32, #tpu.memory_space<vmem>>
      %dma_wait3A_303 = tpu.memref_squeeze %dma_wait3A_302 : memref<1x128xi32, #tpu.memory_space<vmem>> -> memref<128xi32, #tpu.memory_space<vmem>>
      %dma_wait3A_304 = arith.constant 0 : i32
      %dma_wait3A_305 = arith.constant 0 : i32
      %dma_wait3A_306 = tpu.memref_slice %arg2[%dma_wait3A_304, %dma_wait3A_305] : memref<10000x128xf32, #tpu.memory_space<hbm>> -> memref<10000x128xf32, #tpu.memory_space<hbm>>
      tpu.wait_indirect_dma semaphore(%arg13 : memref<!tpu.dma_semaphore, #tpu.memory_space<semaphore_mem>>) src(%dma_wait3A_306 : memref<10000x128xf32, #tpu.memory_space<hbm>>) dst(%arg11 : memref<128x128xf32, #tpu.memory_space<vmem>>)
      "tpu.region"() ({
        %run_scoped3A = tpu.sem_alloc : memref<!tpu.dma_semaphore, #tpu.memory_space<semaphore_mem>>
        %dma_start3A_314 = arith.constant 0 : i32
        %dma_start3A_315 = tpu.memref_slice %arg7[%add3A_299, %dma_start3A_314] : memref<80x128xi32, #tpu.memory_space<vmem>> -> memref<1x128xi32, #tpu.memory_space<vmem>>
        %dma_start3A_316 = tpu.memref_squeeze %dma_start3A_315 : memref<1x128xi32, #tpu.memory_space<vmem>> -> memref<128xi32, #tpu.memory_space<vmem>>
        %dma_start3A_317 = arith.constant 0 : i32
        %dma_start3A_318 = arith.constant 0 : i32
        %dma_start3A_319 = tpu.memref_slice %arg16[%dma_start3A_317, %dma_start3A_318] : memref<10240x128xf32, #tpu.memory_space<vmem_shared>> -> memref<10240x128xf32, #tpu.memory_space<vmem_shared>>
        tpu.enqueue_indirect_dma source(%arg11 : memref<128x128xf32, #tpu.memory_space<vmem>>) target(%dma_start3A_319 : memref<10240x128xf32, #tpu.memory_space<vmem_shared>>) offsets(%dma_start3A_316 : memref<128xi32, #tpu.memory_space<vmem>>) semaphore(%run_scoped3A : memref<!tpu.dma_semaphore, #tpu.memory_space<semaphore_mem>>) {add = true}
        %dma_wait3A_320 = arith.constant 0 : i32
        %dma_wait3A_321 = tpu.memref_slice %arg7[%add3A_299, %dma_wait3A_320] : memref<80x128xi32, #tpu.memory_space<vmem>> -> memref<1x128xi32, #tpu.memory_space<vmem>>
        %dma_wait3A_322 = tpu.memref_squeeze %dma_wait3A_321 : memref<1x128xi32, #tpu.memory_space<vmem>> -> memref<128xi32, #tpu.memory_space<vmem>>
        %dma_wait3A_323 = arith.constant 0 : i32
        %dma_wait3A_324 = arith.constant 0 : i32
        %dma_wait3A_325 = tpu.memref_slice %arg16[%dma_wait3A_323, %dma_wait3A_324] : memref<10240x128xf32, #tpu.memory_space<vmem_shared>> -> memref<10240x128xf32, #tpu.memory_space<vmem_shared>>
        tpu.wait_indirect_dma semaphore(%run_scoped3A : memref<!tpu.dma_semaphore, #tpu.memory_space<semaphore_mem>>) src(%arg11 : memref<128x128xf32, #tpu.memory_space<vmem>>) dst(%dma_wait3A_325 : memref<10240x128xf32, #tpu.memory_space<vmem_shared>>)
        tpu.yield
      }) : () -> ()
      %add3A_307 = arith.constant 16 : i32
      %add3A_308 = arith.addi %add3A_31, %add3A_307 : i32
      %lt3A_309 = arith.constant 80 : i32
      %lt3A_310 = arith.cmpi slt, %add3A_308, %lt3A_309 : i32
      %convert_element_type3A_311 = arith.extui %lt3A_310 : i1 to i32
      %cond3A_312 = arith.constant 0 : i32
      %cond3A_313 = arith.cmpi ne, %convert_element_type3A_311, %cond3A_312 : i32
      scf.if %cond3A_313 {
        %dma_start3A_314 = arith.constant 1 : i32
        %dma_start3A_315 = arith.constant 0 : i32
        %dma_start3A_316 = tpu.memref_slice %arg8[%dma_start3A_314, %dma_start3A_315] : memref<8x128xi32, #tpu.memory_space<vmem>> -> memref<1x128xi32, #tpu.memory_space<vmem>>
        %dma_start3A_317 = tpu.memref_squeeze %dma_start3A_316 : memref<1x128xi32, #tpu.memory_space<vmem>> -> memref<128xi32, #tpu.memory_space<vmem>>
        %dma_start3A_318 = arith.constant 0 : i32
        %dma_start3A_319 = arith.constant 0 : i32
        %dma_start3A_320 = tpu.memref_slice %arg2[%dma_start3A_318, %dma_start3A_319] : memref<10000x128xf32, #tpu.memory_space<hbm>> -> memref<10000x128xf32, #tpu.memory_space<hbm>>
        tpu.enqueue_indirect_dma source(%dma_start3A_320 : memref<10000x128xf32, #tpu.memory_space<hbm>>) target(%arg11 : memref<128x128xf32, #tpu.memory_space<vmem>>) offsets(%dma_start3A_317 : memref<128xi32, #tpu.memory_space<vmem>>) semaphore(%arg13 : memref<!tpu.dma_semaphore, #tpu.memory_space<semaphore_mem>>)
      } else {
      }
    }
    %scan3A_21 = arith.constant 5 : i32
    %barrier3A_22 = arith.constant 0 : index
    tpu.barrier barrier_id(%barrier3A_22)
    %mul3A_23 = arith.constant 640 : i32
    %mul3A_24 = arith.muli %arg1, %mul3A_23 : i32
    %mul3A_25 = arith.constant 640 : i32
    %mul3A_26 = arith.muli %arg1, %mul3A_25 : i32
    "tpu.region"() ({
      %run_scoped3A = tpu.sem_alloc : memref<!tpu.dma_semaphore, #tpu.memory_space<semaphore_mem>>
      %dma_start3A_27 = arith.constant 0 : i32
      %dma_start3A_28 = tpu.memref_slice %arg6[%arg0, %mul3A_26, %dma_start3A_27] : memref<2x10240x128xf32, #tpu.memory_space<hbm>> -> memref<1x640x128xf32, #tpu.memory_space<hbm>>
      %dma_start3A_29 = tpu.memref_squeeze %dma_start3A_28 : memref<1x640x128xf32, #tpu.memory_space<hbm>> -> memref<640x128xf32, #tpu.memory_space<hbm>>
      %dma_start3A_30 = arith.constant 0 : i32
      %dma_start3A_31 = tpu.memref_slice %arg16[%mul3A_24, %dma_start3A_30] : memref<10240x128xf32, #tpu.memory_space<vmem_shared>> -> memref<640x128xf32, #tpu.memory_space<vmem_shared>>
      tpu.enqueue_dma source(%dma_start3A_31 : memref<640x128xf32, #tpu.memory_space<vmem_shared>>) target(%dma_start3A_29 : memref<640x128xf32, #tpu.memory_space<hbm>>) target_semaphore(%run_scoped3A : memref<!tpu.dma_semaphore, #tpu.memory_space<semaphore_mem>>)
      %dma_wait3A = arith.constant 0 : i32
      %dma_wait3A_32 = tpu.memref_slice %arg6[%arg0, %mul3A_26, %dma_wait3A] : memref<2x10240x128xf32, #tpu.memory_space<hbm>> -> memref<1x640x128xf32, #tpu.memory_space<hbm>>
      %dma_wait3A_33 = tpu.memref_squeeze %dma_wait3A_32 : memref<1x640x128xf32, #tpu.memory_space<hbm>> -> memref<640x128xf32, #tpu.memory_space<hbm>>
      %dma_wait3A_34 = arith.constant 0 : i32
      %dma_wait3A_35 = tpu.memref_slice %arg16[%mul3A_24, %dma_wait3A_34] : memref<10240x128xf32, #tpu.memory_space<vmem_shared>> -> memref<640x128xf32, #tpu.memory_space<vmem_shared>>
      tpu.wait_dma2 semaphore(%run_scoped3A : memref<!tpu.dma_semaphore, #tpu.memory_space<semaphore_mem>>) src(%dma_wait3A_35 : memref<640x128xf32, #tpu.memory_space<vmem_shared>>) dst(%dma_wait3A_33 : memref<640x128xf32, #tpu.memory_space<hbm>>)
      tpu.yield
    }) : () -> ()
    return
  }
}

#map = affine_map<(d0, d1) -> (0, 0, 0)>
#map1 = affine_map<(d0, d1) -> (0)>
#map2 = affine_map<(d0, d1) -> (0, 0)>
module attributes {stable_mosaic.version = 14 : i64} {
  func.func @deg_kernel(%arg0: i32, %arg1: i32, %arg2: memref<32x80x128xi32, #tpu.memory_space<hbm>>, %arg3: memref<10240xf32, #tpu.memory_space<hbm>>, %arg4: memref<128xf32, #tpu.memory_space<hbm>>, %arg5: memref<2x10240xf32, #tpu.memory_space<hbm>>, %arg6: memref<80x128xi32, #tpu.memory_space<vmem>>, %arg7: memref<128xf32, #tpu.memory_space<vmem>>, %arg8: memref<!tpu.dma_semaphore, #tpu.memory_space<semaphore_mem>>, %arg9: memref<10240xf32, #tpu.memory_space<vmem_shared>>) attributes {dimension_semantics = [#tpu.dimension_semantics<core_parallel>, #tpu.dimension_semantics<subcore_parallel>], iteration_bounds = array<i64: 2, 16>, scalar_prefetch = 0 : i64, scratch_operands = 4 : i64, tpu.core_type = #tpu.core_type<sc_vector_subcore>, window_params = [{transform_indices = #map}, {transform_indices = #map1}, {transform_indices = #map1}, {transform_indices = #map2}]} {
    %mul3A = arith.constant 16 : i32
    %mul3A_0 = arith.muli %arg0, %mul3A : i32
    %add3A = arith.addi %mul3A_0, %arg1 : i32
    %mul3A_1 = arith.constant 640 : i32
    %mul3A_2 = arith.muli %arg1, %mul3A_1 : i32
    %mul3A_3 = arith.constant 640 : i32
    %mul3A_4 = arith.muli %arg1, %mul3A_3 : i32
    "tpu.region"() ({
      %run_scoped3A = tpu.sem_alloc : memref<!tpu.dma_semaphore, #tpu.memory_space<semaphore_mem>>
      %dma_start3A = tpu.memref_slice %arg9[%mul3A_4] : memref<10240xf32, #tpu.memory_space<vmem_shared>> -> memref<640xf32, #tpu.memory_space<vmem_shared>>
      %dma_start3A_19 = tpu.memref_slice %arg3[%mul3A_2] : memref<10240xf32, #tpu.memory_space<hbm>> -> memref<640xf32, #tpu.memory_space<hbm>>
      tpu.enqueue_dma source(%dma_start3A_19 : memref<640xf32, #tpu.memory_space<hbm>>) target(%dma_start3A : memref<640xf32, #tpu.memory_space<vmem_shared>>) target_semaphore(%run_scoped3A : memref<!tpu.dma_semaphore, #tpu.memory_space<semaphore_mem>>)
      %dma_wait3A = tpu.memref_slice %arg9[%mul3A_4] : memref<10240xf32, #tpu.memory_space<vmem_shared>> -> memref<640xf32, #tpu.memory_space<vmem_shared>>
      %dma_wait3A_20 = tpu.memref_slice %arg3[%mul3A_2] : memref<10240xf32, #tpu.memory_space<hbm>> -> memref<640xf32, #tpu.memory_space<hbm>>
      tpu.wait_dma2 semaphore(%run_scoped3A : memref<!tpu.dma_semaphore, #tpu.memory_space<semaphore_mem>>) src(%dma_wait3A_20 : memref<640xf32, #tpu.memory_space<hbm>>) dst(%dma_wait3A : memref<640xf32, #tpu.memory_space<vmem_shared>>)
      tpu.yield
    }) : () -> ()
    "tpu.region"() ({
      %run_scoped3A = tpu.sem_alloc : memref<!tpu.dma_semaphore, #tpu.memory_space<semaphore_mem>>
      %dma_start3A = arith.constant 0 : i32
      %dma_start3A_19 = arith.constant 0 : i32
      %dma_start3A_20 = tpu.memref_slice %arg2[%add3A, %dma_start3A, %dma_start3A_19] : memref<32x80x128xi32, #tpu.memory_space<hbm>> -> memref<1x80x128xi32, #tpu.memory_space<hbm>>
      %dma_start3A_21 = tpu.memref_squeeze %dma_start3A_20 : memref<1x80x128xi32, #tpu.memory_space<hbm>> -> memref<80x128xi32, #tpu.memory_space<hbm>>
      %dma_start3A_22 = arith.constant 0 : i32
      %dma_start3A_23 = arith.constant 0 : i32
      %dma_start3A_24 = tpu.memref_slice %arg2[%add3A, %dma_start3A_22, %dma_start3A_23] : memref<32x80x128xi32, #tpu.memory_space<hbm>> -> memref<1x80x128xi32, #tpu.memory_space<hbm>>
      %dma_start3A_25 = tpu.memref_squeeze %dma_start3A_24 : memref<1x80x128xi32, #tpu.memory_space<hbm>> -> memref<80x128xi32, #tpu.memory_space<hbm>>
      tpu.enqueue_dma source(%dma_start3A_25 : memref<80x128xi32, #tpu.memory_space<hbm>>) target(%arg6 : memref<80x128xi32, #tpu.memory_space<vmem>>) target_semaphore(%run_scoped3A : memref<!tpu.dma_semaphore, #tpu.memory_space<semaphore_mem>>)
      %dma_wait3A = arith.constant 0 : i32
      %dma_wait3A_26 = arith.constant 0 : i32
      %dma_wait3A_27 = tpu.memref_slice %arg2[%add3A, %dma_wait3A, %dma_wait3A_26] : memref<32x80x128xi32, #tpu.memory_space<hbm>> -> memref<1x80x128xi32, #tpu.memory_space<hbm>>
      %dma_wait3A_28 = tpu.memref_squeeze %dma_wait3A_27 : memref<1x80x128xi32, #tpu.memory_space<hbm>> -> memref<80x128xi32, #tpu.memory_space<hbm>>
      %dma_wait3A_29 = arith.constant 0 : i32
      %dma_wait3A_30 = arith.constant 0 : i32
      %dma_wait3A_31 = tpu.memref_slice %arg2[%add3A, %dma_wait3A_29, %dma_wait3A_30] : memref<32x80x128xi32, #tpu.memory_space<hbm>> -> memref<1x80x128xi32, #tpu.memory_space<hbm>>
      %dma_wait3A_32 = tpu.memref_squeeze %dma_wait3A_31 : memref<1x80x128xi32, #tpu.memory_space<hbm>> -> memref<80x128xi32, #tpu.memory_space<hbm>>
      tpu.wait_dma2 semaphore(%run_scoped3A : memref<!tpu.dma_semaphore, #tpu.memory_space<semaphore_mem>>) src(%dma_wait3A_32 : memref<80x128xi32, #tpu.memory_space<hbm>>) dst(%arg6 : memref<80x128xi32, #tpu.memory_space<vmem>>)
      tpu.yield
    }) : () -> ()
    "tpu.region"() ({
      %run_scoped3A = tpu.sem_alloc : memref<!tpu.dma_semaphore, #tpu.memory_space<semaphore_mem>>
      tpu.enqueue_dma source(%arg4 : memref<128xf32, #tpu.memory_space<hbm>>) target(%arg7 : memref<128xf32, #tpu.memory_space<vmem>>) target_semaphore(%run_scoped3A : memref<!tpu.dma_semaphore, #tpu.memory_space<semaphore_mem>>)
      tpu.wait_dma2 semaphore(%run_scoped3A : memref<!tpu.dma_semaphore, #tpu.memory_space<semaphore_mem>>) src(%arg4 : memref<128xf32, #tpu.memory_space<hbm>>) dst(%arg7 : memref<128xf32, #tpu.memory_space<vmem>>)
      tpu.yield
    }) : () -> ()
    %barrier3A = arith.constant 0 : index
    tpu.barrier barrier_id(%barrier3A)
    %scan3A = arith.constant 0 : i32
    %scan3A_5 = arith.constant 80 : i32
    %scan3A_6 = arith.addi %scan3A, %scan3A_5 : i32
    %scan3A_7 = arith.constant 1 : i32
    scf.for %scan3A_19 = %scan3A to %scan3A_6 step %scan3A_7  : i32 {
      %mul3A_20 = arith.constant 1 : i32
      %mul3A_21 = arith.muli %scan3A_19, %mul3A_20 : i32
      %add3A_22 = arith.constant 0 : i32
      %add3A_23 = arith.addi %add3A_22, %mul3A_21 : i32
      %dma_start3A = arith.constant 0 : i32
      %dma_start3A_24 = tpu.memref_slice %arg6[%add3A_23, %dma_start3A] : memref<80x128xi32, #tpu.memory_space<vmem>> -> memref<1x128xi32, #tpu.memory_space<vmem>>
      %dma_start3A_25 = tpu.memref_squeeze %dma_start3A_24 : memref<1x128xi32, #tpu.memory_space<vmem>> -> memref<128xi32, #tpu.memory_space<vmem>>
      %dma_start3A_26 = arith.constant 0 : i32
      %dma_start3A_27 = tpu.memref_slice %arg9[%dma_start3A_26] : memref<10240xf32, #tpu.memory_space<vmem_shared>> -> memref<10240xf32, #tpu.memory_space<vmem_shared>>
      tpu.enqueue_indirect_dma source(%arg7 : memref<128xf32, #tpu.memory_space<vmem>>) target(%dma_start3A_27 : memref<10240xf32, #tpu.memory_space<vmem_shared>>) offsets(%dma_start3A_25 : memref<128xi32, #tpu.memory_space<vmem>>) semaphore(%arg8 : memref<!tpu.dma_semaphore, #tpu.memory_space<semaphore_mem>>) {add = true}
    }
    %scan3A_8 = arith.constant 80 : i32
    %scan3A_9 = arith.constant 0 : i32
    %scan3A_10 = arith.constant 80 : i32
    %scan3A_11 = arith.addi %scan3A_9, %scan3A_10 : i32
    %scan3A_12 = arith.constant 1 : i32
    scf.for %scan3A_19 = %scan3A_9 to %scan3A_11 step %scan3A_12  : i32 {
      %mul3A_20 = arith.constant 1 : i32
      %mul3A_21 = arith.muli %scan3A_19, %mul3A_20 : i32
      %add3A_22 = arith.constant 0 : i32
      %add3A_23 = arith.addi %add3A_22, %mul3A_21 : i32
      %dma_wait3A = arith.constant 0 : i32
      %dma_wait3A_24 = tpu.memref_slice %arg6[%add3A_23, %dma_wait3A] : memref<80x128xi32, #tpu.memory_space<vmem>> -> memref<1x128xi32, #tpu.memory_space<vmem>>
      %dma_wait3A_25 = tpu.memref_squeeze %dma_wait3A_24 : memref<1x128xi32, #tpu.memory_space<vmem>> -> memref<128xi32, #tpu.memory_space<vmem>>
      %dma_wait3A_26 = arith.constant 0 : i32
      %dma_wait3A_27 = tpu.memref_slice %arg9[%dma_wait3A_26] : memref<10240xf32, #tpu.memory_space<vmem_shared>> -> memref<10240xf32, #tpu.memory_space<vmem_shared>>
      tpu.wait_indirect_dma semaphore(%arg8 : memref<!tpu.dma_semaphore, #tpu.memory_space<semaphore_mem>>) src(%arg7 : memref<128xf32, #tpu.memory_space<vmem>>) dst(%dma_wait3A_27 : memref<10240xf32, #tpu.memory_space<vmem_shared>>)
    }
    %scan3A_13 = arith.constant 80 : i32
    %barrier3A_14 = arith.constant 0 : index
    tpu.barrier barrier_id(%barrier3A_14)
    %mul3A_15 = arith.constant 640 : i32
    %mul3A_16 = arith.muli %arg1, %mul3A_15 : i32
    %mul3A_17 = arith.constant 640 : i32
    %mul3A_18 = arith.muli %arg1, %mul3A_17 : i32
    "tpu.region"() ({
      %run_scoped3A = tpu.sem_alloc : memref<!tpu.dma_semaphore, #tpu.memory_space<semaphore_mem>>
      %dma_start3A = tpu.memref_slice %arg5[%arg0, %mul3A_18] : memref<2x10240xf32, #tpu.memory_space<hbm>> -> memref<1x640xf32, #tpu.memory_space<hbm>>
      %dma_start3A_19 = tpu.memref_squeeze %dma_start3A : memref<1x640xf32, #tpu.memory_space<hbm>> -> memref<640xf32, #tpu.memory_space<hbm>>
      %dma_start3A_20 = tpu.memref_slice %arg9[%mul3A_16] : memref<10240xf32, #tpu.memory_space<vmem_shared>> -> memref<640xf32, #tpu.memory_space<vmem_shared>>
      tpu.enqueue_dma source(%dma_start3A_20 : memref<640xf32, #tpu.memory_space<vmem_shared>>) target(%dma_start3A_19 : memref<640xf32, #tpu.memory_space<hbm>>) target_semaphore(%run_scoped3A : memref<!tpu.dma_semaphore, #tpu.memory_space<semaphore_mem>>)
      %dma_wait3A = tpu.memref_slice %arg5[%arg0, %mul3A_18] : memref<2x10240xf32, #tpu.memory_space<hbm>> -> memref<1x640xf32, #tpu.memory_space<hbm>>
      %dma_wait3A_21 = tpu.memref_squeeze %dma_wait3A : memref<1x640xf32, #tpu.memory_space<hbm>> -> memref<640xf32, #tpu.memory_space<hbm>>
      %dma_wait3A_22 = tpu.memref_slice %arg9[%mul3A_16] : memref<10240xf32, #tpu.memory_space<vmem_shared>> -> memref<640xf32, #tpu.memory_space<vmem_shared>>
      tpu.wait_dma2 semaphore(%run_scoped3A : memref<!tpu.dma_semaphore, #tpu.memory_space<semaphore_mem>>) src(%dma_wait3A_22 : memref<640xf32, #tpu.memory_space<vmem_shared>>) dst(%dma_wait3A_21 : memref<640xf32, #tpu.memory_space<hbm>>)
      tpu.yield
    }) : () -> ()
    return
  }
}

#map = affine_map<(d0, d1) -> (0, 0)>
#map1 = affine_map<(d0, d1) -> (0, 0, 0)>
module attributes {stable_mosaic.version = 14 : i64} {
  func.func @scat_kernel(%arg0: i32, %arg1: i32, %arg2: memref<10000x128xf32, #tpu.memory_space<hbm>>, %arg3: memref<32x80x128xi32, #tpu.memory_space<hbm>>, %arg4: memref<32x80x128xi32, #tpu.memory_space<hbm>>, %arg5: memref<10240x128xf32, #tpu.memory_space<hbm>>, %arg6: memref<2x10240x128xf32, #tpu.memory_space<hbm>>, %arg7: memref<80x128xi32, #tpu.memory_space<vmem>>, %arg8: memref<8x128xi32, #tpu.memory_space<vmem>>, %arg9: memref<8x128xi32, #tpu.memory_space<vmem>>, %arg10: memref<128x128xf32, #tpu.memory_space<vmem>>, %arg11: memref<128x128xf32, #tpu.memory_space<vmem>>, %arg12: memref<!tpu.dma_semaphore, #tpu.memory_space<semaphore_mem>>, %arg13: memref<!tpu.dma_semaphore, #tpu.memory_space<semaphore_mem>>, %arg14: memref<!tpu.dma_semaphore, #tpu.memory_space<semaphore_mem>>, %arg15: memref<!tpu.dma_semaphore, #tpu.memory_space<semaphore_mem>>, %arg16: memref<10240x128xf32, #tpu.memory_space<vmem_shared>>) attributes {dimension_semantics = [#tpu.dimension_semantics<core_parallel>, #tpu.dimension_semantics<subcore_parallel>], iteration_bounds = array<i64: 2, 16>, scalar_prefetch = 0 : i64, scratch_operands = 10 : i64, tpu.core_type = #tpu.core_type<sc_vector_subcore>, window_params = [{transform_indices = #map}, {transform_indices = #map1}, {transform_indices = #map1}, {transform_indices = #map}, {transform_indices = #map1}]} {
    %mul3A = arith.constant 16 : i32
    %mul3A_0 = arith.muli %arg0, %mul3A : i32
    %add3A = arith.addi %mul3A_0, %arg1 : i32
    %mul3A_1 = arith.constant 640 : i32
    %mul3A_2 = arith.muli %arg1, %mul3A_1 : i32
    %mul3A_3 = arith.constant 640 : i32
    %mul3A_4 = arith.muli %arg1, %mul3A_3 : i32
    "tpu.region"() ({
      %run_scoped3A = tpu.sem_alloc : memref<!tpu.dma_semaphore, #tpu.memory_space<semaphore_mem>>
      %dma_start3A_27 = arith.constant 0 : i32
      %dma_start3A_28 = tpu.memref_slice %arg16[%mul3A_4, %dma_start3A_27] : memref<10240x128xf32, #tpu.memory_space<vmem_shared>> -> memref<640x128xf32, #tpu.memory_space<vmem_shared>>
      %dma_start3A_29 = arith.constant 0 : i32
      %dma_start3A_30 = tpu.memref_slice %arg5[%mul3A_2, %dma_start3A_29] : memref<10240x128xf32, #tpu.memory_space<hbm>> -> memref<640x128xf32, #tpu.memory_space<hbm>>
      tpu.enqueue_dma source(%dma_start3A_30 : memref<640x128xf32, #tpu.memory_space<hbm>>) target(%dma_start3A_28 : memref<640x128xf32, #tpu.memory_space<vmem_shared>>) target_semaphore(%run_scoped3A : memref<!tpu.dma_semaphore, #tpu.memory_space<semaphore_mem>>)
      %dma_wait3A = arith.constant 0 : i32
      %dma_wait3A_31 = tpu.memref_slice %arg16[%mul3A_4, %dma_wait3A] : memref<10240x128xf32, #tpu.memory_space<vmem_shared>> -> memref<640x128xf32, #tpu.memory_space<vmem_shared>>
      %dma_wait3A_32 = arith.constant 0 : i32
      %dma_wait3A_33 = tpu.memref_slice %arg5[%mul3A_2, %dma_wait3A_32] : memref<10240x128xf32, #tpu.memory_space<hbm>> -> memref<640x128xf32, #tpu.memory_space<hbm>>
      tpu.wait_dma2 semaphore(%run_scoped3A : memref<!tpu.dma_semaphore, #tpu.memory_space<semaphore_mem>>) src(%dma_wait3A_33 : memref<640x128xf32, #tpu.memory_space<hbm>>) dst(%dma_wait3A_31 : memref<640x128xf32, #tpu.memory_space<vmem_shared>>)
      tpu.yield
    }) : () -> ()
    "tpu.region"() ({
      %run_scoped3A = tpu.sem_alloc : memref<!tpu.dma_semaphore, #tpu.memory_space<semaphore_mem>>
      %dma_start3A_27 = arith.constant 0 : i32
      %dma_start3A_28 = arith.constant 0 : i32
      %dma_start3A_29 = tpu.memref_slice %arg4[%add3A, %dma_start3A_27, %dma_start3A_28] : memref<32x80x128xi32, #tpu.memory_space<hbm>> -> memref<1x80x128xi32, #tpu.memory_space<hbm>>
      %dma_start3A_30 = tpu.memref_squeeze %dma_start3A_29 : memref<1x80x128xi32, #tpu.memory_space<hbm>> -> memref<80x128xi32, #tpu.memory_space<hbm>>
      %dma_start3A_31 = arith.constant 0 : i32
      %dma_start3A_32 = arith.constant 0 : i32
      %dma_start3A_33 = tpu.memref_slice %arg4[%add3A, %dma_start3A_31, %dma_start3A_32] : memref<32x80x128xi32, #tpu.memory_space<hbm>> -> memref<1x80x128xi32, #tpu.memory_space<hbm>>
      %dma_start3A_34 = tpu.memref_squeeze %dma_start3A_33 : memref<1x80x128xi32, #tpu.memory_space<hbm>> -> memref<80x128xi32, #tpu.memory_space<hbm>>
      tpu.enqueue_dma source(%dma_start3A_34 : memref<80x128xi32, #tpu.memory_space<hbm>>) target(%arg7 : memref<80x128xi32, #tpu.memory_space<vmem>>) target_semaphore(%run_scoped3A : memref<!tpu.dma_semaphore, #tpu.memory_space<semaphore_mem>>)
      %dma_wait3A = arith.constant 0 : i32
      %dma_wait3A_35 = arith.constant 0 : i32
      %dma_wait3A_36 = tpu.memref_slice %arg4[%add3A, %dma_wait3A, %dma_wait3A_35] : memref<32x80x128xi32, #tpu.memory_space<hbm>> -> memref<1x80x128xi32, #tpu.memory_space<hbm>>
      %dma_wait3A_37 = tpu.memref_squeeze %dma_wait3A_36 : memref<1x80x128xi32, #tpu.memory_space<hbm>> -> memref<80x128xi32, #tpu.memory_space<hbm>>
      %dma_wait3A_38 = arith.constant 0 : i32
      %dma_wait3A_39 = arith.constant 0 : i32
      %dma_wait3A_40 = tpu.memref_slice %arg4[%add3A, %dma_wait3A_38, %dma_wait3A_39] : memref<32x80x128xi32, #tpu.memory_space<hbm>> -> memref<1x80x128xi32, #tpu.memory_space<hbm>>
      %dma_wait3A_41 = tpu.memref_squeeze %dma_wait3A_40 : memref<1x80x128xi32, #tpu.memory_space<hbm>> -> memref<80x128xi32, #tpu.memory_space<hbm>>
      tpu.wait_dma2 semaphore(%run_scoped3A : memref<!tpu.dma_semaphore, #tpu.memory_space<semaphore_mem>>) src(%dma_wait3A_41 : memref<80x128xi32, #tpu.memory_space<hbm>>) dst(%arg7 : memref<80x128xi32, #tpu.memory_space<vmem>>)
      tpu.yield
    }) : () -> ()
    "tpu.region"() ({
      %run_scoped3A = tpu.sem_alloc : memref<!tpu.dma_semaphore, #tpu.memory_space<semaphore_mem>>
      %dma_start3A_27 = arith.constant 0 : i32
      %dma_start3A_28 = arith.constant 0 : i32
      %dma_start3A_29 = tpu.memref_slice %arg3[%add3A, %dma_start3A_27, %dma_start3A_28] : memref<32x80x128xi32, #tpu.memory_space<hbm>> -> memref<1x8x128xi32, #tpu.memory_space<hbm>>
      %dma_start3A_30 = tpu.memref_squeeze %dma_start3A_29 : memref<1x8x128xi32, #tpu.memory_space<hbm>> -> memref<8x128xi32, #tpu.memory_space<hbm>>
      %dma_start3A_31 = arith.constant 0 : i32
      %dma_start3A_32 = arith.constant 0 : i32
      %dma_start3A_33 = tpu.memref_slice %arg3[%add3A, %dma_start3A_31, %dma_start3A_32] : memref<32x80x128xi32, #tpu.memory_space<hbm>> -> memref<1x8x128xi32, #tpu.memory_space<hbm>>
      %dma_start3A_34 = tpu.memref_squeeze %dma_start3A_33 : memref<1x8x128xi32, #tpu.memory_space<hbm>> -> memref<8x128xi32, #tpu.memory_space<hbm>>
      tpu.enqueue_dma source(%dma_start3A_34 : memref<8x128xi32, #tpu.memory_space<hbm>>) target(%arg8 : memref<8x128xi32, #tpu.memory_space<vmem>>) target_semaphore(%run_scoped3A : memref<!tpu.dma_semaphore, #tpu.memory_space<semaphore_mem>>)
      %dma_wait3A = arith.constant 0 : i32
      %dma_wait3A_35 = arith.constant 0 : i32
      %dma_wait3A_36 = tpu.memref_slice %arg3[%add3A, %dma_wait3A, %dma_wait3A_35] : memref<32x80x128xi32, #tpu.memory_space<hbm>> -> memref<1x8x128xi32, #tpu.memory_space<hbm>>
      %dma_wait3A_37 = tpu.memref_squeeze %dma_wait3A_36 : memref<1x8x128xi32, #tpu.memory_space<hbm>> -> memref<8x128xi32, #tpu.memory_space<hbm>>
      %dma_wait3A_38 = arith.constant 0 : i32
      %dma_wait3A_39 = arith.constant 0 : i32
      %dma_wait3A_40 = tpu.memref_slice %arg3[%add3A, %dma_wait3A_38, %dma_wait3A_39] : memref<32x80x128xi32, #tpu.memory_space<hbm>> -> memref<1x8x128xi32, #tpu.memory_space<hbm>>
      %dma_wait3A_41 = tpu.memref_squeeze %dma_wait3A_40 : memref<1x8x128xi32, #tpu.memory_space<hbm>> -> memref<8x128xi32, #tpu.memory_space<hbm>>
      tpu.wait_dma2 semaphore(%run_scoped3A : memref<!tpu.dma_semaphore, #tpu.memory_space<semaphore_mem>>) src(%dma_wait3A_41 : memref<8x128xi32, #tpu.memory_space<hbm>>) dst(%arg8 : memref<8x128xi32, #tpu.memory_space<vmem>>)
      tpu.yield
    }) : () -> ()
    %barrier3A = arith.constant 0 : index
    tpu.barrier barrier_id(%barrier3A)
    %dma_start3A = arith.constant 0 : i32
    %dma_start3A_5 = arith.constant 0 : i32
    %dma_start3A_6 = tpu.memref_slice %arg8[%dma_start3A, %dma_start3A_5] : memref<8x128xi32, #tpu.memory_space<vmem>> -> memref<1x128xi32, #tpu.memory_space<vmem>>
    %dma_start3A_7 = tpu.memref_squeeze %dma_start3A_6 : memref<1x128xi32, #tpu.memory_space<vmem>> -> memref<128xi32, #tpu.memory_space<vmem>>
    %dma_start3A_8 = arith.constant 0 : i32
    %dma_start3A_9 = arith.constant 0 : i32
    %dma_start3A_10 = tpu.memref_slice %arg2[%dma_start3A_8, %dma_start3A_9] : memref<10000x128xf32, #tpu.memory_space<hbm>> -> memref<10000x128xf32, #tpu.memory_space<hbm>>
    tpu.enqueue_indirect_dma source(%dma_start3A_10 : memref<10000x128xf32, #tpu.memory_space<hbm>>) target(%arg10 : memref<128x128xf32, #tpu.memory_space<vmem>>) offsets(%dma_start3A_7 : memref<128xi32, #tpu.memory_space<vmem>>) semaphore(%arg12 : memref<!tpu.dma_semaphore, #tpu.memory_space<semaphore_mem>>)
    %dma_start3A_11 = arith.constant 1 : i32
    %dma_start3A_12 = arith.constant 0 : i32
    %dma_start3A_13 = tpu.memref_slice %arg8[%dma_start3A_11, %dma_start3A_12] : memref<8x128xi32, #tpu.memory_space<vmem>> -> memref<1x128xi32, #tpu.memory_space<vmem>>
    %dma_start3A_14 = tpu.memref_squeeze %dma_start3A_13 : memref<1x128xi32, #tpu.memory_space<vmem>> -> memref<128xi32, #tpu.memory_space<vmem>>
    %dma_start3A_15 = arith.constant 0 : i32
    %dma_start3A_16 = arith.constant 0 : i32
    %dma_start3A_17 = tpu.memref_slice %arg2[%dma_start3A_15, %dma_start3A_16] : memref<10000x128xf32, #tpu.memory_space<hbm>> -> memref<10000x128xf32, #tpu.memory_space<hbm>>
    tpu.enqueue_indirect_dma source(%dma_start3A_17 : memref<10000x128xf32, #tpu.memory_space<hbm>>) target(%arg11 : memref<128x128xf32, #tpu.memory_space<vmem>>) offsets(%dma_start3A_14 : memref<128xi32, #tpu.memory_space<vmem>>) semaphore(%arg13 : memref<!tpu.dma_semaphore, #tpu.memory_space<semaphore_mem>>)
    %scan3A = arith.constant 0 : i32
    %scan3A_18 = arith.constant 5 : i32
    %scan3A_19 = arith.addi %scan3A, %scan3A_18 : i32
    %scan3A_20 = arith.constant 1 : i32
    scf.for %scan3A_27 = %scan3A to %scan3A_19 step %scan3A_20  : i32 {
      %mul3A_28 = arith.constant 16 : i32
      %mul3A_29 = arith.muli %scan3A_27, %mul3A_28 : i32
      %add3A_30 = arith.constant 0 : i32
      %add3A_31 = arith.addi %add3A_30, %mul3A_29 : i32
      %add3A_32 = arith.constant 8 : i32
      %add3A_33 = arith.addi %add3A_31, %add3A_32 : i32
      %dma_start3A_34 = arith.constant 0 : i32
      %dma_start3A_35 = tpu.memref_slice %arg3[%add3A, %add3A_33, %dma_start3A_34] : memref<32x80x128xi32, #tpu.memory_space<hbm>> -> memref<1x8x128xi32, #tpu.memory_space<hbm>>
      %dma_start3A_36 = tpu.memref_squeeze %dma_start3A_35 : memref<1x8x128xi32, #tpu.memory_space<hbm>> -> memref<8x128xi32, #tpu.memory_space<hbm>>
      %dma_start3A_37 = arith.constant 0 : i32
      %dma_start3A_38 = tpu.memref_slice %arg3[%add3A, %add3A_33, %dma_start3A_37] : memref<32x80x128xi32, #tpu.memory_space<hbm>> -> memref<1x8x128xi32, #tpu.memory_space<hbm>>
      %dma_start3A_39 = tpu.memref_squeeze %dma_start3A_38 : memref<1x8x128xi32, #tpu.memory_space<hbm>> -> memref<8x128xi32, #tpu.memory_space<hbm>>
      tpu.enqueue_dma source(%dma_start3A_39 : memref<8x128xi32, #tpu.memory_space<hbm>>) target(%arg9 : memref<8x128xi32, #tpu.memory_space<vmem>>) target_semaphore(%arg15 : memref<!tpu.dma_semaphore, #tpu.memory_space<semaphore_mem>>)
      %add3A_40 = arith.constant 0 : i32
      %add3A_41 = arith.addi %add3A_31, %add3A_40 : i32
      %dma_wait3A = arith.constant 0 : i32
      %dma_wait3A_42 = arith.constant 0 : i32
      %dma_wait3A_43 = tpu.memref_slice %arg8[%dma_wait3A, %dma_wait3A_42] : memref<8x128xi32, #tpu.memory_space<vmem>> -> memref<1x128xi32, #tpu.memory_space<vmem>>
      %dma_wait3A_44 = tpu.memref_squeeze %dma_wait3A_43 : memref<1x128xi32, #tpu.memory_space<vmem>> -> memref<128xi32, #tpu.memory_space<vmem>>
      %dma_wait3A_45 = arith.constant 0 : i32
      %dma_wait3A_46 = arith.constant 0 : i32
      %dma_wait3A_47 = tpu.memref_slice %arg2[%dma_wait3A_45, %dma_wait3A_46] : memref<10000x128xf32, #tpu.memory_space<hbm>> -> memref<10000x128xf32, #tpu.memory_space<hbm>>
      tpu.wait_indirect_dma semaphore(%arg12 : memref<!tpu.dma_semaphore, #tpu.memory_space<semaphore_mem>>) src(%dma_wait3A_47 : memref<10000x128xf32, #tpu.memory_space<hbm>>) dst(%arg10 : memref<128x128xf32, #tpu.memory_space<vmem>>)
      "tpu.region"() ({
        %run_scoped3A = tpu.sem_alloc : memref<!tpu.dma_semaphore, #tpu.memory_space<semaphore_mem>>
        %dma_start3A_314 = arith.constant 0 : i32
        %dma_start3A_315 = tpu.memref_slice %arg7[%add3A_41, %dma_start3A_314] : memref<80x128xi32, #tpu.memory_space<vmem>> -> memref<1x128xi32, #tpu.memory_space<vmem>>
        %dma_start3A_316 = tpu.memref_squeeze %dma_start3A_315 : memref<1x128xi32, #tpu.memory_space<vmem>> -> memref<128xi32, #tpu.memory_space<vmem>>
        %dma_start3A_317 = arith.constant 0 : i32
        %dma_start3A_318 = arith.constant 0 : i32
        %dma_start3A_319 = tpu.memref_slice %arg16[%dma_start3A_317, %dma_start3A_318] : memref<10240x128xf32, #tpu.memory_space<vmem_shared>> -> memref<10240x128xf32, #tpu.memory_space<vmem_shared>>
        tpu.enqueue_indirect_dma source(%arg10 : memref<128x128xf32, #tpu.memory_space<vmem>>) target(%dma_start3A_319 : memref<10240x128xf32, #tpu.memory_space<vmem_shared>>) offsets(%dma_start3A_316 : memref<128xi32, #tpu.memory_space<vmem>>) semaphore(%run_scoped3A : memref<!tpu.dma_semaphore, #tpu.memory_space<semaphore_mem>>) {add = true}
        %dma_wait3A_320 = arith.constant 0 : i32
        %dma_wait3A_321 = tpu.memref_slice %arg7[%add3A_41, %dma_wait3A_320] : memref<80x128xi32, #tpu.memory_space<vmem>> -> memref<1x128xi32, #tpu.memory_space<vmem>>
        %dma_wait3A_322 = tpu.memref_squeeze %dma_wait3A_321 : memref<1x128xi32, #tpu.memory_space<vmem>> -> memref<128xi32, #tpu.memory_space<vmem>>
        %dma_wait3A_323 = arith.constant 0 : i32
        %dma_wait3A_324 = arith.constant 0 : i32
        %dma_wait3A_325 = tpu.memref_slice %arg16[%dma_wait3A_323, %dma_wait3A_324] : memref<10240x128xf32, #tpu.memory_space<vmem_shared>> -> memref<10240x128xf32, #tpu.memory_space<vmem_shared>>
        tpu.wait_indirect_dma semaphore(%run_scoped3A : memref<!tpu.dma_semaphore, #tpu.memory_space<semaphore_mem>>) src(%arg10 : memref<128x128xf32, #tpu.memory_space<vmem>>) dst(%dma_wait3A_325 : memref<10240x128xf32, #tpu.memory_space<vmem_shared>>)
        tpu.yield
      }) : () -> ()
      %dma_start3A_48 = arith.constant 2 : i32
      %dma_start3A_49 = arith.constant 0 : i32
      %dma_start3A_50 = tpu.memref_slice %arg8[%dma_start3A_48, %dma_start3A_49] : memref<8x128xi32, #tpu.memory_space<vmem>> -> memref<1x128xi32, #tpu.memory_space<vmem>>
      %dma_start3A_51 = tpu.memref_squeeze %dma_start3A_50 : memref<1x128xi32, #tpu.memory_space<vmem>> -> memref<128xi32, #tpu.memory_space<vmem>>
      %dma_start3A_52 = arith.constant 0 : i32
      %dma_start3A_53 = arith.constant 0 : i32
      %dma_start3A_54 = tpu.memref_slice %arg2[%dma_start3A_52, %dma_start3A_53] : memref<10000x128xf32, #tpu.memory_space<hbm>> -> memref<10000x128xf32, #tpu.memory_space<hbm>>
      tpu.enqueue_indirect_dma source(%dma_start3A_54 : memref<10000x128xf32, #tpu.memory_space<hbm>>) target(%arg10 : memref<128x128xf32, #tpu.memory_space<vmem>>) offsets(%dma_start3A_51 : memref<128xi32, #tpu.memory_space<vmem>>) semaphore(%arg12 : memref<!tpu.dma_semaphore, #tpu.memory_space<semaphore_mem>>)
      %add3A_55 = arith.constant 1 : i32
      %add3A_56 = arith.addi %add3A_31, %add3A_55 : i32
      %dma_wait3A_57 = arith.constant 0 : i32
      %dma_wait3A_58 = arith.constant 0 : i32
      %dma_wait3A_59 = tpu.memref_slice %arg8[%dma_wait3A_57, %dma_wait3A_58] : memref<8x128xi32, #tpu.memory_space<vmem>> -> memref<1x128xi32, #tpu.memory_space<vmem>>
      %dma_wait3A_60 = tpu.memref_squeeze %dma_wait3A_59 : memref<1x128xi32, #tpu.memory_space<vmem>> -> memref<128xi32, #tpu.memory_space<vmem>>
      %dma_wait3A_61 = arith.constant 0 : i32
      %dma_wait3A_62 = arith.constant 0 : i32
      %dma_wait3A_63 = tpu.memref_slice %arg2[%dma_wait3A_61, %dma_wait3A_62] : memref<10000x128xf32, #tpu.memory_space<hbm>> -> memref<10000x128xf32, #tpu.memory_space<hbm>>
      tpu.wait_indirect_dma semaphore(%arg13 : memref<!tpu.dma_semaphore, #tpu.memory_space<semaphore_mem>>) src(%dma_wait3A_63 : memref<10000x128xf32, #tpu.memory_space<hbm>>) dst(%arg11 : memref<128x128xf32, #tpu.memory_space<vmem>>)
      "tpu.region"() ({
        %run_scoped3A = tpu.sem_alloc : memref<!tpu.dma_semaphore, #tpu.memory_space<semaphore_mem>>
        %dma_start3A_314 = arith.constant 0 : i32
        %dma_start3A_315 = tpu.memref_slice %arg7[%add3A_56, %dma_start3A_314] : memref<80x128xi32, #tpu.memory_space<vmem>> -> memref<1x128xi32, #tpu.memory_space<vmem>>
        %dma_start3A_316 = tpu.memref_squeeze %dma_start3A_315 : memref<1x128xi32, #tpu.memory_space<vmem>> -> memref<128xi32, #tpu.memory_space<vmem>>
        %dma_start3A_317 = arith.constant 0 : i32
        %dma_start3A_318 = arith.constant 0 : i32
        %dma_start3A_319 = tpu.memref_slice %arg16[%dma_start3A_317, %dma_start3A_318] : memref<10240x128xf32, #tpu.memory_space<vmem_shared>> -> memref<10240x128xf32, #tpu.memory_space<vmem_shared>>
        tpu.enqueue_indirect_dma source(%arg11 : memref<128x128xf32, #tpu.memory_space<vmem>>) target(%dma_start3A_319 : memref<10240x128xf32, #tpu.memory_space<vmem_shared>>) offsets(%dma_start3A_316 : memref<128xi32, #tpu.memory_space<vmem>>) semaphore(%run_scoped3A : memref<!tpu.dma_semaphore, #tpu.memory_space<semaphore_mem>>) {add = true}
        %dma_wait3A_320 = arith.constant 0 : i32
        %dma_wait3A_321 = tpu.memref_slice %arg7[%add3A_56, %dma_wait3A_320] : memref<80x128xi32, #tpu.memory_space<vmem>> -> memref<1x128xi32, #tpu.memory_space<vmem>>
        %dma_wait3A_322 = tpu.memref_squeeze %dma_wait3A_321 : memref<1x128xi32, #tpu.memory_space<vmem>> -> memref<128xi32, #tpu.memory_space<vmem>>
        %dma_wait3A_323 = arith.constant 0 : i32
        %dma_wait3A_324 = arith.constant 0 : i32
        %dma_wait3A_325 = tpu.memref_slice %arg16[%dma_wait3A_323, %dma_wait3A_324] : memref<10240x128xf32, #tpu.memory_space<vmem_shared>> -> memref<10240x128xf32, #tpu.memory_space<vmem_shared>>
        tpu.wait_indirect_dma semaphore(%run_scoped3A : memref<!tpu.dma_semaphore, #tpu.memory_space<semaphore_mem>>) src(%arg11 : memref<128x128xf32, #tpu.memory_space<vmem>>) dst(%dma_wait3A_325 : memref<10240x128xf32, #tpu.memory_space<vmem_shared>>)
        tpu.yield
      }) : () -> ()
      %dma_start3A_64 = arith.constant 3 : i32
      %dma_start3A_65 = arith.constant 0 : i32
      %dma_start3A_66 = tpu.memref_slice %arg8[%dma_start3A_64, %dma_start3A_65] : memref<8x128xi32, #tpu.memory_space<vmem>> -> memref<1x128xi32, #tpu.memory_space<vmem>>
      %dma_start3A_67 = tpu.memref_squeeze %dma_start3A_66 : memref<1x128xi32, #tpu.memory_space<vmem>> -> memref<128xi32, #tpu.memory_space<vmem>>
      %dma_start3A_68 = arith.constant 0 : i32
      %dma_start3A_69 = arith.constant 0 : i32
      %dma_start3A_70 = tpu.memref_slice %arg2[%dma_start3A_68, %dma_start3A_69] : memref<10000x128xf32, #tpu.memory_space<hbm>> -> memref<10000x128xf32, #tpu.memory_space<hbm>>
      tpu.enqueue_indirect_dma source(%dma_start3A_70 : memref<10000x128xf32, #tpu.memory_space<hbm>>) target(%arg11 : memref<128x128xf32, #tpu.memory_space<vmem>>) offsets(%dma_start3A_67 : memref<128xi32, #tpu.memory_space<vmem>>) semaphore(%arg13 : memref<!tpu.dma_semaphore, #tpu.memory_space<semaphore_mem>>)
      %add3A_71 = arith.constant 2 : i32
      %add3A_72 = arith.addi %add3A_31, %add3A_71 : i32
      %dma_wait3A_73 = arith.constant 0 : i32
      %dma_wait3A_74 = arith.constant 0 : i32
      %dma_wait3A_75 = tpu.memref_slice %arg8[%dma_wait3A_73, %dma_wait3A_74] : memref<8x128xi32, #tpu.memory_space<vmem>> -> memref<1x128xi32, #tpu.memory_space<vmem>>
      %dma_wait3A_76 = tpu.memref_squeeze %dma_wait3A_75 : memref<1x128xi32, #tpu.memory_space<vmem>> -> memref<128xi32, #tpu.memory_space<vmem>>
      %dma_wait3A_77 = arith.constant 0 : i32
      %dma_wait3A_78 = arith.constant 0 : i32
      %dma_wait3A_79 = tpu.memref_slice %arg2[%dma_wait3A_77, %dma_wait3A_78] : memref<10000x128xf32, #tpu.memory_space<hbm>> -> memref<10000x128xf32, #tpu.memory_space<hbm>>
      tpu.wait_indirect_dma semaphore(%arg12 : memref<!tpu.dma_semaphore, #tpu.memory_space<semaphore_mem>>) src(%dma_wait3A_79 : memref<10000x128xf32, #tpu.memory_space<hbm>>) dst(%arg10 : memref<128x128xf32, #tpu.memory_space<vmem>>)
      "tpu.region"() ({
        %run_scoped3A = tpu.sem_alloc : memref<!tpu.dma_semaphore, #tpu.memory_space<semaphore_mem>>
        %dma_start3A_314 = arith.constant 0 : i32
        %dma_start3A_315 = tpu.memref_slice %arg7[%add3A_72, %dma_start3A_314] : memref<80x128xi32, #tpu.memory_space<vmem>> -> memref<1x128xi32, #tpu.memory_space<vmem>>
        %dma_start3A_316 = tpu.memref_squeeze %dma_start3A_315 : memref<1x128xi32, #tpu.memory_space<vmem>> -> memref<128xi32, #tpu.memory_space<vmem>>
        %dma_start3A_317 = arith.constant 0 : i32
        %dma_start3A_318 = arith.constant 0 : i32
        %dma_start3A_319 = tpu.memref_slice %arg16[%dma_start3A_317, %dma_start3A_318] : memref<10240x128xf32, #tpu.memory_space<vmem_shared>> -> memref<10240x128xf32, #tpu.memory_space<vmem_shared>>
        tpu.enqueue_indirect_dma source(%arg10 : memref<128x128xf32, #tpu.memory_space<vmem>>) target(%dma_start3A_319 : memref<10240x128xf32, #tpu.memory_space<vmem_shared>>) offsets(%dma_start3A_316 : memref<128xi32, #tpu.memory_space<vmem>>) semaphore(%run_scoped3A : memref<!tpu.dma_semaphore, #tpu.memory_space<semaphore_mem>>) {add = true}
        %dma_wait3A_320 = arith.constant 0 : i32
        %dma_wait3A_321 = tpu.memref_slice %arg7[%add3A_72, %dma_wait3A_320] : memref<80x128xi32, #tpu.memory_space<vmem>> -> memref<1x128xi32, #tpu.memory_space<vmem>>
        %dma_wait3A_322 = tpu.memref_squeeze %dma_wait3A_321 : memref<1x128xi32, #tpu.memory_space<vmem>> -> memref<128xi32, #tpu.memory_space<vmem>>
        %dma_wait3A_323 = arith.constant 0 : i32
        %dma_wait3A_324 = arith.constant 0 : i32
        %dma_wait3A_325 = tpu.memref_slice %arg16[%dma_wait3A_323, %dma_wait3A_324] : memref<10240x128xf32, #tpu.memory_space<vmem_shared>> -> memref<10240x128xf32, #tpu.memory_space<vmem_shared>>
        tpu.wait_indirect_dma semaphore(%run_scoped3A : memref<!tpu.dma_semaphore, #tpu.memory_space<semaphore_mem>>) src(%arg10 : memref<128x128xf32, #tpu.memory_space<vmem>>) dst(%dma_wait3A_325 : memref<10240x128xf32, #tpu.memory_space<vmem_shared>>)
        tpu.yield
      }) : () -> ()
      %dma_start3A_80 = arith.constant 4 : i32
      %dma_start3A_81 = arith.constant 0 : i32
      %dma_start3A_82 = tpu.memref_slice %arg8[%dma_start3A_80, %dma_start3A_81] : memref<8x128xi32, #tpu.memory_space<vmem>> -> memref<1x128xi32, #tpu.memory_space<vmem>>
      %dma_start3A_83 = tpu.memref_squeeze %dma_start3A_82 : memref<1x128xi32, #tpu.memory_space<vmem>> -> memref<128xi32, #tpu.memory_space<vmem>>
      %dma_start3A_84 = arith.constant 0 : i32
      %dma_start3A_85 = arith.constant 0 : i32
      %dma_start3A_86 = tpu.memref_slice %arg2[%dma_start3A_84, %dma_start3A_85] : memref<10000x128xf32, #tpu.memory_space<hbm>> -> memref<10000x128xf32, #tpu.memory_space<hbm>>
      tpu.enqueue_indirect_dma source(%dma_start3A_86 : memref<10000x128xf32, #tpu.memory_space<hbm>>) target(%arg10 : memref<128x128xf32, #tpu.memory_space<vmem>>) offsets(%dma_start3A_83 : memref<128xi32, #tpu.memory_space<vmem>>) semaphore(%arg12 : memref<!tpu.dma_semaphore, #tpu.memory_space<semaphore_mem>>)
      %add3A_87 = arith.constant 3 : i32
      %add3A_88 = arith.addi %add3A_31, %add3A_87 : i32
      %dma_wait3A_89 = arith.constant 0 : i32
      %dma_wait3A_90 = arith.constant 0 : i32
      %dma_wait3A_91 = tpu.memref_slice %arg8[%dma_wait3A_89, %dma_wait3A_90] : memref<8x128xi32, #tpu.memory_space<vmem>> -> memref<1x128xi32, #tpu.memory_space<vmem>>
      %dma_wait3A_92 = tpu.memref_squeeze %dma_wait3A_91 : memref<1x128xi32, #tpu.memory_space<vmem>> -> memref<128xi32, #tpu.memory_space<vmem>>
      %dma_wait3A_93 = arith.constant 0 : i32
      %dma_wait3A_94 = arith.constant 0 : i32
      %dma_wait3A_95 = tpu.memref_slice %arg2[%dma_wait3A_93, %dma_wait3A_94] : memref<10000x128xf32, #tpu.memory_space<hbm>> -> memref<10000x128xf32, #tpu.memory_space<hbm>>
      tpu.wait_indirect_dma semaphore(%arg13 : memref<!tpu.dma_semaphore, #tpu.memory_space<semaphore_mem>>) src(%dma_wait3A_95 : memref<10000x128xf32, #tpu.memory_space<hbm>>) dst(%arg11 : memref<128x128xf32, #tpu.memory_space<vmem>>)
      "tpu.region"() ({
        %run_scoped3A = tpu.sem_alloc : memref<!tpu.dma_semaphore, #tpu.memory_space<semaphore_mem>>
        %dma_start3A_314 = arith.constant 0 : i32
        %dma_start3A_315 = tpu.memref_slice %arg7[%add3A_88, %dma_start3A_314] : memref<80x128xi32, #tpu.memory_space<vmem>> -> memref<1x128xi32, #tpu.memory_space<vmem>>
        %dma_start3A_316 = tpu.memref_squeeze %dma_start3A_315 : memref<1x128xi32, #tpu.memory_space<vmem>> -> memref<128xi32, #tpu.memory_space<vmem>>
        %dma_start3A_317 = arith.constant 0 : i32
        %dma_start3A_318 = arith.constant 0 : i32
        %dma_start3A_319 = tpu.memref_slice %arg16[%dma_start3A_317, %dma_start3A_318] : memref<10240x128xf32, #tpu.memory_space<vmem_shared>> -> memref<10240x128xf32, #tpu.memory_space<vmem_shared>>
        tpu.enqueue_indirect_dma source(%arg11 : memref<128x128xf32, #tpu.memory_space<vmem>>) target(%dma_start3A_319 : memref<10240x128xf32, #tpu.memory_space<vmem_shared>>) offsets(%dma_start3A_316 : memref<128xi32, #tpu.memory_space<vmem>>) semaphore(%run_scoped3A : memref<!tpu.dma_semaphore, #tpu.memory_space<semaphore_mem>>) {add = true}
        %dma_wait3A_320 = arith.constant 0 : i32
        %dma_wait3A_321 = tpu.memref_slice %arg7[%add3A_88, %dma_wait3A_320] : memref<80x128xi32, #tpu.memory_space<vmem>> -> memref<1x128xi32, #tpu.memory_space<vmem>>
        %dma_wait3A_322 = tpu.memref_squeeze %dma_wait3A_321 : memref<1x128xi32, #tpu.memory_space<vmem>> -> memref<128xi32, #tpu.memory_space<vmem>>
        %dma_wait3A_323 = arith.constant 0 : i32
        %dma_wait3A_324 = arith.constant 0 : i32
        %dma_wait3A_325 = tpu.memref_slice %arg16[%dma_wait3A_323, %dma_wait3A_324] : memref<10240x128xf32, #tpu.memory_space<vmem_shared>> -> memref<10240x128xf32, #tpu.memory_space<vmem_shared>>
        tpu.wait_indirect_dma semaphore(%run_scoped3A : memref<!tpu.dma_semaphore, #tpu.memory_space<semaphore_mem>>) src(%arg11 : memref<128x128xf32, #tpu.memory_space<vmem>>) dst(%dma_wait3A_325 : memref<10240x128xf32, #tpu.memory_space<vmem_shared>>)
        tpu.yield
      }) : () -> ()
      %dma_start3A_96 = arith.constant 5 : i32
      %dma_start3A_97 = arith.constant 0 : i32
      %dma_start3A_98 = tpu.memref_slice %arg8[%dma_start3A_96, %dma_start3A_97] : memref<8x128xi32, #tpu.memory_space<vmem>> -> memref<1x128xi32, #tpu.memory_space<vmem>>
      %dma_start3A_99 = tpu.memref_squeeze %dma_start3A_98 : memref<1x128xi32, #tpu.memory_space<vmem>> -> memref<128xi32, #tpu.memory_space<vmem>>
      %dma_start3A_100 = arith.constant 0 : i32
      %dma_start3A_101 = arith.constant 0 : i32
      %dma_start3A_102 = tpu.memref_slice %arg2[%dma_start3A_100, %dma_start3A_101] : memref<10000x128xf32, #tpu.memory_space<hbm>> -> memref<10000x128xf32, #tpu.memory_space<hbm>>
      tpu.enqueue_indirect_dma source(%dma_start3A_102 : memref<10000x128xf32, #tpu.memory_space<hbm>>) target(%arg11 : memref<128x128xf32, #tpu.memory_space<vmem>>) offsets(%dma_start3A_99 : memref<128xi32, #tpu.memory_space<vmem>>) semaphore(%arg13 : memref<!tpu.dma_semaphore, #tpu.memory_space<semaphore_mem>>)
      %add3A_103 = arith.constant 4 : i32
      %add3A_104 = arith.addi %add3A_31, %add3A_103 : i32
      %dma_wait3A_105 = arith.constant 0 : i32
      %dma_wait3A_106 = arith.constant 0 : i32
      %dma_wait3A_107 = tpu.memref_slice %arg8[%dma_wait3A_105, %dma_wait3A_106] : memref<8x128xi32, #tpu.memory_space<vmem>> -> memref<1x128xi32, #tpu.memory_space<vmem>>
      %dma_wait3A_108 = tpu.memref_squeeze %dma_wait3A_107 : memref<1x128xi32, #tpu.memory_space<vmem>> -> memref<128xi32, #tpu.memory_space<vmem>>
      %dma_wait3A_109 = arith.constant 0 : i32
      %dma_wait3A_110 = arith.constant 0 : i32
      %dma_wait3A_111 = tpu.memref_slice %arg2[%dma_wait3A_109, %dma_wait3A_110] : memref<10000x128xf32, #tpu.memory_space<hbm>> -> memref<10000x128xf32, #tpu.memory_space<hbm>>
      tpu.wait_indirect_dma semaphore(%arg12 : memref<!tpu.dma_semaphore, #tpu.memory_space<semaphore_mem>>) src(%dma_wait3A_111 : memref<10000x128xf32, #tpu.memory_space<hbm>>) dst(%arg10 : memref<128x128xf32, #tpu.memory_space<vmem>>)
      "tpu.region"() ({
        %run_scoped3A = tpu.sem_alloc : memref<!tpu.dma_semaphore, #tpu.memory_space<semaphore_mem>>
        %dma_start3A_314 = arith.constant 0 : i32
        %dma_start3A_315 = tpu.memref_slice %arg7[%add3A_104, %dma_start3A_314] : memref<80x128xi32, #tpu.memory_space<vmem>> -> memref<1x128xi32, #tpu.memory_space<vmem>>
        %dma_start3A_316 = tpu.memref_squeeze %dma_start3A_315 : memref<1x128xi32, #tpu.memory_space<vmem>> -> memref<128xi32, #tpu.memory_space<vmem>>
        %dma_start3A_317 = arith.constant 0 : i32
        %dma_start3A_318 = arith.constant 0 : i32
        %dma_start3A_319 = tpu.memref_slice %arg16[%dma_start3A_317, %dma_start3A_318] : memref<10240x128xf32, #tpu.memory_space<vmem_shared>> -> memref<10240x128xf32, #tpu.memory_space<vmem_shared>>
        tpu.enqueue_indirect_dma source(%arg10 : memref<128x128xf32, #tpu.memory_space<vmem>>) target(%dma_start3A_319 : memref<10240x128xf32, #tpu.memory_space<vmem_shared>>) offsets(%dma_start3A_316 : memref<128xi32, #tpu.memory_space<vmem>>) semaphore(%run_scoped3A : memref<!tpu.dma_semaphore, #tpu.memory_space<semaphore_mem>>) {add = true}
        %dma_wait3A_320 = arith.constant 0 : i32
        %dma_wait3A_321 = tpu.memref_slice %arg7[%add3A_104, %dma_wait3A_320] : memref<80x128xi32, #tpu.memory_space<vmem>> -> memref<1x128xi32, #tpu.memory_space<vmem>>
        %dma_wait3A_322 = tpu.memref_squeeze %dma_wait3A_321 : memref<1x128xi32, #tpu.memory_space<vmem>> -> memref<128xi32, #tpu.memory_space<vmem>>
        %dma_wait3A_323 = arith.constant 0 : i32
        %dma_wait3A_324 = arith.constant 0 : i32
        %dma_wait3A_325 = tpu.memref_slice %arg16[%dma_wait3A_323, %dma_wait3A_324] : memref<10240x128xf32, #tpu.memory_space<vmem_shared>> -> memref<10240x128xf32, #tpu.memory_space<vmem_shared>>
        tpu.wait_indirect_dma semaphore(%run_scoped3A : memref<!tpu.dma_semaphore, #tpu.memory_space<semaphore_mem>>) src(%arg10 : memref<128x128xf32, #tpu.memory_space<vmem>>) dst(%dma_wait3A_325 : memref<10240x128xf32, #tpu.memory_space<vmem_shared>>)
        tpu.yield
      }) : () -> ()
      %dma_start3A_112 = arith.constant 6 : i32
      %dma_start3A_113 = arith.constant 0 : i32
      %dma_start3A_114 = tpu.memref_slice %arg8[%dma_start3A_112, %dma_start3A_113] : memref<8x128xi32, #tpu.memory_space<vmem>> -> memref<1x128xi32, #tpu.memory_space<vmem>>
      %dma_start3A_115 = tpu.memref_squeeze %dma_start3A_114 : memref<1x128xi32, #tpu.memory_space<vmem>> -> memref<128xi32, #tpu.memory_space<vmem>>
      %dma_start3A_116 = arith.constant 0 : i32
      %dma_start3A_117 = arith.constant 0 : i32
      %dma_start3A_118 = tpu.memref_slice %arg2[%dma_start3A_116, %dma_start3A_117] : memref<10000x128xf32, #tpu.memory_space<hbm>> -> memref<10000x128xf32, #tpu.memory_space<hbm>>
      tpu.enqueue_indirect_dma source(%dma_start3A_118 : memref<10000x128xf32, #tpu.memory_space<hbm>>) target(%arg10 : memref<128x128xf32, #tpu.memory_space<vmem>>) offsets(%dma_start3A_115 : memref<128xi32, #tpu.memory_space<vmem>>) semaphore(%arg12 : memref<!tpu.dma_semaphore, #tpu.memory_space<semaphore_mem>>)
      %add3A_119 = arith.constant 5 : i32
      %add3A_120 = arith.addi %add3A_31, %add3A_119 : i32
      %dma_wait3A_121 = arith.constant 0 : i32
      %dma_wait3A_122 = arith.constant 0 : i32
      %dma_wait3A_123 = tpu.memref_slice %arg8[%dma_wait3A_121, %dma_wait3A_122] : memref<8x128xi32, #tpu.memory_space<vmem>> -> memref<1x128xi32, #tpu.memory_space<vmem>>
      %dma_wait3A_124 = tpu.memref_squeeze %dma_wait3A_123 : memref<1x128xi32, #tpu.memory_space<vmem>> -> memref<128xi32, #tpu.memory_space<vmem>>
      %dma_wait3A_125 = arith.constant 0 : i32
      %dma_wait3A_126 = arith.constant 0 : i32
      %dma_wait3A_127 = tpu.memref_slice %arg2[%dma_wait3A_125, %dma_wait3A_126] : memref<10000x128xf32, #tpu.memory_space<hbm>> -> memref<10000x128xf32, #tpu.memory_space<hbm>>
      tpu.wait_indirect_dma semaphore(%arg13 : memref<!tpu.dma_semaphore, #tpu.memory_space<semaphore_mem>>) src(%dma_wait3A_127 : memref<10000x128xf32, #tpu.memory_space<hbm>>) dst(%arg11 : memref<128x128xf32, #tpu.memory_space<vmem>>)
      "tpu.region"() ({
        %run_scoped3A = tpu.sem_alloc : memref<!tpu.dma_semaphore, #tpu.memory_space<semaphore_mem>>
        %dma_start3A_314 = arith.constant 0 : i32
        %dma_start3A_315 = tpu.memref_slice %arg7[%add3A_120, %dma_start3A_314] : memref<80x128xi32, #tpu.memory_space<vmem>> -> memref<1x128xi32, #tpu.memory_space<vmem>>
        %dma_start3A_316 = tpu.memref_squeeze %dma_start3A_315 : memref<1x128xi32, #tpu.memory_space<vmem>> -> memref<128xi32, #tpu.memory_space<vmem>>
        %dma_start3A_317 = arith.constant 0 : i32
        %dma_start3A_318 = arith.constant 0 : i32
        %dma_start3A_319 = tpu.memref_slice %arg16[%dma_start3A_317, %dma_start3A_318] : memref<10240x128xf32, #tpu.memory_space<vmem_shared>> -> memref<10240x128xf32, #tpu.memory_space<vmem_shared>>
        tpu.enqueue_indirect_dma source(%arg11 : memref<128x128xf32, #tpu.memory_space<vmem>>) target(%dma_start3A_319 : memref<10240x128xf32, #tpu.memory_space<vmem_shared>>) offsets(%dma_start3A_316 : memref<128xi32, #tpu.memory_space<vmem>>) semaphore(%run_scoped3A : memref<!tpu.dma_semaphore, #tpu.memory_space<semaphore_mem>>) {add = true}
        %dma_wait3A_320 = arith.constant 0 : i32
        %dma_wait3A_321 = tpu.memref_slice %arg7[%add3A_120, %dma_wait3A_320] : memref<80x128xi32, #tpu.memory_space<vmem>> -> memref<1x128xi32, #tpu.memory_space<vmem>>
        %dma_wait3A_322 = tpu.memref_squeeze %dma_wait3A_321 : memref<1x128xi32, #tpu.memory_space<vmem>> -> memref<128xi32, #tpu.memory_space<vmem>>
        %dma_wait3A_323 = arith.constant 0 : i32
        %dma_wait3A_324 = arith.constant 0 : i32
        %dma_wait3A_325 = tpu.memref_slice %arg16[%dma_wait3A_323, %dma_wait3A_324] : memref<10240x128xf32, #tpu.memory_space<vmem_shared>> -> memref<10240x128xf32, #tpu.memory_space<vmem_shared>>
        tpu.wait_indirect_dma semaphore(%run_scoped3A : memref<!tpu.dma_semaphore, #tpu.memory_space<semaphore_mem>>) src(%arg11 : memref<128x128xf32, #tpu.memory_space<vmem>>) dst(%dma_wait3A_325 : memref<10240x128xf32, #tpu.memory_space<vmem_shared>>)
        tpu.yield
      }) : () -> ()
      %dma_start3A_128 = arith.constant 7 : i32
      %dma_start3A_129 = arith.constant 0 : i32
      %dma_start3A_130 = tpu.memref_slice %arg8[%dma_start3A_128, %dma_start3A_129] : memref<8x128xi32, #tpu.memory_space<vmem>> -> memref<1x128xi32, #tpu.memory_space<vmem>>
      %dma_start3A_131 = tpu.memref_squeeze %dma_start3A_130 : memref<1x128xi32, #tpu.memory_space<vmem>> -> memref<128xi32, #tpu.memory_space<vmem>>
      %dma_start3A_132 = arith.constant 0 : i32
      %dma_start3A_133 = arith.constant 0 : i32
      %dma_start3A_134 = tpu.memref_slice %arg2[%dma_start3A_132, %dma_start3A_133] : memref<10000x128xf32, #tpu.memory_space<hbm>> -> memref<10000x128xf32, #tpu.memory_space<hbm>>
      tpu.enqueue_indirect_dma source(%dma_start3A_134 : memref<10000x128xf32, #tpu.memory_space<hbm>>) target(%arg11 : memref<128x128xf32, #tpu.memory_space<vmem>>) offsets(%dma_start3A_131 : memref<128xi32, #tpu.memory_space<vmem>>) semaphore(%arg13 : memref<!tpu.dma_semaphore, #tpu.memory_space<semaphore_mem>>)
      %add3A_135 = arith.constant 6 : i32
      %add3A_136 = arith.addi %add3A_31, %add3A_135 : i32
      %add3A_137 = arith.constant 8 : i32
      %add3A_138 = arith.addi %add3A_31, %add3A_137 : i32
      %dma_wait3A_139 = arith.constant 0 : i32
      %dma_wait3A_140 = tpu.memref_slice %arg3[%add3A, %add3A_138, %dma_wait3A_139] : memref<32x80x128xi32, #tpu.memory_space<hbm>> -> memref<1x8x128xi32, #tpu.memory_space<hbm>>
      %dma_wait3A_141 = tpu.memref_squeeze %dma_wait3A_140 : memref<1x8x128xi32, #tpu.memory_space<hbm>> -> memref<8x128xi32, #tpu.memory_space<hbm>>
      %dma_wait3A_142 = arith.constant 0 : i32
      %dma_wait3A_143 = tpu.memref_slice %arg3[%add3A, %add3A_138, %dma_wait3A_142] : memref<32x80x128xi32, #tpu.memory_space<hbm>> -> memref<1x8x128xi32, #tpu.memory_space<hbm>>
      %dma_wait3A_144 = tpu.memref_squeeze %dma_wait3A_143 : memref<1x8x128xi32, #tpu.memory_space<hbm>> -> memref<8x128xi32, #tpu.memory_space<hbm>>
      tpu.wait_dma2 semaphore(%arg15 : memref<!tpu.dma_semaphore, #tpu.memory_space<semaphore_mem>>) src(%dma_wait3A_144 : memref<8x128xi32, #tpu.memory_space<hbm>>) dst(%arg9 : memref<8x128xi32, #tpu.memory_space<vmem>>)
      %dma_wait3A_145 = arith.constant 0 : i32
      %dma_wait3A_146 = arith.constant 0 : i32
      %dma_wait3A_147 = tpu.memref_slice %arg8[%dma_wait3A_145, %dma_wait3A_146] : memref<8x128xi32, #tpu.memory_space<vmem>> -> memref<1x128xi32, #tpu.memory_space<vmem>>
      %dma_wait3A_148 = tpu.memref_squeeze %dma_wait3A_147 : memref<1x128xi32, #tpu.memory_space<vmem>> -> memref<128xi32, #tpu.memory_space<vmem>>
      %dma_wait3A_149 = arith.constant 0 : i32
      %dma_wait3A_150 = arith.constant 0 : i32
      %dma_wait3A_151 = tpu.memref_slice %arg2[%dma_wait3A_149, %dma_wait3A_150] : memref<10000x128xf32, #tpu.memory_space<hbm>> -> memref<10000x128xf32, #tpu.memory_space<hbm>>
      tpu.wait_indirect_dma semaphore(%arg12 : memref<!tpu.dma_semaphore, #tpu.memory_space<semaphore_mem>>) src(%dma_wait3A_151 : memref<10000x128xf32, #tpu.memory_space<hbm>>) dst(%arg10 : memref<128x128xf32, #tpu.memory_space<vmem>>)
      "tpu.region"() ({
        %run_scoped3A = tpu.sem_alloc : memref<!tpu.dma_semaphore, #tpu.memory_space<semaphore_mem>>
        %dma_start3A_314 = arith.constant 0 : i32
        %dma_start3A_315 = tpu.memref_slice %arg7[%add3A_136, %dma_start3A_314] : memref<80x128xi32, #tpu.memory_space<vmem>> -> memref<1x128xi32, #tpu.memory_space<vmem>>
        %dma_start3A_316 = tpu.memref_squeeze %dma_start3A_315 : memref<1x128xi32, #tpu.memory_space<vmem>> -> memref<128xi32, #tpu.memory_space<vmem>>
        %dma_start3A_317 = arith.constant 0 : i32
        %dma_start3A_318 = arith.constant 0 : i32
        %dma_start3A_319 = tpu.memref_slice %arg16[%dma_start3A_317, %dma_start3A_318] : memref<10240x128xf32, #tpu.memory_space<vmem_shared>> -> memref<10240x128xf32, #tpu.memory_space<vmem_shared>>
        tpu.enqueue_indirect_dma source(%arg10 : memref<128x128xf32, #tpu.memory_space<vmem>>) target(%dma_start3A_319 : memref<10240x128xf32, #tpu.memory_space<vmem_shared>>) offsets(%dma_start3A_316 : memref<128xi32, #tpu.memory_space<vmem>>) semaphore(%run_scoped3A : memref<!tpu.dma_semaphore, #tpu.memory_space<semaphore_mem>>) {add = true}
        %dma_wait3A_320 = arith.constant 0 : i32
        %dma_wait3A_321 = tpu.memref_slice %arg7[%add3A_136, %dma_wait3A_320] : memref<80x128xi32, #tpu.memory_space<vmem>> -> memref<1x128xi32, #tpu.memory_space<vmem>>
        %dma_wait3A_322 = tpu.memref_squeeze %dma_wait3A_321 : memref<1x128xi32, #tpu.memory_space<vmem>> -> memref<128xi32, #tpu.memory_space<vmem>>
        %dma_wait3A_323 = arith.constant 0 : i32
        %dma_wait3A_324 = arith.constant 0 : i32
        %dma_wait3A_325 = tpu.memref_slice %arg16[%dma_wait3A_323, %dma_wait3A_324] : memref<10240x128xf32, #tpu.memory_space<vmem_shared>> -> memref<10240x128xf32, #tpu.memory_space<vmem_shared>>
        tpu.wait_indirect_dma semaphore(%run_scoped3A : memref<!tpu.dma_semaphore, #tpu.memory_space<semaphore_mem>>) src(%arg10 : memref<128x128xf32, #tpu.memory_space<vmem>>) dst(%dma_wait3A_325 : memref<10240x128xf32, #tpu.memory_space<vmem_shared>>)
        tpu.yield
      }) : () -> ()
      %dma_start3A_152 = arith.constant 0 : i32
      %dma_start3A_153 = arith.constant 0 : i32
      %dma_start3A_154 = tpu.memref_slice %arg9[%dma_start3A_152, %dma_start3A_153] : memref<8x128xi32, #tpu.memory_space<vmem>> -> memref<1x128xi32, #tpu.memory_space<vmem>>
      %dma_start3A_155 = tpu.memref_squeeze %dma_start3A_154 : memref<1x128xi32, #tpu.memory_space<vmem>> -> memref<128xi32, #tpu.memory_space<vmem>>
      %dma_start3A_156 = arith.constant 0 : i32
      %dma_start3A_157 = arith.constant 0 : i32
      %dma_start3A_158 = tpu.memref_slice %arg2[%dma_start3A_156, %dma_start3A_157] : memref<10000x128xf32, #tpu.memory_space<hbm>> -> memref<10000x128xf32, #tpu.memory_space<hbm>>
      tpu.enqueue_indirect_dma source(%dma_start3A_158 : memref<10000x128xf32, #tpu.memory_space<hbm>>) target(%arg10 : memref<128x128xf32, #tpu.memory_space<vmem>>) offsets(%dma_start3A_155 : memref<128xi32, #tpu.memory_space<vmem>>) semaphore(%arg12 : memref<!tpu.dma_semaphore, #tpu.memory_space<semaphore_mem>>)
      %add3A_159 = arith.constant 7 : i32
      %add3A_160 = arith.addi %add3A_31, %add3A_159 : i32
      %dma_wait3A_161 = arith.constant 0 : i32
      %dma_wait3A_162 = arith.constant 0 : i32
      %dma_wait3A_163 = tpu.memref_slice %arg8[%dma_wait3A_161, %dma_wait3A_162] : memref<8x128xi32, #tpu.memory_space<vmem>> -> memref<1x128xi32, #tpu.memory_space<vmem>>
      %dma_wait3A_164 = tpu.memref_squeeze %dma_wait3A_163 : memref<1x128xi32, #tpu.memory_space<vmem>> -> memref<128xi32, #tpu.memory_space<vmem>>
      %dma_wait3A_165 = arith.constant 0 : i32
      %dma_wait3A_166 = arith.constant 0 : i32
      %dma_wait3A_167 = tpu.memref_slice %arg2[%dma_wait3A_165, %dma_wait3A_166] : memref<10000x128xf32, #tpu.memory_space<hbm>> -> memref<10000x128xf32, #tpu.memory_space<hbm>>
      tpu.wait_indirect_dma semaphore(%arg13 : memref<!tpu.dma_semaphore, #tpu.memory_space<semaphore_mem>>) src(%dma_wait3A_167 : memref<10000x128xf32, #tpu.memory_space<hbm>>) dst(%arg11 : memref<128x128xf32, #tpu.memory_space<vmem>>)
      "tpu.region"() ({
        %run_scoped3A = tpu.sem_alloc : memref<!tpu.dma_semaphore, #tpu.memory_space<semaphore_mem>>
        %dma_start3A_314 = arith.constant 0 : i32
        %dma_start3A_315 = tpu.memref_slice %arg7[%add3A_160, %dma_start3A_314] : memref<80x128xi32, #tpu.memory_space<vmem>> -> memref<1x128xi32, #tpu.memory_space<vmem>>
        %dma_start3A_316 = tpu.memref_squeeze %dma_start3A_315 : memref<1x128xi32, #tpu.memory_space<vmem>> -> memref<128xi32, #tpu.memory_space<vmem>>
        %dma_start3A_317 = arith.constant 0 : i32
        %dma_start3A_318 = arith.constant 0 : i32
        %dma_start3A_319 = tpu.memref_slice %arg16[%dma_start3A_317, %dma_start3A_318] : memref<10240x128xf32, #tpu.memory_space<vmem_shared>> -> memref<10240x128xf32, #tpu.memory_space<vmem_shared>>
        tpu.enqueue_indirect_dma source(%arg11 : memref<128x128xf32, #tpu.memory_space<vmem>>) target(%dma_start3A_319 : memref<10240x128xf32, #tpu.memory_space<vmem_shared>>) offsets(%dma_start3A_316 : memref<128xi32, #tpu.memory_space<vmem>>) semaphore(%run_scoped3A : memref<!tpu.dma_semaphore, #tpu.memory_space<semaphore_mem>>) {add = true}
        %dma_wait3A_320 = arith.constant 0 : i32
        %dma_wait3A_321 = tpu.memref_slice %arg7[%add3A_160, %dma_wait3A_320] : memref<80x128xi32, #tpu.memory_space<vmem>> -> memref<1x128xi32, #tpu.memory_space<vmem>>
        %dma_wait3A_322 = tpu.memref_squeeze %dma_wait3A_321 : memref<1x128xi32, #tpu.memory_space<vmem>> -> memref<128xi32, #tpu.memory_space<vmem>>
        %dma_wait3A_323 = arith.constant 0 : i32
        %dma_wait3A_324 = arith.constant 0 : i32
        %dma_wait3A_325 = tpu.memref_slice %arg16[%dma_wait3A_323, %dma_wait3A_324] : memref<10240x128xf32, #tpu.memory_space<vmem_shared>> -> memref<10240x128xf32, #tpu.memory_space<vmem_shared>>
        tpu.wait_indirect_dma semaphore(%run_scoped3A : memref<!tpu.dma_semaphore, #tpu.memory_space<semaphore_mem>>) src(%arg11 : memref<128x128xf32, #tpu.memory_space<vmem>>) dst(%dma_wait3A_325 : memref<10240x128xf32, #tpu.memory_space<vmem_shared>>)
        tpu.yield
      }) : () -> ()
      %dma_start3A_168 = arith.constant 1 : i32
      %dma_start3A_169 = arith.constant 0 : i32
      %dma_start3A_170 = tpu.memref_slice %arg9[%dma_start3A_168, %dma_start3A_169] : memref<8x128xi32, #tpu.memory_space<vmem>> -> memref<1x128xi32, #tpu.memory_space<vmem>>
      %dma_start3A_171 = tpu.memref_squeeze %dma_start3A_170 : memref<1x128xi32, #tpu.memory_space<vmem>> -> memref<128xi32, #tpu.memory_space<vmem>>
      %dma_start3A_172 = arith.constant 0 : i32
      %dma_start3A_173 = arith.constant 0 : i32
      %dma_start3A_174 = tpu.memref_slice %arg2[%dma_start3A_172, %dma_start3A_173] : memref<10000x128xf32, #tpu.memory_space<hbm>> -> memref<10000x128xf32, #tpu.memory_space<hbm>>
      tpu.enqueue_indirect_dma source(%dma_start3A_174 : memref<10000x128xf32, #tpu.memory_space<hbm>>) target(%arg11 : memref<128x128xf32, #tpu.memory_space<vmem>>) offsets(%dma_start3A_171 : memref<128xi32, #tpu.memory_space<vmem>>) semaphore(%arg13 : memref<!tpu.dma_semaphore, #tpu.memory_space<semaphore_mem>>)
      %add3A_175 = arith.constant 8 : i32
      %add3A_176 = arith.addi %add3A_31, %add3A_175 : i32
      %add3A_177 = arith.constant 16 : i32
      %add3A_178 = arith.addi %add3A_31, %add3A_177 : i32
      %lt3A = arith.constant 80 : i32
      %lt3A_179 = arith.cmpi slt, %add3A_178, %lt3A : i32
      %convert_element_type3A = arith.extui %lt3A_179 : i1 to i32
      %cond3A = arith.constant 0 : i32
      %cond3A_180 = arith.cmpi ne, %convert_element_type3A, %cond3A : i32
      scf.if %cond3A_180 {
        %add3A_314 = arith.constant 16 : i32
        %add3A_315 = arith.addi %add3A_31, %add3A_314 : i32
        %dma_start3A_316 = arith.constant 0 : i32
        %dma_start3A_317 = tpu.memref_slice %arg3[%add3A, %add3A_315, %dma_start3A_316] : memref<32x80x128xi32, #tpu.memory_space<hbm>> -> memref<1x8x128xi32, #tpu.memory_space<hbm>>
        %dma_start3A_318 = tpu.memref_squeeze %dma_start3A_317 : memref<1x8x128xi32, #tpu.memory_space<hbm>> -> memref<8x128xi32, #tpu.memory_space<hbm>>
        %dma_start3A_319 = arith.constant 0 : i32
        %dma_start3A_320 = tpu.memref_slice %arg3[%add3A, %add3A_315, %dma_start3A_319] : memref<32x80x128xi32, #tpu.memory_space<hbm>> -> memref<1x8x128xi32, #tpu.memory_space<hbm>>
        %dma_start3A_321 = tpu.memref_squeeze %dma_start3A_320 : memref<1x8x128xi32, #tpu.memory_space<hbm>> -> memref<8x128xi32, #tpu.memory_space<hbm>>
        tpu.enqueue_dma source(%dma_start3A_321 : memref<8x128xi32, #tpu.memory_space<hbm>>) target(%arg8 : memref<8x128xi32, #tpu.memory_space<vmem>>) target_semaphore(%arg14 : memref<!tpu.dma_semaphore, #tpu.memory_space<semaphore_mem>>)
      } else {
      }
      %dma_wait3A_181 = arith.constant 0 : i32
      %dma_wait3A_182 = arith.constant 0 : i32
      %dma_wait3A_183 = tpu.memref_slice %arg8[%dma_wait3A_181, %dma_wait3A_182] : memref<8x128xi32, #tpu.memory_space<vmem>> -> memref<1x128xi32, #tpu.memory_space<vmem>>
      %dma_wait3A_184 = tpu.memref_squeeze %dma_wait3A_183 : memref<1x128xi32, #tpu.memory_space<vmem>> -> memref<128xi32, #tpu.memory_space<vmem>>
      %dma_wait3A_185 = arith.constant 0 : i32
      %dma_wait3A_186 = arith.constant 0 : i32
      %dma_wait3A_187 = tpu.memref_slice %arg2[%dma_wait3A_185, %dma_wait3A_186] : memref<10000x128xf32, #tpu.memory_space<hbm>> -> memref<10000x128xf32, #tpu.memory_space<hbm>>
      tpu.wait_indirect_dma semaphore(%arg12 : memref<!tpu.dma_semaphore, #tpu.memory_space<semaphore_mem>>) src(%dma_wait3A_187 : memref<10000x128xf32, #tpu.memory_space<hbm>>) dst(%arg10 : memref<128x128xf32, #tpu.memory_space<vmem>>)
      "tpu.region"() ({
        %run_scoped3A = tpu.sem_alloc : memref<!tpu.dma_semaphore, #tpu.memory_space<semaphore_mem>>
        %dma_start3A_314 = arith.constant 0 : i32
        %dma_start3A_315 = tpu.memref_slice %arg7[%add3A_176, %dma_start3A_314] : memref<80x128xi32, #tpu.memory_space<vmem>> -> memref<1x128xi32, #tpu.memory_space<vmem>>
        %dma_start3A_316 = tpu.memref_squeeze %dma_start3A_315 : memref<1x128xi32, #tpu.memory_space<vmem>> -> memref<128xi32, #tpu.memory_space<vmem>>
        %dma_start3A_317 = arith.constant 0 : i32
        %dma_start3A_318 = arith.constant 0 : i32
        %dma_start3A_319 = tpu.memref_slice %arg16[%dma_start3A_317, %dma_start3A_318] : memref<10240x128xf32, #tpu.memory_space<vmem_shared>> -> memref<10240x128xf32, #tpu.memory_space<vmem_shared>>
        tpu.enqueue_indirect_dma source(%arg10 : memref<128x128xf32, #tpu.memory_space<vmem>>) target(%dma_start3A_319 : memref<10240x128xf32, #tpu.memory_space<vmem_shared>>) offsets(%dma_start3A_316 : memref<128xi32, #tpu.memory_space<vmem>>) semaphore(%run_scoped3A : memref<!tpu.dma_semaphore, #tpu.memory_space<semaphore_mem>>) {add = true}
        %dma_wait3A_320 = arith.constant 0 : i32
        %dma_wait3A_321 = tpu.memref_slice %arg7[%add3A_176, %dma_wait3A_320] : memref<80x128xi32, #tpu.memory_space<vmem>> -> memref<1x128xi32, #tpu.memory_space<vmem>>
        %dma_wait3A_322 = tpu.memref_squeeze %dma_wait3A_321 : memref<1x128xi32, #tpu.memory_space<vmem>> -> memref<128xi32, #tpu.memory_space<vmem>>
        %dma_wait3A_323 = arith.constant 0 : i32
        %dma_wait3A_324 = arith.constant 0 : i32
        %dma_wait3A_325 = tpu.memref_slice %arg16[%dma_wait3A_323, %dma_wait3A_324] : memref<10240x128xf32, #tpu.memory_space<vmem_shared>> -> memref<10240x128xf32, #tpu.memory_space<vmem_shared>>
        tpu.wait_indirect_dma semaphore(%run_scoped3A : memref<!tpu.dma_semaphore, #tpu.memory_space<semaphore_mem>>) src(%arg10 : memref<128x128xf32, #tpu.memory_space<vmem>>) dst(%dma_wait3A_325 : memref<10240x128xf32, #tpu.memory_space<vmem_shared>>)
        tpu.yield
      }) : () -> ()
      %dma_start3A_188 = arith.constant 2 : i32
      %dma_start3A_189 = arith.constant 0 : i32
      %dma_start3A_190 = tpu.memref_slice %arg9[%dma_start3A_188, %dma_start3A_189] : memref<8x128xi32, #tpu.memory_space<vmem>> -> memref<1x128xi32, #tpu.memory_space<vmem>>
      %dma_start3A_191 = tpu.memref_squeeze %dma_start3A_190 : memref<1x128xi32, #tpu.memory_space<vmem>> -> memref<128xi32, #tpu.memory_space<vmem>>
      %dma_start3A_192 = arith.constant 0 : i32
      %dma_start3A_193 = arith.constant 0 : i32
      %dma_start3A_194 = tpu.memref_slice %arg2[%dma_start3A_192, %dma_start3A_193] : memref<10000x128xf32, #tpu.memory_space<hbm>> -> memref<10000x128xf32, #tpu.memory_space<hbm>>
      tpu.enqueue_indirect_dma source(%dma_start3A_194 : memref<10000x128xf32, #tpu.memory_space<hbm>>) target(%arg10 : memref<128x128xf32, #tpu.memory_space<vmem>>) offsets(%dma_start3A_191 : memref<128xi32, #tpu.memory_space<vmem>>) semaphore(%arg12 : memref<!tpu.dma_semaphore, #tpu.memory_space<semaphore_mem>>)
      %add3A_195 = arith.constant 9 : i32
      %add3A_196 = arith.addi %add3A_31, %add3A_195 : i32
      %dma_wait3A_197 = arith.constant 0 : i32
      %dma_wait3A_198 = arith.constant 0 : i32
      %dma_wait3A_199 = tpu.memref_slice %arg8[%dma_wait3A_197, %dma_wait3A_198] : memref<8x128xi32, #tpu.memory_space<vmem>> -> memref<1x128xi32, #tpu.memory_space<vmem>>
      %dma_wait3A_200 = tpu.memref_squeeze %dma_wait3A_199 : memref<1x128xi32, #tpu.memory_space<vmem>> -> memref<128xi32, #tpu.memory_space<vmem>>
      %dma_wait3A_201 = arith.constant 0 : i32
      %dma_wait3A_202 = arith.constant 0 : i32
      %dma_wait3A_203 = tpu.memref_slice %arg2[%dma_wait3A_201, %dma_wait3A_202] : memref<10000x128xf32, #tpu.memory_space<hbm>> -> memref<10000x128xf32, #tpu.memory_space<hbm>>
      tpu.wait_indirect_dma semaphore(%arg13 : memref<!tpu.dma_semaphore, #tpu.memory_space<semaphore_mem>>) src(%dma_wait3A_203 : memref<10000x128xf32, #tpu.memory_space<hbm>>) dst(%arg11 : memref<128x128xf32, #tpu.memory_space<vmem>>)
      "tpu.region"() ({
        %run_scoped3A = tpu.sem_alloc : memref<!tpu.dma_semaphore, #tpu.memory_space<semaphore_mem>>
        %dma_start3A_314 = arith.constant 0 : i32
        %dma_start3A_315 = tpu.memref_slice %arg7[%add3A_196, %dma_start3A_314] : memref<80x128xi32, #tpu.memory_space<vmem>> -> memref<1x128xi32, #tpu.memory_space<vmem>>
        %dma_start3A_316 = tpu.memref_squeeze %dma_start3A_315 : memref<1x128xi32, #tpu.memory_space<vmem>> -> memref<128xi32, #tpu.memory_space<vmem>>
        %dma_start3A_317 = arith.constant 0 : i32
        %dma_start3A_318 = arith.constant 0 : i32
        %dma_start3A_319 = tpu.memref_slice %arg16[%dma_start3A_317, %dma_start3A_318] : memref<10240x128xf32, #tpu.memory_space<vmem_shared>> -> memref<10240x128xf32, #tpu.memory_space<vmem_shared>>
        tpu.enqueue_indirect_dma source(%arg11 : memref<128x128xf32, #tpu.memory_space<vmem>>) target(%dma_start3A_319 : memref<10240x128xf32, #tpu.memory_space<vmem_shared>>) offsets(%dma_start3A_316 : memref<128xi32, #tpu.memory_space<vmem>>) semaphore(%run_scoped3A : memref<!tpu.dma_semaphore, #tpu.memory_space<semaphore_mem>>) {add = true}
        %dma_wait3A_320 = arith.constant 0 : i32
        %dma_wait3A_321 = tpu.memref_slice %arg7[%add3A_196, %dma_wait3A_320] : memref<80x128xi32, #tpu.memory_space<vmem>> -> memref<1x128xi32, #tpu.memory_space<vmem>>
        %dma_wait3A_322 = tpu.memref_squeeze %dma_wait3A_321 : memref<1x128xi32, #tpu.memory_space<vmem>> -> memref<128xi32, #tpu.memory_space<vmem>>
        %dma_wait3A_323 = arith.constant 0 : i32
        %dma_wait3A_324 = arith.constant 0 : i32
        %dma_wait3A_325 = tpu.memref_slice %arg16[%dma_wait3A_323, %dma_wait3A_324] : memref<10240x128xf32, #tpu.memory_space<vmem_shared>> -> memref<10240x128xf32, #tpu.memory_space<vmem_shared>>
        tpu.wait_indirect_dma semaphore(%run_scoped3A : memref<!tpu.dma_semaphore, #tpu.memory_space<semaphore_mem>>) src(%arg11 : memref<128x128xf32, #tpu.memory_space<vmem>>) dst(%dma_wait3A_325 : memref<10240x128xf32, #tpu.memory_space<vmem_shared>>)
        tpu.yield
      }) : () -> ()
      %dma_start3A_204 = arith.constant 3 : i32
      %dma_start3A_205 = arith.constant 0 : i32
      %dma_start3A_206 = tpu.memref_slice %arg9[%dma_start3A_204, %dma_start3A_205] : memref<8x128xi32, #tpu.memory_space<vmem>> -> memref<1x128xi32, #tpu.memory_space<vmem>>
      %dma_start3A_207 = tpu.memref_squeeze %dma_start3A_206 : memref<1x128xi32, #tpu.memory_space<vmem>> -> memref<128xi32, #tpu.memory_space<vmem>>
      %dma_start3A_208 = arith.constant 0 : i32
      %dma_start3A_209 = arith.constant 0 : i32
      %dma_start3A_210 = tpu.memref_slice %arg2[%dma_start3A_208, %dma_start3A_209] : memref<10000x128xf32, #tpu.memory_space<hbm>> -> memref<10000x128xf32, #tpu.memory_space<hbm>>
      tpu.enqueue_indirect_dma source(%dma_start3A_210 : memref<10000x128xf32, #tpu.memory_space<hbm>>) target(%arg11 : memref<128x128xf32, #tpu.memory_space<vmem>>) offsets(%dma_start3A_207 : memref<128xi32, #tpu.memory_space<vmem>>) semaphore(%arg13 : memref<!tpu.dma_semaphore, #tpu.memory_space<semaphore_mem>>)
      %add3A_211 = arith.constant 10 : i32
      %add3A_212 = arith.addi %add3A_31, %add3A_211 : i32
      %dma_wait3A_213 = arith.constant 0 : i32
      %dma_wait3A_214 = arith.constant 0 : i32
      %dma_wait3A_215 = tpu.memref_slice %arg8[%dma_wait3A_213, %dma_wait3A_214] : memref<8x128xi32, #tpu.memory_space<vmem>> -> memref<1x128xi32, #tpu.memory_space<vmem>>
      %dma_wait3A_216 = tpu.memref_squeeze %dma_wait3A_215 : memref<1x128xi32, #tpu.memory_space<vmem>> -> memref<128xi32, #tpu.memory_space<vmem>>
      %dma_wait3A_217 = arith.constant 0 : i32
      %dma_wait3A_218 = arith.constant 0 : i32
      %dma_wait3A_219 = tpu.memref_slice %arg2[%dma_wait3A_217, %dma_wait3A_218] : memref<10000x128xf32, #tpu.memory_space<hbm>> -> memref<10000x128xf32, #tpu.memory_space<hbm>>
      tpu.wait_indirect_dma semaphore(%arg12 : memref<!tpu.dma_semaphore, #tpu.memory_space<semaphore_mem>>) src(%dma_wait3A_219 : memref<10000x128xf32, #tpu.memory_space<hbm>>) dst(%arg10 : memref<128x128xf32, #tpu.memory_space<vmem>>)
      "tpu.region"() ({
        %run_scoped3A = tpu.sem_alloc : memref<!tpu.dma_semaphore, #tpu.memory_space<semaphore_mem>>
        %dma_start3A_314 = arith.constant 0 : i32
        %dma_start3A_315 = tpu.memref_slice %arg7[%add3A_212, %dma_start3A_314] : memref<80x128xi32, #tpu.memory_space<vmem>> -> memref<1x128xi32, #tpu.memory_space<vmem>>
        %dma_start3A_316 = tpu.memref_squeeze %dma_start3A_315 : memref<1x128xi32, #tpu.memory_space<vmem>> -> memref<128xi32, #tpu.memory_space<vmem>>
        %dma_start3A_317 = arith.constant 0 : i32
        %dma_start3A_318 = arith.constant 0 : i32
        %dma_start3A_319 = tpu.memref_slice %arg16[%dma_start3A_317, %dma_start3A_318] : memref<10240x128xf32, #tpu.memory_space<vmem_shared>> -> memref<10240x128xf32, #tpu.memory_space<vmem_shared>>
        tpu.enqueue_indirect_dma source(%arg10 : memref<128x128xf32, #tpu.memory_space<vmem>>) target(%dma_start3A_319 : memref<10240x128xf32, #tpu.memory_space<vmem_shared>>) offsets(%dma_start3A_316 : memref<128xi32, #tpu.memory_space<vmem>>) semaphore(%run_scoped3A : memref<!tpu.dma_semaphore, #tpu.memory_space<semaphore_mem>>) {add = true}
        %dma_wait3A_320 = arith.constant 0 : i32
        %dma_wait3A_321 = tpu.memref_slice %arg7[%add3A_212, %dma_wait3A_320] : memref<80x128xi32, #tpu.memory_space<vmem>> -> memref<1x128xi32, #tpu.memory_space<vmem>>
        %dma_wait3A_322 = tpu.memref_squeeze %dma_wait3A_321 : memref<1x128xi32, #tpu.memory_space<vmem>> -> memref<128xi32, #tpu.memory_space<vmem>>
        %dma_wait3A_323 = arith.constant 0 : i32
        %dma_wait3A_324 = arith.constant 0 : i32
        %dma_wait3A_325 = tpu.memref_slice %arg16[%dma_wait3A_323, %dma_wait3A_324] : memref<10240x128xf32, #tpu.memory_space<vmem_shared>> -> memref<10240x128xf32, #tpu.memory_space<vmem_shared>>
        tpu.wait_indirect_dma semaphore(%run_scoped3A : memref<!tpu.dma_semaphore, #tpu.memory_space<semaphore_mem>>) src(%arg10 : memref<128x128xf32, #tpu.memory_space<vmem>>) dst(%dma_wait3A_325 : memref<10240x128xf32, #tpu.memory_space<vmem_shared>>)
        tpu.yield
      }) : () -> ()
      %dma_start3A_220 = arith.constant 4 : i32
      %dma_start3A_221 = arith.constant 0 : i32
      %dma_start3A_222 = tpu.memref_slice %arg9[%dma_start3A_220, %dma_start3A_221] : memref<8x128xi32, #tpu.memory_space<vmem>> -> memref<1x128xi32, #tpu.memory_space<vmem>>
      %dma_start3A_223 = tpu.memref_squeeze %dma_start3A_222 : memref<1x128xi32, #tpu.memory_space<vmem>> -> memref<128xi32, #tpu.memory_space<vmem>>
      %dma_start3A_224 = arith.constant 0 : i32
      %dma_start3A_225 = arith.constant 0 : i32
      %dma_start3A_226 = tpu.memref_slice %arg2[%dma_start3A_224, %dma_start3A_225] : memref<10000x128xf32, #tpu.memory_space<hbm>> -> memref<10000x128xf32, #tpu.memory_space<hbm>>
      tpu.enqueue_indirect_dma source(%dma_start3A_226 : memref<10000x128xf32, #tpu.memory_space<hbm>>) target(%arg10 : memref<128x128xf32, #tpu.memory_space<vmem>>) offsets(%dma_start3A_223 : memref<128xi32, #tpu.memory_space<vmem>>) semaphore(%arg12 : memref<!tpu.dma_semaphore, #tpu.memory_space<semaphore_mem>>)
      %add3A_227 = arith.constant 11 : i32
      %add3A_228 = arith.addi %add3A_31, %add3A_227 : i32
      %dma_wait3A_229 = arith.constant 0 : i32
      %dma_wait3A_230 = arith.constant 0 : i32
      %dma_wait3A_231 = tpu.memref_slice %arg8[%dma_wait3A_229, %dma_wait3A_230] : memref<8x128xi32, #tpu.memory_space<vmem>> -> memref<1x128xi32, #tpu.memory_space<vmem>>
      %dma_wait3A_232 = tpu.memref_squeeze %dma_wait3A_231 : memref<1x128xi32, #tpu.memory_space<vmem>> -> memref<128xi32, #tpu.memory_space<vmem>>
      %dma_wait3A_233 = arith.constant 0 : i32
      %dma_wait3A_234 = arith.constant 0 : i32
      %dma_wait3A_235 = tpu.memref_slice %arg2[%dma_wait3A_233, %dma_wait3A_234] : memref<10000x128xf32, #tpu.memory_space<hbm>> -> memref<10000x128xf32, #tpu.memory_space<hbm>>
      tpu.wait_indirect_dma semaphore(%arg13 : memref<!tpu.dma_semaphore, #tpu.memory_space<semaphore_mem>>) src(%dma_wait3A_235 : memref<10000x128xf32, #tpu.memory_space<hbm>>) dst(%arg11 : memref<128x128xf32, #tpu.memory_space<vmem>>)
      "tpu.region"() ({
        %run_scoped3A = tpu.sem_alloc : memref<!tpu.dma_semaphore, #tpu.memory_space<semaphore_mem>>
        %dma_start3A_314 = arith.constant 0 : i32
        %dma_start3A_315 = tpu.memref_slice %arg7[%add3A_228, %dma_start3A_314] : memref<80x128xi32, #tpu.memory_space<vmem>> -> memref<1x128xi32, #tpu.memory_space<vmem>>
        %dma_start3A_316 = tpu.memref_squeeze %dma_start3A_315 : memref<1x128xi32, #tpu.memory_space<vmem>> -> memref<128xi32, #tpu.memory_space<vmem>>
        %dma_start3A_317 = arith.constant 0 : i32
        %dma_start3A_318 = arith.constant 0 : i32
        %dma_start3A_319 = tpu.memref_slice %arg16[%dma_start3A_317, %dma_start3A_318] : memref<10240x128xf32, #tpu.memory_space<vmem_shared>> -> memref<10240x128xf32, #tpu.memory_space<vmem_shared>>
        tpu.enqueue_indirect_dma source(%arg11 : memref<128x128xf32, #tpu.memory_space<vmem>>) target(%dma_start3A_319 : memref<10240x128xf32, #tpu.memory_space<vmem_shared>>) offsets(%dma_start3A_316 : memref<128xi32, #tpu.memory_space<vmem>>) semaphore(%run_scoped3A : memref<!tpu.dma_semaphore, #tpu.memory_space<semaphore_mem>>) {add = true}
        %dma_wait3A_320 = arith.constant 0 : i32
        %dma_wait3A_321 = tpu.memref_slice %arg7[%add3A_228, %dma_wait3A_320] : memref<80x128xi32, #tpu.memory_space<vmem>> -> memref<1x128xi32, #tpu.memory_space<vmem>>
        %dma_wait3A_322 = tpu.memref_squeeze %dma_wait3A_321 : memref<1x128xi32, #tpu.memory_space<vmem>> -> memref<128xi32, #tpu.memory_space<vmem>>
        %dma_wait3A_323 = arith.constant 0 : i32
        %dma_wait3A_324 = arith.constant 0 : i32
        %dma_wait3A_325 = tpu.memref_slice %arg16[%dma_wait3A_323, %dma_wait3A_324] : memref<10240x128xf32, #tpu.memory_space<vmem_shared>> -> memref<10240x128xf32, #tpu.memory_space<vmem_shared>>
        tpu.wait_indirect_dma semaphore(%run_scoped3A : memref<!tpu.dma_semaphore, #tpu.memory_space<semaphore_mem>>) src(%arg11 : memref<128x128xf32, #tpu.memory_space<vmem>>) dst(%dma_wait3A_325 : memref<10240x128xf32, #tpu.memory_space<vmem_shared>>)
        tpu.yield
      }) : () -> ()
      %dma_start3A_236 = arith.constant 5 : i32
      %dma_start3A_237 = arith.constant 0 : i32
      %dma_start3A_238 = tpu.memref_slice %arg9[%dma_start3A_236, %dma_start3A_237] : memref<8x128xi32, #tpu.memory_space<vmem>> -> memref<1x128xi32, #tpu.memory_space<vmem>>
      %dma_start3A_239 = tpu.memref_squeeze %dma_start3A_238 : memref<1x128xi32, #tpu.memory_space<vmem>> -> memref<128xi32, #tpu.memory_space<vmem>>
      %dma_start3A_240 = arith.constant 0 : i32
      %dma_start3A_241 = arith.constant 0 : i32
      %dma_start3A_242 = tpu.memref_slice %arg2[%dma_start3A_240, %dma_start3A_241] : memref<10000x128xf32, #tpu.memory_space<hbm>> -> memref<10000x128xf32, #tpu.memory_space<hbm>>
      tpu.enqueue_indirect_dma source(%dma_start3A_242 : memref<10000x128xf32, #tpu.memory_space<hbm>>) target(%arg11 : memref<128x128xf32, #tpu.memory_space<vmem>>) offsets(%dma_start3A_239 : memref<128xi32, #tpu.memory_space<vmem>>) semaphore(%arg13 : memref<!tpu.dma_semaphore, #tpu.memory_space<semaphore_mem>>)
      %add3A_243 = arith.constant 12 : i32
      %add3A_244 = arith.addi %add3A_31, %add3A_243 : i32
      %dma_wait3A_245 = arith.constant 0 : i32
      %dma_wait3A_246 = arith.constant 0 : i32
      %dma_wait3A_247 = tpu.memref_slice %arg8[%dma_wait3A_245, %dma_wait3A_246] : memref<8x128xi32, #tpu.memory_space<vmem>> -> memref<1x128xi32, #tpu.memory_space<vmem>>
      %dma_wait3A_248 = tpu.memref_squeeze %dma_wait3A_247 : memref<1x128xi32, #tpu.memory_space<vmem>> -> memref<128xi32, #tpu.memory_space<vmem>>
      %dma_wait3A_249 = arith.constant 0 : i32
      %dma_wait3A_250 = arith.constant 0 : i32
      %dma_wait3A_251 = tpu.memref_slice %arg2[%dma_wait3A_249, %dma_wait3A_250] : memref<10000x128xf32, #tpu.memory_space<hbm>> -> memref<10000x128xf32, #tpu.memory_space<hbm>>
      tpu.wait_indirect_dma semaphore(%arg12 : memref<!tpu.dma_semaphore, #tpu.memory_space<semaphore_mem>>) src(%dma_wait3A_251 : memref<10000x128xf32, #tpu.memory_space<hbm>>) dst(%arg10 : memref<128x128xf32, #tpu.memory_space<vmem>>)
      "tpu.region"() ({
        %run_scoped3A = tpu.sem_alloc : memref<!tpu.dma_semaphore, #tpu.memory_space<semaphore_mem>>
        %dma_start3A_314 = arith.constant 0 : i32
        %dma_start3A_315 = tpu.memref_slice %arg7[%add3A_244, %dma_start3A_314] : memref<80x128xi32, #tpu.memory_space<vmem>> -> memref<1x128xi32, #tpu.memory_space<vmem>>
        %dma_start3A_316 = tpu.memref_squeeze %dma_start3A_315 : memref<1x128xi32, #tpu.memory_space<vmem>> -> memref<128xi32, #tpu.memory_space<vmem>>
        %dma_start3A_317 = arith.constant 0 : i32
        %dma_start3A_318 = arith.constant 0 : i32
        %dma_start3A_319 = tpu.memref_slice %arg16[%dma_start3A_317, %dma_start3A_318] : memref<10240x128xf32, #tpu.memory_space<vmem_shared>> -> memref<10240x128xf32, #tpu.memory_space<vmem_shared>>
        tpu.enqueue_indirect_dma source(%arg10 : memref<128x128xf32, #tpu.memory_space<vmem>>) target(%dma_start3A_319 : memref<10240x128xf32, #tpu.memory_space<vmem_shared>>) offsets(%dma_start3A_316 : memref<128xi32, #tpu.memory_space<vmem>>) semaphore(%run_scoped3A : memref<!tpu.dma_semaphore, #tpu.memory_space<semaphore_mem>>) {add = true}
        %dma_wait3A_320 = arith.constant 0 : i32
        %dma_wait3A_321 = tpu.memref_slice %arg7[%add3A_244, %dma_wait3A_320] : memref<80x128xi32, #tpu.memory_space<vmem>> -> memref<1x128xi32, #tpu.memory_space<vmem>>
        %dma_wait3A_322 = tpu.memref_squeeze %dma_wait3A_321 : memref<1x128xi32, #tpu.memory_space<vmem>> -> memref<128xi32, #tpu.memory_space<vmem>>
        %dma_wait3A_323 = arith.constant 0 : i32
        %dma_wait3A_324 = arith.constant 0 : i32
        %dma_wait3A_325 = tpu.memref_slice %arg16[%dma_wait3A_323, %dma_wait3A_324] : memref<10240x128xf32, #tpu.memory_space<vmem_shared>> -> memref<10240x128xf32, #tpu.memory_space<vmem_shared>>
        tpu.wait_indirect_dma semaphore(%run_scoped3A : memref<!tpu.dma_semaphore, #tpu.memory_space<semaphore_mem>>) src(%arg10 : memref<128x128xf32, #tpu.memory_space<vmem>>) dst(%dma_wait3A_325 : memref<10240x128xf32, #tpu.memory_space<vmem_shared>>)
        tpu.yield
      }) : () -> ()
      %dma_start3A_252 = arith.constant 6 : i32
      %dma_start3A_253 = arith.constant 0 : i32
      %dma_start3A_254 = tpu.memref_slice %arg9[%dma_start3A_252, %dma_start3A_253] : memref<8x128xi32, #tpu.memory_space<vmem>> -> memref<1x128xi32, #tpu.memory_space<vmem>>
      %dma_start3A_255 = tpu.memref_squeeze %dma_start3A_254 : memref<1x128xi32, #tpu.memory_space<vmem>> -> memref<128xi32, #tpu.memory_space<vmem>>
      %dma_start3A_256 = arith.constant 0 : i32
      %dma_start3A_257 = arith.constant 0 : i32
      %dma_start3A_258 = tpu.memref_slice %arg2[%dma_start3A_256, %dma_start3A_257] : memref<10000x128xf32, #tpu.memory_space<hbm>> -> memref<10000x128xf32, #tpu.memory_space<hbm>>
      tpu.enqueue_indirect_dma source(%dma_start3A_258 : memref<10000x128xf32, #tpu.memory_space<hbm>>) target(%arg10 : memref<128x128xf32, #tpu.memory_space<vmem>>) offsets(%dma_start3A_255 : memref<128xi32, #tpu.memory_space<vmem>>) semaphore(%arg12 : memref<!tpu.dma_semaphore, #tpu.memory_space<semaphore_mem>>)
      %add3A_259 = arith.constant 13 : i32
      %add3A_260 = arith.addi %add3A_31, %add3A_259 : i32
      %dma_wait3A_261 = arith.constant 0 : i32
      %dma_wait3A_262 = arith.constant 0 : i32
      %dma_wait3A_263 = tpu.memref_slice %arg8[%dma_wait3A_261, %dma_wait3A_262] : memref<8x128xi32, #tpu.memory_space<vmem>> -> memref<1x128xi32, #tpu.memory_space<vmem>>
      %dma_wait3A_264 = tpu.memref_squeeze %dma_wait3A_263 : memref<1x128xi32, #tpu.memory_space<vmem>> -> memref<128xi32, #tpu.memory_space<vmem>>
      %dma_wait3A_265 = arith.constant 0 : i32
      %dma_wait3A_266 = arith.constant 0 : i32
      %dma_wait3A_267 = tpu.memref_slice %arg2[%dma_wait3A_265, %dma_wait3A_266] : memref<10000x128xf32, #tpu.memory_space<hbm>> -> memref<10000x128xf32, #tpu.memory_space<hbm>>
      tpu.wait_indirect_dma semaphore(%arg13 : memref<!tpu.dma_semaphore, #tpu.memory_space<semaphore_mem>>) src(%dma_wait3A_267 : memref<10000x128xf32, #tpu.memory_space<hbm>>) dst(%arg11 : memref<128x128xf32, #tpu.memory_space<vmem>>)
      "tpu.region"() ({
        %run_scoped3A = tpu.sem_alloc : memref<!tpu.dma_semaphore, #tpu.memory_space<semaphore_mem>>
        %dma_start3A_314 = arith.constant 0 : i32
        %dma_start3A_315 = tpu.memref_slice %arg7[%add3A_260, %dma_start3A_314] : memref<80x128xi32, #tpu.memory_space<vmem>> -> memref<1x128xi32, #tpu.memory_space<vmem>>
        %dma_start3A_316 = tpu.memref_squeeze %dma_start3A_315 : memref<1x128xi32, #tpu.memory_space<vmem>> -> memref<128xi32, #tpu.memory_space<vmem>>
        %dma_start3A_317 = arith.constant 0 : i32
        %dma_start3A_318 = arith.constant 0 : i32
        %dma_start3A_319 = tpu.memref_slice %arg16[%dma_start3A_317, %dma_start3A_318] : memref<10240x128xf32, #tpu.memory_space<vmem_shared>> -> memref<10240x128xf32, #tpu.memory_space<vmem_shared>>
        tpu.enqueue_indirect_dma source(%arg11 : memref<128x128xf32, #tpu.memory_space<vmem>>) target(%dma_start3A_319 : memref<10240x128xf32, #tpu.memory_space<vmem_shared>>) offsets(%dma_start3A_316 : memref<128xi32, #tpu.memory_space<vmem>>) semaphore(%run_scoped3A : memref<!tpu.dma_semaphore, #tpu.memory_space<semaphore_mem>>) {add = true}
        %dma_wait3A_320 = arith.constant 0 : i32
        %dma_wait3A_321 = tpu.memref_slice %arg7[%add3A_260, %dma_wait3A_320] : memref<80x128xi32, #tpu.memory_space<vmem>> -> memref<1x128xi32, #tpu.memory_space<vmem>>
        %dma_wait3A_322 = tpu.memref_squeeze %dma_wait3A_321 : memref<1x128xi32, #tpu.memory_space<vmem>> -> memref<128xi32, #tpu.memory_space<vmem>>
        %dma_wait3A_323 = arith.constant 0 : i32
        %dma_wait3A_324 = arith.constant 0 : i32
        %dma_wait3A_325 = tpu.memref_slice %arg16[%dma_wait3A_323, %dma_wait3A_324] : memref<10240x128xf32, #tpu.memory_space<vmem_shared>> -> memref<10240x128xf32, #tpu.memory_space<vmem_shared>>
        tpu.wait_indirect_dma semaphore(%run_scoped3A : memref<!tpu.dma_semaphore, #tpu.memory_space<semaphore_mem>>) src(%arg11 : memref<128x128xf32, #tpu.memory_space<vmem>>) dst(%dma_wait3A_325 : memref<10240x128xf32, #tpu.memory_space<vmem_shared>>)
        tpu.yield
      }) : () -> ()
      %dma_start3A_268 = arith.constant 7 : i32
      %dma_start3A_269 = arith.constant 0 : i32
      %dma_start3A_270 = tpu.memref_slice %arg9[%dma_start3A_268, %dma_start3A_269] : memref<8x128xi32, #tpu.memory_space<vmem>> -> memref<1x128xi32, #tpu.memory_space<vmem>>
      %dma_start3A_271 = tpu.memref_squeeze %dma_start3A_270 : memref<1x128xi32, #tpu.memory_space<vmem>> -> memref<128xi32, #tpu.memory_space<vmem>>
      %dma_start3A_272 = arith.constant 0 : i32
      %dma_start3A_273 = arith.constant 0 : i32
      %dma_start3A_274 = tpu.memref_slice %arg2[%dma_start3A_272, %dma_start3A_273] : memref<10000x128xf32, #tpu.memory_space<hbm>> -> memref<10000x128xf32, #tpu.memory_space<hbm>>
      tpu.enqueue_indirect_dma source(%dma_start3A_274 : memref<10000x128xf32, #tpu.memory_space<hbm>>) target(%arg11 : memref<128x128xf32, #tpu.memory_space<vmem>>) offsets(%dma_start3A_271 : memref<128xi32, #tpu.memory_space<vmem>>) semaphore(%arg13 : memref<!tpu.dma_semaphore, #tpu.memory_space<semaphore_mem>>)
      %add3A_275 = arith.constant 14 : i32
      %add3A_276 = arith.addi %add3A_31, %add3A_275 : i32
      %add3A_277 = arith.constant 16 : i32
      %add3A_278 = arith.addi %add3A_31, %add3A_277 : i32
      %lt3A_279 = arith.constant 80 : i32
      %lt3A_280 = arith.cmpi slt, %add3A_278, %lt3A_279 : i32
      %convert_element_type3A_281 = arith.extui %lt3A_280 : i1 to i32
      %cond3A_282 = arith.constant 0 : i32
      %cond3A_283 = arith.cmpi ne, %convert_element_type3A_281, %cond3A_282 : i32
      scf.if %cond3A_283 {
        %add3A_314 = arith.constant 16 : i32
        %add3A_315 = arith.addi %add3A_31, %add3A_314 : i32
        %dma_wait3A_316 = arith.constant 0 : i32
        %dma_wait3A_317 = tpu.memref_slice %arg3[%add3A, %add3A_315, %dma_wait3A_316] : memref<32x80x128xi32, #tpu.memory_space<hbm>> -> memref<1x8x128xi32, #tpu.memory_space<hbm>>
        %dma_wait3A_318 = tpu.memref_squeeze %dma_wait3A_317 : memref<1x8x128xi32, #tpu.memory_space<hbm>> -> memref<8x128xi32, #tpu.memory_space<hbm>>
        %dma_wait3A_319 = arith.constant 0 : i32
        %dma_wait3A_320 = tpu.memref_slice %arg3[%add3A, %add3A_315, %dma_wait3A_319] : memref<32x80x128xi32, #tpu.memory_space<hbm>> -> memref<1x8x128xi32, #tpu.memory_space<hbm>>
        %dma_wait3A_321 = tpu.memref_squeeze %dma_wait3A_320 : memref<1x8x128xi32, #tpu.memory_space<hbm>> -> memref<8x128xi32, #tpu.memory_space<hbm>>
        tpu.wait_dma2 semaphore(%arg14 : memref<!tpu.dma_semaphore, #tpu.memory_space<semaphore_mem>>) src(%dma_wait3A_321 : memref<8x128xi32, #tpu.memory_space<hbm>>) dst(%arg8 : memref<8x128xi32, #tpu.memory_space<vmem>>)
      } else {
      }
      %dma_wait3A_284 = arith.constant 0 : i32
      %dma_wait3A_285 = arith.constant 0 : i32
      %dma_wait3A_286 = tpu.memref_slice %arg8[%dma_wait3A_284, %dma_wait3A_285] : memref<8x128xi32, #tpu.memory_space<vmem>> -> memref<1x128xi32, #tpu.memory_space<vmem>>
      %dma_wait3A_287 = tpu.memref_squeeze %dma_wait3A_286 : memref<1x128xi32, #tpu.memory_space<vmem>> -> memref<128xi32, #tpu.memory_space<vmem>>
      %dma_wait3A_288 = arith.constant 0 : i32
      %dma_wait3A_289 = arith.constant 0 : i32
      %dma_wait3A_290 = tpu.memref_slice %arg2[%dma_wait3A_288, %dma_wait3A_289] : memref<10000x128xf32, #tpu.memory_space<hbm>> -> memref<10000x128xf32, #tpu.memory_space<hbm>>
      tpu.wait_indirect_dma semaphore(%arg12 : memref<!tpu.dma_semaphore, #tpu.memory_space<semaphore_mem>>) src(%dma_wait3A_290 : memref<10000x128xf32, #tpu.memory_space<hbm>>) dst(%arg10 : memref<128x128xf32, #tpu.memory_space<vmem>>)
      "tpu.region"() ({
        %run_scoped3A = tpu.sem_alloc : memref<!tpu.dma_semaphore, #tpu.memory_space<semaphore_mem>>
        %dma_start3A_314 = arith.constant 0 : i32
        %dma_start3A_315 = tpu.memref_slice %arg7[%add3A_276, %dma_start3A_314] : memref<80x128xi32, #tpu.memory_space<vmem>> -> memref<1x128xi32, #tpu.memory_space<vmem>>
        %dma_start3A_316 = tpu.memref_squeeze %dma_start3A_315 : memref<1x128xi32, #tpu.memory_space<vmem>> -> memref<128xi32, #tpu.memory_space<vmem>>
        %dma_start3A_317 = arith.constant 0 : i32
        %dma_start3A_318 = arith.constant 0 : i32
        %dma_start3A_319 = tpu.memref_slice %arg16[%dma_start3A_317, %dma_start3A_318] : memref<10240x128xf32, #tpu.memory_space<vmem_shared>> -> memref<10240x128xf32, #tpu.memory_space<vmem_shared>>
        tpu.enqueue_indirect_dma source(%arg10 : memref<128x128xf32, #tpu.memory_space<vmem>>) target(%dma_start3A_319 : memref<10240x128xf32, #tpu.memory_space<vmem_shared>>) offsets(%dma_start3A_316 : memref<128xi32, #tpu.memory_space<vmem>>) semaphore(%run_scoped3A : memref<!tpu.dma_semaphore, #tpu.memory_space<semaphore_mem>>) {add = true}
        %dma_wait3A_320 = arith.constant 0 : i32
        %dma_wait3A_321 = tpu.memref_slice %arg7[%add3A_276, %dma_wait3A_320] : memref<80x128xi32, #tpu.memory_space<vmem>> -> memref<1x128xi32, #tpu.memory_space<vmem>>
        %dma_wait3A_322 = tpu.memref_squeeze %dma_wait3A_321 : memref<1x128xi32, #tpu.memory_space<vmem>> -> memref<128xi32, #tpu.memory_space<vmem>>
        %dma_wait3A_323 = arith.constant 0 : i32
        %dma_wait3A_324 = arith.constant 0 : i32
        %dma_wait3A_325 = tpu.memref_slice %arg16[%dma_wait3A_323, %dma_wait3A_324] : memref<10240x128xf32, #tpu.memory_space<vmem_shared>> -> memref<10240x128xf32, #tpu.memory_space<vmem_shared>>
        tpu.wait_indirect_dma semaphore(%run_scoped3A : memref<!tpu.dma_semaphore, #tpu.memory_space<semaphore_mem>>) src(%arg10 : memref<128x128xf32, #tpu.memory_space<vmem>>) dst(%dma_wait3A_325 : memref<10240x128xf32, #tpu.memory_space<vmem_shared>>)
        tpu.yield
      }) : () -> ()
      %add3A_291 = arith.constant 16 : i32
      %add3A_292 = arith.addi %add3A_31, %add3A_291 : i32
      %lt3A_293 = arith.constant 80 : i32
      %lt3A_294 = arith.cmpi slt, %add3A_292, %lt3A_293 : i32
      %convert_element_type3A_295 = arith.extui %lt3A_294 : i1 to i32
      %cond3A_296 = arith.constant 0 : i32
      %cond3A_297 = arith.cmpi ne, %convert_element_type3A_295, %cond3A_296 : i32
      scf.if %cond3A_297 {
        %dma_start3A_314 = arith.constant 0 : i32
        %dma_start3A_315 = arith.constant 0 : i32
        %dma_start3A_316 = tpu.memref_slice %arg8[%dma_start3A_314, %dma_start3A_315] : memref<8x128xi32, #tpu.memory_space<vmem>> -> memref<1x128xi32, #tpu.memory_space<vmem>>
        %dma_start3A_317 = tpu.memref_squeeze %dma_start3A_316 : memref<1x128xi32, #tpu.memory_space<vmem>> -> memref<128xi32, #tpu.memory_space<vmem>>
        %dma_start3A_318 = arith.constant 0 : i32
        %dma_start3A_319 = arith.constant 0 : i32
        %dma_start3A_320 = tpu.memref_slice %arg2[%dma_start3A_318, %dma_start3A_319] : memref<10000x128xf32, #tpu.memory_space<hbm>> -> memref<10000x128xf32, #tpu.memory_space<hbm>>
        tpu.enqueue_indirect_dma source(%dma_start3A_320 : memref<10000x128xf32, #tpu.memory_space<hbm>>) target(%arg10 : memref<128x128xf32, #tpu.memory_space<vmem>>) offsets(%dma_start3A_317 : memref<128xi32, #tpu.memory_space<vmem>>) semaphore(%arg12 : memref<!tpu.dma_semaphore, #tpu.memory_space<semaphore_mem>>)
      } else {
      }
      %add3A_298 = arith.constant 15 : i32
      %add3A_299 = arith.addi %add3A_31, %add3A_298 : i32
      %dma_wait3A_300 = arith.constant 0 : i32
      %dma_wait3A_301 = arith.constant 0 : i32
      %dma_wait3A_302 = tpu.memref_slice %arg8[%dma_wait3A_300, %dma_wait3A_301] : memref<8x128xi32, #tpu.memory_space<vmem>> -> memref<1x128xi32, #tpu.memory_space<vmem>>
      %dma_wait3A_303 = tpu.memref_squeeze %dma_wait3A_302 : memref<1x128xi32, #tpu.memory_space<vmem>> -> memref<128xi32, #tpu.memory_space<vmem>>
      %dma_wait3A_304 = arith.constant 0 : i32
      %dma_wait3A_305 = arith.constant 0 : i32
      %dma_wait3A_306 = tpu.memref_slice %arg2[%dma_wait3A_304, %dma_wait3A_305] : memref<10000x128xf32, #tpu.memory_space<hbm>> -> memref<10000x128xf32, #tpu.memory_space<hbm>>
      tpu.wait_indirect_dma semaphore(%arg13 : memref<!tpu.dma_semaphore, #tpu.memory_space<semaphore_mem>>) src(%dma_wait3A_306 : memref<10000x128xf32, #tpu.memory_space<hbm>>) dst(%arg11 : memref<128x128xf32, #tpu.memory_space<vmem>>)
      "tpu.region"() ({
        %run_scoped3A = tpu.sem_alloc : memref<!tpu.dma_semaphore, #tpu.memory_space<semaphore_mem>>
        %dma_start3A_314 = arith.constant 0 : i32
        %dma_start3A_315 = tpu.memref_slice %arg7[%add3A_299, %dma_start3A_314] : memref<80x128xi32, #tpu.memory_space<vmem>> -> memref<1x128xi32, #tpu.memory_space<vmem>>
        %dma_start3A_316 = tpu.memref_squeeze %dma_start3A_315 : memref<1x128xi32, #tpu.memory_space<vmem>> -> memref<128xi32, #tpu.memory_space<vmem>>
        %dma_start3A_317 = arith.constant 0 : i32
        %dma_start3A_318 = arith.constant 0 : i32
        %dma_start3A_319 = tpu.memref_slice %arg16[%dma_start3A_317, %dma_start3A_318] : memref<10240x128xf32, #tpu.memory_space<vmem_shared>> -> memref<10240x128xf32, #tpu.memory_space<vmem_shared>>
        tpu.enqueue_indirect_dma source(%arg11 : memref<128x128xf32, #tpu.memory_space<vmem>>) target(%dma_start3A_319 : memref<10240x128xf32, #tpu.memory_space<vmem_shared>>) offsets(%dma_start3A_316 : memref<128xi32, #tpu.memory_space<vmem>>) semaphore(%run_scoped3A : memref<!tpu.dma_semaphore, #tpu.memory_space<semaphore_mem>>) {add = true}
        %dma_wait3A_320 = arith.constant 0 : i32
        %dma_wait3A_321 = tpu.memref_slice %arg7[%add3A_299, %dma_wait3A_320] : memref<80x128xi32, #tpu.memory_space<vmem>> -> memref<1x128xi32, #tpu.memory_space<vmem>>
        %dma_wait3A_322 = tpu.memref_squeeze %dma_wait3A_321 : memref<1x128xi32, #tpu.memory_space<vmem>> -> memref<128xi32, #tpu.memory_space<vmem>>
        %dma_wait3A_323 = arith.constant 0 : i32
        %dma_wait3A_324 = arith.constant 0 : i32
        %dma_wait3A_325 = tpu.memref_slice %arg16[%dma_wait3A_323, %dma_wait3A_324] : memref<10240x128xf32, #tpu.memory_space<vmem_shared>> -> memref<10240x128xf32, #tpu.memory_space<vmem_shared>>
        tpu.wait_indirect_dma semaphore(%run_scoped3A : memref<!tpu.dma_semaphore, #tpu.memory_space<semaphore_mem>>) src(%arg11 : memref<128x128xf32, #tpu.memory_space<vmem>>) dst(%dma_wait3A_325 : memref<10240x128xf32, #tpu.memory_space<vmem_shared>>)
        tpu.yield
      }) : () -> ()
      %add3A_307 = arith.constant 16 : i32
      %add3A_308 = arith.addi %add3A_31, %add3A_307 : i32
      %lt3A_309 = arith.constant 80 : i32
      %lt3A_310 = arith.cmpi slt, %add3A_308, %lt3A_309 : i32
      %convert_element_type3A_311 = arith.extui %lt3A_310 : i1 to i32
      %cond3A_312 = arith.constant 0 : i32
      %cond3A_313 = arith.cmpi ne, %convert_element_type3A_311, %cond3A_312 : i32
      scf.if %cond3A_313 {
        %dma_start3A_314 = arith.constant 1 : i32
        %dma_start3A_315 = arith.constant 0 : i32
        %dma_start3A_316 = tpu.memref_slice %arg8[%dma_start3A_314, %dma_start3A_315] : memref<8x128xi32, #tpu.memory_space<vmem>> -> memref<1x128xi32, #tpu.memory_space<vmem>>
        %dma_start3A_317 = tpu.memref_squeeze %dma_start3A_316 : memref<1x128xi32, #tpu.memory_space<vmem>> -> memref<128xi32, #tpu.memory_space<vmem>>
        %dma_start3A_318 = arith.constant 0 : i32
        %dma_start3A_319 = arith.constant 0 : i32
        %dma_start3A_320 = tpu.memref_slice %arg2[%dma_start3A_318, %dma_start3A_319] : memref<10000x128xf32, #tpu.memory_space<hbm>> -> memref<10000x128xf32, #tpu.memory_space<hbm>>
        tpu.enqueue_indirect_dma source(%dma_start3A_320 : memref<10000x128xf32, #tpu.memory_space<hbm>>) target(%arg11 : memref<128x128xf32, #tpu.memory_space<vmem>>) offsets(%dma_start3A_317 : memref<128xi32, #tpu.memory_space<vmem>>) semaphore(%arg13 : memref<!tpu.dma_semaphore, #tpu.memory_space<semaphore_mem>>)
      } else {
      }
    }
    %scan3A_21 = arith.constant 5 : i32
    %barrier3A_22 = arith.constant 0 : index
    tpu.barrier barrier_id(%barrier3A_22)
    %mul3A_23 = arith.constant 640 : i32
    %mul3A_24 = arith.muli %arg1, %mul3A_23 : i32
    %mul3A_25 = arith.constant 640 : i32
    %mul3A_26 = arith.muli %arg1, %mul3A_25 : i32
    "tpu.region"() ({
      %run_scoped3A = tpu.sem_alloc : memref<!tpu.dma_semaphore, #tpu.memory_space<semaphore_mem>>
      %dma_start3A_27 = arith.constant 0 : i32
      %dma_start3A_28 = tpu.memref_slice %arg6[%arg0, %mul3A_26, %dma_start3A_27] : memref<2x10240x128xf32, #tpu.memory_space<hbm>> -> memref<1x640x128xf32, #tpu.memory_space<hbm>>
      %dma_start3A_29 = tpu.memref_squeeze %dma_start3A_28 : memref<1x640x128xf32, #tpu.memory_space<hbm>> -> memref<640x128xf32, #tpu.memory_space<hbm>>
      %dma_start3A_30 = arith.constant 0 : i32
      %dma_start3A_31 = tpu.memref_slice %arg16[%mul3A_24, %dma_start3A_30] : memref<10240x128xf32, #tpu.memory_space<vmem_shared>> -> memref<640x128xf32, #tpu.memory_space<vmem_shared>>
      tpu.enqueue_dma source(%dma_start3A_31 : memref<640x128xf32, #tpu.memory_space<vmem_shared>>) target(%dma_start3A_29 : memref<640x128xf32, #tpu.memory_space<hbm>>) target_semaphore(%run_scoped3A : memref<!tpu.dma_semaphore, #tpu.memory_space<semaphore_mem>>)
      %dma_wait3A = arith.constant 0 : i32
      %dma_wait3A_32 = tpu.memref_slice %arg6[%arg0, %mul3A_26, %dma_wait3A] : memref<2x10240x128xf32, #tpu.memory_space<hbm>> -> memref<1x640x128xf32, #tpu.memory_space<hbm>>
      %dma_wait3A_33 = tpu.memref_squeeze %dma_wait3A_32 : memref<1x640x128xf32, #tpu.memory_space<hbm>> -> memref<640x128xf32, #tpu.memory_space<hbm>>
      %dma_wait3A_34 = arith.constant 0 : i32
      %dma_wait3A_35 = tpu.memref_slice %arg16[%mul3A_24, %dma_wait3A_34] : memref<10240x128xf32, #tpu.memory_space<vmem_shared>> -> memref<640x128xf32, #tpu.memory_space<vmem_shared>>
      tpu.wait_dma2 semaphore(%run_scoped3A : memref<!tpu.dma_semaphore, #tpu.memory_space<semaphore_mem>>) src(%dma_wait3A_35 : memref<640x128xf32, #tpu.memory_space<vmem_shared>>) dst(%dma_wait3A_33 : memref<640x128xf32, #tpu.memory_space<hbm>>)
      tpu.yield
    }) : () -> ()
    return
  }
}

#map = affine_map<(d0, d1) -> (0, 0)>
#map1 = affine_map<(d0, d1) -> (0, 0, 0)>
module attributes {stable_mosaic.version = 14 : i64} {
  func.func @scat_kernel(%arg0: i32, %arg1: i32, %arg2: memref<10000x128xf32, #tpu.memory_space<hbm>>, %arg3: memref<32x80x128xi32, #tpu.memory_space<hbm>>, %arg4: memref<32x80x128xi32, #tpu.memory_space<hbm>>, %arg5: memref<10240x128xf32, #tpu.memory_space<hbm>>, %arg6: memref<2x10240x128xf32, #tpu.memory_space<hbm>>, %arg7: memref<80x128xi32, #tpu.memory_space<vmem>>, %arg8: memref<8x128xi32, #tpu.memory_space<vmem>>, %arg9: memref<8x128xi32, #tpu.memory_space<vmem>>, %arg10: memref<128x128xf32, #tpu.memory_space<vmem>>, %arg11: memref<128x128xf32, #tpu.memory_space<vmem>>, %arg12: memref<!tpu.dma_semaphore, #tpu.memory_space<semaphore_mem>>, %arg13: memref<!tpu.dma_semaphore, #tpu.memory_space<semaphore_mem>>, %arg14: memref<!tpu.dma_semaphore, #tpu.memory_space<semaphore_mem>>, %arg15: memref<!tpu.dma_semaphore, #tpu.memory_space<semaphore_mem>>, %arg16: memref<10240x128xf32, #tpu.memory_space<vmem_shared>>) attributes {dimension_semantics = [#tpu.dimension_semantics<core_parallel>, #tpu.dimension_semantics<subcore_parallel>], iteration_bounds = array<i64: 2, 16>, scalar_prefetch = 0 : i64, scratch_operands = 10 : i64, tpu.core_type = #tpu.core_type<sc_vector_subcore>, window_params = [{transform_indices = #map}, {transform_indices = #map1}, {transform_indices = #map1}, {transform_indices = #map}, {transform_indices = #map1}]} {
    %mul3A = arith.constant 16 : i32
    %mul3A_0 = arith.muli %arg0, %mul3A : i32
    %add3A = arith.addi %mul3A_0, %arg1 : i32
    %mul3A_1 = arith.constant 640 : i32
    %mul3A_2 = arith.muli %arg1, %mul3A_1 : i32
    %mul3A_3 = arith.constant 640 : i32
    %mul3A_4 = arith.muli %arg1, %mul3A_3 : i32
    "tpu.region"() ({
      %run_scoped3A = tpu.sem_alloc : memref<!tpu.dma_semaphore, #tpu.memory_space<semaphore_mem>>
      %dma_start3A_27 = arith.constant 0 : i32
      %dma_start3A_28 = tpu.memref_slice %arg16[%mul3A_4, %dma_start3A_27] : memref<10240x128xf32, #tpu.memory_space<vmem_shared>> -> memref<640x128xf32, #tpu.memory_space<vmem_shared>>
      %dma_start3A_29 = arith.constant 0 : i32
      %dma_start3A_30 = tpu.memref_slice %arg5[%mul3A_2, %dma_start3A_29] : memref<10240x128xf32, #tpu.memory_space<hbm>> -> memref<640x128xf32, #tpu.memory_space<hbm>>
      tpu.enqueue_dma source(%dma_start3A_30 : memref<640x128xf32, #tpu.memory_space<hbm>>) target(%dma_start3A_28 : memref<640x128xf32, #tpu.memory_space<vmem_shared>>) target_semaphore(%run_scoped3A : memref<!tpu.dma_semaphore, #tpu.memory_space<semaphore_mem>>)
      %dma_wait3A = arith.constant 0 : i32
      %dma_wait3A_31 = tpu.memref_slice %arg16[%mul3A_4, %dma_wait3A] : memref<10240x128xf32, #tpu.memory_space<vmem_shared>> -> memref<640x128xf32, #tpu.memory_space<vmem_shared>>
      %dma_wait3A_32 = arith.constant 0 : i32
      %dma_wait3A_33 = tpu.memref_slice %arg5[%mul3A_2, %dma_wait3A_32] : memref<10240x128xf32, #tpu.memory_space<hbm>> -> memref<640x128xf32, #tpu.memory_space<hbm>>
      tpu.wait_dma2 semaphore(%run_scoped3A : memref<!tpu.dma_semaphore, #tpu.memory_space<semaphore_mem>>) src(%dma_wait3A_33 : memref<640x128xf32, #tpu.memory_space<hbm>>) dst(%dma_wait3A_31 : memref<640x128xf32, #tpu.memory_space<vmem_shared>>)
      tpu.yield
    }) : () -> ()
    "tpu.region"() ({
      %run_scoped3A = tpu.sem_alloc : memref<!tpu.dma_semaphore, #tpu.memory_space<semaphore_mem>>
      %dma_start3A_27 = arith.constant 0 : i32
      %dma_start3A_28 = arith.constant 0 : i32
      %dma_start3A_29 = tpu.memref_slice %arg4[%add3A, %dma_start3A_27, %dma_start3A_28] : memref<32x80x128xi32, #tpu.memory_space<hbm>> -> memref<1x80x128xi32, #tpu.memory_space<hbm>>
      %dma_start3A_30 = tpu.memref_squeeze %dma_start3A_29 : memref<1x80x128xi32, #tpu.memory_space<hbm>> -> memref<80x128xi32, #tpu.memory_space<hbm>>
      %dma_start3A_31 = arith.constant 0 : i32
      %dma_start3A_32 = arith.constant 0 : i32
      %dma_start3A_33 = tpu.memref_slice %arg4[%add3A, %dma_start3A_31, %dma_start3A_32] : memref<32x80x128xi32, #tpu.memory_space<hbm>> -> memref<1x80x128xi32, #tpu.memory_space<hbm>>
      %dma_start3A_34 = tpu.memref_squeeze %dma_start3A_33 : memref<1x80x128xi32, #tpu.memory_space<hbm>> -> memref<80x128xi32, #tpu.memory_space<hbm>>
      tpu.enqueue_dma source(%dma_start3A_34 : memref<80x128xi32, #tpu.memory_space<hbm>>) target(%arg7 : memref<80x128xi32, #tpu.memory_space<vmem>>) target_semaphore(%run_scoped3A : memref<!tpu.dma_semaphore, #tpu.memory_space<semaphore_mem>>)
      %dma_wait3A = arith.constant 0 : i32
      %dma_wait3A_35 = arith.constant 0 : i32
      %dma_wait3A_36 = tpu.memref_slice %arg4[%add3A, %dma_wait3A, %dma_wait3A_35] : memref<32x80x128xi32, #tpu.memory_space<hbm>> -> memref<1x80x128xi32, #tpu.memory_space<hbm>>
      %dma_wait3A_37 = tpu.memref_squeeze %dma_wait3A_36 : memref<1x80x128xi32, #tpu.memory_space<hbm>> -> memref<80x128xi32, #tpu.memory_space<hbm>>
      %dma_wait3A_38 = arith.constant 0 : i32
      %dma_wait3A_39 = arith.constant 0 : i32
      %dma_wait3A_40 = tpu.memref_slice %arg4[%add3A, %dma_wait3A_38, %dma_wait3A_39] : memref<32x80x128xi32, #tpu.memory_space<hbm>> -> memref<1x80x128xi32, #tpu.memory_space<hbm>>
      %dma_wait3A_41 = tpu.memref_squeeze %dma_wait3A_40 : memref<1x80x128xi32, #tpu.memory_space<hbm>> -> memref<80x128xi32, #tpu.memory_space<hbm>>
      tpu.wait_dma2 semaphore(%run_scoped3A : memref<!tpu.dma_semaphore, #tpu.memory_space<semaphore_mem>>) src(%dma_wait3A_41 : memref<80x128xi32, #tpu.memory_space<hbm>>) dst(%arg7 : memref<80x128xi32, #tpu.memory_space<vmem>>)
      tpu.yield
    }) : () -> ()
    "tpu.region"() ({
      %run_scoped3A = tpu.sem_alloc : memref<!tpu.dma_semaphore, #tpu.memory_space<semaphore_mem>>
      %dma_start3A_27 = arith.constant 0 : i32
      %dma_start3A_28 = arith.constant 0 : i32
      %dma_start3A_29 = tpu.memref_slice %arg3[%add3A, %dma_start3A_27, %dma_start3A_28] : memref<32x80x128xi32, #tpu.memory_space<hbm>> -> memref<1x8x128xi32, #tpu.memory_space<hbm>>
      %dma_start3A_30 = tpu.memref_squeeze %dma_start3A_29 : memref<1x8x128xi32, #tpu.memory_space<hbm>> -> memref<8x128xi32, #tpu.memory_space<hbm>>
      %dma_start3A_31 = arith.constant 0 : i32
      %dma_start3A_32 = arith.constant 0 : i32
      %dma_start3A_33 = tpu.memref_slice %arg3[%add3A, %dma_start3A_31, %dma_start3A_32] : memref<32x80x128xi32, #tpu.memory_space<hbm>> -> memref<1x8x128xi32, #tpu.memory_space<hbm>>
      %dma_start3A_34 = tpu.memref_squeeze %dma_start3A_33 : memref<1x8x128xi32, #tpu.memory_space<hbm>> -> memref<8x128xi32, #tpu.memory_space<hbm>>
      tpu.enqueue_dma source(%dma_start3A_34 : memref<8x128xi32, #tpu.memory_space<hbm>>) target(%arg8 : memref<8x128xi32, #tpu.memory_space<vmem>>) target_semaphore(%run_scoped3A : memref<!tpu.dma_semaphore, #tpu.memory_space<semaphore_mem>>)
      %dma_wait3A = arith.constant 0 : i32
      %dma_wait3A_35 = arith.constant 0 : i32
      %dma_wait3A_36 = tpu.memref_slice %arg3[%add3A, %dma_wait3A, %dma_wait3A_35] : memref<32x80x128xi32, #tpu.memory_space<hbm>> -> memref<1x8x128xi32, #tpu.memory_space<hbm>>
      %dma_wait3A_37 = tpu.memref_squeeze %dma_wait3A_36 : memref<1x8x128xi32, #tpu.memory_space<hbm>> -> memref<8x128xi32, #tpu.memory_space<hbm>>
      %dma_wait3A_38 = arith.constant 0 : i32
      %dma_wait3A_39 = arith.constant 0 : i32
      %dma_wait3A_40 = tpu.memref_slice %arg3[%add3A, %dma_wait3A_38, %dma_wait3A_39] : memref<32x80x128xi32, #tpu.memory_space<hbm>> -> memref<1x8x128xi32, #tpu.memory_space<hbm>>
      %dma_wait3A_41 = tpu.memref_squeeze %dma_wait3A_40 : memref<1x8x128xi32, #tpu.memory_space<hbm>> -> memref<8x128xi32, #tpu.memory_space<hbm>>
      tpu.wait_dma2 semaphore(%run_scoped3A : memref<!tpu.dma_semaphore, #tpu.memory_space<semaphore_mem>>) src(%dma_wait3A_41 : memref<8x128xi32, #tpu.memory_space<hbm>>) dst(%arg8 : memref<8x128xi32, #tpu.memory_space<vmem>>)
      tpu.yield
    }) : () -> ()
    %barrier3A = arith.constant 0 : index
    tpu.barrier barrier_id(%barrier3A)
    %dma_start3A = arith.constant 0 : i32
    %dma_start3A_5 = arith.constant 0 : i32
    %dma_start3A_6 = tpu.memref_slice %arg8[%dma_start3A, %dma_start3A_5] : memref<8x128xi32, #tpu.memory_space<vmem>> -> memref<1x128xi32, #tpu.memory_space<vmem>>
    %dma_start3A_7 = tpu.memref_squeeze %dma_start3A_6 : memref<1x128xi32, #tpu.memory_space<vmem>> -> memref<128xi32, #tpu.memory_space<vmem>>
    %dma_start3A_8 = arith.constant 0 : i32
    %dma_start3A_9 = arith.constant 0 : i32
    %dma_start3A_10 = tpu.memref_slice %arg2[%dma_start3A_8, %dma_start3A_9] : memref<10000x128xf32, #tpu.memory_space<hbm>> -> memref<10000x128xf32, #tpu.memory_space<hbm>>
    tpu.enqueue_indirect_dma source(%dma_start3A_10 : memref<10000x128xf32, #tpu.memory_space<hbm>>) target(%arg10 : memref<128x128xf32, #tpu.memory_space<vmem>>) offsets(%dma_start3A_7 : memref<128xi32, #tpu.memory_space<vmem>>) semaphore(%arg12 : memref<!tpu.dma_semaphore, #tpu.memory_space<semaphore_mem>>)
    %dma_start3A_11 = arith.constant 1 : i32
    %dma_start3A_12 = arith.constant 0 : i32
    %dma_start3A_13 = tpu.memref_slice %arg8[%dma_start3A_11, %dma_start3A_12] : memref<8x128xi32, #tpu.memory_space<vmem>> -> memref<1x128xi32, #tpu.memory_space<vmem>>
    %dma_start3A_14 = tpu.memref_squeeze %dma_start3A_13 : memref<1x128xi32, #tpu.memory_space<vmem>> -> memref<128xi32, #tpu.memory_space<vmem>>
    %dma_start3A_15 = arith.constant 0 : i32
    %dma_start3A_16 = arith.constant 0 : i32
    %dma_start3A_17 = tpu.memref_slice %arg2[%dma_start3A_15, %dma_start3A_16] : memref<10000x128xf32, #tpu.memory_space<hbm>> -> memref<10000x128xf32, #tpu.memory_space<hbm>>
    tpu.enqueue_indirect_dma source(%dma_start3A_17 : memref<10000x128xf32, #tpu.memory_space<hbm>>) target(%arg11 : memref<128x128xf32, #tpu.memory_space<vmem>>) offsets(%dma_start3A_14 : memref<128xi32, #tpu.memory_space<vmem>>) semaphore(%arg13 : memref<!tpu.dma_semaphore, #tpu.memory_space<semaphore_mem>>)
    %scan3A = arith.constant 0 : i32
    %scan3A_18 = arith.constant 5 : i32
    %scan3A_19 = arith.addi %scan3A, %scan3A_18 : i32
    %scan3A_20 = arith.constant 1 : i32
    scf.for %scan3A_27 = %scan3A to %scan3A_19 step %scan3A_20  : i32 {
      %mul3A_28 = arith.constant 16 : i32
      %mul3A_29 = arith.muli %scan3A_27, %mul3A_28 : i32
      %add3A_30 = arith.constant 0 : i32
      %add3A_31 = arith.addi %add3A_30, %mul3A_29 : i32
      %add3A_32 = arith.constant 8 : i32
      %add3A_33 = arith.addi %add3A_31, %add3A_32 : i32
      %dma_start3A_34 = arith.constant 0 : i32
      %dma_start3A_35 = tpu.memref_slice %arg3[%add3A, %add3A_33, %dma_start3A_34] : memref<32x80x128xi32, #tpu.memory_space<hbm>> -> memref<1x8x128xi32, #tpu.memory_space<hbm>>
      %dma_start3A_36 = tpu.memref_squeeze %dma_start3A_35 : memref<1x8x128xi32, #tpu.memory_space<hbm>> -> memref<8x128xi32, #tpu.memory_space<hbm>>
      %dma_start3A_37 = arith.constant 0 : i32
      %dma_start3A_38 = tpu.memref_slice %arg3[%add3A, %add3A_33, %dma_start3A_37] : memref<32x80x128xi32, #tpu.memory_space<hbm>> -> memref<1x8x128xi32, #tpu.memory_space<hbm>>
      %dma_start3A_39 = tpu.memref_squeeze %dma_start3A_38 : memref<1x8x128xi32, #tpu.memory_space<hbm>> -> memref<8x128xi32, #tpu.memory_space<hbm>>
      tpu.enqueue_dma source(%dma_start3A_39 : memref<8x128xi32, #tpu.memory_space<hbm>>) target(%arg9 : memref<8x128xi32, #tpu.memory_space<vmem>>) target_semaphore(%arg15 : memref<!tpu.dma_semaphore, #tpu.memory_space<semaphore_mem>>)
      %add3A_40 = arith.constant 0 : i32
      %add3A_41 = arith.addi %add3A_31, %add3A_40 : i32
      %dma_wait3A = arith.constant 0 : i32
      %dma_wait3A_42 = arith.constant 0 : i32
      %dma_wait3A_43 = tpu.memref_slice %arg8[%dma_wait3A, %dma_wait3A_42] : memref<8x128xi32, #tpu.memory_space<vmem>> -> memref<1x128xi32, #tpu.memory_space<vmem>>
      %dma_wait3A_44 = tpu.memref_squeeze %dma_wait3A_43 : memref<1x128xi32, #tpu.memory_space<vmem>> -> memref<128xi32, #tpu.memory_space<vmem>>
      %dma_wait3A_45 = arith.constant 0 : i32
      %dma_wait3A_46 = arith.constant 0 : i32
      %dma_wait3A_47 = tpu.memref_slice %arg2[%dma_wait3A_45, %dma_wait3A_46] : memref<10000x128xf32, #tpu.memory_space<hbm>> -> memref<10000x128xf32, #tpu.memory_space<hbm>>
      tpu.wait_indirect_dma semaphore(%arg12 : memref<!tpu.dma_semaphore, #tpu.memory_space<semaphore_mem>>) src(%dma_wait3A_47 : memref<10000x128xf32, #tpu.memory_space<hbm>>) dst(%arg10 : memref<128x128xf32, #tpu.memory_space<vmem>>)
      "tpu.region"() ({
        %run_scoped3A = tpu.sem_alloc : memref<!tpu.dma_semaphore, #tpu.memory_space<semaphore_mem>>
        %dma_start3A_314 = arith.constant 0 : i32
        %dma_start3A_315 = tpu.memref_slice %arg7[%add3A_41, %dma_start3A_314] : memref<80x128xi32, #tpu.memory_space<vmem>> -> memref<1x128xi32, #tpu.memory_space<vmem>>
        %dma_start3A_316 = tpu.memref_squeeze %dma_start3A_315 : memref<1x128xi32, #tpu.memory_space<vmem>> -> memref<128xi32, #tpu.memory_space<vmem>>
        %dma_start3A_317 = arith.constant 0 : i32
        %dma_start3A_318 = arith.constant 0 : i32
        %dma_start3A_319 = tpu.memref_slice %arg16[%dma_start3A_317, %dma_start3A_318] : memref<10240x128xf32, #tpu.memory_space<vmem_shared>> -> memref<10240x128xf32, #tpu.memory_space<vmem_shared>>
        tpu.enqueue_indirect_dma source(%arg10 : memref<128x128xf32, #tpu.memory_space<vmem>>) target(%dma_start3A_319 : memref<10240x128xf32, #tpu.memory_space<vmem_shared>>) offsets(%dma_start3A_316 : memref<128xi32, #tpu.memory_space<vmem>>) semaphore(%run_scoped3A : memref<!tpu.dma_semaphore, #tpu.memory_space<semaphore_mem>>) {add = true}
        %dma_wait3A_320 = arith.constant 0 : i32
        %dma_wait3A_321 = tpu.memref_slice %arg7[%add3A_41, %dma_wait3A_320] : memref<80x128xi32, #tpu.memory_space<vmem>> -> memref<1x128xi32, #tpu.memory_space<vmem>>
        %dma_wait3A_322 = tpu.memref_squeeze %dma_wait3A_321 : memref<1x128xi32, #tpu.memory_space<vmem>> -> memref<128xi32, #tpu.memory_space<vmem>>
        %dma_wait3A_323 = arith.constant 0 : i32
        %dma_wait3A_324 = arith.constant 0 : i32
        %dma_wait3A_325 = tpu.memref_slice %arg16[%dma_wait3A_323, %dma_wait3A_324] : memref<10240x128xf32, #tpu.memory_space<vmem_shared>> -> memref<10240x128xf32, #tpu.memory_space<vmem_shared>>
        tpu.wait_indirect_dma semaphore(%run_scoped3A : memref<!tpu.dma_semaphore, #tpu.memory_space<semaphore_mem>>) src(%arg10 : memref<128x128xf32, #tpu.memory_space<vmem>>) dst(%dma_wait3A_325 : memref<10240x128xf32, #tpu.memory_space<vmem_shared>>)
        tpu.yield
      }) : () -> ()
      %dma_start3A_48 = arith.constant 2 : i32
      %dma_start3A_49 = arith.constant 0 : i32
      %dma_start3A_50 = tpu.memref_slice %arg8[%dma_start3A_48, %dma_start3A_49] : memref<8x128xi32, #tpu.memory_space<vmem>> -> memref<1x128xi32, #tpu.memory_space<vmem>>
      %dma_start3A_51 = tpu.memref_squeeze %dma_start3A_50 : memref<1x128xi32, #tpu.memory_space<vmem>> -> memref<128xi32, #tpu.memory_space<vmem>>
      %dma_start3A_52 = arith.constant 0 : i32
      %dma_start3A_53 = arith.constant 0 : i32
      %dma_start3A_54 = tpu.memref_slice %arg2[%dma_start3A_52, %dma_start3A_53] : memref<10000x128xf32, #tpu.memory_space<hbm>> -> memref<10000x128xf32, #tpu.memory_space<hbm>>
      tpu.enqueue_indirect_dma source(%dma_start3A_54 : memref<10000x128xf32, #tpu.memory_space<hbm>>) target(%arg10 : memref<128x128xf32, #tpu.memory_space<vmem>>) offsets(%dma_start3A_51 : memref<128xi32, #tpu.memory_space<vmem>>) semaphore(%arg12 : memref<!tpu.dma_semaphore, #tpu.memory_space<semaphore_mem>>)
      %add3A_55 = arith.constant 1 : i32
      %add3A_56 = arith.addi %add3A_31, %add3A_55 : i32
      %dma_wait3A_57 = arith.constant 0 : i32
      %dma_wait3A_58 = arith.constant 0 : i32
      %dma_wait3A_59 = tpu.memref_slice %arg8[%dma_wait3A_57, %dma_wait3A_58] : memref<8x128xi32, #tpu.memory_space<vmem>> -> memref<1x128xi32, #tpu.memory_space<vmem>>
      %dma_wait3A_60 = tpu.memref_squeeze %dma_wait3A_59 : memref<1x128xi32, #tpu.memory_space<vmem>> -> memref<128xi32, #tpu.memory_space<vmem>>
      %dma_wait3A_61 = arith.constant 0 : i32
      %dma_wait3A_62 = arith.constant 0 : i32
      %dma_wait3A_63 = tpu.memref_slice %arg2[%dma_wait3A_61, %dma_wait3A_62] : memref<10000x128xf32, #tpu.memory_space<hbm>> -> memref<10000x128xf32, #tpu.memory_space<hbm>>
      tpu.wait_indirect_dma semaphore(%arg13 : memref<!tpu.dma_semaphore, #tpu.memory_space<semaphore_mem>>) src(%dma_wait3A_63 : memref<10000x128xf32, #tpu.memory_space<hbm>>) dst(%arg11 : memref<128x128xf32, #tpu.memory_space<vmem>>)
      "tpu.region"() ({
        %run_scoped3A = tpu.sem_alloc : memref<!tpu.dma_semaphore, #tpu.memory_space<semaphore_mem>>
        %dma_start3A_314 = arith.constant 0 : i32
        %dma_start3A_315 = tpu.memref_slice %arg7[%add3A_56, %dma_start3A_314] : memref<80x128xi32, #tpu.memory_space<vmem>> -> memref<1x128xi32, #tpu.memory_space<vmem>>
        %dma_start3A_316 = tpu.memref_squeeze %dma_start3A_315 : memref<1x128xi32, #tpu.memory_space<vmem>> -> memref<128xi32, #tpu.memory_space<vmem>>
        %dma_start3A_317 = arith.constant 0 : i32
        %dma_start3A_318 = arith.constant 0 : i32
        %dma_start3A_319 = tpu.memref_slice %arg16[%dma_start3A_317, %dma_start3A_318] : memref<10240x128xf32, #tpu.memory_space<vmem_shared>> -> memref<10240x128xf32, #tpu.memory_space<vmem_shared>>
        tpu.enqueue_indirect_dma source(%arg11 : memref<128x128xf32, #tpu.memory_space<vmem>>) target(%dma_start3A_319 : memref<10240x128xf32, #tpu.memory_space<vmem_shared>>) offsets(%dma_start3A_316 : memref<128xi32, #tpu.memory_space<vmem>>) semaphore(%run_scoped3A : memref<!tpu.dma_semaphore, #tpu.memory_space<semaphore_mem>>) {add = true}
        %dma_wait3A_320 = arith.constant 0 : i32
        %dma_wait3A_321 = tpu.memref_slice %arg7[%add3A_56, %dma_wait3A_320] : memref<80x128xi32, #tpu.memory_space<vmem>> -> memref<1x128xi32, #tpu.memory_space<vmem>>
        %dma_wait3A_322 = tpu.memref_squeeze %dma_wait3A_321 : memref<1x128xi32, #tpu.memory_space<vmem>> -> memref<128xi32, #tpu.memory_space<vmem>>
        %dma_wait3A_323 = arith.constant 0 : i32
        %dma_wait3A_324 = arith.constant 0 : i32
        %dma_wait3A_325 = tpu.memref_slice %arg16[%dma_wait3A_323, %dma_wait3A_324] : memref<10240x128xf32, #tpu.memory_space<vmem_shared>> -> memref<10240x128xf32, #tpu.memory_space<vmem_shared>>
        tpu.wait_indirect_dma semaphore(%run_scoped3A : memref<!tpu.dma_semaphore, #tpu.memory_space<semaphore_mem>>) src(%arg11 : memref<128x128xf32, #tpu.memory_space<vmem>>) dst(%dma_wait3A_325 : memref<10240x128xf32, #tpu.memory_space<vmem_shared>>)
        tpu.yield
      }) : () -> ()
      %dma_start3A_64 = arith.constant 3 : i32
      %dma_start3A_65 = arith.constant 0 : i32
      %dma_start3A_66 = tpu.memref_slice %arg8[%dma_start3A_64, %dma_start3A_65] : memref<8x128xi32, #tpu.memory_space<vmem>> -> memref<1x128xi32, #tpu.memory_space<vmem>>
      %dma_start3A_67 = tpu.memref_squeeze %dma_start3A_66 : memref<1x128xi32, #tpu.memory_space<vmem>> -> memref<128xi32, #tpu.memory_space<vmem>>
      %dma_start3A_68 = arith.constant 0 : i32
      %dma_start3A_69 = arith.constant 0 : i32
      %dma_start3A_70 = tpu.memref_slice %arg2[%dma_start3A_68, %dma_start3A_69] : memref<10000x128xf32, #tpu.memory_space<hbm>> -> memref<10000x128xf32, #tpu.memory_space<hbm>>
      tpu.enqueue_indirect_dma source(%dma_start3A_70 : memref<10000x128xf32, #tpu.memory_space<hbm>>) target(%arg11 : memref<128x128xf32, #tpu.memory_space<vmem>>) offsets(%dma_start3A_67 : memref<128xi32, #tpu.memory_space<vmem>>) semaphore(%arg13 : memref<!tpu.dma_semaphore, #tpu.memory_space<semaphore_mem>>)
      %add3A_71 = arith.constant 2 : i32
      %add3A_72 = arith.addi %add3A_31, %add3A_71 : i32
      %dma_wait3A_73 = arith.constant 0 : i32
      %dma_wait3A_74 = arith.constant 0 : i32
      %dma_wait3A_75 = tpu.memref_slice %arg8[%dma_wait3A_73, %dma_wait3A_74] : memref<8x128xi32, #tpu.memory_space<vmem>> -> memref<1x128xi32, #tpu.memory_space<vmem>>
      %dma_wait3A_76 = tpu.memref_squeeze %dma_wait3A_75 : memref<1x128xi32, #tpu.memory_space<vmem>> -> memref<128xi32, #tpu.memory_space<vmem>>
      %dma_wait3A_77 = arith.constant 0 : i32
      %dma_wait3A_78 = arith.constant 0 : i32
      %dma_wait3A_79 = tpu.memref_slice %arg2[%dma_wait3A_77, %dma_wait3A_78] : memref<10000x128xf32, #tpu.memory_space<hbm>> -> memref<10000x128xf32, #tpu.memory_space<hbm>>
      tpu.wait_indirect_dma semaphore(%arg12 : memref<!tpu.dma_semaphore, #tpu.memory_space<semaphore_mem>>) src(%dma_wait3A_79 : memref<10000x128xf32, #tpu.memory_space<hbm>>) dst(%arg10 : memref<128x128xf32, #tpu.memory_space<vmem>>)
      "tpu.region"() ({
        %run_scoped3A = tpu.sem_alloc : memref<!tpu.dma_semaphore, #tpu.memory_space<semaphore_mem>>
        %dma_start3A_314 = arith.constant 0 : i32
        %dma_start3A_315 = tpu.memref_slice %arg7[%add3A_72, %dma_start3A_314] : memref<80x128xi32, #tpu.memory_space<vmem>> -> memref<1x128xi32, #tpu.memory_space<vmem>>
        %dma_start3A_316 = tpu.memref_squeeze %dma_start3A_315 : memref<1x128xi32, #tpu.memory_space<vmem>> -> memref<128xi32, #tpu.memory_space<vmem>>
        %dma_start3A_317 = arith.constant 0 : i32
        %dma_start3A_318 = arith.constant 0 : i32
        %dma_start3A_319 = tpu.memref_slice %arg16[%dma_start3A_317, %dma_start3A_318] : memref<10240x128xf32, #tpu.memory_space<vmem_shared>> -> memref<10240x128xf32, #tpu.memory_space<vmem_shared>>
        tpu.enqueue_indirect_dma source(%arg10 : memref<128x128xf32, #tpu.memory_space<vmem>>) target(%dma_start3A_319 : memref<10240x128xf32, #tpu.memory_space<vmem_shared>>) offsets(%dma_start3A_316 : memref<128xi32, #tpu.memory_space<vmem>>) semaphore(%run_scoped3A : memref<!tpu.dma_semaphore, #tpu.memory_space<semaphore_mem>>) {add = true}
        %dma_wait3A_320 = arith.constant 0 : i32
        %dma_wait3A_321 = tpu.memref_slice %arg7[%add3A_72, %dma_wait3A_320] : memref<80x128xi32, #tpu.memory_space<vmem>> -> memref<1x128xi32, #tpu.memory_space<vmem>>
        %dma_wait3A_322 = tpu.memref_squeeze %dma_wait3A_321 : memref<1x128xi32, #tpu.memory_space<vmem>> -> memref<128xi32, #tpu.memory_space<vmem>>
        %dma_wait3A_323 = arith.constant 0 : i32
        %dma_wait3A_324 = arith.constant 0 : i32
        %dma_wait3A_325 = tpu.memref_slice %arg16[%dma_wait3A_323, %dma_wait3A_324] : memref<10240x128xf32, #tpu.memory_space<vmem_shared>> -> memref<10240x128xf32, #tpu.memory_space<vmem_shared>>
        tpu.wait_indirect_dma semaphore(%run_scoped3A : memref<!tpu.dma_semaphore, #tpu.memory_space<semaphore_mem>>) src(%arg10 : memref<128x128xf32, #tpu.memory_space<vmem>>) dst(%dma_wait3A_325 : memref<10240x128xf32, #tpu.memory_space<vmem_shared>>)
        tpu.yield
      }) : () -> ()
      %dma_start3A_80 = arith.constant 4 : i32
      %dma_start3A_81 = arith.constant 0 : i32
      %dma_start3A_82 = tpu.memref_slice %arg8[%dma_start3A_80, %dma_start3A_81] : memref<8x128xi32, #tpu.memory_space<vmem>> -> memref<1x128xi32, #tpu.memory_space<vmem>>
      %dma_start3A_83 = tpu.memref_squeeze %dma_start3A_82 : memref<1x128xi32, #tpu.memory_space<vmem>> -> memref<128xi32, #tpu.memory_space<vmem>>
      %dma_start3A_84 = arith.constant 0 : i32
      %dma_start3A_85 = arith.constant 0 : i32
      %dma_start3A_86 = tpu.memref_slice %arg2[%dma_start3A_84, %dma_start3A_85] : memref<10000x128xf32, #tpu.memory_space<hbm>> -> memref<10000x128xf32, #tpu.memory_space<hbm>>
      tpu.enqueue_indirect_dma source(%dma_start3A_86 : memref<10000x128xf32, #tpu.memory_space<hbm>>) target(%arg10 : memref<128x128xf32, #tpu.memory_space<vmem>>) offsets(%dma_start3A_83 : memref<128xi32, #tpu.memory_space<vmem>>) semaphore(%arg12 : memref<!tpu.dma_semaphore, #tpu.memory_space<semaphore_mem>>)
      %add3A_87 = arith.constant 3 : i32
      %add3A_88 = arith.addi %add3A_31, %add3A_87 : i32
      %dma_wait3A_89 = arith.constant 0 : i32
      %dma_wait3A_90 = arith.constant 0 : i32
      %dma_wait3A_91 = tpu.memref_slice %arg8[%dma_wait3A_89, %dma_wait3A_90] : memref<8x128xi32, #tpu.memory_space<vmem>> -> memref<1x128xi32, #tpu.memory_space<vmem>>
      %dma_wait3A_92 = tpu.memref_squeeze %dma_wait3A_91 : memref<1x128xi32, #tpu.memory_space<vmem>> -> memref<128xi32, #tpu.memory_space<vmem>>
      %dma_wait3A_93 = arith.constant 0 : i32
      %dma_wait3A_94 = arith.constant 0 : i32
      %dma_wait3A_95 = tpu.memref_slice %arg2[%dma_wait3A_93, %dma_wait3A_94] : memref<10000x128xf32, #tpu.memory_space<hbm>> -> memref<10000x128xf32, #tpu.memory_space<hbm>>
      tpu.wait_indirect_dma semaphore(%arg13 : memref<!tpu.dma_semaphore, #tpu.memory_space<semaphore_mem>>) src(%dma_wait3A_95 : memref<10000x128xf32, #tpu.memory_space<hbm>>) dst(%arg11 : memref<128x128xf32, #tpu.memory_space<vmem>>)
      "tpu.region"() ({
        %run_scoped3A = tpu.sem_alloc : memref<!tpu.dma_semaphore, #tpu.memory_space<semaphore_mem>>
        %dma_start3A_314 = arith.constant 0 : i32
        %dma_start3A_315 = tpu.memref_slice %arg7[%add3A_88, %dma_start3A_314] : memref<80x128xi32, #tpu.memory_space<vmem>> -> memref<1x128xi32, #tpu.memory_space<vmem>>
        %dma_start3A_316 = tpu.memref_squeeze %dma_start3A_315 : memref<1x128xi32, #tpu.memory_space<vmem>> -> memref<128xi32, #tpu.memory_space<vmem>>
        %dma_start3A_317 = arith.constant 0 : i32
        %dma_start3A_318 = arith.constant 0 : i32
        %dma_start3A_319 = tpu.memref_slice %arg16[%dma_start3A_317, %dma_start3A_318] : memref<10240x128xf32, #tpu.memory_space<vmem_shared>> -> memref<10240x128xf32, #tpu.memory_space<vmem_shared>>
        tpu.enqueue_indirect_dma source(%arg11 : memref<128x128xf32, #tpu.memory_space<vmem>>) target(%dma_start3A_319 : memref<10240x128xf32, #tpu.memory_space<vmem_shared>>) offsets(%dma_start3A_316 : memref<128xi32, #tpu.memory_space<vmem>>) semaphore(%run_scoped3A : memref<!tpu.dma_semaphore, #tpu.memory_space<semaphore_mem>>) {add = true}
        %dma_wait3A_320 = arith.constant 0 : i32
        %dma_wait3A_321 = tpu.memref_slice %arg7[%add3A_88, %dma_wait3A_320] : memref<80x128xi32, #tpu.memory_space<vmem>> -> memref<1x128xi32, #tpu.memory_space<vmem>>
        %dma_wait3A_322 = tpu.memref_squeeze %dma_wait3A_321 : memref<1x128xi32, #tpu.memory_space<vmem>> -> memref<128xi32, #tpu.memory_space<vmem>>
        %dma_wait3A_323 = arith.constant 0 : i32
        %dma_wait3A_324 = arith.constant 0 : i32
        %dma_wait3A_325 = tpu.memref_slice %arg16[%dma_wait3A_323, %dma_wait3A_324] : memref<10240x128xf32, #tpu.memory_space<vmem_shared>> -> memref<10240x128xf32, #tpu.memory_space<vmem_shared>>
        tpu.wait_indirect_dma semaphore(%run_scoped3A : memref<!tpu.dma_semaphore, #tpu.memory_space<semaphore_mem>>) src(%arg11 : memref<128x128xf32, #tpu.memory_space<vmem>>) dst(%dma_wait3A_325 : memref<10240x128xf32, #tpu.memory_space<vmem_shared>>)
        tpu.yield
      }) : () -> ()
      %dma_start3A_96 = arith.constant 5 : i32
      %dma_start3A_97 = arith.constant 0 : i32
      %dma_start3A_98 = tpu.memref_slice %arg8[%dma_start3A_96, %dma_start3A_97] : memref<8x128xi32, #tpu.memory_space<vmem>> -> memref<1x128xi32, #tpu.memory_space<vmem>>
      %dma_start3A_99 = tpu.memref_squeeze %dma_start3A_98 : memref<1x128xi32, #tpu.memory_space<vmem>> -> memref<128xi32, #tpu.memory_space<vmem>>
      %dma_start3A_100 = arith.constant 0 : i32
      %dma_start3A_101 = arith.constant 0 : i32
      %dma_start3A_102 = tpu.memref_slice %arg2[%dma_start3A_100, %dma_start3A_101] : memref<10000x128xf32, #tpu.memory_space<hbm>> -> memref<10000x128xf32, #tpu.memory_space<hbm>>
      tpu.enqueue_indirect_dma source(%dma_start3A_102 : memref<10000x128xf32, #tpu.memory_space<hbm>>) target(%arg11 : memref<128x128xf32, #tpu.memory_space<vmem>>) offsets(%dma_start3A_99 : memref<128xi32, #tpu.memory_space<vmem>>) semaphore(%arg13 : memref<!tpu.dma_semaphore, #tpu.memory_space<semaphore_mem>>)
      %add3A_103 = arith.constant 4 : i32
      %add3A_104 = arith.addi %add3A_31, %add3A_103 : i32
      %dma_wait3A_105 = arith.constant 0 : i32
      %dma_wait3A_106 = arith.constant 0 : i32
      %dma_wait3A_107 = tpu.memref_slice %arg8[%dma_wait3A_105, %dma_wait3A_106] : memref<8x128xi32, #tpu.memory_space<vmem>> -> memref<1x128xi32, #tpu.memory_space<vmem>>
      %dma_wait3A_108 = tpu.memref_squeeze %dma_wait3A_107 : memref<1x128xi32, #tpu.memory_space<vmem>> -> memref<128xi32, #tpu.memory_space<vmem>>
      %dma_wait3A_109 = arith.constant 0 : i32
      %dma_wait3A_110 = arith.constant 0 : i32
      %dma_wait3A_111 = tpu.memref_slice %arg2[%dma_wait3A_109, %dma_wait3A_110] : memref<10000x128xf32, #tpu.memory_space<hbm>> -> memref<10000x128xf32, #tpu.memory_space<hbm>>
      tpu.wait_indirect_dma semaphore(%arg12 : memref<!tpu.dma_semaphore, #tpu.memory_space<semaphore_mem>>) src(%dma_wait3A_111 : memref<10000x128xf32, #tpu.memory_space<hbm>>) dst(%arg10 : memref<128x128xf32, #tpu.memory_space<vmem>>)
      "tpu.region"() ({
        %run_scoped3A = tpu.sem_alloc : memref<!tpu.dma_semaphore, #tpu.memory_space<semaphore_mem>>
        %dma_start3A_314 = arith.constant 0 : i32
        %dma_start3A_315 = tpu.memref_slice %arg7[%add3A_104, %dma_start3A_314] : memref<80x128xi32, #tpu.memory_space<vmem>> -> memref<1x128xi32, #tpu.memory_space<vmem>>
        %dma_start3A_316 = tpu.memref_squeeze %dma_start3A_315 : memref<1x128xi32, #tpu.memory_space<vmem>> -> memref<128xi32, #tpu.memory_space<vmem>>
        %dma_start3A_317 = arith.constant 0 : i32
        %dma_start3A_318 = arith.constant 0 : i32
        %dma_start3A_319 = tpu.memref_slice %arg16[%dma_start3A_317, %dma_start3A_318] : memref<10240x128xf32, #tpu.memory_space<vmem_shared>> -> memref<10240x128xf32, #tpu.memory_space<vmem_shared>>
        tpu.enqueue_indirect_dma source(%arg10 : memref<128x128xf32, #tpu.memory_space<vmem>>) target(%dma_start3A_319 : memref<10240x128xf32, #tpu.memory_space<vmem_shared>>) offsets(%dma_start3A_316 : memref<128xi32, #tpu.memory_space<vmem>>) semaphore(%run_scoped3A : memref<!tpu.dma_semaphore, #tpu.memory_space<semaphore_mem>>) {add = true}
        %dma_wait3A_320 = arith.constant 0 : i32
        %dma_wait3A_321 = tpu.memref_slice %arg7[%add3A_104, %dma_wait3A_320] : memref<80x128xi32, #tpu.memory_space<vmem>> -> memref<1x128xi32, #tpu.memory_space<vmem>>
        %dma_wait3A_322 = tpu.memref_squeeze %dma_wait3A_321 : memref<1x128xi32, #tpu.memory_space<vmem>> -> memref<128xi32, #tpu.memory_space<vmem>>
        %dma_wait3A_323 = arith.constant 0 : i32
        %dma_wait3A_324 = arith.constant 0 : i32
        %dma_wait3A_325 = tpu.memref_slice %arg16[%dma_wait3A_323, %dma_wait3A_324] : memref<10240x128xf32, #tpu.memory_space<vmem_shared>> -> memref<10240x128xf32, #tpu.memory_space<vmem_shared>>
        tpu.wait_indirect_dma semaphore(%run_scoped3A : memref<!tpu.dma_semaphore, #tpu.memory_space<semaphore_mem>>) src(%arg10 : memref<128x128xf32, #tpu.memory_space<vmem>>) dst(%dma_wait3A_325 : memref<10240x128xf32, #tpu.memory_space<vmem_shared>>)
        tpu.yield
      }) : () -> ()
      %dma_start3A_112 = arith.constant 6 : i32
      %dma_start3A_113 = arith.constant 0 : i32
      %dma_start3A_114 = tpu.memref_slice %arg8[%dma_start3A_112, %dma_start3A_113] : memref<8x128xi32, #tpu.memory_space<vmem>> -> memref<1x128xi32, #tpu.memory_space<vmem>>
      %dma_start3A_115 = tpu.memref_squeeze %dma_start3A_114 : memref<1x128xi32, #tpu.memory_space<vmem>> -> memref<128xi32, #tpu.memory_space<vmem>>
      %dma_start3A_116 = arith.constant 0 : i32
      %dma_start3A_117 = arith.constant 0 : i32
      %dma_start3A_118 = tpu.memref_slice %arg2[%dma_start3A_116, %dma_start3A_117] : memref<10000x128xf32, #tpu.memory_space<hbm>> -> memref<10000x128xf32, #tpu.memory_space<hbm>>
      tpu.enqueue_indirect_dma source(%dma_start3A_118 : memref<10000x128xf32, #tpu.memory_space<hbm>>) target(%arg10 : memref<128x128xf32, #tpu.memory_space<vmem>>) offsets(%dma_start3A_115 : memref<128xi32, #tpu.memory_space<vmem>>) semaphore(%arg12 : memref<!tpu.dma_semaphore, #tpu.memory_space<semaphore_mem>>)
      %add3A_119 = arith.constant 5 : i32
      %add3A_120 = arith.addi %add3A_31, %add3A_119 : i32
      %dma_wait3A_121 = arith.constant 0 : i32
      %dma_wait3A_122 = arith.constant 0 : i32
      %dma_wait3A_123 = tpu.memref_slice %arg8[%dma_wait3A_121, %dma_wait3A_122] : memref<8x128xi32, #tpu.memory_space<vmem>> -> memref<1x128xi32, #tpu.memory_space<vmem>>
      %dma_wait3A_124 = tpu.memref_squeeze %dma_wait3A_123 : memref<1x128xi32, #tpu.memory_space<vmem>> -> memref<128xi32, #tpu.memory_space<vmem>>
      %dma_wait3A_125 = arith.constant 0 : i32
      %dma_wait3A_126 = arith.constant 0 : i32
      %dma_wait3A_127 = tpu.memref_slice %arg2[%dma_wait3A_125, %dma_wait3A_126] : memref<10000x128xf32, #tpu.memory_space<hbm>> -> memref<10000x128xf32, #tpu.memory_space<hbm>>
      tpu.wait_indirect_dma semaphore(%arg13 : memref<!tpu.dma_semaphore, #tpu.memory_space<semaphore_mem>>) src(%dma_wait3A_127 : memref<10000x128xf32, #tpu.memory_space<hbm>>) dst(%arg11 : memref<128x128xf32, #tpu.memory_space<vmem>>)
      "tpu.region"() ({
        %run_scoped3A = tpu.sem_alloc : memref<!tpu.dma_semaphore, #tpu.memory_space<semaphore_mem>>
        %dma_start3A_314 = arith.constant 0 : i32
        %dma_start3A_315 = tpu.memref_slice %arg7[%add3A_120, %dma_start3A_314] : memref<80x128xi32, #tpu.memory_space<vmem>> -> memref<1x128xi32, #tpu.memory_space<vmem>>
        %dma_start3A_316 = tpu.memref_squeeze %dma_start3A_315 : memref<1x128xi32, #tpu.memory_space<vmem>> -> memref<128xi32, #tpu.memory_space<vmem>>
        %dma_start3A_317 = arith.constant 0 : i32
        %dma_start3A_318 = arith.constant 0 : i32
        %dma_start3A_319 = tpu.memref_slice %arg16[%dma_start3A_317, %dma_start3A_318] : memref<10240x128xf32, #tpu.memory_space<vmem_shared>> -> memref<10240x128xf32, #tpu.memory_space<vmem_shared>>
        tpu.enqueue_indirect_dma source(%arg11 : memref<128x128xf32, #tpu.memory_space<vmem>>) target(%dma_start3A_319 : memref<10240x128xf32, #tpu.memory_space<vmem_shared>>) offsets(%dma_start3A_316 : memref<128xi32, #tpu.memory_space<vmem>>) semaphore(%run_scoped3A : memref<!tpu.dma_semaphore, #tpu.memory_space<semaphore_mem>>) {add = true}
        %dma_wait3A_320 = arith.constant 0 : i32
        %dma_wait3A_321 = tpu.memref_slice %arg7[%add3A_120, %dma_wait3A_320] : memref<80x128xi32, #tpu.memory_space<vmem>> -> memref<1x128xi32, #tpu.memory_space<vmem>>
        %dma_wait3A_322 = tpu.memref_squeeze %dma_wait3A_321 : memref<1x128xi32, #tpu.memory_space<vmem>> -> memref<128xi32, #tpu.memory_space<vmem>>
        %dma_wait3A_323 = arith.constant 0 : i32
        %dma_wait3A_324 = arith.constant 0 : i32
        %dma_wait3A_325 = tpu.memref_slice %arg16[%dma_wait3A_323, %dma_wait3A_324] : memref<10240x128xf32, #tpu.memory_space<vmem_shared>> -> memref<10240x128xf32, #tpu.memory_space<vmem_shared>>
        tpu.wait_indirect_dma semaphore(%run_scoped3A : memref<!tpu.dma_semaphore, #tpu.memory_space<semaphore_mem>>) src(%arg11 : memref<128x128xf32, #tpu.memory_space<vmem>>) dst(%dma_wait3A_325 : memref<10240x128xf32, #tpu.memory_space<vmem_shared>>)
        tpu.yield
      }) : () -> ()
      %dma_start3A_128 = arith.constant 7 : i32
      %dma_start3A_129 = arith.constant 0 : i32
      %dma_start3A_130 = tpu.memref_slice %arg8[%dma_start3A_128, %dma_start3A_129] : memref<8x128xi32, #tpu.memory_space<vmem>> -> memref<1x128xi32, #tpu.memory_space<vmem>>
      %dma_start3A_131 = tpu.memref_squeeze %dma_start3A_130 : memref<1x128xi32, #tpu.memory_space<vmem>> -> memref<128xi32, #tpu.memory_space<vmem>>
      %dma_start3A_132 = arith.constant 0 : i32
      %dma_start3A_133 = arith.constant 0 : i32
      %dma_start3A_134 = tpu.memref_slice %arg2[%dma_start3A_132, %dma_start3A_133] : memref<10000x128xf32, #tpu.memory_space<hbm>> -> memref<10000x128xf32, #tpu.memory_space<hbm>>
      tpu.enqueue_indirect_dma source(%dma_start3A_134 : memref<10000x128xf32, #tpu.memory_space<hbm>>) target(%arg11 : memref<128x128xf32, #tpu.memory_space<vmem>>) offsets(%dma_start3A_131 : memref<128xi32, #tpu.memory_space<vmem>>) semaphore(%arg13 : memref<!tpu.dma_semaphore, #tpu.memory_space<semaphore_mem>>)
      %add3A_135 = arith.constant 6 : i32
      %add3A_136 = arith.addi %add3A_31, %add3A_135 : i32
      %add3A_137 = arith.constant 8 : i32
      %add3A_138 = arith.addi %add3A_31, %add3A_137 : i32
      %dma_wait3A_139 = arith.constant 0 : i32
      %dma_wait3A_140 = tpu.memref_slice %arg3[%add3A, %add3A_138, %dma_wait3A_139] : memref<32x80x128xi32, #tpu.memory_space<hbm>> -> memref<1x8x128xi32, #tpu.memory_space<hbm>>
      %dma_wait3A_141 = tpu.memref_squeeze %dma_wait3A_140 : memref<1x8x128xi32, #tpu.memory_space<hbm>> -> memref<8x128xi32, #tpu.memory_space<hbm>>
      %dma_wait3A_142 = arith.constant 0 : i32
      %dma_wait3A_143 = tpu.memref_slice %arg3[%add3A, %add3A_138, %dma_wait3A_142] : memref<32x80x128xi32, #tpu.memory_space<hbm>> -> memref<1x8x128xi32, #tpu.memory_space<hbm>>
      %dma_wait3A_144 = tpu.memref_squeeze %dma_wait3A_143 : memref<1x8x128xi32, #tpu.memory_space<hbm>> -> memref<8x128xi32, #tpu.memory_space<hbm>>
      tpu.wait_dma2 semaphore(%arg15 : memref<!tpu.dma_semaphore, #tpu.memory_space<semaphore_mem>>) src(%dma_wait3A_144 : memref<8x128xi32, #tpu.memory_space<hbm>>) dst(%arg9 : memref<8x128xi32, #tpu.memory_space<vmem>>)
      %dma_wait3A_145 = arith.constant 0 : i32
      %dma_wait3A_146 = arith.constant 0 : i32
      %dma_wait3A_147 = tpu.memref_slice %arg8[%dma_wait3A_145, %dma_wait3A_146] : memref<8x128xi32, #tpu.memory_space<vmem>> -> memref<1x128xi32, #tpu.memory_space<vmem>>
      %dma_wait3A_148 = tpu.memref_squeeze %dma_wait3A_147 : memref<1x128xi32, #tpu.memory_space<vmem>> -> memref<128xi32, #tpu.memory_space<vmem>>
      %dma_wait3A_149 = arith.constant 0 : i32
      %dma_wait3A_150 = arith.constant 0 : i32
      %dma_wait3A_151 = tpu.memref_slice %arg2[%dma_wait3A_149, %dma_wait3A_150] : memref<10000x128xf32, #tpu.memory_space<hbm>> -> memref<10000x128xf32, #tpu.memory_space<hbm>>
      tpu.wait_indirect_dma semaphore(%arg12 : memref<!tpu.dma_semaphore, #tpu.memory_space<semaphore_mem>>) src(%dma_wait3A_151 : memref<10000x128xf32, #tpu.memory_space<hbm>>) dst(%arg10 : memref<128x128xf32, #tpu.memory_space<vmem>>)
      "tpu.region"() ({
        %run_scoped3A = tpu.sem_alloc : memref<!tpu.dma_semaphore, #tpu.memory_space<semaphore_mem>>
        %dma_start3A_314 = arith.constant 0 : i32
        %dma_start3A_315 = tpu.memref_slice %arg7[%add3A_136, %dma_start3A_314] : memref<80x128xi32, #tpu.memory_space<vmem>> -> memref<1x128xi32, #tpu.memory_space<vmem>>
        %dma_start3A_316 = tpu.memref_squeeze %dma_start3A_315 : memref<1x128xi32, #tpu.memory_space<vmem>> -> memref<128xi32, #tpu.memory_space<vmem>>
        %dma_start3A_317 = arith.constant 0 : i32
        %dma_start3A_318 = arith.constant 0 : i32
        %dma_start3A_319 = tpu.memref_slice %arg16[%dma_start3A_317, %dma_start3A_318] : memref<10240x128xf32, #tpu.memory_space<vmem_shared>> -> memref<10240x128xf32, #tpu.memory_space<vmem_shared>>
        tpu.enqueue_indirect_dma source(%arg10 : memref<128x128xf32, #tpu.memory_space<vmem>>) target(%dma_start3A_319 : memref<10240x128xf32, #tpu.memory_space<vmem_shared>>) offsets(%dma_start3A_316 : memref<128xi32, #tpu.memory_space<vmem>>) semaphore(%run_scoped3A : memref<!tpu.dma_semaphore, #tpu.memory_space<semaphore_mem>>) {add = true}
        %dma_wait3A_320 = arith.constant 0 : i32
        %dma_wait3A_321 = tpu.memref_slice %arg7[%add3A_136, %dma_wait3A_320] : memref<80x128xi32, #tpu.memory_space<vmem>> -> memref<1x128xi32, #tpu.memory_space<vmem>>
        %dma_wait3A_322 = tpu.memref_squeeze %dma_wait3A_321 : memref<1x128xi32, #tpu.memory_space<vmem>> -> memref<128xi32, #tpu.memory_space<vmem>>
        %dma_wait3A_323 = arith.constant 0 : i32
        %dma_wait3A_324 = arith.constant 0 : i32
        %dma_wait3A_325 = tpu.memref_slice %arg16[%dma_wait3A_323, %dma_wait3A_324] : memref<10240x128xf32, #tpu.memory_space<vmem_shared>> -> memref<10240x128xf32, #tpu.memory_space<vmem_shared>>
        tpu.wait_indirect_dma semaphore(%run_scoped3A : memref<!tpu.dma_semaphore, #tpu.memory_space<semaphore_mem>>) src(%arg10 : memref<128x128xf32, #tpu.memory_space<vmem>>) dst(%dma_wait3A_325 : memref<10240x128xf32, #tpu.memory_space<vmem_shared>>)
        tpu.yield
      }) : () -> ()
      %dma_start3A_152 = arith.constant 0 : i32
      %dma_start3A_153 = arith.constant 0 : i32
      %dma_start3A_154 = tpu.memref_slice %arg9[%dma_start3A_152, %dma_start3A_153] : memref<8x128xi32, #tpu.memory_space<vmem>> -> memref<1x128xi32, #tpu.memory_space<vmem>>
      %dma_start3A_155 = tpu.memref_squeeze %dma_start3A_154 : memref<1x128xi32, #tpu.memory_space<vmem>> -> memref<128xi32, #tpu.memory_space<vmem>>
      %dma_start3A_156 = arith.constant 0 : i32
      %dma_start3A_157 = arith.constant 0 : i32
      %dma_start3A_158 = tpu.memref_slice %arg2[%dma_start3A_156, %dma_start3A_157] : memref<10000x128xf32, #tpu.memory_space<hbm>> -> memref<10000x128xf32, #tpu.memory_space<hbm>>
      tpu.enqueue_indirect_dma source(%dma_start3A_158 : memref<10000x128xf32, #tpu.memory_space<hbm>>) target(%arg10 : memref<128x128xf32, #tpu.memory_space<vmem>>) offsets(%dma_start3A_155 : memref<128xi32, #tpu.memory_space<vmem>>) semaphore(%arg12 : memref<!tpu.dma_semaphore, #tpu.memory_space<semaphore_mem>>)
      %add3A_159 = arith.constant 7 : i32
      %add3A_160 = arith.addi %add3A_31, %add3A_159 : i32
      %dma_wait3A_161 = arith.constant 0 : i32
      %dma_wait3A_162 = arith.constant 0 : i32
      %dma_wait3A_163 = tpu.memref_slice %arg8[%dma_wait3A_161, %dma_wait3A_162] : memref<8x128xi32, #tpu.memory_space<vmem>> -> memref<1x128xi32, #tpu.memory_space<vmem>>
      %dma_wait3A_164 = tpu.memref_squeeze %dma_wait3A_163 : memref<1x128xi32, #tpu.memory_space<vmem>> -> memref<128xi32, #tpu.memory_space<vmem>>
      %dma_wait3A_165 = arith.constant 0 : i32
      %dma_wait3A_166 = arith.constant 0 : i32
      %dma_wait3A_167 = tpu.memref_slice %arg2[%dma_wait3A_165, %dma_wait3A_166] : memref<10000x128xf32, #tpu.memory_space<hbm>> -> memref<10000x128xf32, #tpu.memory_space<hbm>>
      tpu.wait_indirect_dma semaphore(%arg13 : memref<!tpu.dma_semaphore, #tpu.memory_space<semaphore_mem>>) src(%dma_wait3A_167 : memref<10000x128xf32, #tpu.memory_space<hbm>>) dst(%arg11 : memref<128x128xf32, #tpu.memory_space<vmem>>)
      "tpu.region"() ({
        %run_scoped3A = tpu.sem_alloc : memref<!tpu.dma_semaphore, #tpu.memory_space<semaphore_mem>>
        %dma_start3A_314 = arith.constant 0 : i32
        %dma_start3A_315 = tpu.memref_slice %arg7[%add3A_160, %dma_start3A_314] : memref<80x128xi32, #tpu.memory_space<vmem>> -> memref<1x128xi32, #tpu.memory_space<vmem>>
        %dma_start3A_316 = tpu.memref_squeeze %dma_start3A_315 : memref<1x128xi32, #tpu.memory_space<vmem>> -> memref<128xi32, #tpu.memory_space<vmem>>
        %dma_start3A_317 = arith.constant 0 : i32
        %dma_start3A_318 = arith.constant 0 : i32
        %dma_start3A_319 = tpu.memref_slice %arg16[%dma_start3A_317, %dma_start3A_318] : memref<10240x128xf32, #tpu.memory_space<vmem_shared>> -> memref<10240x128xf32, #tpu.memory_space<vmem_shared>>
        tpu.enqueue_indirect_dma source(%arg11 : memref<128x128xf32, #tpu.memory_space<vmem>>) target(%dma_start3A_319 : memref<10240x128xf32, #tpu.memory_space<vmem_shared>>) offsets(%dma_start3A_316 : memref<128xi32, #tpu.memory_space<vmem>>) semaphore(%run_scoped3A : memref<!tpu.dma_semaphore, #tpu.memory_space<semaphore_mem>>) {add = true}
        %dma_wait3A_320 = arith.constant 0 : i32
        %dma_wait3A_321 = tpu.memref_slice %arg7[%add3A_160, %dma_wait3A_320] : memref<80x128xi32, #tpu.memory_space<vmem>> -> memref<1x128xi32, #tpu.memory_space<vmem>>
        %dma_wait3A_322 = tpu.memref_squeeze %dma_wait3A_321 : memref<1x128xi32, #tpu.memory_space<vmem>> -> memref<128xi32, #tpu.memory_space<vmem>>
        %dma_wait3A_323 = arith.constant 0 : i32
        %dma_wait3A_324 = arith.constant 0 : i32
        %dma_wait3A_325 = tpu.memref_slice %arg16[%dma_wait3A_323, %dma_wait3A_324] : memref<10240x128xf32, #tpu.memory_space<vmem_shared>> -> memref<10240x128xf32, #tpu.memory_space<vmem_shared>>
        tpu.wait_indirect_dma semaphore(%run_scoped3A : memref<!tpu.dma_semaphore, #tpu.memory_space<semaphore_mem>>) src(%arg11 : memref<128x128xf32, #tpu.memory_space<vmem>>) dst(%dma_wait3A_325 : memref<10240x128xf32, #tpu.memory_space<vmem_shared>>)
        tpu.yield
      }) : () -> ()
      %dma_start3A_168 = arith.constant 1 : i32
      %dma_start3A_169 = arith.constant 0 : i32
      %dma_start3A_170 = tpu.memref_slice %arg9[%dma_start3A_168, %dma_start3A_169] : memref<8x128xi32, #tpu.memory_space<vmem>> -> memref<1x128xi32, #tpu.memory_space<vmem>>
      %dma_start3A_171 = tpu.memref_squeeze %dma_start3A_170 : memref<1x128xi32, #tpu.memory_space<vmem>> -> memref<128xi32, #tpu.memory_space<vmem>>
      %dma_start3A_172 = arith.constant 0 : i32
      %dma_start3A_173 = arith.constant 0 : i32
      %dma_start3A_174 = tpu.memref_slice %arg2[%dma_start3A_172, %dma_start3A_173] : memref<10000x128xf32, #tpu.memory_space<hbm>> -> memref<10000x128xf32, #tpu.memory_space<hbm>>
      tpu.enqueue_indirect_dma source(%dma_start3A_174 : memref<10000x128xf32, #tpu.memory_space<hbm>>) target(%arg11 : memref<128x128xf32, #tpu.memory_space<vmem>>) offsets(%dma_start3A_171 : memref<128xi32, #tpu.memory_space<vmem>>) semaphore(%arg13 : memref<!tpu.dma_semaphore, #tpu.memory_space<semaphore_mem>>)
      %add3A_175 = arith.constant 8 : i32
      %add3A_176 = arith.addi %add3A_31, %add3A_175 : i32
      %add3A_177 = arith.constant 16 : i32
      %add3A_178 = arith.addi %add3A_31, %add3A_177 : i32
      %lt3A = arith.constant 80 : i32
      %lt3A_179 = arith.cmpi slt, %add3A_178, %lt3A : i32
      %convert_element_type3A = arith.extui %lt3A_179 : i1 to i32
      %cond3A = arith.constant 0 : i32
      %cond3A_180 = arith.cmpi ne, %convert_element_type3A, %cond3A : i32
      scf.if %cond3A_180 {
        %add3A_314 = arith.constant 16 : i32
        %add3A_315 = arith.addi %add3A_31, %add3A_314 : i32
        %dma_start3A_316 = arith.constant 0 : i32
        %dma_start3A_317 = tpu.memref_slice %arg3[%add3A, %add3A_315, %dma_start3A_316] : memref<32x80x128xi32, #tpu.memory_space<hbm>> -> memref<1x8x128xi32, #tpu.memory_space<hbm>>
        %dma_start3A_318 = tpu.memref_squeeze %dma_start3A_317 : memref<1x8x128xi32, #tpu.memory_space<hbm>> -> memref<8x128xi32, #tpu.memory_space<hbm>>
        %dma_start3A_319 = arith.constant 0 : i32
        %dma_start3A_320 = tpu.memref_slice %arg3[%add3A, %add3A_315, %dma_start3A_319] : memref<32x80x128xi32, #tpu.memory_space<hbm>> -> memref<1x8x128xi32, #tpu.memory_space<hbm>>
        %dma_start3A_321 = tpu.memref_squeeze %dma_start3A_320 : memref<1x8x128xi32, #tpu.memory_space<hbm>> -> memref<8x128xi32, #tpu.memory_space<hbm>>
        tpu.enqueue_dma source(%dma_start3A_321 : memref<8x128xi32, #tpu.memory_space<hbm>>) target(%arg8 : memref<8x128xi32, #tpu.memory_space<vmem>>) target_semaphore(%arg14 : memref<!tpu.dma_semaphore, #tpu.memory_space<semaphore_mem>>)
      } else {
      }
      %dma_wait3A_181 = arith.constant 0 : i32
      %dma_wait3A_182 = arith.constant 0 : i32
      %dma_wait3A_183 = tpu.memref_slice %arg8[%dma_wait3A_181, %dma_wait3A_182] : memref<8x128xi32, #tpu.memory_space<vmem>> -> memref<1x128xi32, #tpu.memory_space<vmem>>
      %dma_wait3A_184 = tpu.memref_squeeze %dma_wait3A_183 : memref<1x128xi32, #tpu.memory_space<vmem>> -> memref<128xi32, #tpu.memory_space<vmem>>
      %dma_wait3A_185 = arith.constant 0 : i32
      %dma_wait3A_186 = arith.constant 0 : i32
      %dma_wait3A_187 = tpu.memref_slice %arg2[%dma_wait3A_185, %dma_wait3A_186] : memref<10000x128xf32, #tpu.memory_space<hbm>> -> memref<10000x128xf32, #tpu.memory_space<hbm>>
      tpu.wait_indirect_dma semaphore(%arg12 : memref<!tpu.dma_semaphore, #tpu.memory_space<semaphore_mem>>) src(%dma_wait3A_187 : memref<10000x128xf32, #tpu.memory_space<hbm>>) dst(%arg10 : memref<128x128xf32, #tpu.memory_space<vmem>>)
      "tpu.region"() ({
        %run_scoped3A = tpu.sem_alloc : memref<!tpu.dma_semaphore, #tpu.memory_space<semaphore_mem>>
        %dma_start3A_314 = arith.constant 0 : i32
        %dma_start3A_315 = tpu.memref_slice %arg7[%add3A_176, %dma_start3A_314] : memref<80x128xi32, #tpu.memory_space<vmem>> -> memref<1x128xi32, #tpu.memory_space<vmem>>
        %dma_start3A_316 = tpu.memref_squeeze %dma_start3A_315 : memref<1x128xi32, #tpu.memory_space<vmem>> -> memref<128xi32, #tpu.memory_space<vmem>>
        %dma_start3A_317 = arith.constant 0 : i32
        %dma_start3A_318 = arith.constant 0 : i32
        %dma_start3A_319 = tpu.memref_slice %arg16[%dma_start3A_317, %dma_start3A_318] : memref<10240x128xf32, #tpu.memory_space<vmem_shared>> -> memref<10240x128xf32, #tpu.memory_space<vmem_shared>>
        tpu.enqueue_indirect_dma source(%arg10 : memref<128x128xf32, #tpu.memory_space<vmem>>) target(%dma_start3A_319 : memref<10240x128xf32, #tpu.memory_space<vmem_shared>>) offsets(%dma_start3A_316 : memref<128xi32, #tpu.memory_space<vmem>>) semaphore(%run_scoped3A : memref<!tpu.dma_semaphore, #tpu.memory_space<semaphore_mem>>) {add = true}
        %dma_wait3A_320 = arith.constant 0 : i32
        %dma_wait3A_321 = tpu.memref_slice %arg7[%add3A_176, %dma_wait3A_320] : memref<80x128xi32, #tpu.memory_space<vmem>> -> memref<1x128xi32, #tpu.memory_space<vmem>>
        %dma_wait3A_322 = tpu.memref_squeeze %dma_wait3A_321 : memref<1x128xi32, #tpu.memory_space<vmem>> -> memref<128xi32, #tpu.memory_space<vmem>>
        %dma_wait3A_323 = arith.constant 0 : i32
        %dma_wait3A_324 = arith.constant 0 : i32
        %dma_wait3A_325 = tpu.memref_slice %arg16[%dma_wait3A_323, %dma_wait3A_324] : memref<10240x128xf32, #tpu.memory_space<vmem_shared>> -> memref<10240x128xf32, #tpu.memory_space<vmem_shared>>
        tpu.wait_indirect_dma semaphore(%run_scoped3A : memref<!tpu.dma_semaphore, #tpu.memory_space<semaphore_mem>>) src(%arg10 : memref<128x128xf32, #tpu.memory_space<vmem>>) dst(%dma_wait3A_325 : memref<10240x128xf32, #tpu.memory_space<vmem_shared>>)
        tpu.yield
      }) : () -> ()
      %dma_start3A_188 = arith.constant 2 : i32
      %dma_start3A_189 = arith.constant 0 : i32
      %dma_start3A_190 = tpu.memref_slice %arg9[%dma_start3A_188, %dma_start3A_189] : memref<8x128xi32, #tpu.memory_space<vmem>> -> memref<1x128xi32, #tpu.memory_space<vmem>>
      %dma_start3A_191 = tpu.memref_squeeze %dma_start3A_190 : memref<1x128xi32, #tpu.memory_space<vmem>> -> memref<128xi32, #tpu.memory_space<vmem>>
      %dma_start3A_192 = arith.constant 0 : i32
      %dma_start3A_193 = arith.constant 0 : i32
      %dma_start3A_194 = tpu.memref_slice %arg2[%dma_start3A_192, %dma_start3A_193] : memref<10000x128xf32, #tpu.memory_space<hbm>> -> memref<10000x128xf32, #tpu.memory_space<hbm>>
      tpu.enqueue_indirect_dma source(%dma_start3A_194 : memref<10000x128xf32, #tpu.memory_space<hbm>>) target(%arg10 : memref<128x128xf32, #tpu.memory_space<vmem>>) offsets(%dma_start3A_191 : memref<128xi32, #tpu.memory_space<vmem>>) semaphore(%arg12 : memref<!tpu.dma_semaphore, #tpu.memory_space<semaphore_mem>>)
      %add3A_195 = arith.constant 9 : i32
      %add3A_196 = arith.addi %add3A_31, %add3A_195 : i32
      %dma_wait3A_197 = arith.constant 0 : i32
      %dma_wait3A_198 = arith.constant 0 : i32
      %dma_wait3A_199 = tpu.memref_slice %arg8[%dma_wait3A_197, %dma_wait3A_198] : memref<8x128xi32, #tpu.memory_space<vmem>> -> memref<1x128xi32, #tpu.memory_space<vmem>>
      %dma_wait3A_200 = tpu.memref_squeeze %dma_wait3A_199 : memref<1x128xi32, #tpu.memory_space<vmem>> -> memref<128xi32, #tpu.memory_space<vmem>>
      %dma_wait3A_201 = arith.constant 0 : i32
      %dma_wait3A_202 = arith.constant 0 : i32
      %dma_wait3A_203 = tpu.memref_slice %arg2[%dma_wait3A_201, %dma_wait3A_202] : memref<10000x128xf32, #tpu.memory_space<hbm>> -> memref<10000x128xf32, #tpu.memory_space<hbm>>
      tpu.wait_indirect_dma semaphore(%arg13 : memref<!tpu.dma_semaphore, #tpu.memory_space<semaphore_mem>>) src(%dma_wait3A_203 : memref<10000x128xf32, #tpu.memory_space<hbm>>) dst(%arg11 : memref<128x128xf32, #tpu.memory_space<vmem>>)
      "tpu.region"() ({
        %run_scoped3A = tpu.sem_alloc : memref<!tpu.dma_semaphore, #tpu.memory_space<semaphore_mem>>
        %dma_start3A_314 = arith.constant 0 : i32
        %dma_start3A_315 = tpu.memref_slice %arg7[%add3A_196, %dma_start3A_314] : memref<80x128xi32, #tpu.memory_space<vmem>> -> memref<1x128xi32, #tpu.memory_space<vmem>>
        %dma_start3A_316 = tpu.memref_squeeze %dma_start3A_315 : memref<1x128xi32, #tpu.memory_space<vmem>> -> memref<128xi32, #tpu.memory_space<vmem>>
        %dma_start3A_317 = arith.constant 0 : i32
        %dma_start3A_318 = arith.constant 0 : i32
        %dma_start3A_319 = tpu.memref_slice %arg16[%dma_start3A_317, %dma_start3A_318] : memref<10240x128xf32, #tpu.memory_space<vmem_shared>> -> memref<10240x128xf32, #tpu.memory_space<vmem_shared>>
        tpu.enqueue_indirect_dma source(%arg11 : memref<128x128xf32, #tpu.memory_space<vmem>>) target(%dma_start3A_319 : memref<10240x128xf32, #tpu.memory_space<vmem_shared>>) offsets(%dma_start3A_316 : memref<128xi32, #tpu.memory_space<vmem>>) semaphore(%run_scoped3A : memref<!tpu.dma_semaphore, #tpu.memory_space<semaphore_mem>>) {add = true}
        %dma_wait3A_320 = arith.constant 0 : i32
        %dma_wait3A_321 = tpu.memref_slice %arg7[%add3A_196, %dma_wait3A_320] : memref<80x128xi32, #tpu.memory_space<vmem>> -> memref<1x128xi32, #tpu.memory_space<vmem>>
        %dma_wait3A_322 = tpu.memref_squeeze %dma_wait3A_321 : memref<1x128xi32, #tpu.memory_space<vmem>> -> memref<128xi32, #tpu.memory_space<vmem>>
        %dma_wait3A_323 = arith.constant 0 : i32
        %dma_wait3A_324 = arith.constant 0 : i32
        %dma_wait3A_325 = tpu.memref_slice %arg16[%dma_wait3A_323, %dma_wait3A_324] : memref<10240x128xf32, #tpu.memory_space<vmem_shared>> -> memref<10240x128xf32, #tpu.memory_space<vmem_shared>>
        tpu.wait_indirect_dma semaphore(%run_scoped3A : memref<!tpu.dma_semaphore, #tpu.memory_space<semaphore_mem>>) src(%arg11 : memref<128x128xf32, #tpu.memory_space<vmem>>) dst(%dma_wait3A_325 : memref<10240x128xf32, #tpu.memory_space<vmem_shared>>)
        tpu.yield
      }) : () -> ()
      %dma_start3A_204 = arith.constant 3 : i32
      %dma_start3A_205 = arith.constant 0 : i32
      %dma_start3A_206 = tpu.memref_slice %arg9[%dma_start3A_204, %dma_start3A_205] : memref<8x128xi32, #tpu.memory_space<vmem>> -> memref<1x128xi32, #tpu.memory_space<vmem>>
      %dma_start3A_207 = tpu.memref_squeeze %dma_start3A_206 : memref<1x128xi32, #tpu.memory_space<vmem>> -> memref<128xi32, #tpu.memory_space<vmem>>
      %dma_start3A_208 = arith.constant 0 : i32
      %dma_start3A_209 = arith.constant 0 : i32
      %dma_start3A_210 = tpu.memref_slice %arg2[%dma_start3A_208, %dma_start3A_209] : memref<10000x128xf32, #tpu.memory_space<hbm>> -> memref<10000x128xf32, #tpu.memory_space<hbm>>
      tpu.enqueue_indirect_dma source(%dma_start3A_210 : memref<10000x128xf32, #tpu.memory_space<hbm>>) target(%arg11 : memref<128x128xf32, #tpu.memory_space<vmem>>) offsets(%dma_start3A_207 : memref<128xi32, #tpu.memory_space<vmem>>) semaphore(%arg13 : memref<!tpu.dma_semaphore, #tpu.memory_space<semaphore_mem>>)
      %add3A_211 = arith.constant 10 : i32
      %add3A_212 = arith.addi %add3A_31, %add3A_211 : i32
      %dma_wait3A_213 = arith.constant 0 : i32
      %dma_wait3A_214 = arith.constant 0 : i32
      %dma_wait3A_215 = tpu.memref_slice %arg8[%dma_wait3A_213, %dma_wait3A_214] : memref<8x128xi32, #tpu.memory_space<vmem>> -> memref<1x128xi32, #tpu.memory_space<vmem>>
      %dma_wait3A_216 = tpu.memref_squeeze %dma_wait3A_215 : memref<1x128xi32, #tpu.memory_space<vmem>> -> memref<128xi32, #tpu.memory_space<vmem>>
      %dma_wait3A_217 = arith.constant 0 : i32
      %dma_wait3A_218 = arith.constant 0 : i32
      %dma_wait3A_219 = tpu.memref_slice %arg2[%dma_wait3A_217, %dma_wait3A_218] : memref<10000x128xf32, #tpu.memory_space<hbm>> -> memref<10000x128xf32, #tpu.memory_space<hbm>>
      tpu.wait_indirect_dma semaphore(%arg12 : memref<!tpu.dma_semaphore, #tpu.memory_space<semaphore_mem>>) src(%dma_wait3A_219 : memref<10000x128xf32, #tpu.memory_space<hbm>>) dst(%arg10 : memref<128x128xf32, #tpu.memory_space<vmem>>)
      "tpu.region"() ({
        %run_scoped3A = tpu.sem_alloc : memref<!tpu.dma_semaphore, #tpu.memory_space<semaphore_mem>>
        %dma_start3A_314 = arith.constant 0 : i32
        %dma_start3A_315 = tpu.memref_slice %arg7[%add3A_212, %dma_start3A_314] : memref<80x128xi32, #tpu.memory_space<vmem>> -> memref<1x128xi32, #tpu.memory_space<vmem>>
        %dma_start3A_316 = tpu.memref_squeeze %dma_start3A_315 : memref<1x128xi32, #tpu.memory_space<vmem>> -> memref<128xi32, #tpu.memory_space<vmem>>
        %dma_start3A_317 = arith.constant 0 : i32
        %dma_start3A_318 = arith.constant 0 : i32
        %dma_start3A_319 = tpu.memref_slice %arg16[%dma_start3A_317, %dma_start3A_318] : memref<10240x128xf32, #tpu.memory_space<vmem_shared>> -> memref<10240x128xf32, #tpu.memory_space<vmem_shared>>
        tpu.enqueue_indirect_dma source(%arg10 : memref<128x128xf32, #tpu.memory_space<vmem>>) target(%dma_start3A_319 : memref<10240x128xf32, #tpu.memory_space<vmem_shared>>) offsets(%dma_start3A_316 : memref<128xi32, #tpu.memory_space<vmem>>) semaphore(%run_scoped3A : memref<!tpu.dma_semaphore, #tpu.memory_space<semaphore_mem>>) {add = true}
        %dma_wait3A_320 = arith.constant 0 : i32
        %dma_wait3A_321 = tpu.memref_slice %arg7[%add3A_212, %dma_wait3A_320] : memref<80x128xi32, #tpu.memory_space<vmem>> -> memref<1x128xi32, #tpu.memory_space<vmem>>
        %dma_wait3A_322 = tpu.memref_squeeze %dma_wait3A_321 : memref<1x128xi32, #tpu.memory_space<vmem>> -> memref<128xi32, #tpu.memory_space<vmem>>
        %dma_wait3A_323 = arith.constant 0 : i32
        %dma_wait3A_324 = arith.constant 0 : i32
        %dma_wait3A_325 = tpu.memref_slice %arg16[%dma_wait3A_323, %dma_wait3A_324] : memref<10240x128xf32, #tpu.memory_space<vmem_shared>> -> memref<10240x128xf32, #tpu.memory_space<vmem_shared>>
        tpu.wait_indirect_dma semaphore(%run_scoped3A : memref<!tpu.dma_semaphore, #tpu.memory_space<semaphore_mem>>) src(%arg10 : memref<128x128xf32, #tpu.memory_space<vmem>>) dst(%dma_wait3A_325 : memref<10240x128xf32, #tpu.memory_space<vmem_shared>>)
        tpu.yield
      }) : () -> ()
      %dma_start3A_220 = arith.constant 4 : i32
      %dma_start3A_221 = arith.constant 0 : i32
      %dma_start3A_222 = tpu.memref_slice %arg9[%dma_start3A_220, %dma_start3A_221] : memref<8x128xi32, #tpu.memory_space<vmem>> -> memref<1x128xi32, #tpu.memory_space<vmem>>
      %dma_start3A_223 = tpu.memref_squeeze %dma_start3A_222 : memref<1x128xi32, #tpu.memory_space<vmem>> -> memref<128xi32, #tpu.memory_space<vmem>>
      %dma_start3A_224 = arith.constant 0 : i32
      %dma_start3A_225 = arith.constant 0 : i32
      %dma_start3A_226 = tpu.memref_slice %arg2[%dma_start3A_224, %dma_start3A_225] : memref<10000x128xf32, #tpu.memory_space<hbm>> -> memref<10000x128xf32, #tpu.memory_space<hbm>>
      tpu.enqueue_indirect_dma source(%dma_start3A_226 : memref<10000x128xf32, #tpu.memory_space<hbm>>) target(%arg10 : memref<128x128xf32, #tpu.memory_space<vmem>>) offsets(%dma_start3A_223 : memref<128xi32, #tpu.memory_space<vmem>>) semaphore(%arg12 : memref<!tpu.dma_semaphore, #tpu.memory_space<semaphore_mem>>)
      %add3A_227 = arith.constant 11 : i32
      %add3A_228 = arith.addi %add3A_31, %add3A_227 : i32
      %dma_wait3A_229 = arith.constant 0 : i32
      %dma_wait3A_230 = arith.constant 0 : i32
      %dma_wait3A_231 = tpu.memref_slice %arg8[%dma_wait3A_229, %dma_wait3A_230] : memref<8x128xi32, #tpu.memory_space<vmem>> -> memref<1x128xi32, #tpu.memory_space<vmem>>
      %dma_wait3A_232 = tpu.memref_squeeze %dma_wait3A_231 : memref<1x128xi32, #tpu.memory_space<vmem>> -> memref<128xi32, #tpu.memory_space<vmem>>
      %dma_wait3A_233 = arith.constant 0 : i32
      %dma_wait3A_234 = arith.constant 0 : i32
      %dma_wait3A_235 = tpu.memref_slice %arg2[%dma_wait3A_233, %dma_wait3A_234] : memref<10000x128xf32, #tpu.memory_space<hbm>> -> memref<10000x128xf32, #tpu.memory_space<hbm>>
      tpu.wait_indirect_dma semaphore(%arg13 : memref<!tpu.dma_semaphore, #tpu.memory_space<semaphore_mem>>) src(%dma_wait3A_235 : memref<10000x128xf32, #tpu.memory_space<hbm>>) dst(%arg11 : memref<128x128xf32, #tpu.memory_space<vmem>>)
      "tpu.region"() ({
        %run_scoped3A = tpu.sem_alloc : memref<!tpu.dma_semaphore, #tpu.memory_space<semaphore_mem>>
        %dma_start3A_314 = arith.constant 0 : i32
        %dma_start3A_315 = tpu.memref_slice %arg7[%add3A_228, %dma_start3A_314] : memref<80x128xi32, #tpu.memory_space<vmem>> -> memref<1x128xi32, #tpu.memory_space<vmem>>
        %dma_start3A_316 = tpu.memref_squeeze %dma_start3A_315 : memref<1x128xi32, #tpu.memory_space<vmem>> -> memref<128xi32, #tpu.memory_space<vmem>>
        %dma_start3A_317 = arith.constant 0 : i32
        %dma_start3A_318 = arith.constant 0 : i32
        %dma_start3A_319 = tpu.memref_slice %arg16[%dma_start3A_317, %dma_start3A_318] : memref<10240x128xf32, #tpu.memory_space<vmem_shared>> -> memref<10240x128xf32, #tpu.memory_space<vmem_shared>>
        tpu.enqueue_indirect_dma source(%arg11 : memref<128x128xf32, #tpu.memory_space<vmem>>) target(%dma_start3A_319 : memref<10240x128xf32, #tpu.memory_space<vmem_shared>>) offsets(%dma_start3A_316 : memref<128xi32, #tpu.memory_space<vmem>>) semaphore(%run_scoped3A : memref<!tpu.dma_semaphore, #tpu.memory_space<semaphore_mem>>) {add = true}
        %dma_wait3A_320 = arith.constant 0 : i32
        %dma_wait3A_321 = tpu.memref_slice %arg7[%add3A_228, %dma_wait3A_320] : memref<80x128xi32, #tpu.memory_space<vmem>> -> memref<1x128xi32, #tpu.memory_space<vmem>>
        %dma_wait3A_322 = tpu.memref_squeeze %dma_wait3A_321 : memref<1x128xi32, #tpu.memory_space<vmem>> -> memref<128xi32, #tpu.memory_space<vmem>>
        %dma_wait3A_323 = arith.constant 0 : i32
        %dma_wait3A_324 = arith.constant 0 : i32
        %dma_wait3A_325 = tpu.memref_slice %arg16[%dma_wait3A_323, %dma_wait3A_324] : memref<10240x128xf32, #tpu.memory_space<vmem_shared>> -> memref<10240x128xf32, #tpu.memory_space<vmem_shared>>
        tpu.wait_indirect_dma semaphore(%run_scoped3A : memref<!tpu.dma_semaphore, #tpu.memory_space<semaphore_mem>>) src(%arg11 : memref<128x128xf32, #tpu.memory_space<vmem>>) dst(%dma_wait3A_325 : memref<10240x128xf32, #tpu.memory_space<vmem_shared>>)
        tpu.yield
      }) : () -> ()
      %dma_start3A_236 = arith.constant 5 : i32
      %dma_start3A_237 = arith.constant 0 : i32
      %dma_start3A_238 = tpu.memref_slice %arg9[%dma_start3A_236, %dma_start3A_237] : memref<8x128xi32, #tpu.memory_space<vmem>> -> memref<1x128xi32, #tpu.memory_space<vmem>>
      %dma_start3A_239 = tpu.memref_squeeze %dma_start3A_238 : memref<1x128xi32, #tpu.memory_space<vmem>> -> memref<128xi32, #tpu.memory_space<vmem>>
      %dma_start3A_240 = arith.constant 0 : i32
      %dma_start3A_241 = arith.constant 0 : i32
      %dma_start3A_242 = tpu.memref_slice %arg2[%dma_start3A_240, %dma_start3A_241] : memref<10000x128xf32, #tpu.memory_space<hbm>> -> memref<10000x128xf32, #tpu.memory_space<hbm>>
      tpu.enqueue_indirect_dma source(%dma_start3A_242 : memref<10000x128xf32, #tpu.memory_space<hbm>>) target(%arg11 : memref<128x128xf32, #tpu.memory_space<vmem>>) offsets(%dma_start3A_239 : memref<128xi32, #tpu.memory_space<vmem>>) semaphore(%arg13 : memref<!tpu.dma_semaphore, #tpu.memory_space<semaphore_mem>>)
      %add3A_243 = arith.constant 12 : i32
      %add3A_244 = arith.addi %add3A_31, %add3A_243 : i32
      %dma_wait3A_245 = arith.constant 0 : i32
      %dma_wait3A_246 = arith.constant 0 : i32
      %dma_wait3A_247 = tpu.memref_slice %arg8[%dma_wait3A_245, %dma_wait3A_246] : memref<8x128xi32, #tpu.memory_space<vmem>> -> memref<1x128xi32, #tpu.memory_space<vmem>>
      %dma_wait3A_248 = tpu.memref_squeeze %dma_wait3A_247 : memref<1x128xi32, #tpu.memory_space<vmem>> -> memref<128xi32, #tpu.memory_space<vmem>>
      %dma_wait3A_249 = arith.constant 0 : i32
      %dma_wait3A_250 = arith.constant 0 : i32
      %dma_wait3A_251 = tpu.memref_slice %arg2[%dma_wait3A_249, %dma_wait3A_250] : memref<10000x128xf32, #tpu.memory_space<hbm>> -> memref<10000x128xf32, #tpu.memory_space<hbm>>
      tpu.wait_indirect_dma semaphore(%arg12 : memref<!tpu.dma_semaphore, #tpu.memory_space<semaphore_mem>>) src(%dma_wait3A_251 : memref<10000x128xf32, #tpu.memory_space<hbm>>) dst(%arg10 : memref<128x128xf32, #tpu.memory_space<vmem>>)
      "tpu.region"() ({
        %run_scoped3A = tpu.sem_alloc : memref<!tpu.dma_semaphore, #tpu.memory_space<semaphore_mem>>
        %dma_start3A_314 = arith.constant 0 : i32
        %dma_start3A_315 = tpu.memref_slice %arg7[%add3A_244, %dma_start3A_314] : memref<80x128xi32, #tpu.memory_space<vmem>> -> memref<1x128xi32, #tpu.memory_space<vmem>>
        %dma_start3A_316 = tpu.memref_squeeze %dma_start3A_315 : memref<1x128xi32, #tpu.memory_space<vmem>> -> memref<128xi32, #tpu.memory_space<vmem>>
        %dma_start3A_317 = arith.constant 0 : i32
        %dma_start3A_318 = arith.constant 0 : i32
        %dma_start3A_319 = tpu.memref_slice %arg16[%dma_start3A_317, %dma_start3A_318] : memref<10240x128xf32, #tpu.memory_space<vmem_shared>> -> memref<10240x128xf32, #tpu.memory_space<vmem_shared>>
        tpu.enqueue_indirect_dma source(%arg10 : memref<128x128xf32, #tpu.memory_space<vmem>>) target(%dma_start3A_319 : memref<10240x128xf32, #tpu.memory_space<vmem_shared>>) offsets(%dma_start3A_316 : memref<128xi32, #tpu.memory_space<vmem>>) semaphore(%run_scoped3A : memref<!tpu.dma_semaphore, #tpu.memory_space<semaphore_mem>>) {add = true}
        %dma_wait3A_320 = arith.constant 0 : i32
        %dma_wait3A_321 = tpu.memref_slice %arg7[%add3A_244, %dma_wait3A_320] : memref<80x128xi32, #tpu.memory_space<vmem>> -> memref<1x128xi32, #tpu.memory_space<vmem>>
        %dma_wait3A_322 = tpu.memref_squeeze %dma_wait3A_321 : memref<1x128xi32, #tpu.memory_space<vmem>> -> memref<128xi32, #tpu.memory_space<vmem>>
        %dma_wait3A_323 = arith.constant 0 : i32
        %dma_wait3A_324 = arith.constant 0 : i32
        %dma_wait3A_325 = tpu.memref_slice %arg16[%dma_wait3A_323, %dma_wait3A_324] : memref<10240x128xf32, #tpu.memory_space<vmem_shared>> -> memref<10240x128xf32, #tpu.memory_space<vmem_shared>>
        tpu.wait_indirect_dma semaphore(%run_scoped3A : memref<!tpu.dma_semaphore, #tpu.memory_space<semaphore_mem>>) src(%arg10 : memref<128x128xf32, #tpu.memory_space<vmem>>) dst(%dma_wait3A_325 : memref<10240x128xf32, #tpu.memory_space<vmem_shared>>)
        tpu.yield
      }) : () -> ()
      %dma_start3A_252 = arith.constant 6 : i32
      %dma_start3A_253 = arith.constant 0 : i32
      %dma_start3A_254 = tpu.memref_slice %arg9[%dma_start3A_252, %dma_start3A_253] : memref<8x128xi32, #tpu.memory_space<vmem>> -> memref<1x128xi32, #tpu.memory_space<vmem>>
      %dma_start3A_255 = tpu.memref_squeeze %dma_start3A_254 : memref<1x128xi32, #tpu.memory_space<vmem>> -> memref<128xi32, #tpu.memory_space<vmem>>
      %dma_start3A_256 = arith.constant 0 : i32
      %dma_start3A_257 = arith.constant 0 : i32
      %dma_start3A_258 = tpu.memref_slice %arg2[%dma_start3A_256, %dma_start3A_257] : memref<10000x128xf32, #tpu.memory_space<hbm>> -> memref<10000x128xf32, #tpu.memory_space<hbm>>
      tpu.enqueue_indirect_dma source(%dma_start3A_258 : memref<10000x128xf32, #tpu.memory_space<hbm>>) target(%arg10 : memref<128x128xf32, #tpu.memory_space<vmem>>) offsets(%dma_start3A_255 : memref<128xi32, #tpu.memory_space<vmem>>) semaphore(%arg12 : memref<!tpu.dma_semaphore, #tpu.memory_space<semaphore_mem>>)
      %add3A_259 = arith.constant 13 : i32
      %add3A_260 = arith.addi %add3A_31, %add3A_259 : i32
      %dma_wait3A_261 = arith.constant 0 : i32
      %dma_wait3A_262 = arith.constant 0 : i32
      %dma_wait3A_263 = tpu.memref_slice %arg8[%dma_wait3A_261, %dma_wait3A_262] : memref<8x128xi32, #tpu.memory_space<vmem>> -> memref<1x128xi32, #tpu.memory_space<vmem>>
      %dma_wait3A_264 = tpu.memref_squeeze %dma_wait3A_263 : memref<1x128xi32, #tpu.memory_space<vmem>> -> memref<128xi32, #tpu.memory_space<vmem>>
      %dma_wait3A_265 = arith.constant 0 : i32
      %dma_wait3A_266 = arith.constant 0 : i32
      %dma_wait3A_267 = tpu.memref_slice %arg2[%dma_wait3A_265, %dma_wait3A_266] : memref<10000x128xf32, #tpu.memory_space<hbm>> -> memref<10000x128xf32, #tpu.memory_space<hbm>>
      tpu.wait_indirect_dma semaphore(%arg13 : memref<!tpu.dma_semaphore, #tpu.memory_space<semaphore_mem>>) src(%dma_wait3A_267 : memref<10000x128xf32, #tpu.memory_space<hbm>>) dst(%arg11 : memref<128x128xf32, #tpu.memory_space<vmem>>)
      "tpu.region"() ({
        %run_scoped3A = tpu.sem_alloc : memref<!tpu.dma_semaphore, #tpu.memory_space<semaphore_mem>>
        %dma_start3A_314 = arith.constant 0 : i32
        %dma_start3A_315 = tpu.memref_slice %arg7[%add3A_260, %dma_start3A_314] : memref<80x128xi32, #tpu.memory_space<vmem>> -> memref<1x128xi32, #tpu.memory_space<vmem>>
        %dma_start3A_316 = tpu.memref_squeeze %dma_start3A_315 : memref<1x128xi32, #tpu.memory_space<vmem>> -> memref<128xi32, #tpu.memory_space<vmem>>
        %dma_start3A_317 = arith.constant 0 : i32
        %dma_start3A_318 = arith.constant 0 : i32
        %dma_start3A_319 = tpu.memref_slice %arg16[%dma_start3A_317, %dma_start3A_318] : memref<10240x128xf32, #tpu.memory_space<vmem_shared>> -> memref<10240x128xf32, #tpu.memory_space<vmem_shared>>
        tpu.enqueue_indirect_dma source(%arg11 : memref<128x128xf32, #tpu.memory_space<vmem>>) target(%dma_start3A_319 : memref<10240x128xf32, #tpu.memory_space<vmem_shared>>) offsets(%dma_start3A_316 : memref<128xi32, #tpu.memory_space<vmem>>) semaphore(%run_scoped3A : memref<!tpu.dma_semaphore, #tpu.memory_space<semaphore_mem>>) {add = true}
        %dma_wait3A_320 = arith.constant 0 : i32
        %dma_wait3A_321 = tpu.memref_slice %arg7[%add3A_260, %dma_wait3A_320] : memref<80x128xi32, #tpu.memory_space<vmem>> -> memref<1x128xi32, #tpu.memory_space<vmem>>
        %dma_wait3A_322 = tpu.memref_squeeze %dma_wait3A_321 : memref<1x128xi32, #tpu.memory_space<vmem>> -> memref<128xi32, #tpu.memory_space<vmem>>
        %dma_wait3A_323 = arith.constant 0 : i32
        %dma_wait3A_324 = arith.constant 0 : i32
        %dma_wait3A_325 = tpu.memref_slice %arg16[%dma_wait3A_323, %dma_wait3A_324] : memref<10240x128xf32, #tpu.memory_space<vmem_shared>> -> memref<10240x128xf32, #tpu.memory_space<vmem_shared>>
        tpu.wait_indirect_dma semaphore(%run_scoped3A : memref<!tpu.dma_semaphore, #tpu.memory_space<semaphore_mem>>) src(%arg11 : memref<128x128xf32, #tpu.memory_space<vmem>>) dst(%dma_wait3A_325 : memref<10240x128xf32, #tpu.memory_space<vmem_shared>>)
        tpu.yield
      }) : () -> ()
      %dma_start3A_268 = arith.constant 7 : i32
      %dma_start3A_269 = arith.constant 0 : i32
      %dma_start3A_270 = tpu.memref_slice %arg9[%dma_start3A_268, %dma_start3A_269] : memref<8x128xi32, #tpu.memory_space<vmem>> -> memref<1x128xi32, #tpu.memory_space<vmem>>
      %dma_start3A_271 = tpu.memref_squeeze %dma_start3A_270 : memref<1x128xi32, #tpu.memory_space<vmem>> -> memref<128xi32, #tpu.memory_space<vmem>>
      %dma_start3A_272 = arith.constant 0 : i32
      %dma_start3A_273 = arith.constant 0 : i32
      %dma_start3A_274 = tpu.memref_slice %arg2[%dma_start3A_272, %dma_start3A_273] : memref<10000x128xf32, #tpu.memory_space<hbm>> -> memref<10000x128xf32, #tpu.memory_space<hbm>>
      tpu.enqueue_indirect_dma source(%dma_start3A_274 : memref<10000x128xf32, #tpu.memory_space<hbm>>) target(%arg11 : memref<128x128xf32, #tpu.memory_space<vmem>>) offsets(%dma_start3A_271 : memref<128xi32, #tpu.memory_space<vmem>>) semaphore(%arg13 : memref<!tpu.dma_semaphore, #tpu.memory_space<semaphore_mem>>)
      %add3A_275 = arith.constant 14 : i32
      %add3A_276 = arith.addi %add3A_31, %add3A_275 : i32
      %add3A_277 = arith.constant 16 : i32
      %add3A_278 = arith.addi %add3A_31, %add3A_277 : i32
      %lt3A_279 = arith.constant 80 : i32
      %lt3A_280 = arith.cmpi slt, %add3A_278, %lt3A_279 : i32
      %convert_element_type3A_281 = arith.extui %lt3A_280 : i1 to i32
      %cond3A_282 = arith.constant 0 : i32
      %cond3A_283 = arith.cmpi ne, %convert_element_type3A_281, %cond3A_282 : i32
      scf.if %cond3A_283 {
        %add3A_314 = arith.constant 16 : i32
        %add3A_315 = arith.addi %add3A_31, %add3A_314 : i32
        %dma_wait3A_316 = arith.constant 0 : i32
        %dma_wait3A_317 = tpu.memref_slice %arg3[%add3A, %add3A_315, %dma_wait3A_316] : memref<32x80x128xi32, #tpu.memory_space<hbm>> -> memref<1x8x128xi32, #tpu.memory_space<hbm>>
        %dma_wait3A_318 = tpu.memref_squeeze %dma_wait3A_317 : memref<1x8x128xi32, #tpu.memory_space<hbm>> -> memref<8x128xi32, #tpu.memory_space<hbm>>
        %dma_wait3A_319 = arith.constant 0 : i32
        %dma_wait3A_320 = tpu.memref_slice %arg3[%add3A, %add3A_315, %dma_wait3A_319] : memref<32x80x128xi32, #tpu.memory_space<hbm>> -> memref<1x8x128xi32, #tpu.memory_space<hbm>>
        %dma_wait3A_321 = tpu.memref_squeeze %dma_wait3A_320 : memref<1x8x128xi32, #tpu.memory_space<hbm>> -> memref<8x128xi32, #tpu.memory_space<hbm>>
        tpu.wait_dma2 semaphore(%arg14 : memref<!tpu.dma_semaphore, #tpu.memory_space<semaphore_mem>>) src(%dma_wait3A_321 : memref<8x128xi32, #tpu.memory_space<hbm>>) dst(%arg8 : memref<8x128xi32, #tpu.memory_space<vmem>>)
      } else {
      }
      %dma_wait3A_284 = arith.constant 0 : i32
      %dma_wait3A_285 = arith.constant 0 : i32
      %dma_wait3A_286 = tpu.memref_slice %arg8[%dma_wait3A_284, %dma_wait3A_285] : memref<8x128xi32, #tpu.memory_space<vmem>> -> memref<1x128xi32, #tpu.memory_space<vmem>>
      %dma_wait3A_287 = tpu.memref_squeeze %dma_wait3A_286 : memref<1x128xi32, #tpu.memory_space<vmem>> -> memref<128xi32, #tpu.memory_space<vmem>>
      %dma_wait3A_288 = arith.constant 0 : i32
      %dma_wait3A_289 = arith.constant 0 : i32
      %dma_wait3A_290 = tpu.memref_slice %arg2[%dma_wait3A_288, %dma_wait3A_289] : memref<10000x128xf32, #tpu.memory_space<hbm>> -> memref<10000x128xf32, #tpu.memory_space<hbm>>
      tpu.wait_indirect_dma semaphore(%arg12 : memref<!tpu.dma_semaphore, #tpu.memory_space<semaphore_mem>>) src(%dma_wait3A_290 : memref<10000x128xf32, #tpu.memory_space<hbm>>) dst(%arg10 : memref<128x128xf32, #tpu.memory_space<vmem>>)
      "tpu.region"() ({
        %run_scoped3A = tpu.sem_alloc : memref<!tpu.dma_semaphore, #tpu.memory_space<semaphore_mem>>
        %dma_start3A_314 = arith.constant 0 : i32
        %dma_start3A_315 = tpu.memref_slice %arg7[%add3A_276, %dma_start3A_314] : memref<80x128xi32, #tpu.memory_space<vmem>> -> memref<1x128xi32, #tpu.memory_space<vmem>>
        %dma_start3A_316 = tpu.memref_squeeze %dma_start3A_315 : memref<1x128xi32, #tpu.memory_space<vmem>> -> memref<128xi32, #tpu.memory_space<vmem>>
        %dma_start3A_317 = arith.constant 0 : i32
        %dma_start3A_318 = arith.constant 0 : i32
        %dma_start3A_319 = tpu.memref_slice %arg16[%dma_start3A_317, %dma_start3A_318] : memref<10240x128xf32, #tpu.memory_space<vmem_shared>> -> memref<10240x128xf32, #tpu.memory_space<vmem_shared>>
        tpu.enqueue_indirect_dma source(%arg10 : memref<128x128xf32, #tpu.memory_space<vmem>>) target(%dma_start3A_319 : memref<10240x128xf32, #tpu.memory_space<vmem_shared>>) offsets(%dma_start3A_316 : memref<128xi32, #tpu.memory_space<vmem>>) semaphore(%run_scoped3A : memref<!tpu.dma_semaphore, #tpu.memory_space<semaphore_mem>>) {add = true}
        %dma_wait3A_320 = arith.constant 0 : i32
        %dma_wait3A_321 = tpu.memref_slice %arg7[%add3A_276, %dma_wait3A_320] : memref<80x128xi32, #tpu.memory_space<vmem>> -> memref<1x128xi32, #tpu.memory_space<vmem>>
        %dma_wait3A_322 = tpu.memref_squeeze %dma_wait3A_321 : memref<1x128xi32, #tpu.memory_space<vmem>> -> memref<128xi32, #tpu.memory_space<vmem>>
        %dma_wait3A_323 = arith.constant 0 : i32
        %dma_wait3A_324 = arith.constant 0 : i32
        %dma_wait3A_325 = tpu.memref_slice %arg16[%dma_wait3A_323, %dma_wait3A_324] : memref<10240x128xf32, #tpu.memory_space<vmem_shared>> -> memref<10240x128xf32, #tpu.memory_space<vmem_shared>>
        tpu.wait_indirect_dma semaphore(%run_scoped3A : memref<!tpu.dma_semaphore, #tpu.memory_space<semaphore_mem>>) src(%arg10 : memref<128x128xf32, #tpu.memory_space<vmem>>) dst(%dma_wait3A_325 : memref<10240x128xf32, #tpu.memory_space<vmem_shared>>)
        tpu.yield
      }) : () -> ()
      %add3A_291 = arith.constant 16 : i32
      %add3A_292 = arith.addi %add3A_31, %add3A_291 : i32
      %lt3A_293 = arith.constant 80 : i32
      %lt3A_294 = arith.cmpi slt, %add3A_292, %lt3A_293 : i32
      %convert_element_type3A_295 = arith.extui %lt3A_294 : i1 to i32
      %cond3A_296 = arith.constant 0 : i32
      %cond3A_297 = arith.cmpi ne, %convert_element_type3A_295, %cond3A_296 : i32
      scf.if %cond3A_297 {
        %dma_start3A_314 = arith.constant 0 : i32
        %dma_start3A_315 = arith.constant 0 : i32
        %dma_start3A_316 = tpu.memref_slice %arg8[%dma_start3A_314, %dma_start3A_315] : memref<8x128xi32, #tpu.memory_space<vmem>> -> memref<1x128xi32, #tpu.memory_space<vmem>>
        %dma_start3A_317 = tpu.memref_squeeze %dma_start3A_316 : memref<1x128xi32, #tpu.memory_space<vmem>> -> memref<128xi32, #tpu.memory_space<vmem>>
        %dma_start3A_318 = arith.constant 0 : i32
        %dma_start3A_319 = arith.constant 0 : i32
        %dma_start3A_320 = tpu.memref_slice %arg2[%dma_start3A_318, %dma_start3A_319] : memref<10000x128xf32, #tpu.memory_space<hbm>> -> memref<10000x128xf32, #tpu.memory_space<hbm>>
        tpu.enqueue_indirect_dma source(%dma_start3A_320 : memref<10000x128xf32, #tpu.memory_space<hbm>>) target(%arg10 : memref<128x128xf32, #tpu.memory_space<vmem>>) offsets(%dma_start3A_317 : memref<128xi32, #tpu.memory_space<vmem>>) semaphore(%arg12 : memref<!tpu.dma_semaphore, #tpu.memory_space<semaphore_mem>>)
      } else {
      }
      %add3A_298 = arith.constant 15 : i32
      %add3A_299 = arith.addi %add3A_31, %add3A_298 : i32
      %dma_wait3A_300 = arith.constant 0 : i32
      %dma_wait3A_301 = arith.constant 0 : i32
      %dma_wait3A_302 = tpu.memref_slice %arg8[%dma_wait3A_300, %dma_wait3A_301] : memref<8x128xi32, #tpu.memory_space<vmem>> -> memref<1x128xi32, #tpu.memory_space<vmem>>
      %dma_wait3A_303 = tpu.memref_squeeze %dma_wait3A_302 : memref<1x128xi32, #tpu.memory_space<vmem>> -> memref<128xi32, #tpu.memory_space<vmem>>
      %dma_wait3A_304 = arith.constant 0 : i32
      %dma_wait3A_305 = arith.constant 0 : i32
      %dma_wait3A_306 = tpu.memref_slice %arg2[%dma_wait3A_304, %dma_wait3A_305] : memref<10000x128xf32, #tpu.memory_space<hbm>> -> memref<10000x128xf32, #tpu.memory_space<hbm>>
      tpu.wait_indirect_dma semaphore(%arg13 : memref<!tpu.dma_semaphore, #tpu.memory_space<semaphore_mem>>) src(%dma_wait3A_306 : memref<10000x128xf32, #tpu.memory_space<hbm>>) dst(%arg11 : memref<128x128xf32, #tpu.memory_space<vmem>>)
      "tpu.region"() ({
        %run_scoped3A = tpu.sem_alloc : memref<!tpu.dma_semaphore, #tpu.memory_space<semaphore_mem>>
        %dma_start3A_314 = arith.constant 0 : i32
        %dma_start3A_315 = tpu.memref_slice %arg7[%add3A_299, %dma_start3A_314] : memref<80x128xi32, #tpu.memory_space<vmem>> -> memref<1x128xi32, #tpu.memory_space<vmem>>
        %dma_start3A_316 = tpu.memref_squeeze %dma_start3A_315 : memref<1x128xi32, #tpu.memory_space<vmem>> -> memref<128xi32, #tpu.memory_space<vmem>>
        %dma_start3A_317 = arith.constant 0 : i32
        %dma_start3A_318 = arith.constant 0 : i32
        %dma_start3A_319 = tpu.memref_slice %arg16[%dma_start3A_317, %dma_start3A_318] : memref<10240x128xf32, #tpu.memory_space<vmem_shared>> -> memref<10240x128xf32, #tpu.memory_space<vmem_shared>>
        tpu.enqueue_indirect_dma source(%arg11 : memref<128x128xf32, #tpu.memory_space<vmem>>) target(%dma_start3A_319 : memref<10240x128xf32, #tpu.memory_space<vmem_shared>>) offsets(%dma_start3A_316 : memref<128xi32, #tpu.memory_space<vmem>>) semaphore(%run_scoped3A : memref<!tpu.dma_semaphore, #tpu.memory_space<semaphore_mem>>) {add = true}
        %dma_wait3A_320 = arith.constant 0 : i32
        %dma_wait3A_321 = tpu.memref_slice %arg7[%add3A_299, %dma_wait3A_320] : memref<80x128xi32, #tpu.memory_space<vmem>> -> memref<1x128xi32, #tpu.memory_space<vmem>>
        %dma_wait3A_322 = tpu.memref_squeeze %dma_wait3A_321 : memref<1x128xi32, #tpu.memory_space<vmem>> -> memref<128xi32, #tpu.memory_space<vmem>>
        %dma_wait3A_323 = arith.constant 0 : i32
        %dma_wait3A_324 = arith.constant 0 : i32
        %dma_wait3A_325 = tpu.memref_slice %arg16[%dma_wait3A_323, %dma_wait3A_324] : memref<10240x128xf32, #tpu.memory_space<vmem_shared>> -> memref<10240x128xf32, #tpu.memory_space<vmem_shared>>
        tpu.wait_indirect_dma semaphore(%run_scoped3A : memref<!tpu.dma_semaphore, #tpu.memory_space<semaphore_mem>>) src(%arg11 : memref<128x128xf32, #tpu.memory_space<vmem>>) dst(%dma_wait3A_325 : memref<10240x128xf32, #tpu.memory_space<vmem_shared>>)
        tpu.yield
      }) : () -> ()
      %add3A_307 = arith.constant 16 : i32
      %add3A_308 = arith.addi %add3A_31, %add3A_307 : i32
      %lt3A_309 = arith.constant 80 : i32
      %lt3A_310 = arith.cmpi slt, %add3A_308, %lt3A_309 : i32
      %convert_element_type3A_311 = arith.extui %lt3A_310 : i1 to i32
      %cond3A_312 = arith.constant 0 : i32
      %cond3A_313 = arith.cmpi ne, %convert_element_type3A_311, %cond3A_312 : i32
      scf.if %cond3A_313 {
        %dma_start3A_314 = arith.constant 1 : i32
        %dma_start3A_315 = arith.constant 0 : i32
        %dma_start3A_316 = tpu.memref_slice %arg8[%dma_start3A_314, %dma_start3A_315] : memref<8x128xi32, #tpu.memory_space<vmem>> -> memref<1x128xi32, #tpu.memory_space<vmem>>
        %dma_start3A_317 = tpu.memref_squeeze %dma_start3A_316 : memref<1x128xi32, #tpu.memory_space<vmem>> -> memref<128xi32, #tpu.memory_space<vmem>>
        %dma_start3A_318 = arith.constant 0 : i32
        %dma_start3A_319 = arith.constant 0 : i32
        %dma_start3A_320 = tpu.memref_slice %arg2[%dma_start3A_318, %dma_start3A_319] : memref<10000x128xf32, #tpu.memory_space<hbm>> -> memref<10000x128xf32, #tpu.memory_space<hbm>>
        tpu.enqueue_indirect_dma source(%dma_start3A_320 : memref<10000x128xf32, #tpu.memory_space<hbm>>) target(%arg11 : memref<128x128xf32, #tpu.memory_space<vmem>>) offsets(%dma_start3A_317 : memref<128xi32, #tpu.memory_space<vmem>>) semaphore(%arg13 : memref<!tpu.dma_semaphore, #tpu.memory_space<semaphore_mem>>)
      } else {
      }
    }
    %scan3A_21 = arith.constant 5 : i32
    %barrier3A_22 = arith.constant 0 : index
    tpu.barrier barrier_id(%barrier3A_22)
    %mul3A_23 = arith.constant 640 : i32
    %mul3A_24 = arith.muli %arg1, %mul3A_23 : i32
    %mul3A_25 = arith.constant 640 : i32
    %mul3A_26 = arith.muli %arg1, %mul3A_25 : i32
    "tpu.region"() ({
      %run_scoped3A = tpu.sem_alloc : memref<!tpu.dma_semaphore, #tpu.memory_space<semaphore_mem>>
      %dma_start3A_27 = arith.constant 0 : i32
      %dma_start3A_28 = tpu.memref_slice %arg6[%arg0, %mul3A_26, %dma_start3A_27] : memref<2x10240x128xf32, #tpu.memory_space<hbm>> -> memref<1x640x128xf32, #tpu.memory_space<hbm>>
      %dma_start3A_29 = tpu.memref_squeeze %dma_start3A_28 : memref<1x640x128xf32, #tpu.memory_space<hbm>> -> memref<640x128xf32, #tpu.memory_space<hbm>>
      %dma_start3A_30 = arith.constant 0 : i32
      %dma_start3A_31 = tpu.memref_slice %arg16[%mul3A_24, %dma_start3A_30] : memref<10240x128xf32, #tpu.memory_space<vmem_shared>> -> memref<640x128xf32, #tpu.memory_space<vmem_shared>>
      tpu.enqueue_dma source(%dma_start3A_31 : memref<640x128xf32, #tpu.memory_space<vmem_shared>>) target(%dma_start3A_29 : memref<640x128xf32, #tpu.memory_space<hbm>>) target_semaphore(%run_scoped3A : memref<!tpu.dma_semaphore, #tpu.memory_space<semaphore_mem>>)
      %dma_wait3A = arith.constant 0 : i32
      %dma_wait3A_32 = tpu.memref_slice %arg6[%arg0, %mul3A_26, %dma_wait3A] : memref<2x10240x128xf32, #tpu.memory_space<hbm>> -> memref<1x640x128xf32, #tpu.memory_space<hbm>>
      %dma_wait3A_33 = tpu.memref_squeeze %dma_wait3A_32 : memref<1x640x128xf32, #tpu.memory_space<hbm>> -> memref<640x128xf32, #tpu.memory_space<hbm>>
      %dma_wait3A_34 = arith.constant 0 : i32
      %dma_wait3A_35 = tpu.memref_slice %arg16[%mul3A_24, %dma_wait3A_34] : memref<10240x128xf32, #tpu.memory_space<vmem_shared>> -> memref<640x128xf32, #tpu.memory_space<vmem_shared>>
      tpu.wait_dma2 semaphore(%run_scoped3A : memref<!tpu.dma_semaphore, #tpu.memory_space<semaphore_mem>>) src(%dma_wait3A_35 : memref<640x128xf32, #tpu.memory_space<vmem_shared>>) dst(%dma_wait3A_33 : memref<640x128xf32, #tpu.memory_space<hbm>>)
      tpu.yield
    }) : () -> ()
    return
  }
}

module attributes {stable_mosaic.version = 14 : i64} {
  func.func @_dinv_scale_body(%arg0: i32, %arg1: memref<2x1000x1xf32, #tpu.memory_space<vmem>>, %arg2: memref<1000x128xf32, #tpu.memory_space<vmem>>, %arg3: memref<128x128xf32, #tpu.memory_space<vmem>>, %arg4: memref<1000x128xf32, #tpu.memory_space<vmem>>, %arg5: memref<1000x128xf32, #tpu.memory_space<vmem>>) attributes {dimension_semantics = [#tpu.dimension_semantics<arbitrary>], iteration_bounds = array<i64: 10>, scalar_prefetch = 0 : i64, scratch_operands = 0 : i64, tpu.core_type = #tpu.core_type<tc>, window_params = [{transform_indices = @transform_0, window_bounds = array<i64: 2, 1000, 1>}, {transform_indices = @transform_1, window_bounds = array<i64: 1000, 128>}, {pipeline_mode = #tpu.pipeline_mode<synchronous>, transform_indices = @transform_2, window_bounds = array<i64: 128, 128>}, {transform_indices = @transform_3, window_bounds = array<i64: 1000, 128>}, {transform_indices = @transform_4, window_bounds = array<i64: 1000, 128>}]} {
    %get3A = arith.constant 0 : index
    %get3A_0 = arith.constant 0 : index
    %get3A_1 = arith.constant 0 : index
    %get3A_2 = vector.load %arg1[%get3A, %get3A_0, %get3A_1] : memref<2x1000x1xf32, #tpu.memory_space<vmem>>, vector<1x1000x1xf32>
    %get3A_3 = vector.shape_cast %get3A_2 : vector<1x1000x1xf32> to vector<1000x1xf32>
    %get3A_4 = arith.constant 1 : index
    %get3A_5 = arith.constant 0 : index
    %get3A_6 = arith.constant 0 : index
    %get3A_7 = vector.load %arg1[%get3A_4, %get3A_5, %get3A_6] : memref<2x1000x1xf32, #tpu.memory_space<vmem>>, vector<1x1000x1xf32>
    %get3A_8 = vector.shape_cast %get3A_7 : vector<1x1000x1xf32> to vector<1000x1xf32>
    %add3A = arith.addf %get3A_3, %get3A_8 : vector<1000x1xf32>
    %add3A_9 = arith.constant 1.000000e+00 : f32
    %add3A_10 = vector.broadcast %add3A_9 : f32 to vector<1000x1xf32>
    %add3A_11 = arith.addf %add3A, %add3A_10 : vector<1000x1xf32>
    %rsqrt3A = math.rsqrt %add3A_11 : vector<1000x1xf32>
    %get3A_12 = arith.constant 0 : index
    %get3A_13 = arith.constant 0 : index
    %get3A_14 = vector.load %arg2[%get3A_12, %get3A_13] : memref<1000x128xf32, #tpu.memory_space<vmem>>, vector<1000x128xf32>
    %get3A_15 = arith.constant 0 : index
    %get3A_16 = arith.constant 0 : index
    %get3A_17 = vector.load %arg3[%get3A_15, %get3A_16] : memref<128x128xf32, #tpu.memory_space<vmem>>, vector<128x128xf32>
    %dot_general3A = arith.constant dense<0.000000e+00> : vector<1000x128xf32>
    %dot_general3A_18 = tpu.matmul %get3A_14, %get3A_17, %dot_general3A {dimension_numbers = #tpu.dot_dimension_numbers<[1], [0], [0], [1], [0, 0, 1, 1], [], []>, transpose_lhs_hint = false} : vector<1000x128xf32>, vector<128x128xf32>, vector<1000x128xf32> -> vector<1000x128xf32>
    %broadcast_in_dim3A = vector.shape_cast %rsqrt3A : vector<1000x1xf32> to vector<1000x1xf32>
    %broadcast_in_dim3A_19 = vector.broadcast %broadcast_in_dim3A : vector<1000x1xf32> to vector<1000x128xf32>
    %swap3A = arith.constant 0 : index
    %swap3A_20 = arith.constant 0 : index
    %swap3A_21 = vector.load %arg4[%swap3A, %swap3A_20] : memref<1000x128xf32, #tpu.memory_space<vmem>>, vector<1000x128xf32>
    tpu.vector_store %arg4[%swap3A, %swap3A_20], %broadcast_in_dim3A_19 {strides = array<i32>} : memref<1000x128xf32, #tpu.memory_space<vmem>>, vector<1000x128xf32>,
    %mul3A = arith.mulf %broadcast_in_dim3A_19, %dot_general3A_18 : vector<1000x128xf32>
    %swap3A_22 = arith.constant 0 : index
    %swap3A_23 = arith.constant 0 : index
    %swap3A_24 = vector.load %arg5[%swap3A_22, %swap3A_23] : memref<1000x128xf32, #tpu.memory_space<vmem>>, vector<1000x128xf32>
    tpu.vector_store %arg5[%swap3A_22, %swap3A_23], %mul3A {strides = array<i32>} : memref<1000x128xf32, #tpu.memory_space<vmem>>, vector<1000x128xf32>,
    return
  }
  func.func @transform_0(%arg0: i32) -> (i32, i32, i32) {
    %c0_i32 = arith.constant 0 : i32
    %c0_i32_0 = arith.constant 0 : i32
    %c0_i32_1 = arith.constant 0 : i32
    return %c0_i32, %arg0, %c0_i32_0 : i32, i32, i32
  }
  func.func @transform_1(%arg0: i32) -> (i32, i32) {
    %c0_i32 = arith.constant 0 : i32
    %c0_i32_0 = arith.constant 0 : i32
    return %arg0, %c0_i32 : i32, i32
  }
  func.func @transform_2(%arg0: i32) -> (i32, i32) {
    %c0_i32 = arith.constant 0 : i32
    %c0_i32_0 = arith.constant 0 : i32
    %c0_i32_1 = arith.constant 0 : i32
    return %c0_i32, %c0_i32_0 : i32, i32
  }
  func.func @transform_3(%arg0: i32) -> (i32, i32) {
    %c0_i32 = arith.constant 0 : i32
    %c0_i32_0 = arith.constant 0 : i32
    return %arg0, %c0_i32 : i32, i32
  }
  func.func @transform_4(%arg0: i32) -> (i32, i32) {
    %c0_i32 = arith.constant 0 : i32
    %c0_i32_0 = arith.constant 0 : i32
    return %arg0, %c0_i32 : i32, i32
  }
}

module attributes {stable_mosaic.version = 14 : i64} {
  func.func @_layer_body(%arg0: i32, %arg1: memref<2x1000x128xf32, #tpu.memory_space<vmem>>, %arg2: memref<1000x128xf32, #tpu.memory_space<vmem>>, %arg3: memref<1000x128xf32, #tpu.memory_space<vmem>>, %arg4: memref<1x128xf32, #tpu.memory_space<vmem>>, %arg5: memref<128x128xf32, #tpu.memory_space<vmem>>, %arg6: memref<1000x128xf32, #tpu.memory_space<vmem>>, %arg7: memref<1000x128xf32, #tpu.memory_space<vmem>>) attributes {dimension_semantics = [#tpu.dimension_semantics<arbitrary>], iteration_bounds = array<i64: 10>, scalar_prefetch = 0 : i64, scratch_operands = 0 : i64, tpu.core_type = #tpu.core_type<tc>, window_params = [{transform_indices = @transform_0, window_bounds = array<i64: 2, 1000, 128>}, {transform_indices = @transform_1, window_bounds = array<i64: 1000, 128>}, {transform_indices = @transform_2, window_bounds = array<i64: 1000, 128>}, {pipeline_mode = #tpu.pipeline_mode<synchronous>, transform_indices = @transform_3, window_bounds = array<i64: 1, 128>}, {pipeline_mode = #tpu.pipeline_mode<synchronous>, transform_indices = @transform_4, window_bounds = array<i64: 128, 128>}, {transform_indices = @transform_5, window_bounds = array<i64: 1000, 128>}, {transform_indices = @transform_6, window_bounds = array<i64: 1000, 128>}]} {
    %get3A = arith.constant 0 : index
    %get3A_0 = arith.constant 0 : index
    %get3A_1 = arith.constant 0 : index
    %get3A_2 = vector.load %arg1[%get3A, %get3A_0, %get3A_1] : memref<2x1000x128xf32, #tpu.memory_space<vmem>>, vector<1x1000x128xf32>
    %get3A_3 = vector.shape_cast %get3A_2 : vector<1x1000x128xf32> to vector<1000x128xf32>
    %get3A_4 = arith.constant 1 : index
    %get3A_5 = arith.constant 0 : index
    %get3A_6 = arith.constant 0 : index
    %get3A_7 = vector.load %arg1[%get3A_4, %get3A_5, %get3A_6] : memref<2x1000x128xf32, #tpu.memory_space<vmem>>, vector<1x1000x128xf32>
    %get3A_8 = vector.shape_cast %get3A_7 : vector<1x1000x128xf32> to vector<1000x128xf32>
    %add3A = arith.addf %get3A_3, %get3A_8 : vector<1000x128xf32>
    %get3A_9 = arith.constant 0 : index
    %get3A_10 = arith.constant 0 : index
    %get3A_11 = vector.load %arg2[%get3A_9, %get3A_10] : memref<1000x128xf32, #tpu.memory_space<vmem>>, vector<1000x128xf32>
    %add3A_12 = arith.addf %add3A, %get3A_11 : vector<1000x128xf32>
    %get3A_13 = arith.constant 0 : index
    %get3A_14 = arith.constant 0 : index
    %get3A_15 = vector.load %arg3[%get3A_13, %get3A_14] : memref<1000x128xf32, #tpu.memory_space<vmem>>, vector<1000x128xf32>
    %mul3A = arith.mulf %get3A_15, %add3A_12 : vector<1000x128xf32>
    %get3A_16 = arith.constant 0 : index
    %get3A_17 = arith.constant 0 : index
    %get3A_18 = vector.load %arg4[%get3A_16, %get3A_17] : memref<1x128xf32, #tpu.memory_space<vmem>>, vector<1x128xf32>
    %add3A_19 = vector.broadcast %get3A_18 : vector<1x128xf32> to vector<1000x128xf32>
    %add3A_20 = arith.addf %mul3A, %add3A_19 : vector<1000x128xf32>
    %max3A = arith.constant 0.000000e+00 : f32
    %max3A_21 = vector.broadcast %max3A : f32 to vector<1000x128xf32>
    %max3A_22 = arith.maximumf %add3A_20, %max3A_21 : vector<1000x128xf32>
    %swap3A = arith.constant 0 : index
    %swap3A_23 = arith.constant 0 : index
    %swap3A_24 = vector.load %arg6[%swap3A, %swap3A_23] : memref<1000x128xf32, #tpu.memory_space<vmem>>, vector<1000x128xf32>
    tpu.vector_store %arg6[%swap3A, %swap3A_23], %max3A_22 {strides = array<i32>} : memref<1000x128xf32, #tpu.memory_space<vmem>>, vector<1000x128xf32>,
    %get3A_25 = arith.constant 0 : index
    %get3A_26 = arith.constant 0 : index
    %get3A_27 = vector.load %arg3[%get3A_25, %get3A_26] : memref<1000x128xf32, #tpu.memory_space<vmem>>, vector<1000x128xf32>
    %get3A_28 = arith.constant 0 : index
    %get3A_29 = arith.constant 0 : index
    %get3A_30 = vector.load %arg5[%get3A_28, %get3A_29] : memref<128x128xf32, #tpu.memory_space<vmem>>, vector<128x128xf32>
    %dot_general3A = arith.constant dense<0.000000e+00> : vector<1000x128xf32>
    %dot_general3A_31 = tpu.matmul %max3A_22, %get3A_30, %dot_general3A {dimension_numbers = #tpu.dot_dimension_numbers<[1], [0], [0], [1], [0, 0, 1, 1], [], []>, transpose_lhs_hint = false} : vector<1000x128xf32>, vector<128x128xf32>, vector<1000x128xf32> -> vector<1000x128xf32>
    %mul3A_32 = arith.mulf %get3A_27, %dot_general3A_31 : vector<1000x128xf32>
    %swap3A_33 = arith.constant 0 : index
    %swap3A_34 = arith.constant 0 : index
    %swap3A_35 = vector.load %arg7[%swap3A_33, %swap3A_34] : memref<1000x128xf32, #tpu.memory_space<vmem>>, vector<1000x128xf32>
    tpu.vector_store %arg7[%swap3A_33, %swap3A_34], %mul3A_32 {strides = array<i32>} : memref<1000x128xf32, #tpu.memory_space<vmem>>, vector<1000x128xf32>,
    return
  }
  func.func @transform_0(%arg0: i32) -> (i32, i32, i32) {
    %c0_i32 = arith.constant 0 : i32
    %c0_i32_0 = arith.constant 0 : i32
    %c0_i32_1 = arith.constant 0 : i32
    return %c0_i32, %arg0, %c0_i32_0 : i32, i32, i32
  }
  func.func @transform_1(%arg0: i32) -> (i32, i32) {
    %c0_i32 = arith.constant 0 : i32
    %c0_i32_0 = arith.constant 0 : i32
    return %arg0, %c0_i32 : i32, i32
  }
  func.func @transform_2(%arg0: i32) -> (i32, i32) {
    %c0_i32 = arith.constant 0 : i32
    %c0_i32_0 = arith.constant 0 : i32
    return %arg0, %c0_i32 : i32, i32
  }
  func.func @transform_3(%arg0: i32) -> (i32, i32) {
    %c0_i32 = arith.constant 0 : i32
    %c0_i32_0 = arith.constant 0 : i32
    %c0_i32_1 = arith.constant 0 : i32
    return %c0_i32, %c0_i32_0 : i32, i32
  }
  func.func @transform_4(%arg0: i32) -> (i32, i32) {
    %c0_i32 = arith.constant 0 : i32
    %c0_i32_0 = arith.constant 0 : i32
    %c0_i32_1 = arith.constant 0 : i32
    return %c0_i32, %c0_i32_0 : i32, i32
  }
  func.func @transform_5(%arg0: i32) -> (i32, i32) {
    %c0_i32 = arith.constant 0 : i32
    %c0_i32_0 = arith.constant 0 : i32
    return %arg0, %c0_i32 : i32, i32
  }
  func.func @transform_6(%arg0: i32) -> (i32, i32) {
    %c0_i32 = arith.constant 0 : i32
    %c0_i32_0 = arith.constant 0 : i32
    return %arg0, %c0_i32 : i32, i32
  }
}

module attributes {stable_mosaic.version = 14 : i64} {
  func.func @_final_body(%arg0: i32, %arg1: memref<2x1000x128xf32, #tpu.memory_space<vmem>>, %arg2: memref<1000x128xf32, #tpu.memory_space<vmem>>, %arg3: memref<1000x128xf32, #tpu.memory_space<vmem>>, %arg4: memref<1x128xf32, #tpu.memory_space<vmem>>, %arg5: memref<1000x128xf32, #tpu.memory_space<vmem>>, %arg6: memref<1000x128xf32, #tpu.memory_space<vmem>>, %arg7: memref<1x128xf32, #tpu.memory_space<vmem>>, %arg8: memref<1x1xf32, #tpu.memory_space<smem>>, %arg9: memref<128x40xf32, #tpu.memory_space<vmem>>, %arg10: memref<1x40xf32, #tpu.memory_space<vmem>>, %arg11: memref<1000x40xf32, #tpu.memory_space<vmem>>) attributes {dimension_semantics = [#tpu.dimension_semantics<arbitrary>], iteration_bounds = array<i64: 10>, scalar_prefetch = 0 : i64, scratch_operands = 0 : i64, tpu.core_type = #tpu.core_type<tc>, window_params = [{transform_indices = @transform_0, window_bounds = array<i64: 2, 1000, 128>}, {transform_indices = @transform_1, window_bounds = array<i64: 1000, 128>}, {transform_indices = @transform_2, window_bounds = array<i64: 1000, 128>}, {pipeline_mode = #tpu.pipeline_mode<synchronous>, transform_indices = @transform_3, window_bounds = array<i64: 1, 128>}, {transform_indices = @transform_4, window_bounds = array<i64: 1000, 128>}, {transform_indices = @transform_5, window_bounds = array<i64: 1000, 128>}, {pipeline_mode = #tpu.pipeline_mode<synchronous>, transform_indices = @transform_6, window_bounds = array<i64: 1, 128>}, {transform_indices = @transform_7, window_bounds = array<i64: 1, 1>}, {pipeline_mode = #tpu.pipeline_mode<synchronous>, transform_indices = @transform_8, window_bounds = array<i64: 128, 40>}, {pipeline_mode = #tpu.pipeline_mode<synchronous>, transform_indices = @transform_9, window_bounds = array<i64: 1, 40>}, {transform_indices = @transform_10, window_bounds = array<i64: 1000, 40>}]} {
    %get3A = arith.constant 0 : index
    %get3A_0 = arith.constant 0 : index
    %get3A_1 = arith.constant 0 : index
    %get3A_2 = vector.load %arg1[%get3A, %get3A_0, %get3A_1] : memref<2x1000x128xf32, #tpu.memory_space<vmem>>, vector<1x1000x128xf32>
    %get3A_3 = vector.shape_cast %get3A_2 : vector<1x1000x128xf32> to vector<1000x128xf32>
    %get3A_4 = arith.constant 1 : index
    %get3A_5 = arith.constant 0 : index
    %get3A_6 = arith.constant 0 : index
    %get3A_7 = vector.load %arg1[%get3A_4, %get3A_5, %get3A_6] : memref<2x1000x128xf32, #tpu.memory_space<vmem>>, vector<1x1000x128xf32>
    %get3A_8 = vector.shape_cast %get3A_7 : vector<1x1000x128xf32> to vector<1000x128xf32>
    %add3A = arith.addf %get3A_3, %get3A_8 : vector<1000x128xf32>
    %get3A_9 = arith.constant 0 : index
    %get3A_10 = arith.constant 0 : index
    %get3A_11 = vector.load %arg2[%get3A_9, %get3A_10] : memref<1000x128xf32, #tpu.memory_space<vmem>>, vector<1000x128xf32>
    %add3A_12 = arith.addf %add3A, %get3A_11 : vector<1000x128xf32>
    %get3A_13 = arith.constant 0 : index
    %get3A_14 = arith.constant 0 : index
    %get3A_15 = vector.load %arg3[%get3A_13, %get3A_14] : memref<1000x128xf32, #tpu.memory_space<vmem>>, vector<1000x128xf32>
    %mul3A = arith.mulf %get3A_15, %add3A_12 : vector<1000x128xf32>
    %get3A_16 = arith.constant 0 : index
    %get3A_17 = arith.constant 0 : index
    %get3A_18 = vector.load %arg4[%get3A_16, %get3A_17] : memref<1x128xf32, #tpu.memory_space<vmem>>, vector<1x128xf32>
    %add3A_19 = vector.broadcast %get3A_18 : vector<1x128xf32> to vector<1000x128xf32>
    %add3A_20 = arith.addf %mul3A, %add3A_19 : vector<1000x128xf32>
    %max3A = arith.constant 0.000000e+00 : f32
    %max3A_21 = vector.broadcast %max3A : f32 to vector<1000x128xf32>
    %max3A_22 = arith.maximumf %add3A_20, %max3A_21 : vector<1000x128xf32>
    %get3A_23 = arith.constant 0 : index
    %get3A_24 = arith.constant 0 : index
    %get3A_25 = vector.load %arg5[%get3A_23, %get3A_24] : memref<1000x128xf32, #tpu.memory_space<vmem>>, vector<1000x128xf32>
    %get3A_26 = arith.constant 0 : index
    %get3A_27 = arith.constant 0 : index
    %get3A_28 = vector.load %arg6[%get3A_26, %get3A_27] : memref<1000x128xf32, #tpu.memory_space<vmem>>, vector<1000x128xf32>
    %get3A_29 = arith.constant 0 : index
    %get3A_30 = arith.constant 0 : index
    %get3A_31 = vector.load %arg7[%get3A_29, %get3A_30] : memref<1x128xf32, #tpu.memory_space<vmem>>, vector<1x128xf32>
    %get3A_32 = arith.constant 0 : index
    %get3A_33 = arith.constant 0 : index
    %get3A_34 = memref.load %arg8[%get3A_32, %get3A_33] : memref<1x1xf32, #tpu.memory_space<smem>>
    %mul3A_35 = vector.broadcast %get3A_31 : vector<1x128xf32> to vector<1000x128xf32>
    %mul3A_36 = arith.mulf %get3A_25, %mul3A_35 : vector<1000x128xf32>
    %reduce_sum3A = arith.constant dense<0.000000e+00> : vector<1000xf32>
    %reduce_sum3A_37 = vector.multi_reduction <add>, %mul3A_36, %reduce_sum3A [1] : vector<1000x128xf32> to vector<1000xf32>
    %broadcast_in_dim3A = vector.shape_cast %reduce_sum3A_37 : vector<1000xf32> to vector<1000x1xf32>
    %add3A_38 = vector.broadcast %get3A_34 : f32 to vector<1000x1xf32>
    %add3A_39 = arith.addf %broadcast_in_dim3A, %add3A_38 : vector<1000x1xf32>
    %mul3A_40 = vector.broadcast %get3A_31 : vector<1x128xf32> to vector<1000x128xf32>
    %mul3A_41 = arith.mulf %get3A_28, %mul3A_40 : vector<1000x128xf32>
    %reduce_sum3A_42 = arith.constant dense<0.000000e+00> : vector<1000xf32>
    %reduce_sum3A_43 = vector.multi_reduction <add>, %mul3A_41, %reduce_sum3A_42 [1] : vector<1000x128xf32> to vector<1000xf32>
    %broadcast_in_dim3A_44 = vector.shape_cast %reduce_sum3A_43 : vector<1000xf32> to vector<1000x1xf32>
    %add3A_45 = vector.broadcast %get3A_34 : f32 to vector<1000x1xf32>
    %add3A_46 = arith.addf %broadcast_in_dim3A_44, %add3A_45 : vector<1000x1xf32>
    %mul3A_47 = vector.broadcast %get3A_31 : vector<1x128xf32> to vector<1000x128xf32>
    %mul3A_48 = arith.mulf %max3A_22, %mul3A_47 : vector<1000x128xf32>
    %reduce_sum3A_49 = arith.constant dense<0.000000e+00> : vector<1000xf32>
    %reduce_sum3A_50 = vector.multi_reduction <add>, %mul3A_48, %reduce_sum3A_49 [1] : vector<1000x128xf32> to vector<1000xf32>
    %broadcast_in_dim3A_51 = vector.shape_cast %reduce_sum3A_50 : vector<1000xf32> to vector<1000x1xf32>
    %add3A_52 = vector.broadcast %get3A_34 : f32 to vector<1000x1xf32>
    %add3A_53 = arith.addf %broadcast_in_dim3A_51, %add3A_52 : vector<1000x1xf32>
    %max3A_54 = arith.maximumf %add3A_39, %add3A_46 : vector<1000x1xf32>
    %max3A_55 = arith.maximumf %max3A_54, %add3A_53 : vector<1000x1xf32>
    %sub3A = arith.subf %add3A_39, %max3A_55 : vector<1000x1xf32>
    %exp3A = math.exp %sub3A : vector<1000x1xf32>
    %sub3A_56 = arith.subf %add3A_46, %max3A_55 : vector<1000x1xf32>
    %exp3A_57 = math.exp %sub3A_56 : vector<1000x1xf32>
    %sub3A_58 = arith.subf %add3A_53, %max3A_55 : vector<1000x1xf32>
    %exp3A_59 = math.exp %sub3A_58 : vector<1000x1xf32>
    %add3A_60 = arith.addf %exp3A, %exp3A_57 : vector<1000x1xf32>
    %add3A_61 = arith.addf %add3A_60, %exp3A_59 : vector<1000x1xf32>
    %mul3A_62 = vector.broadcast %exp3A : vector<1000x1xf32> to vector<1000x128xf32>
    %mul3A_63 = arith.mulf %mul3A_62, %get3A_25 : vector<1000x128xf32>
    %mul3A_64 = vector.broadcast %exp3A_57 : vector<1000x1xf32> to vector<1000x128xf32>
    %mul3A_65 = arith.mulf %mul3A_64, %get3A_28 : vector<1000x128xf32>
    %add3A_66 = arith.addf %mul3A_63, %mul3A_65 : vector<1000x128xf32>
    %mul3A_67 = vector.broadcast %exp3A_59 : vector<1000x1xf32> to vector<1000x128xf32>
    %mul3A_68 = arith.mulf %mul3A_67, %max3A_22 : vector<1000x128xf32>
    %add3A_69 = arith.addf %add3A_66, %mul3A_68 : vector<1000x128xf32>
    %div3A = vector.broadcast %add3A_61 : vector<1000x1xf32> to vector<1000x128xf32>
    %div3A_70 = arith.divf %add3A_69, %div3A : vector<1000x128xf32>
    %get3A_71 = arith.constant 0 : index
    %get3A_72 = arith.constant 0 : index
    %get3A_73 = vector.load %arg9[%get3A_71, %get3A_72] : memref<128x40xf32, #tpu.memory_space<vmem>>, vector<128x40xf32>
    %dot_general3A = arith.constant dense<0.000000e+00> : vector<1000x40xf32>
    %dot_general3A_74 = tpu.matmul %div3A_70, %get3A_73, %dot_general3A {dimension_numbers = #tpu.dot_dimension_numbers<[1], [0], [0], [1], [0, 0, 1, 1], [], []>, transpose_lhs_hint = false} : vector<1000x128xf32>, vector<128x40xf32>, vector<1000x40xf32> -> vector<1000x40xf32>
    %get3A_75 = arith.constant 0 : index
    %get3A_76 = arith.constant 0 : index
    %get3A_77 = vector.load %arg10[%get3A_75, %get3A_76] : memref<1x40xf32, #tpu.memory_space<vmem>>, vector<1x40xf32>
    %add3A_78 = vector.broadcast %get3A_77 : vector<1x40xf32> to vector<1000x40xf32>
    %add3A_79 = arith.addf %dot_general3A_74, %add3A_78 : vector<1000x40xf32>
    %swap3A = arith.constant 0 : index
    %swap3A_80 = arith.constant 0 : index
    %swap3A_81 = vector.load %arg11[%swap3A, %swap3A_80] : memref<1000x40xf32, #tpu.memory_space<vmem>>, vector<1000x40xf32>
    tpu.vector_store %arg11[%swap3A, %swap3A_80], %add3A_79 {strides = array<i32>} : memref<1000x40xf32, #tpu.memory_space<vmem>>, vector<1000x40xf32>,
    return
  }
  func.func @transform_0(%arg0: i32) -> (i32, i32, i32) {
    %c0_i32 = arith.constant 0 : i32
    %c0_i32_0 = arith.constant 0 : i32
    %c0_i32_1 = arith.constant 0 : i32
    return %c0_i32, %arg0, %c0_i32_0 : i32, i32, i32
  }
  func.func @transform_1(%arg0: i32) -> (i32, i32) {
    %c0_i32 = arith.constant 0 : i32
    %c0_i32_0 = arith.constant 0 : i32
    return %arg0, %c0_i32 : i32, i32
  }
  func.func @transform_2(%arg0: i32) -> (i32, i32) {
    %c0_i32 = arith.constant 0 : i32
    %c0_i32_0 = arith.constant 0 : i32
    return %arg0, %c0_i32 : i32, i32
  }
  func.func @transform_3(%arg0: i32) -> (i32, i32) {
    %c0_i32 = arith.constant 0 : i32
    %c0_i32_0 = arith.constant 0 : i32
    %c0_i32_1 = arith.constant 0 : i32
    return %c0_i32, %c0_i32_0 : i32, i32
  }
  func.func @transform_4(%arg0: i32) -> (i32, i32) {
    %c0_i32 = arith.constant 0 : i32
    %c0_i32_0 = arith.constant 0 : i32
    return %arg0, %c0_i32 : i32, i32
  }
  func.func @transform_5(%arg0: i32) -> (i32, i32) {
    %c0_i32 = arith.constant 0 : i32
    %c0_i32_0 = arith.constant 0 : i32
    return %arg0, %c0_i32 : i32, i32
  }
  func.func @transform_6(%arg0: i32) -> (i32, i32) {
    %c0_i32 = arith.constant 0 : i32
    %c0_i32_0 = arith.constant 0 : i32
    %c0_i32_1 = arith.constant 0 : i32
    return %c0_i32, %c0_i32_0 : i32, i32
  }
  func.func @transform_7(%arg0: i32) -> (i32, i32) {
    %c0_i32 = arith.constant 0 : i32
    %c0_i32_0 = arith.constant 0 : i32
    %c0_i32_1 = arith.constant 0 : i32
    return %c0_i32, %c0_i32_0 : i32, i32
  }
  func.func @transform_8(%arg0: i32) -> (i32, i32) {
    %c0_i32 = arith.constant 0 : i32
    %c0_i32_0 = arith.constant 0 : i32
    %c0_i32_1 = arith.constant 0 : i32
    return %c0_i32, %c0_i32_0 : i32, i32
  }
  func.func @transform_9(%arg0: i32) -> (i32, i32) {
    %c0_i32 = arith.constant 0 : i32
    %c0_i32_0 = arith.constant 0 : i32
    %c0_i32_1 = arith.constant 0 : i32
    return %c0_i32, %c0_i32_0 : i32, i32
  }
  func.func @transform_10(%arg0: i32) -> (i32, i32) {
    %c0_i32 = arith.constant 0 : i32
    %c0_i32_0 = arith.constant 0 : i32
    return %arg0, %c0_i32 : i32, i32
  }
}

</mosaic_0001>

<sc_bundles>
// kernel: kernel.10.cloned.1.call-start
scs
__scs_entry_jumppad:
0x0: {  	(pc) =	sbr.rel $0x88, $3  }
0x1: {  	(tag) =	ssettag $0x0;
	lr =	simm.s32 $0x1  }
0x2: {  	[smem:$0x3F95] =	sst lr;
	_ =	strace $0xD0000000  }
0x3: {  	_ = 	snop  }
0x4: {  	_ = 	snop  }
0x5: {  	_ = 	snop  }
0x6: {  	_ = 	snop  }
0x7: {  	_ = 	snop  }
__scs_overlays_trampoline_lowered:
0x8: {  	[smem:$0x3FA4] =	sst s0  }
0x9: {  	[smem:$0x3FA5] =	sst s1  }
0xa: {  	[smem:$0x3FA6] =	sst s2  }
0xb: {  	[smem:$0x3FA7] =	sst s3  }
0xc: {  	[smem:$0x3FA8] =	sst s4  }
0xd: {  	[smem:$0x3FA9] =	sst s5  }
0xe: {  	[smem:$0x3FAA] =	sst s6  }
0xf: {  	[smem:$0x3FAB] =	sst s7  }
0x10: {  	[smem:$0x3FAC] =	sst s8  }
0x11: {  	[smem:$0x3FAD] =	sst s9;
	s0 =	simm.s32 @!p0 $0x0  }
0x12: {  	s1 =	sld [smem:$0x3F93];
	s0 =	simm.s32 @p0 $0x1  }
0x13: {  	[smem:$0x3FAE] =	sst s0;
	s0 =	simm.s32 @!p1 $0x0  }
0x14: {  	s2 =	sld [smem:$0x3F92];
	s0 =	simm.s32 @p1 $0x1  }
0x15: {  	[smem:$0x3FAF] =	sst s0;
	s0 =	simm.s32 @!p2 $0x0  }
0x16: {  	s3 =	sld [smem:$0x3FDB];
	s0 =	simm.s32 @p2 $0x1  }
0x17: {  	s4 =	simm.s32 $0x1BF5;
	[smem:$0x3FB1] =	sst s0  }
0x18: {  	s0 =	sld [smem:$0x3F94];
	_ =	swait.ge [sflag:s4], $0x0  }
0x19: {  	s7 =	sld [smem:$0x3F95]  }
0x1a: {  	s8 =	sadd.s32 $0xFFFFE003, lr  }
0x1b: {  	s9 =	sadd.s32 $0xFFFFFEF7, lr;
	s5 =	simm.s32 $0xFFFFFFFF;
	p2 =	slt.u32 s8, $0xFFFFF086  }
0x1c: {  	p1 =	slt.u32 s9, $0xF7A;
	s5 =	simm.s32 @!p2 $0x0  }
0x1d: {  	s5 =	simm.s32 @p1 $0x1;
	p0 =	seq.s32 s7, s2  }
0x1e: {  	s7 =	smul.u32 @!p0 $0xF7A, s2;
	p2 =	seq.s32 @!p0 s5, $0x0  }
0x1f: {  	s9 =	smul.u32 $0xF7A, s1;
	s8 =	simm.s32 @!p0 $0x1BF5;
	p2 =	por !p2, p0  }
0x20: {  	[sflag:s8] =	ssyncset.s32 @!p0 $0xFFFFF086;
	s6 =	sadd.s32 @!p0 s3, s7;
	s7 =	simm.s32 @!p0 $0x108  }
0x21: {  	s3 =	sadd.s32 s3, s9;
	s6 =	sadd.s32 @!p0 $0x88, s6;
	s7 =	simm.s32 @p2 $0x1082  }
0x22: {  	[simem:s7], [sflag:s8] =	dma.local @!p0 [hbm:s6], $0xF7A  }
0x23: {  	s9 =	sor.u32 $0xD0000000, s2;
	s6 =	simm.s32 $0x108;
	_ =	swait.ge @!p0 [sflag:s8], $0x0  }
0x24: {  	s3 =	sadd.s32 $0x88, s3;
	s6 =	simm.s32 @!p1 $0x1082;
	[sflag:s4] =	ssyncset.s32 $0xFFFFF086  }
0x25: {  	[simem:s6], [sflag:s4] =	dma.local [hbm:s3], $0xF7A  }
0x26: {  	[smem:$0x3F95] =	sst s1;
	(tag) =	ssettag s2;
	_ =	strace s9  }
0x27: {  	s1 =	sld [smem:$0x3FA5]  }
0x28: {  	s2 =	sld [smem:$0x3FA6]  }
0x29: {  	s4 =	sld [smem:$0x3FA8]  }
0x2a: {  	p0 =	seq.s32 s5, $0x0;
	s5 =	sld [smem:$0x3FA9]  }
0x2b: {  	s6 =	sld [smem:$0x3FAA]  }
0x2c: {  	s7 =	sld [smem:$0x3FAB]  }
0x2d: {  	s3 =	simm.s32 $0x108;
	s8 =	sld [smem:$0x3FAC]  }
0x2e: {  	s3 =	simm.s32 @!p0 $0x1082;
	s9 =	sld [smem:$0x3FAD]  }
0x2f: {  	lr =	sadd.s32 s0, s3;
	s0 =	sld [smem:$0x3FA4]  }
0x30: {  	s3 =	sld [smem:$0x3FA7]  }
0x31: {  	[smem:$0x3FB0] =	sst s10  }
0x32: {  	s10 =	sld [smem:$0x3FAE];
	_ =	sdelay $0x3  }
0x33: {  	p0 =	seq.s32 s10, $0x1;
	s10 =	sld [smem:$0x3FB0];
	_ =	sdelay $0x3  }
0x34: {  	[smem:$0x3FB0] =	sst s10  }
0x35: {  	s10 =	sld [smem:$0x3FAF];
	_ =	sdelay $0x3  }
0x36: {  	p1 =	seq.s32 s10, $0x1;
	s10 =	sld [smem:$0x3FB0];
	_ =	sdelay $0x3  }
0x37: {  	[smem:$0x3FB0] =	sst s10  }
0x38: {  	s10 =	sld [smem:$0x3FB1]  }
0x39: {  	_ = 	snop;
	(pc) =	sbr.ind lr, $3  }
0x3a: {  	_ = 	snop  }
0x3b: {  	_ = 	snop  }
0x3c: {  	p2 =	seq.s32 s10, $0x1;
	s10 =	sld [smem:$0x3FB0]  }
0x3d: {  	_ =	shalt  }
0x3e: {  	_ =	shalt  }
0x3f: {  	_ =	shalt  }
0x40: {  	_ =	shalt  }
0x41: {  	_ =	shalt  }
0x42: {  	_ =	shalt  }
0x43: {  	_ =	shalt  }
0x44: {  	_ =	shalt  }
0x45: {  	_ =	shalt  }
0x46: {  	_ =	shalt  }
0x47: {  	_ =	shalt  }
0x48: {  	_ =	shalt  }
0x49: {  	_ =	shalt  }
0x4a: {  	_ =	shalt  }
0x4b: {  	_ =	shalt  }
0x4c: {  	_ =	shalt  }
0x4d: {  	_ =	shalt  }
0x4e: {  	_ =	shalt  }
0x4f: {  	_ =	shalt  }
0x50: {  	_ =	shalt  }
0x51: {  	_ =	shalt  }
0x52: {  	_ =	shalt  }
0x53: {  	_ =	shalt  }
0x54: {  	_ =	shalt  }
0x55: {  	_ =	shalt  }
0x56: {  	_ =	shalt  }
0x57: {  	_ =	shalt  }
0x58: {  	_ =	shalt  }
0x59: {  	_ =	shalt  }
0x5a: {  	_ =	shalt  }
0x5b: {  	_ =	shalt  }
0x5c: {  	_ =	shalt  }
0x5d: {  	_ =	shalt  }
0x5e: {  	_ =	shalt  }
0x5f: {  	_ =	shalt  }
0x60: {  	_ =	shalt  }
0x61: {  	_ =	shalt  }
0x62: {  	_ =	shalt  }
0x63: {  	_ =	shalt  }
0x64: {  	_ =	shalt  }
0x65: {  	_ =	shalt  }
0x66: {  	_ =	shalt  }
0x67: {  	_ =	shalt  }
0x68: {  	_ =	shalt  }
0x69: {  	_ =	shalt  }
0x6a: {  	_ =	shalt  }
0x6b: {  	_ =	shalt  }
0x6c: {  	_ =	shalt  }
0x6d: {  	_ =	shalt  }
0x6e: {  	_ =	shalt  }
0x6f: {  	_ =	shalt  }
0x70: {  	_ =	shalt  }
0x71: {  	_ =	shalt  }
0x72: {  	_ =	shalt  }
0x73: {  	_ =	shalt  }
0x74: {  	_ =	shalt  }
0x75: {  	_ =	shalt  }
0x76: {  	_ =	shalt  }
0x77: {  	_ =	shalt  }
0x78: {  	_ =	shalt  }
0x79: {  	_ =	shalt  }
0x7a: {  	_ =	shalt  }
0x7b: {  	_ =	shalt  }
0x7c: {  	_ =	shalt  }
0x7d: {  	_ =	shalt  }
0x7e: {  	_ =	shalt  }
0x7f: {  	_ =	shalt  }
0x80: {  	_ =	shalt  }
0x81: {  	_ =	shalt  }
0x82: {  	_ =	shalt  }
0x83: {  	_ =	shalt  }
0x84: {  	_ =	shalt  }
0x85: {  	_ =	shalt  }
0x86: {  	_ =	shalt  }
0x87: {  	_ =	shalt  }
.Lfunc_end0:
.L_simem_size_0:
called_computation_lowered:
.L_overlay_start_0:
0x88: {  	s2 =	sld [smem:$0x3FD9]  }
0x89: {  	s3 =	sld [smem:$0x3FFE];
	_ =	sdelay $0x1  }
0x8a: {  	s1 =	srdreg.scid  }
0x8b: {  	s0 =	sand.u32 $0x1, s1  }
0x8c: {  	s17 =	sshll.u32 s0, $0xA;
	s2 =	sadd.s32 s3, s2  }
0x8d: {  	s2 =	sadd.s32 s2, s17  }
0x8e: {  	[smem:$0x3FBC] =	sst s2  }
0x8f: {  	_ = 	snop  }
0x90: {  	s2 =	sld [smem:$0x3FD0];
	(tm) =	ssettm $0x1  }
0x91: {  	s18 =	sld [smem:$0x3FFB];
	_ =	sdelay $0x3  }
0x92: {  	_ =	strace s18  }
0x93: {  	s3 =	sld [smem:$0x3FFC];
	_ =	sdelay $0x3  }
0x94: {  	_ =	strace s3  }
0x95: {  	s3 =	sld [smem:$0x3FFD];
	_ =	sdelay $0x3  }
0x96: {  	_ =	strace s3  }
0x97: {  	_ =	strace $0x8FFFFFFF  }
0x98: {  	s19 =	sld [smem:$0x3FDB];
	_ =	sdelay $0x1  }
0x99: {  	s4 =	simm.s32 $_scs_section_size  }
0x9a: {  	s5 =	simm.s32 $_size__tile_overlayer_lowered;
	s6 =	simm.s32 $_tile_overlayer_lowered  }
0x9b: {  	s22 =	simm.s32 $0x1BFF;
	s21 =	sshll.u32 s6, $0x1;
	s3 =	sadd.s32 s4, s19  }
0x9c: {  	s7 =	simm.s32 $0x0;
	s20 =	sshll.u32 s5, $0x1;
	s5 =	sadd.s32 s21, s3  }
0x9d: {  	[timem:s7], [sflag:s22] =	dma.local [hbm:s5], s20  }
0x9e: {  	_ =	swait.ge [sflag:s22], s20  }
0x9f: {  	s4 =	ssub.s32 $0x0, s20;
	[sflag:s22] =	ssyncset.done $0x0  }
0xa0: {  	[sflag:s22] =	ssyncadd.s32 s4;
	_ =	sdelay $0x1  }
0xa1: {  	s23 =	simm.s32 $0x1B8B  }
0xa2: {  	_ =	swait.ge [sflag:s23], $0x1  }
0xa3: {  	[sflag:s23] =	ssyncset.done $0x0  }
0xa4: {  	s25 =	simm.s32 $0x1B8E;
	s24 =	sld [smem:$0x3FFE];
	[sflag:s23] =	ssyncadd.s32 $0xFFFFFFFF  }
0xa5: {  	s26 =	simm.s32 $execute0_lowered;
	[smem:$0x3FD2] =	sst s25  }
0xa6: {  	s5 =	sshll.u32 s26, $0x1;
	_ =	strace $0x80000046;
	[dreg:$0x1] =	wrdreg $0xFFFFFFFF  }
0xa7: {  	s28 =	simm.s32 $_size_execute0_lowered;
	s3 =	sadd.s32 s3, s5;
	[dreg:$0x0] =	wrdreg $0x0  }
0xa8: {  	s5 =	sshll.u32 s28, $0x1;
	[dreg:$0x2] =	wrdreg s3  }
0xa9: {  	[dreg:$0x3] =	wrdreg s5  }
0xaa: {  	[dreg:$0x4] =	wrdreg $0xC0  }
0xab: {  	_ =	task [dreg:s7], $0x5FFFF  }
0xac: {  	[dreg:$0x1] =	wrdreg $0xFFFFFFFF  }
0xad: {  	[dreg:$0x0] =	wrdreg $0x60  }
0xae: {  	[dreg:$0x2] =	wrdreg s2  }
0xaf: {  	[dreg:$0x3] =	wrdreg s24  }
0xb0: {  	[dreg:$0x4] =	wrdreg $0x28800  }
0xb1: {  	[dreg:$0x5] =	wrdreg $0x9  }
0xb2: {  	_ =	task.clear_ibuf [dreg:s7], $0x6FFFF;
	_ =	strace $0x90000046  }
0xb3: {  	s29 =	simm.s32 $0x9;
	_ =	strace $0x80000048  }
0xb4: {  	_ =	swait.ge [sflag:s29], $0x1  }
0xb5: {  	[sflag:s29] =	ssyncadd.s32 $0xFFFFFFFF  }
0xb6: {  	_ =	strace $0x90000048  }
0xb7: {  	_ =	sfence  }
0xb8: {  	s30 =	sld [smem:$0x0];
	_ =	sdelay $0x2  }
0xb9: {  	s31 =	sshll.u32 s1, $0xD;
	s1 =	sshrl.u32 s1, $0x2  }
0xba: {  	s3 =	sand.u32 $0x4000, s31;
	s1 =	sadd.s32 s1, s30  }
0xbb: {  	s0 =	sor.u32 s3, s0;
	s1 =	sshll.u32 s1, $0x11  }
0xbc: {  	s0 =	sor.u32 s1, s0  }
0xbd: {  	s0 =	sadd.s32 $0x8F2B, s0  }
0xbe: {  	[sflag:s0] =	ssyncadd.remote.s32 $0x1  }
0xbf: {  	_ =	sfence.sel $0xFFFF  }
0xc0: {  	[dreg:$0x0] =	wrdreg $0xFFFFFFFF;
	(pc) =	sbr.abs _section_cstart, $3  }
0xc1: {  	[dreg:$0x1] =	wrdreg $0xFFFFFFFF  }
0xc2: {  	_ =	task.clear_ibuf [dreg:s7], $0x2FFFF;
	_ =	strace $0x9FFFFFFF  }
0xc3: {  	(tm) =	ssettm $0x7FFFFFFF  }
tec
execute0_lowered:
.L_overlay_start_1:
0x0: {  	(tag) =	ssettag $0x1  }
0x1: {  	s7 =	rddreg [dreg:$0x0]  }
0x2: {  	s5 =	rddreg [dreg:$0x1]  }
0x3: {  	s2 =	rddreg [dreg:$0x2]  }
0x4: {  	s0 =	rddreg [dreg:$0x3]  }
0x5: {  	s3 =	simm.s32 $0x0;
	s1 =	stileid.u32;
	s4 =	srdreg.scid  }
0x6: {  	s13 =	simm.s32 $0x80;
	s14 =	simm.s32 $0x1;
	s15 =	simm.s32 $0x20  }
0x7: {  	s16 =	simm.s32 $0x10;
	s17 =	simm.s32 $0x0;
	s6 =	smul.u32 $0x280, s1  }
0x8: {  	[smem:$0x7FF] =	sst s3;
	s9 =	sand.u32 $0x1, s4;
	s10 =	smul.u32 $0x500, s1  }
0x9: {  	s4 =	sadd.s32 $0xEA00, s5;
	s31 =	sshll.u32 s1, $0x6;
	_ =	strace $0x80000047  }
0xa: {  	s11 =	sshll.u32 s9, $0x7;
	s29 =	ssub.s32 $0x2, s9;
	s9 =	sshll.u32 s9, $0x4  }
0xb: {  	s8 =	sshrl.u32 s6, $0x3;
	s10 =	sor.u32 s11, s10;
	s12 =	sshrl.u32 s29, $0x1  }
0xc: {  	s9 =	sor.u32 s1, s9;
	s30 =	sadd.s32 s6, s2;
	s6 =	sor.u32 $0x1C02, s31  }
0xd: {  	s8 =	sadd.s32 s8, s5;
	s10 =	sshrl.u32 s10, $0x3;
	s9 =	smul.u32 $0x500, s9  }
0xe: {  	s11 =	ssub.s32 s29, s12;
	s12 =	simm.s32 $0x2800;
	s10 =	sadd.s32 s10, s5  }
0xf: {  	s5 =	sadd.s32 $0xE400, s8;
	s7 =	sadd.s32 s7, s9;
	s8 =	sadd.s32 $0xEC00, s10  }
0x10: {  	s9 =	smax.u32 s11, $0x1;
	s10 =	sshrl.u32 s30, $0x3;
	s11 =	simm.s32 $0x2  }
.LBB2_1:
0x11: {  	[spmem:s10], [sflag:s6] =	dma.local [hbm:s5], $0x50  }
0x12: {  	_ =	swait.ge [sflag:s11], $0x50  }
0x13: {  	[sflag:s11] =	ssyncset.done $0x0  }
0x14: {  	[sflag:s11] =	ssyncadd.s32 $0xFFFFFFB0  }
0x15: {  	[tilespmem:s3], [sflag:$0x2] =	stream.linear.gather [hbm4b:s7+s3], $0x2800, $0x38;
	[tilespmem:$0x2B00] =	vst v63  }
0x16: {  	_ =	swait.ge [sflag:s11], $0x2800  }
0x17: {  	[sflag:s11] =	ssyncset.done $0x0  }
0x18: {  	[sflag:s11] =	ssyncadd.s32 $0xFFFFD800  }
0x19: {  	[tilespmem:s12], [sflag:$0x2] =	stream.linear.gather [hbm4b:s4+s3], $0x80, $0x38;
	[tilespmem:$0x2B00] =	vst v63  }
0x1a: {  	_ =	swait.ge [sflag:s11], $0x80  }
0x1b: {  	[sflag:s11] =	ssyncset.done $0x0  }
0x1c: {  	[sflag:s11] =	ssyncadd.s32 $0xFFFFFF80  }
0x1d: {  	s18 =	simm.s32 $0x0;
	[bflag:$0x0] =	sbarrier.arrive $0xFFFF  }
.LBB2_2:
0x1e: {  	p0 =	sne.s32 s18, $0x9E00  }
.Ltmp0:
0x1f: {  	_ = 	snop;
	(pc) =	sbr.rel @p0 .LBB2_2-.Ltmp0, $3  }
0x20: {  	_ =	sdelay $0x1  }
0x21: {  	s19 =	sshra.s32 s18, $0x2;
	s18 =	sadd.s32 $0x200, s18  }
0x22: {  	[spmem:s2] =	stream.indirect.scatter.add.f32 [tilespmem:s12], [sflag:$0x1], $0x1, s19, s13, $0xb8;
	[tilespmem:$0x2B00] =	vst v63  }
0x23: {  	_ =	swait.ge [sflag:s14], $0x80  }
0x24: {  	s18 =	simm.s32 $0x4F;
	[sflag:s14] =	ssyncset.done $0x0  }
.LBB2_4:
0x25: {  	p0 =	sne.s32 s18, $0x1;
	s18 =	sadd.s32 $0xFFFFFFFF, s18;
	[sflag:s14] =	ssyncadd.s32 $0xFFFFFF80  }
.Ltmp1:
0x26: {  	(pc) =	sbr.rel @p0 .LBB2_4-.Ltmp1, $3  }
0x27: {  	_ =	sdelay $0x1  }
0x28: {  	_ =	swait.ge [sflag:s14], $0x80  }
0x29: {  	[sflag:s14] =	ssyncset.done $0x0  }
0x2a: {  	s17 =	sadd.s32 $0x1, s17  }
0x2b: {  	[sflag:s14] =	ssyncadd.s32 $0xFFFFFF80;
	p0 =	sne.s32 s17, s9  }
.Ltmp2:
0x2c: {  	[bflag:$0x0] =	sbarrier.arrive $0xFFFF;
	(pc) =	sbr.rel @p0 .LBB2_1-.Ltmp2, $4  }
0x2d: {  	[hbm:s8@s15], [sflag:s6] =	dma.strided [spmem:s10@s16], $0x50, s14, $0x10   }
0x2e: {  	_ =	swait.ge [sflag:s11], $0x50  }
0x2f: {  	[sflag:s11] =	ssyncset.done $0x0  }
0x30: {  	[sflag:s11] =	ssyncadd.s32 $0xFFFFFFB0  }
0x31: {  	_ =	sfence.sel $0x180000  }
0x32: {  	[bflag:$0x0] =	sbarrier.arrive $0xFFFF  }
0x33: {  	p0 =	sne.s32 s1, $0x0;
	_ =	strace $0x90000047  }
0x34: {  	s0 =	sadd.s32 @!p0 $0x100000, s0;
	[bflag:$0x2] =	sbarrier.arrive $0xFFFF  }
0x35: {  	[sflag:s0] =	ssyncadd.tile.s32 @!p0 $0x1;
	_ =	shalt  }
.Lfunc_end2:
_tile_overlayer_lowered:
.L_overlay_start_2:
0x36: {  	(tag) =	ssettag $0x2  }
0x37: {  	s0 =	rddreg [dreg:$0x0];
	s2 =	stileid.u32  }
0x38: {  	s1 =	rddreg [dreg:$0x1];
	p0 =	sne.s32 s2, $0x0  }
0x39: {  	s3 =	rddreg [dreg:$0x2];
	[bflag:$0x3] =	sbarrier.arrive $0xFFFF;
	s2 =	simm.s32 @!p0 $0x1C02  }
0x3a: {  	[timem:s3], [sflag:s2] =	dma.local @!p0 [hbm:s0], s1  }
0x3b: {  	s0 =	simm.s32 @!p0 $0x2  }
0x3c: {  	_ =	swait.ge @!p0 [sflag:s0], s1  }
0x3d: {  	s1 =	ssub.s32 @!p0 $0x0, s1;
	[sflag:s0] =	ssyncset.done @!p0 $0x0  }
0x3e: {  	[sflag:s0] =	ssyncadd.s32 @!p0 s1  }
0x3f: {  	[bflag:$0x3] =	sbarrier.arrive $0xFFFF  }
0x40: {  	_ =	shalt  }

// kernel: kernel.13.cloned.1.call-start
scs
__scs_entry_jumppad:
0x0: {  	(pc) =	sbr.rel $0x88, $3  }
0x1: {  	(tag) =	ssettag $0x0;
	lr =	simm.s32 $0x1  }
0x2: {  	[smem:$0x3F95] =	sst lr;
	_ =	strace $0xD0000000  }
0x3: {  	_ = 	snop  }
0x4: {  	_ = 	snop  }
0x5: {  	_ = 	snop  }
0x6: {  	_ = 	snop  }
0x7: {  	_ = 	snop  }
__scs_overlays_trampoline_lowered:
0x8: {  	[smem:$0x3FA4] =	sst s0  }
0x9: {  	[smem:$0x3FA5] =	sst s1  }
0xa: {  	[smem:$0x3FA6] =	sst s2  }
0xb: {  	[smem:$0x3FA7] =	sst s3  }
0xc: {  	[smem:$0x3FA8] =	sst s4  }
0xd: {  	[smem:$0x3FA9] =	sst s5  }
0xe: {  	[smem:$0x3FAA] =	sst s6  }
0xf: {  	[smem:$0x3FAB] =	sst s7  }
0x10: {  	[smem:$0x3FAC] =	sst s8  }
0x11: {  	[smem:$0x3FAD] =	sst s9;
	s0 =	simm.s32 @!p0 $0x0  }
0x12: {  	s1 =	sld [smem:$0x3F93];
	s0 =	simm.s32 @p0 $0x1  }
0x13: {  	[smem:$0x3FAE] =	sst s0;
	s0 =	simm.s32 @!p1 $0x0  }
0x14: {  	s2 =	sld [smem:$0x3F92];
	s0 =	simm.s32 @p1 $0x1  }
0x15: {  	[smem:$0x3FAF] =	sst s0;
	s0 =	simm.s32 @!p2 $0x0  }
0x16: {  	s3 =	sld [smem:$0x3FDB];
	s0 =	simm.s32 @p2 $0x1  }
0x17: {  	s4 =	simm.s32 $0x1BF5;
	[smem:$0x3FB1] =	sst s0  }
0x18: {  	s0 =	sld [smem:$0x3F94];
	_ =	swait.ge [sflag:s4], $0x0  }
0x19: {  	s7 =	sld [smem:$0x3F95]  }
0x1a: {  	s8 =	sadd.s32 $0xFFFFE003, lr  }
0x1b: {  	s9 =	sadd.s32 $0xFFFFFEF7, lr;
	s5 =	simm.s32 $0xFFFFFFFF;
	p2 =	slt.u32 s8, $0xFFFFF086  }
0x1c: {  	p1 =	slt.u32 s9, $0xF7A;
	s5 =	simm.s32 @!p2 $0x0  }
0x1d: {  	s5 =	simm.s32 @p1 $0x1;
	p0 =	seq.s32 s7, s2  }
0x1e: {  	s7 =	smul.u32 @!p0 $0xF7A, s2;
	p2 =	seq.s32 @!p0 s5, $0x0  }
0x1f: {  	s9 =	smul.u32 $0xF7A, s1;
	s8 =	simm.s32 @!p0 $0x1BF5;
	p2 =	por !p2, p0  }
0x20: {  	[sflag:s8] =	ssyncset.s32 @!p0 $0xFFFFF086;
	s6 =	sadd.s32 @!p0 s3, s7;
	s7 =	simm.s32 @!p0 $0x108  }
0x21: {  	s3 =	sadd.s32 s3, s9;
	s6 =	sadd.s32 @!p0 $0x88, s6;
	s7 =	simm.s32 @p2 $0x1082  }
0x22: {  	[simem:s7], [sflag:s8] =	dma.local @!p0 [hbm:s6], $0xF7A  }
0x23: {  	s9 =	sor.u32 $0xD0000000, s2;
	s6 =	simm.s32 $0x108;
	_ =	swait.ge @!p0 [sflag:s8], $0x0  }
0x24: {  	s3 =	sadd.s32 $0x88, s3;
	s6 =	simm.s32 @!p1 $0x1082;
	[sflag:s4] =	ssyncset.s32 $0xFFFFF086  }
0x25: {  	[simem:s6], [sflag:s4] =	dma.local [hbm:s3], $0xF7A  }
0x26: {  	[smem:$0x3F95] =	sst s1;
	(tag) =	ssettag s2;
	_ =	strace s9  }
0x27: {  	s1 =	sld [smem:$0x3FA5]  }
0x28: {  	s2 =	sld [smem:$0x3FA6]  }
0x29: {  	s4 =	sld [smem:$0x3FA8]  }
0x2a: {  	p0 =	seq.s32 s5, $0x0;
	s5 =	sld [smem:$0x3FA9]  }
0x2b: {  	s6 =	sld [smem:$0x3FAA]  }
0x2c: {  	s7 =	sld [smem:$0x3FAB]  }
0x2d: {  	s3 =	simm.s32 $0x108;
	s8 =	sld [smem:$0x3FAC]  }
0x2e: {  	s3 =	simm.s32 @!p0 $0x1082;
	s9 =	sld [smem:$0x3FAD]  }
0x2f: {  	lr =	sadd.s32 s0, s3;
	s0 =	sld [smem:$0x3FA4]  }
0x30: {  	s3 =	sld [smem:$0x3FA7]  }
0x31: {  	[smem:$0x3FB0] =	sst s10  }
0x32: {  	s10 =	sld [smem:$0x3FAE];
	_ =	sdelay $0x3  }
0x33: {  	p0 =	seq.s32 s10, $0x1;
	s10 =	sld [smem:$0x3FB0];
	_ =	sdelay $0x3  }
0x34: {  	[smem:$0x3FB0] =	sst s10  }
0x35: {  	s10 =	sld [smem:$0x3FAF];
	_ =	sdelay $0x3  }
0x36: {  	p1 =	seq.s32 s10, $0x1;
	s10 =	sld [smem:$0x3FB0];
	_ =	sdelay $0x3  }
0x37: {  	[smem:$0x3FB0] =	sst s10  }
0x38: {  	s10 =	sld [smem:$0x3FB1]  }
0x39: {  	_ = 	snop;
	(pc) =	sbr.ind lr, $3  }
0x3a: {  	_ = 	snop  }
0x3b: {  	_ = 	snop  }
0x3c: {  	p2 =	seq.s32 s10, $0x1;
	s10 =	sld [smem:$0x3FB0]  }
0x3d: {  	_ =	shalt  }
0x3e: {  	_ =	shalt  }
0x3f: {  	_ =	shalt  }
0x40: {  	_ =	shalt  }
0x41: {  	_ =	shalt  }
0x42: {  	_ =	shalt  }
0x43: {  	_ =	shalt  }
0x44: {  	_ =	shalt  }
0x45: {  	_ =	shalt  }
0x46: {  	_ =	shalt  }
0x47: {  	_ =	shalt  }
0x48: {  	_ =	shalt  }
0x49: {  	_ =	shalt  }
0x4a: {  	_ =	shalt  }
0x4b: {  	_ =	shalt  }
0x4c: {  	_ =	shalt  }
0x4d: {  	_ =	shalt  }
0x4e: {  	_ =	shalt  }
0x4f: {  	_ =	shalt  }
0x50: {  	_ =	shalt  }
0x51: {  	_ =	shalt  }
0x52: {  	_ =	shalt  }
0x53: {  	_ =	shalt  }
0x54: {  	_ =	shalt  }
0x55: {  	_ =	shalt  }
0x56: {  	_ =	shalt  }
0x57: {  	_ =	shalt  }
0x58: {  	_ =	shalt  }
0x59: {  	_ =	shalt  }
0x5a: {  	_ =	shalt  }
0x5b: {  	_ =	shalt  }
0x5c: {  	_ =	shalt  }
0x5d: {  	_ =	shalt  }
0x5e: {  	_ =	shalt  }
0x5f: {  	_ =	shalt  }
0x60: {  	_ =	shalt  }
0x61: {  	_ =	shalt  }
0x62: {  	_ =	shalt  }
0x63: {  	_ =	shalt  }
0x64: {  	_ =	shalt  }
0x65: {  	_ =	shalt  }
0x66: {  	_ =	shalt  }
0x67: {  	_ =	shalt  }
0x68: {  	_ =	shalt  }
0x69: {  	_ =	shalt  }
0x6a: {  	_ =	shalt  }
0x6b: {  	_ =	shalt  }
0x6c: {  	_ =	shalt  }
0x6d: {  	_ =	shalt  }
0x6e: {  	_ =	shalt  }
0x6f: {  	_ =	shalt  }
0x70: {  	_ =	shalt  }
0x71: {  	_ =	shalt  }
0x72: {  	_ =	shalt  }
0x73: {  	_ =	shalt  }
0x74: {  	_ =	shalt  }
0x75: {  	_ =	shalt  }
0x76: {  	_ =	shalt  }
0x77: {  	_ =	shalt  }
0x78: {  	_ =	shalt  }
0x79: {  	_ =	shalt  }
0x7a: {  	_ =	shalt  }
0x7b: {  	_ =	shalt  }
0x7c: {  	_ =	shalt  }
0x7d: {  	_ =	shalt  }
0x7e: {  	_ =	shalt  }
0x7f: {  	_ =	shalt  }
0x80: {  	_ =	shalt  }
0x81: {  	_ =	shalt  }
0x82: {  	_ =	shalt  }
0x83: {  	_ =	shalt  }
0x84: {  	_ =	shalt  }
0x85: {  	_ =	shalt  }
0x86: {  	_ =	shalt  }
0x87: {  	_ =	shalt  }
.Lfunc_end0:
.L_simem_size_0:
called_computation.1_lowered:
.L_overlay_start_0:
0x88: {  	s2 =	sld [smem:$0x3FD9]  }
0x89: {  	s3 =	sld [smem:$0x3FFE];
	_ =	sdelay $0x1  }
0x8a: {  	s1 =	srdreg.scid  }
0x8b: {  	s0 =	sand.u32 $0x1, s1  }
0x8c: {  	s17 =	sshll.u32 s0, $0xA;
	s2 =	sadd.s32 s3, s2  }
0x8d: {  	s2 =	sadd.s32 s2, s17  }
0x8e: {  	[smem:$0x3FBC] =	sst s2  }
0x8f: {  	_ = 	snop  }
0x90: {  	s2 =	sld [smem:$0x3FD0];
	(tm) =	ssettm $0x1  }
0x91: {  	s18 =	sld [smem:$0x3FFB];
	_ =	sdelay $0x3  }
0x92: {  	_ =	strace s18  }
0x93: {  	s3 =	sld [smem:$0x3FFC];
	_ =	sdelay $0x3  }
0x94: {  	_ =	strace s3  }
0x95: {  	s3 =	sld [smem:$0x3FFD];
	_ =	sdelay $0x3  }
0x96: {  	_ =	strace s3  }
0x97: {  	_ =	strace $0x8FFFFFFF  }
0x98: {  	s19 =	sld [smem:$0x3FDB];
	_ =	sdelay $0x1  }
0x99: {  	s4 =	simm.s32 $_scs_section_size  }
0x9a: {  	s5 =	simm.s32 $_size__tile_overlayer_lowered;
	s6 =	simm.s32 $_tile_overlayer_lowered  }
0x9b: {  	s22 =	simm.s32 $0x1BFF;
	s21 =	sshll.u32 s6, $0x1;
	s3 =	sadd.s32 s4, s19  }
0x9c: {  	s7 =	simm.s32 $0x0;
	s20 =	sshll.u32 s5, $0x1;
	s5 =	sadd.s32 s21, s3  }
0x9d: {  	[timem:s7], [sflag:s22] =	dma.local [hbm:s5], s20  }
0x9e: {  	_ =	swait.ge [sflag:s22], s20  }
0x9f: {  	s4 =	ssub.s32 $0x0, s20;
	[sflag:s22] =	ssyncset.done $0x0  }
0xa0: {  	[sflag:s22] =	ssyncadd.s32 s4;
	_ =	sdelay $0x1  }
0xa1: {  	s23 =	simm.s32 $0x1B8B  }
0xa2: {  	_ =	swait.ge [sflag:s23], $0x1  }
0xa3: {  	[sflag:s23] =	ssyncset.done $0x0  }
0xa4: {  	s25 =	simm.s32 $0x1B8E;
	s24 =	sld [smem:$0x3FFE];
	[sflag:s23] =	ssyncadd.s32 $0xFFFFFFFF  }
0xa5: {  	s26 =	simm.s32 $execute0_lowered;
	[smem:$0x3FD2] =	sst s25  }
0xa6: {  	s5 =	sshll.u32 s26, $0x1;
	_ =	strace $0x80000049;
	[dreg:$0x1] =	wrdreg $0xFFFFFFFF  }
0xa7: {  	s28 =	simm.s32 $_size_execute0_lowered;
	s3 =	sadd.s32 s3, s5;
	[dreg:$0x0] =	wrdreg $0x0  }
0xa8: {  	s5 =	sshll.u32 s28, $0x1;
	[dreg:$0x2] =	wrdreg s3  }
0xa9: {  	[dreg:$0x3] =	wrdreg s5  }
0xaa: {  	[dreg:$0x4] =	wrdreg $0xC0  }
0xab: {  	_ =	task [dreg:s7], $0x5FFFF  }
0xac: {  	[dreg:$0x1] =	wrdreg $0xFFFFFFFF  }
0xad: {  	[dreg:$0x0] =	wrdreg $0x60  }
0xae: {  	[dreg:$0x2] =	wrdreg s24  }
0xaf: {  	[dreg:$0x3] =	wrdreg s2  }
0xb0: {  	[dreg:$0x4] =	wrdreg $0xB0000  }
0xb1: {  	[dreg:$0x5] =	wrdreg $0x9  }
0xb2: {  	_ =	task.clear_ibuf [dreg:s7], $0x6FFFF;
	_ =	strace $0x90000049  }
0xb3: {  	s29 =	simm.s32 $0x9;
	_ =	strace $0x8000004B  }
0xb4: {  	_ =	swait.ge [sflag:s29], $0x1  }
0xb5: {  	[sflag:s29] =	ssyncadd.s32 $0xFFFFFFFF  }
0xb6: {  	_ =	strace $0x9000004B  }
0xb7: {  	_ =	sfence  }
0xb8: {  	s30 =	sld [smem:$0x0];
	_ =	sdelay $0x2  }
0xb9: {  	s31 =	sshll.u32 s1, $0xD;
	s1 =	sshrl.u32 s1, $0x2  }
0xba: {  	s3 =	sand.u32 $0x4000, s31;
	s1 =	sadd.s32 s1, s30  }
0xbb: {  	s0 =	sor.u32 s3, s0;
	s1 =	sshll.u32 s1, $0x11  }
0xbc: {  	s0 =	sor.u32 s1, s0  }
0xbd: {  	s0 =	sadd.s32 $0x8F2B, s0  }
0xbe: {  	[sflag:s0] =	ssyncadd.remote.s32 $0x1  }
0xbf: {  	_ =	sfence.sel $0xFFFF  }
0xc0: {  	[dreg:$0x0] =	wrdreg $0xFFFFFFFF;
	(pc) =	sbr.abs _section_cstart, $3  }
0xc1: {  	[dreg:$0x1] =	wrdreg $0xFFFFFFFF  }
0xc2: {  	_ =	task.clear_ibuf [dreg:s7], $0x2FFFF;
	_ =	strace $0x9FFFFFFF  }
0xc3: {  	(tm) =	ssettm $0x7FFFFFFF  }
tec
execute0_lowered:
.L_overlay_start_1:
0x0: {  	(tag) =	ssettag $0x1  }
0x1: {  	s0 =	rddreg [dreg:$0x0]  }
0x2: {  	s1 =	rddreg [dreg:$0x1]  }
0x3: {  	s2 =	rddreg [dreg:$0x2];
	s3 =	simm.s32 $0x0;
	s16 =	stileid.u32  }
0x4: {  	s4 =	srdreg.scid;
	s15 =	simm.s32 $0x5;
	s28 =	simm.s32 $0x2A80  }
0x5: {  	s29 =	simm.s32 $0x2B00;
	s30 =	simm.s32 $0x2B80;
	s31 =	simm.s32 $0x4  }
0x6: {  	s13 =	simm.s32 $0x0;
	[smem:$0x7FF] =	sst s3;
	s6 =	smul.u32 $0x14000, s16  }
0x7: {  	s7 =	sand.u32 $0x1, s4;
	s4 =	sadd.s32 $0xE400, s0;
	s17 =	smul.u32 $0x50000, s16  }
0x8: {  	s5 =	sadd.s32 $0x4400, s0;
	s19 =	smul.u32 $0x2800, s16;
	s20 =	sshll.u32 s16, $0x6  }
0x9: {  	_ =	strace $0x8000004A;
	s9 =	smul.u32 $0x140000, s7;
	s10 =	sshll.u32 s7, $0x4  }
0xa: {  	s11 =	ssub.s32 $0x2, s7;
	s7 =	smul.u32 $0x28000, s7;
	s12 =	sor.u32 $0x1C05, s20  }
0xb: {  	s20 =	simm.s32 $0x7000;
	s8 =	sshrl.u32 s6, $0x3;
	s10 =	sor.u32 s16, s10  }
0xc: {  	s18 =	sshrl.u32 s11, $0x1;
	[dreg:$0x5] =	wrdreg s12;
	s8 =	sadd.s32 s8, s0  }
0xd: {  	s6 =	sadd.s32 s6, s9;
	s10 =	smul.u32 $0x2800, s10;
	s9 =	sshrl.u32 s17, $0x2  }
0xe: {  	s7 =	sadd.s32 s19, s7;
	s17 =	simm.s32 $0x80;
	s6 =	sshrl.u32 s6, $0x3  }
0xf: {  	s9 =	sadd.s32 s9, s2;
	s8 =	sadd.s32 $0x35600, s8;
	s23 =	sor.u32 $0x400, s7  }
0x10: {  	s26 =	sadd.s32 $0x800, s7;
	s0 =	sadd.s32 s6, s0;
	s6 =	ssub.s32 s11, s18  }
0x11: {  	[dreg:$0x4] =	wrdreg s8;
	s21 =	sshrl.u32 s10, $0x3;
	s25 =	sshrl.u32 s23, $0x3  }
0x12: {  	[dreg:$0xa] =	wrdreg s26;
	s7 =	sshrl.u32 s9, $0x3;
	s18 =	simm.s32 $0x3000  }
0x13: {  	s26 =	simm.s32 $0x2A00;
	s8 =	simm.s32 $0x2E00;
	s9 =	simm.s32 $0x2E80  }
0x14: {  	s10 =	simm.s32 $0x2F00;
	s1 =	sadd.s32 s1, s21;
	[dreg:$0xc] =	wrdreg s7  }
0x15: {  	s11 =	simm.s32 $0x2F80;
	s22 =	sadd.s32 s5, s21;
	[dreg:$0x6] =	wrdreg s1  }
.Ltmp0:
0x16: {  	s0 =	sadd.s32 $0x5D600, s0;
	[dreg:$0x7] =	wrdreg s22;
	(pc) =	sbr.rel .LBB2_1-.Ltmp0, $4  }
0x17: {  	s24 =	smax.u32 s6, $0x1;
	s21 =	simm.s32 $0x2C00;
	[dreg:$0x8] =	wrdreg s0  }
0x18: {  	s6 =	simm.s32 $0x2D80;
	[dreg:$0x9] =	wrdreg s24;
	s0 =	sadd.s32 s25, s5  }
0x19: {  	s22 =	simm.s32 $0x1;
	s24 =	simm.s32 $0x2;
	s1 =	simm.s32 $0x2D00  }
0x1a: {  	s25 =	simm.s32 $0x0;
	[dreg:$0xb] =	wrdreg s0;
	s0 =	simm.s32 $0x2C80  }
.LBB2_4:
0x1b: {  	[bflag:$0x0] =	sbarrier.arrive $0xFFFF  }
0x1c: {  	s12 =	rddreg [dreg:$0x5]  }
0x1d: {  	s3 =	rddreg [dreg:$0x8]  }
0x1e: {  	s7 =	rddreg [dreg:$0xc]  }
0x1f: {  	[hbm:s3], [sflag:s12] =	dma.local [spmem:s7], $0x2800  }
0x20: {  	_ =	swait.ge [sflag:s15], $0x2800  }
0x21: {  	s13 =	rddreg [dreg:$0xd]  }
0x22: {  	s23 =	rddreg [dreg:$0x9];
	s13 =	sadd.s32 $0x1, s13  }
0x23: {  	p0 =	sne.s32 s13, s23  }
.Ltmp1:
0x24: {  	_ = 	snop;
	(pc) =	sbr.rel @!p0 .LBB2_5-.Ltmp1, $3  }
0x25: {  	_ =	sdelay $0x1  }
0x26: {  	[sflag:s15] =	ssyncset.done $0x0  }
0x27: {  	[sflag:s15] =	ssyncadd.s32 $0xFFFFD800  }
.LBB2_1:
0x28: {  	[dreg:$0xd] =	wrdreg s13  }
0x29: {  	s3 =	rddreg [dreg:$0x4]  }
0x2a: {  	[spmem:s7], [sflag:s12] =	dma.local [hbm:s3], $0x2800  }
0x2b: {  	_ =	swait.ge [sflag:s15], $0x2800  }
0x2c: {  	[sflag:s15] =	ssyncset.done $0x0  }
0x2d: {  	s13 =	simm.s32 $0x0;
	s14 =	rddreg [dreg:$0x6];
	[sflag:s15] =	ssyncadd.s32 $0xFFFFD800  }
0x2e: {  	[tilespmem:s13], [sflag:$0x5] =	stream.linear.gather [hbm4b:s14+s13], $0x2800, $0x38;
	[tilespmem:$0x1F000] =	vst v63  }
0x2f: {  	_ =	swait.ge [sflag:s15], $0x2800  }
0x30: {  	[sflag:s15] =	ssyncset.done $0x0  }
0x31: {  	s19 =	simm.s32 $0x2800;
	s16 =	rddreg [dreg:$0x7];
	[sflag:s15] =	ssyncadd.s32 $0xFFFFD800  }
0x32: {  	[tilespmem:s19], [sflag:$0x5] =	stream.linear.gather [hbm4b:s16+s13], $0x400, $0x38;
	[tilespmem:$0x1F000] =	vst v63  }
0x33: {  	_ =	swait.ge [sflag:s15], $0x400  }
0x34: {  	[sflag:s15] =	ssyncset.done $0x0  }
0x35: {  	[sflag:s15] =	ssyncadd.s32 $0xFFFFFC00  }
0x36: {  	[bflag:$0x0] =	sbarrier.arrive $0xFFFF  }
0x37: {  	[tilespmem:s18], [sflag:$0x1] =	stream.indirect.gather [hbm4b:s4+s17], $0x80, s19, s17, $0xb8;
	[tilespmem:$0x1F000] =	vst v63  }
0x38: {  	s13 =	rddreg [dreg:$0xb]  }
0x39: {  	s23 =	simm.s32 $0x2880;
	s12 =	simm.s32 $0x0;
	s7 =	rddreg [dreg:$0xa]  }
0x3a: {  	[tilespmem:s20], [sflag:$0x2] =	stream.indirect.gather [hbm4b:s4+s17], $0x80, s23, s17, $0xb8;
	[tilespmem:$0x1F000] =	vst v63  }
.LBB2_2:
0x3b: {  	[tilespmem:s21], [sflag:$0x4] =	stream.linear.gather [hbm4b:s13+s25], $0x400, $0x38;
	[tilespmem:$0x1F000] =	vst v63  }
0x3c: {  	_ =	swait.ge [sflag:s22], $0x4000  }
0x3d: {  	[sflag:s22] =	ssyncset.done $0x0  }
0x3e: {  	s14 =	sshra.s32 s12, $0x2;
	[sflag:s22] =	ssyncadd.s32 $0xFFFFC000  }
0x3f: {  	[spmem:s2] =	stream.indirect.scatter.add.f32 [tilespmem:s18], [sflag:$0x5], $0x80, s14, s17, $0xb8;
	[tilespmem:$0x1F000] =	vst v63  }
0x40: {  	_ =	swait.ge [sflag:s15], $0x4000  }
0x41: {  	[sflag:s15] =	ssyncset.done $0x0  }
0x42: {  	s3 =	simm.s32 $0x2900;
	[sflag:s15] =	ssyncadd.s32 $0xFFFFC000  }
0x43: {  	[tilespmem:s18], [sflag:$0x1] =	stream.indirect.gather [hbm4b:s4+s17], $0x80, s3, s17, $0xb8;
	[tilespmem:$0x1F000] =	vst v63  }
0x44: {  	_ =	swait.ge [sflag:s24], $0x4000  }
0x45: {  	[sflag:s24] =	ssyncset.done $0x0  }
0x46: {  	s16 =	sadd.s32 $0x80, s14;
	[sflag:s24] =	ssyncadd.s32 $0xFFFFC000  }
0x47: {  	[spmem:s2] =	stream.indirect.scatter.add.f32 [tilespmem:s20], [sflag:$0x5], $0x80, s16, s17, $0xb8;
	[tilespmem:$0x1F000] =	vst v63  }
0x48: {  	_ =	swait.ge [sflag:s15], $0x4000  }
0x49: {  	[sflag:s15] =	ssyncset.done $0x0  }
0x4a: {  	s19 =	simm.s32 $0x2980;
	[sflag:s15] =	ssyncadd.s32 $0xFFFFC000  }
0x4b: {  	[tilespmem:s20], [sflag:$0x2] =	stream.indirect.gather [hbm4b:s4+s17], $0x80, s19, s17, $0xb8;
	[tilespmem:$0x1F000] =	vst v63  }
0x4c: {  	_ =	swait.ge [sflag:s22], $0x4000  }
0x4d: {  	[sflag:s22] =	ssyncset.done $0x0  }
0x4e: {  	s23 =	sadd.s32 $0x100, s14;
	[sflag:s22] =	ssyncadd.s32 $0xFFFFC000  }
0x4f: {  	[spmem:s2] =	stream.indirect.scatter.add.f32 [tilespmem:s18], [sflag:$0x5], $0x80, s23, s17, $0xb8;
	[tilespmem:$0x1F000] =	vst v63  }
0x50: {  	_ =	swait.ge [sflag:s15], $0x4000  }
0x51: {  	[sflag:s15] =	ssyncset.done $0x0  }
0x52: {  	[sflag:s15] =	ssyncadd.s32 $0xFFFFC000  }
0x53: {  	[tilespmem:s18], [sflag:$0x1] =	stream.indirect.gather [hbm4b:s4+s17], $0x80, s26, s17, $0xb8;
	[tilespmem:$0x1F000] =	vst v63  }
0x54: {  	_ =	swait.ge [sflag:s24], $0x4000  }
0x55: {  	[sflag:s24] =	ssyncset.done $0x0  }
0x56: {  	s3 =	sadd.s32 $0x180, s14;
	[sflag:s24] =	ssyncadd.s32 $0xFFFFC000  }
0x57: {  	[spmem:s2] =	stream.indirect.scatter.add.f32 [tilespmem:s20], [sflag:$0x5], $0x80, s3, s17, $0xb8;
	[tilespmem:$0x1F000] =	vst v63  }
0x58: {  	_ =	swait.ge [sflag:s15], $0x4000  }
0x59: {  	[sflag:s15] =	ssyncset.done $0x0  }
0x5a: {  	[sflag:s15] =	ssyncadd.s32 $0xFFFFC000  }
0x5b: {  	[tilespmem:s20], [sflag:$0x2] =	stream.indirect.gather [hbm4b:s4+s17], $0x80, s28, s17, $0xb8;
	[tilespmem:$0x1F000] =	vst v63  }
0x5c: {  	_ =	swait.ge [sflag:s22], $0x4000  }
0x5d: {  	[sflag:s22] =	ssyncset.done $0x0  }
0x5e: {  	s19 =	sadd.s32 $0x200, s14;
	[sflag:s22] =	ssyncadd.s32 $0xFFFFC000  }
0x5f: {  	[spmem:s2] =	stream.indirect.scatter.add.f32 [tilespmem:s18], [sflag:$0x5], $0x80, s19, s17, $0xb8;
	[tilespmem:$0x1F000] =	vst v63  }
0x60: {  	_ =	swait.ge [sflag:s15], $0x4000  }
0x61: {  	[sflag:s15] =	ssyncset.done $0x0  }
0x62: {  	[sflag:s15] =	ssyncadd.s32 $0xFFFFC000  }
0x63: {  	[tilespmem:s18], [sflag:$0x1] =	stream.indirect.gather [hbm4b:s4+s17], $0x80, s29, s17, $0xb8;
	[tilespmem:$0x1F000] =	vst v63  }
0x64: {  	_ =	swait.ge [sflag:s24], $0x4000  }
0x65: {  	[sflag:s24] =	ssyncset.done $0x0  }
0x66: {  	s23 =	sadd.s32 $0x280, s14;
	[sflag:s24] =	ssyncadd.s32 $0xFFFFC000  }
0x67: {  	[spmem:s2] =	stream.indirect.scatter.add.f32 [tilespmem:s20], [sflag:$0x5], $0x80, s23, s17, $0xb8;
	[tilespmem:$0x1F000] =	vst v63  }
0x68: {  	_ =	swait.ge [sflag:s15], $0x4000  }
0x69: {  	[sflag:s15] =	ssyncset.done $0x0  }
0x6a: {  	[sflag:s15] =	ssyncadd.s32 $0xFFFFC000  }
0x6b: {  	[tilespmem:s20], [sflag:$0x2] =	stream.indirect.gather [hbm4b:s4+s17], $0x80, s30, s17, $0xb8;
	[tilespmem:$0x1F000] =	vst v63  }
0x6c: {  	_ =	swait.ge [sflag:s31], $0x400  }
0x6d: {  	[sflag:s31] =	ssyncset.done $0x0  }
0x6e: {  	[sflag:s31] =	ssyncadd.s32 $0xFFFFFC00  }
0x6f: {  	_ =	swait.ge [sflag:s22], $0x4000  }
0x70: {  	[sflag:s22] =	ssyncset.done $0x0  }
0x71: {  	s3 =	sadd.s32 $0x300, s14;
	[sflag:s22] =	ssyncadd.s32 $0xFFFFC000  }
0x72: {  	[spmem:s2] =	stream.indirect.scatter.add.f32 [tilespmem:s18], [sflag:$0x5], $0x80, s3, s17, $0xb8;
	[tilespmem:$0x1F000] =	vst v63  }
0x73: {  	_ =	swait.ge [sflag:s15], $0x4000  }
0x74: {  	[sflag:s15] =	ssyncset.done $0x0  }
0x75: {  	[sflag:s15] =	ssyncadd.s32 $0xFFFFC000  }
0x76: {  	[tilespmem:s18], [sflag:$0x1] =	stream.indirect.gather [hbm4b:s4+s17], $0x80, s21, s17, $0xb8;
	[tilespmem:$0x1F000] =	vst v63  }
0x77: {  	_ =	swait.ge [sflag:s24], $0x4000  }
0x78: {  	[sflag:s24] =	ssyncset.done $0x0  }
0x79: {  	s19 =	sadd.s32 $0x380, s14;
	[sflag:s24] =	ssyncadd.s32 $0xFFFFC000  }
0x7a: {  	[spmem:s2] =	stream.indirect.scatter.add.f32 [tilespmem:s20], [sflag:$0x5], $0x80, s19, s17, $0xb8;
	[tilespmem:$0x1F000] =	vst v63  }
0x7b: {  	_ =	swait.ge [sflag:s15], $0x4000  }
0x7c: {  	p0 =	seq.s32 s12, $0x8000;
	[sflag:s15] =	ssyncset.done $0x0  }
0x7d: {  	s16 =	sshrl.u32 @!p0 s7, $0x3;
	[sflag:s15] =	ssyncadd.s32 $0xFFFFC000  }
0x7e: {  	[tilespmem:s20], [sflag:$0x2] =	stream.indirect.gather [hbm4b:s4+s17], $0x80, s0, s17, $0xb8;
	[tilespmem:$0x1F000] =	vst v63  }
0x7f: {  	s3 =	sadd.s32 @!p0 s5, s16;
	s16 =	simm.s32 @!p0 $0x2800;
	s19 =	simm.s32 @!p0 $0x0  }
0x80: {  	[tilespmem:s16], [sflag:$0x3] =	stream.linear.gather @!p0 [hbm4b:s3+s19], $0x400, $0x38;
	[tilespmem:$0x1F000] =	vst v63  }
0x81: {  	_ =	swait.ge [sflag:s22], $0x4000  }
0x82: {  	[sflag:s22] =	ssyncset.done $0x0  }
0x83: {  	s23 =	sadd.s32 $0x400, s14;
	[sflag:s22] =	ssyncadd.s32 $0xFFFFC000  }
0x84: {  	[spmem:s2] =	stream.indirect.scatter.add.f32 [tilespmem:s18], [sflag:$0x5], $0x80, s23, s17, $0xb8;
	[tilespmem:$0x1F000] =	vst v63  }
0x85: {  	_ =	swait.ge [sflag:s15], $0x4000  }
0x86: {  	[sflag:s15] =	ssyncset.done $0x0  }
0x87: {  	[sflag:s15] =	ssyncadd.s32 $0xFFFFC000  }
0x88: {  	[tilespmem:s18], [sflag:$0x1] =	stream.indirect.gather [hbm4b:s4+s17], $0x80, s1, s17, $0xb8;
	[tilespmem:$0x1F000] =	vst v63  }
0x89: {  	_ =	swait.ge [sflag:s24], $0x4000  }
0x8a: {  	[sflag:s24] =	ssyncset.done $0x0  }
0x8b: {  	s19 =	sadd.s32 $0x480, s14;
	[sflag:s24] =	ssyncadd.s32 $0xFFFFC000  }
0x8c: {  	[spmem:s2] =	stream.indirect.scatter.add.f32 [tilespmem:s20], [sflag:$0x5], $0x80, s19, s17, $0xb8;
	[tilespmem:$0x1F000] =	vst v63  }
0x8d: {  	_ =	swait.ge [sflag:s15], $0x4000  }
0x8e: {  	[sflag:s15] =	ssyncset.done $0x0  }
0x8f: {  	[sflag:s15] =	ssyncadd.s32 $0xFFFFC000  }
0x90: {  	[tilespmem:s20], [sflag:$0x2] =	stream.indirect.gather [hbm4b:s4+s17], $0x80, s6, s17, $0xb8;
	[tilespmem:$0x1F000] =	vst v63  }
0x91: {  	_ =	swait.ge [sflag:s22], $0x4000  }
0x92: {  	[sflag:s22] =	ssyncset.done $0x0  }
0x93: {  	s23 =	sadd.s32 $0x500, s14;
	[sflag:s22] =	ssyncadd.s32 $0xFFFFC000  }
0x94: {  	[spmem:s2] =	stream.indirect.scatter.add.f32 [tilespmem:s18], [sflag:$0x5], $0x80, s23, s17, $0xb8;
	[tilespmem:$0x1F000] =	vst v63  }
0x95: {  	_ =	swait.ge [sflag:s15], $0x4000  }
0x96: {  	[sflag:s15] =	ssyncset.done $0x0  }
0x97: {  	[sflag:s15] =	ssyncadd.s32 $0xFFFFC000  }
0x98: {  	[tilespmem:s18], [sflag:$0x1] =	stream.indirect.gather [hbm4b:s4+s17], $0x80, s8, s17, $0xb8;
	[tilespmem:$0x1F000] =	vst v63  }
0x99: {  	_ =	swait.ge [sflag:s24], $0x4000  }
0x9a: {  	[sflag:s24] =	ssyncset.done $0x0  }
0x9b: {  	s19 =	sadd.s32 $0x580, s14;
	[sflag:s24] =	ssyncadd.s32 $0xFFFFC000  }
0x9c: {  	[spmem:s2] =	stream.indirect.scatter.add.f32 [tilespmem:s20], [sflag:$0x5], $0x80, s19, s17, $0xb8;
	[tilespmem:$0x1F000] =	vst v63  }
0x9d: {  	_ =	swait.ge [sflag:s15], $0x4000  }
0x9e: {  	[sflag:s15] =	ssyncset.done $0x0  }
0x9f: {  	[sflag:s15] =	ssyncadd.s32 $0xFFFFC000  }
0xa0: {  	[tilespmem:s20], [sflag:$0x2] =	stream.indirect.gather [hbm4b:s4+s17], $0x80, s9, s17, $0xb8;
	[tilespmem:$0x1F000] =	vst v63  }
0xa1: {  	_ =	swait.ge [sflag:s22], $0x4000  }
0xa2: {  	[sflag:s22] =	ssyncset.done $0x0  }
0xa3: {  	s23 =	sadd.s32 $0x600, s14;
	[sflag:s22] =	ssyncadd.s32 $0xFFFFC000  }
0xa4: {  	[spmem:s2] =	stream.indirect.scatter.add.f32 [tilespmem:s18], [sflag:$0x5], $0x80, s23, s17, $0xb8;
	[tilespmem:$0x1F000] =	vst v63  }
0xa5: {  	_ =	swait.ge [sflag:s15], $0x4000  }
0xa6: {  	[sflag:s15] =	ssyncset.done $0x0  }
0xa7: {  	[sflag:s15] =	ssyncadd.s32 $0xFFFFC000  }
0xa8: {  	[tilespmem:s18], [sflag:$0x1] =	stream.indirect.gather [hbm4b:s4+s17], $0x80, s10, s17, $0xb8;
	[tilespmem:$0x1F000] =	vst v63  }
0xa9: {  	_ =	swait.ge [sflag:s24], $0x4000  }
0xaa: {  	[sflag:s24] =	ssyncset.done $0x0  }
0xab: {  	s19 =	sadd.s32 $0x680, s14;
	[sflag:s24] =	ssyncadd.s32 $0xFFFFC000  }
0xac: {  	[spmem:s2] =	stream.indirect.scatter.add.f32 [tilespmem:s20], [sflag:$0x5], $0x80, s19, s17, $0xb8;
	[tilespmem:$0x1F000] =	vst v63  }
0xad: {  	_ =	swait.ge [sflag:s15], $0x4000  }
0xae: {  	[sflag:s15] =	ssyncset.done $0x0  }
0xaf: {  	s3 =	simm.s32 @p0 $0x1;
	[sflag:s15] =	ssyncadd.s32 $0xFFFFC000  }
0xb0: {  	[tilespmem:s20], [sflag:$0x2] =	stream.indirect.gather [hbm4b:s4+s17], $0x80, s11, s17, $0xb8;
	[tilespmem:$0x1F000] =	vst v63  }
0xb1: {  	_ =	swait.ge @p0 [sflag:s3], $0x4000  }
0xb2: {  	[sflag:s3] =	ssyncset.done @p0 $0x0  }
0xb3: {  	[sflag:s3] =	ssyncadd.s32 @p0 $0xFFFFC000;
	s3 =	sshra.s32 @p0 s12, $0x2  }
0xb4: {  	s23 =	simm.s32 @p0 $0x3000;
	s19 =	simm.s32 @p0 $0x80;
	s3 =	sadd.s32 @p0 $0x700, s3  }
0xb5: {  	[spmem:s2] =	stream.indirect.scatter.add.f32 @p0 [tilespmem:s23], [sflag:$0x5], $0x80, s3, s19, $0xb8;
	[tilespmem:$0x1F000] =	vst v63  }
0xb6: {  	s3 =	simm.s32 @p0 $0x5  }
0xb7: {  	_ =	swait.ge @p0 [sflag:s3], $0x4000  }
0xb8: {  	[sflag:s3] =	ssyncset.done @p0 $0x0  }
0xb9: {  	[sflag:s3] =	ssyncadd.s32 @p0 $0xFFFFC000;
	s3 =	simm.s32 @!p0 $0x3  }
0xba: {  	_ =	swait.ge @!p0 [sflag:s3], $0x400  }
0xbb: {  	[sflag:s3] =	ssyncset.done @!p0 $0x0  }
0xbc: {  	[sflag:s3] =	ssyncadd.s32 @!p0 $0xFFFFFC00;
	s3 =	simm.s32 @!p0 $0x1  }
0xbd: {  	_ =	swait.ge @!p0 [sflag:s3], $0x4000  }
0xbe: {  	[sflag:s3] =	ssyncset.done @!p0 $0x0  }
0xbf: {  	[sflag:s3] =	ssyncadd.s32 @!p0 $0xFFFFC000;
	s3 =	sshra.s32 @!p0 s12, $0x2  }
0xc0: {  	s19 =	simm.s32 @!p0 $0x80;
	s23 =	simm.s32 @!p0 $0x3000;
	s3 =	sadd.s32 @!p0 $0x700, s3  }
0xc1: {  	[spmem:s2] =	stream.indirect.scatter.add.f32 @!p0 [tilespmem:s23], [sflag:$0x5], $0x80, s3, s19, $0xb8;
	[tilespmem:$0x1F000] =	vst v63  }
0xc2: {  	s3 =	simm.s32 @!p0 $0x5  }
0xc3: {  	_ =	swait.ge @!p0 [sflag:s3], $0x4000  }
0xc4: {  	[sflag:s3] =	ssyncset.done @!p0 $0x0  }
0xc5: {  	[sflag:s3] =	ssyncadd.s32 @!p0 $0xFFFFC000  }
0xc6: {  	[tilespmem:s23], [sflag:$0x1] =	stream.indirect.gather @!p0 [hbm4b:s4+s19], $0x80, s16, s19, $0xb8;
	[tilespmem:$0x1F000] =	vst v63  }
0xc7: {  	_ =	swait.ge [sflag:s24], $0x4000  }
0xc8: {  	[sflag:s24] =	ssyncset.done $0x0  }
.Ltmp2:
0xc9: {  	s23 =	sadd.s32 $0x780, s14;
	[sflag:s24] =	ssyncadd.s32 $0xFFFFC000;
	(pc) =	sbr.rel @p0 .LBB2_4-.Ltmp2, $4  }
0xca: {  	[spmem:s2] =	stream.indirect.scatter.add.f32 [tilespmem:s20], [sflag:$0x5], $0x80, s23, s17, $0xb8;
	[tilespmem:$0x1F000] =	vst v63  }
0xcb: {  	_ =	swait.ge [sflag:s15], $0x4000  }
0xcc: {  	[sflag:s15] =	ssyncset.done $0x0  }
0xcd: {  	[sflag:s15] =	ssyncadd.s32 $0xFFFFC000  }
.Ltmp3:
0xce: {  	(pc) =	sbr.rel .LBB2_2-.Ltmp3, $4  }
0xcf: {  	_ = 	snop  }
0xd0: {  	s3 =	simm.s32 $0x2880  }
0xd1: {  	s7 =	sadd.s32 $0x800, s7;
	s12 =	sadd.s32 $0x2000, s12;
	s13 =	sadd.s32 $0x100, s13  }
0xd2: {  	[tilespmem:s20], [sflag:$0x2] =	stream.indirect.gather [hbm4b:s4+s17], $0x80, s3, s17, $0xb8;
	[tilespmem:$0x1F000] =	vst v63  }
.LBB2_5:
0xd3: {  	_ =	sfence.sel $0x180000  }
0xd4: {  	[bflag:$0x0] =	sbarrier.arrive $0xFFFF  }
0xd5: {  	_ =	strace $0x9000004A  }
0xd6: {  	s0 =	stileid.u32;
	[bflag:$0x2] =	sbarrier.arrive $0xFFFF  }
0xd7: {  	p0 =	sne.s32 s0, $0x0;
	s0 =	rddreg [dreg:$0x3]  }
0xd8: {  	s0 =	sadd.s32 @!p0 $0x100000, s0  }
0xd9: {  	[sflag:s0] =	ssyncadd.tile.s32 @!p0 $0x1;
	_ =	shalt  }
.Lfunc_end2:
_tile_overlayer_lowered:
.L_overlay_start_2:
0xda: {  	(tag) =	ssettag $0x2  }
0xdb: {  	s0 =	rddreg [dreg:$0x0];
	s2 =	stileid.u32  }
0xdc: {  	s1 =	rddreg [dreg:$0x1];
	p0 =	sne.s32 s2, $0x0  }
0xdd: {  	s3 =	rddreg [dreg:$0x2];
	[bflag:$0x3] =	sbarrier.arrive $0xFFFF;
	s2 =	simm.s32 @!p0 $0x1C05  }
0xde: {  	[timem:s3], [sflag:s2] =	dma.local @!p0 [hbm:s0], s1  }
0xdf: {  	s0 =	simm.s32 @!p0 $0x5  }
0xe0: {  	_ =	swait.ge @!p0 [sflag:s0], s1  }
0xe1: {  	s1 =	ssub.s32 @!p0 $0x0, s1;
	[sflag:s0] =	ssyncset.done @!p0 $0x0  }
0xe2: {  	[sflag:s0] =	ssyncadd.s32 @!p0 s1  }
0xe3: {  	[bflag:$0x3] =	sbarrier.arrive $0xFFFF  }
0xe4: {  	_ =	shalt  }

// kernel: kernel.16.cloned.1.call-start
scs
__scs_entry_jumppad:
0x0: {  	(pc) =	sbr.rel $0x88, $3  }
0x1: {  	(tag) =	ssettag $0x0;
	lr =	simm.s32 $0x1  }
0x2: {  	[smem:$0x3F95] =	sst lr;
	_ =	strace $0xD0000000  }
0x3: {  	_ = 	snop  }
0x4: {  	_ = 	snop  }
0x5: {  	_ = 	snop  }
0x6: {  	_ = 	snop  }
0x7: {  	_ = 	snop  }
__scs_overlays_trampoline_lowered:
0x8: {  	[smem:$0x3FA4] =	sst s0  }
0x9: {  	[smem:$0x3FA5] =	sst s1  }
0xa: {  	[smem:$0x3FA6] =	sst s2  }
0xb: {  	[smem:$0x3FA7] =	sst s3  }
0xc: {  	[smem:$0x3FA8] =	sst s4  }
0xd: {  	[smem:$0x3FA9] =	sst s5  }
0xe: {  	[smem:$0x3FAA] =	sst s6  }
0xf: {  	[smem:$0x3FAB] =	sst s7  }
0x10: {  	[smem:$0x3FAC] =	sst s8  }
0x11: {  	[smem:$0x3FAD] =	sst s9;
	s0 =	simm.s32 @!p0 $0x0  }
0x12: {  	s1 =	sld [smem:$0x3F93];
	s0 =	simm.s32 @p0 $0x1  }
0x13: {  	[smem:$0x3FAE] =	sst s0;
	s0 =	simm.s32 @!p1 $0x0  }
0x14: {  	s2 =	sld [smem:$0x3F92];
	s0 =	simm.s32 @p1 $0x1  }
0x15: {  	[smem:$0x3FAF] =	sst s0;
	s0 =	simm.s32 @!p2 $0x0  }
0x16: {  	s3 =	sld [smem:$0x3FDB];
	s0 =	simm.s32 @p2 $0x1  }
0x17: {  	s4 =	simm.s32 $0x1BF5;
	[smem:$0x3FB1] =	sst s0  }
0x18: {  	s0 =	sld [smem:$0x3F94];
	_ =	swait.ge [sflag:s4], $0x0  }
0x19: {  	s7 =	sld [smem:$0x3F95]  }
0x1a: {  	s8 =	sadd.s32 $0xFFFFE003, lr  }
0x1b: {  	s9 =	sadd.s32 $0xFFFFFEF7, lr;
	s5 =	simm.s32 $0xFFFFFFFF;
	p2 =	slt.u32 s8, $0xFFFFF086  }
0x1c: {  	p1 =	slt.u32 s9, $0xF7A;
	s5 =	simm.s32 @!p2 $0x0  }
0x1d: {  	s5 =	simm.s32 @p1 $0x1;
	p0 =	seq.s32 s7, s2  }
0x1e: {  	s7 =	smul.u32 @!p0 $0xF7A, s2;
	p2 =	seq.s32 @!p0 s5, $0x0  }
0x1f: {  	s9 =	smul.u32 $0xF7A, s1;
	s8 =	simm.s32 @!p0 $0x1BF5;
	p2 =	por !p2, p0  }
0x20: {  	[sflag:s8] =	ssyncset.s32 @!p0 $0xFFFFF086;
	s6 =	sadd.s32 @!p0 s3, s7;
	s7 =	simm.s32 @!p0 $0x108  }
0x21: {  	s3 =	sadd.s32 s3, s9;
	s6 =	sadd.s32 @!p0 $0x88, s6;
	s7 =	simm.s32 @p2 $0x1082  }
0x22: {  	[simem:s7], [sflag:s8] =	dma.local @!p0 [hbm:s6], $0xF7A  }
0x23: {  	s9 =	sor.u32 $0xD0000000, s2;
	s6 =	simm.s32 $0x108;
	_ =	swait.ge @!p0 [sflag:s8], $0x0  }
0x24: {  	s3 =	sadd.s32 $0x88, s3;
	s6 =	simm.s32 @!p1 $0x1082;
	[sflag:s4] =	ssyncset.s32 $0xFFFFF086  }
0x25: {  	[simem:s6], [sflag:s4] =	dma.local [hbm:s3], $0xF7A  }
0x26: {  	[smem:$0x3F95] =	sst s1;
	(tag) =	ssettag s2;
	_ =	strace s9  }
0x27: {  	s1 =	sld [smem:$0x3FA5]  }
0x28: {  	s2 =	sld [smem:$0x3FA6]  }
0x29: {  	s4 =	sld [smem:$0x3FA8]  }
0x2a: {  	p0 =	seq.s32 s5, $0x0;
	s5 =	sld [smem:$0x3FA9]  }
0x2b: {  	s6 =	sld [smem:$0x3FAA]  }
0x2c: {  	s7 =	sld [smem:$0x3FAB]  }
0x2d: {  	s3 =	simm.s32 $0x108;
	s8 =	sld [smem:$0x3FAC]  }
0x2e: {  	s3 =	simm.s32 @!p0 $0x1082;
	s9 =	sld [smem:$0x3FAD]  }
0x2f: {  	lr =	sadd.s32 s0, s3;
	s0 =	sld [smem:$0x3FA4]  }
0x30: {  	s3 =	sld [smem:$0x3FA7]  }
0x31: {  	[smem:$0x3FB0] =	sst s10  }
0x32: {  	s10 =	sld [smem:$0x3FAE];
	_ =	sdelay $0x3  }
0x33: {  	p0 =	seq.s32 s10, $0x1;
	s10 =	sld [smem:$0x3FB0];
	_ =	sdelay $0x3  }
0x34: {  	[smem:$0x3FB0] =	sst s10  }
0x35: {  	s10 =	sld [smem:$0x3FAF];
	_ =	sdelay $0x3  }
0x36: {  	p1 =	seq.s32 s10, $0x1;
	s10 =	sld [smem:$0x3FB0];
	_ =	sdelay $0x3  }
0x37: {  	[smem:$0x3FB0] =	sst s10  }
0x38: {  	s10 =	sld [smem:$0x3FB1]  }
0x39: {  	_ = 	snop;
	(pc) =	sbr.ind lr, $3  }
0x3a: {  	_ = 	snop  }
0x3b: {  	_ = 	snop  }
0x3c: {  	p2 =	seq.s32 s10, $0x1;
	s10 =	sld [smem:$0x3FB0]  }
0x3d: {  	_ =	shalt  }
0x3e: {  	_ =	shalt  }
0x3f: {  	_ =	shalt  }
0x40: {  	_ =	shalt  }
0x41: {  	_ =	shalt  }
0x42: {  	_ =	shalt  }
0x43: {  	_ =	shalt  }
0x44: {  	_ =	shalt  }
0x45: {  	_ =	shalt  }
0x46: {  	_ =	shalt  }
0x47: {  	_ =	shalt  }
0x48: {  	_ =	shalt  }
0x49: {  	_ =	shalt  }
0x4a: {  	_ =	shalt  }
0x4b: {  	_ =	shalt  }
0x4c: {  	_ =	shalt  }
0x4d: {  	_ =	shalt  }
0x4e: {  	_ =	shalt  }
0x4f: {  	_ =	shalt  }
0x50: {  	_ =	shalt  }
0x51: {  	_ =	shalt  }
0x52: {  	_ =	shalt  }
0x53: {  	_ =	shalt  }
0x54: {  	_ =	shalt  }
0x55: {  	_ =	shalt  }
0x56: {  	_ =	shalt  }
0x57: {  	_ =	shalt  }
0x58: {  	_ =	shalt  }
0x59: {  	_ =	shalt  }
0x5a: {  	_ =	shalt  }
0x5b: {  	_ =	shalt  }
0x5c: {  	_ =	shalt  }
0x5d: {  	_ =	shalt  }
0x5e: {  	_ =	shalt  }
0x5f: {  	_ =	shalt  }
0x60: {  	_ =	shalt  }
0x61: {  	_ =	shalt  }
0x62: {  	_ =	shalt  }
0x63: {  	_ =	shalt  }
0x64: {  	_ =	shalt  }
0x65: {  	_ =	shalt  }
0x66: {  	_ =	shalt  }
0x67: {  	_ =	shalt  }
0x68: {  	_ =	shalt  }
0x69: {  	_ =	shalt  }
0x6a: {  	_ =	shalt  }
0x6b: {  	_ =	shalt  }
0x6c: {  	_ =	shalt  }
0x6d: {  	_ =	shalt  }
0x6e: {  	_ =	shalt  }
0x6f: {  	_ =	shalt  }
0x70: {  	_ =	shalt  }
0x71: {  	_ =	shalt  }
0x72: {  	_ =	shalt  }
0x73: {  	_ =	shalt  }
0x74: {  	_ =	shalt  }
0x75: {  	_ =	shalt  }
0x76: {  	_ =	shalt  }
0x77: {  	_ =	shalt  }
0x78: {  	_ =	shalt  }
0x79: {  	_ =	shalt  }
0x7a: {  	_ =	shalt  }
0x7b: {  	_ =	shalt  }
0x7c: {  	_ =	shalt  }
0x7d: {  	_ =	shalt  }
0x7e: {  	_ =	shalt  }
0x7f: {  	_ =	shalt  }
0x80: {  	_ =	shalt  }
0x81: {  	_ =	shalt  }
0x82: {  	_ =	shalt  }
0x83: {  	_ =	shalt  }
0x84: {  	_ =	shalt  }
0x85: {  	_ =	shalt  }
0x86: {  	_ =	shalt  }
0x87: {  	_ =	shalt  }
.Lfunc_end0:
.L_simem_size_0:
called_computation.2_lowered:
.L_overlay_start_0:
0x88: {  	s2 =	sld [smem:$0x3FD9]  }
0x89: {  	s3 =	sld [smem:$0x3FFE];
	_ =	sdelay $0x1  }
0x8a: {  	s1 =	srdreg.scid  }
0x8b: {  	s0 =	sand.u32 $0x1, s1  }
0x8c: {  	s17 =	sshll.u32 s0, $0xA;
	s2 =	sadd.s32 s3, s2  }
0x8d: {  	s2 =	sadd.s32 s2, s17  }
0x8e: {  	[smem:$0x3FBC] =	sst s2  }
0x8f: {  	_ = 	snop  }
0x90: {  	s2 =	sld [smem:$0x3FD0];
	(tm) =	ssettm $0x1  }
0x91: {  	s18 =	sld [smem:$0x3FFB];
	_ =	sdelay $0x3  }
0x92: {  	_ =	strace s18  }
0x93: {  	s3 =	sld [smem:$0x3FFC];
	_ =	sdelay $0x3  }
0x94: {  	_ =	strace s3  }
0x95: {  	s3 =	sld [smem:$0x3FFD];
	_ =	sdelay $0x3  }
0x96: {  	_ =	strace s3  }
0x97: {  	_ =	strace $0x8FFFFFFF  }
0x98: {  	s19 =	sld [smem:$0x3FDB];
	_ =	sdelay $0x1  }
0x99: {  	s4 =	simm.s32 $_scs_section_size  }
0x9a: {  	s5 =	simm.s32 $_size__tile_overlayer_lowered;
	s6 =	simm.s32 $_tile_overlayer_lowered  }
0x9b: {  	s22 =	simm.s32 $0x1BFF;
	s21 =	sshll.u32 s6, $0x1;
	s3 =	sadd.s32 s4, s19  }
0x9c: {  	s7 =	simm.s32 $0x0;
	s20 =	sshll.u32 s5, $0x1;
	s5 =	sadd.s32 s21, s3  }
0x9d: {  	[timem:s7], [sflag:s22] =	dma.local [hbm:s5], s20  }
0x9e: {  	_ =	swait.ge [sflag:s22], s20  }
0x9f: {  	s4 =	ssub.s32 $0x0, s20;
	[sflag:s22] =	ssyncset.done $0x0  }
0xa0: {  	[sflag:s22] =	ssyncadd.s32 s4;
	_ =	sdelay $0x1  }
0xa1: {  	s23 =	simm.s32 $0x1B8B  }
0xa2: {  	_ =	swait.ge [sflag:s23], $0x1  }
0xa3: {  	[sflag:s23] =	ssyncset.done $0x0  }
0xa4: {  	s25 =	simm.s32 $0x1B8E;
	s24 =	sld [smem:$0x3FFE];
	[sflag:s23] =	ssyncadd.s32 $0xFFFFFFFF  }
0xa5: {  	s26 =	simm.s32 $execute0_lowered;
	[smem:$0x3FD2] =	sst s25  }
0xa6: {  	s5 =	sshll.u32 s26, $0x1;
	_ =	strace $0x8000004C;
	[dreg:$0x1] =	wrdreg $0xFFFFFFFF  }
0xa7: {  	s28 =	simm.s32 $_size_execute0_lowered;
	s3 =	sadd.s32 s3, s5;
	[dreg:$0x0] =	wrdreg $0x0  }
0xa8: {  	s5 =	sshll.u32 s28, $0x1;
	[dreg:$0x2] =	wrdreg s3  }
0xa9: {  	[dreg:$0x3] =	wrdreg s5  }
0xaa: {  	[dreg:$0x4] =	wrdreg $0xC0  }
0xab: {  	_ =	task [dreg:s7], $0x5FFFF  }
0xac: {  	[dreg:$0x1] =	wrdreg $0xFFFFFFFF  }
0xad: {  	[dreg:$0x0] =	wrdreg $0x60  }
0xae: {  	[dreg:$0x2] =	wrdreg s24  }
0xaf: {  	[dreg:$0x3] =	wrdreg s2  }
0xb0: {  	[dreg:$0x4] =	wrdreg $0xB0000  }
0xb1: {  	[dreg:$0x5] =	wrdreg $0x9  }
0xb2: {  	_ =	task.clear_ibuf [dreg:s7], $0x6FFFF;
	_ =	strace $0x9000004C  }
0xb3: {  	s29 =	simm.s32 $0x9;
	_ =	strace $0x8000004E  }
0xb4: {  	_ =	swait.ge [sflag:s29], $0x1  }
0xb5: {  	[sflag:s29] =	ssyncadd.s32 $0xFFFFFFFF  }
0xb6: {  	_ =	strace $0x9000004E  }
0xb7: {  	_ =	sfence  }
0xb8: {  	s30 =	sld [smem:$0x0];
	_ =	sdelay $0x2  }
0xb9: {  	s31 =	sshll.u32 s1, $0xD;
	s1 =	sshrl.u32 s1, $0x2  }
0xba: {  	s3 =	sand.u32 $0x4000, s31;
	s1 =	sadd.s32 s1, s30  }
0xbb: {  	s0 =	sor.u32 s3, s0;
	s1 =	sshll.u32 s1, $0x11  }
0xbc: {  	s0 =	sor.u32 s1, s0  }
0xbd: {  	s0 =	sadd.s32 $0x8F2B, s0  }
0xbe: {  	[sflag:s0] =	ssyncadd.remote.s32 $0x1  }
0xbf: {  	_ =	sfence.sel $0xFFFF  }
0xc0: {  	[dreg:$0x0] =	wrdreg $0xFFFFFFFF;
	(pc) =	sbr.abs _section_cstart, $3  }
0xc1: {  	[dreg:$0x1] =	wrdreg $0xFFFFFFFF  }
0xc2: {  	_ =	task.clear_ibuf [dreg:s7], $0x2FFFF;
	_ =	strace $0x9FFFFFFF  }
0xc3: {  	(tm) =	ssettm $0x7FFFFFFF  }
tec
execute0_lowered:
.L_overlay_start_1:
0x0: {  	(tag) =	ssettag $0x1  }
0x1: {  	s0 =	rddreg [dreg:$0x0]  }
0x2: {  	s1 =	rddreg [dreg:$0x1]  }
0x3: {  	s2 =	rddreg [dreg:$0x2];
	s3 =	simm.s32 $0x0;
	s16 =	stileid.u32  }
0x4: {  	s4 =	srdreg.scid;
	s15 =	simm.s32 $0x5;
	s28 =	simm.s32 $0x2A80  }
0x5: {  	s29 =	simm.s32 $0x2B00;
	s30 =	simm.s32 $0x2B80;
	s31 =	simm.s32 $0x4  }
0x6: {  	s13 =	simm.s32 $0x0;
	[smem:$0x7FF] =	sst s3;
	s6 =	smul.u32 $0x14000, s16  }
0x7: {  	s7 =	sand.u32 $0x1, s4;
	s4 =	sadd.s32 $0xE400, s0;
	s17 =	smul.u32 $0x50000, s16  }
0x8: {  	s5 =	sadd.s32 $0x4400, s0;
	s19 =	smul.u32 $0x2800, s16;
	s20 =	sshll.u32 s16, $0x6  }
0x9: {  	_ =	strace $0x8000004D;
	s9 =	smul.u32 $0x140000, s7;
	s10 =	sshll.u32 s7, $0x4  }
0xa: {  	s11 =	ssub.s32 $0x2, s7;
	s7 =	smul.u32 $0x28000, s7;
	s12 =	sor.u32 $0x1C05, s20  }
0xb: {  	s20 =	simm.s32 $0x7000;
	s8 =	sshrl.u32 s6, $0x3;
	s10 =	sor.u32 s16, s10  }
0xc: {  	s18 =	sshrl.u32 s11, $0x1;
	[dreg:$0x5] =	wrdreg s12;
	s8 =	sadd.s32 s8, s0  }
0xd: {  	s6 =	sadd.s32 s6, s9;
	s10 =	smul.u32 $0x2800, s10;
	s9 =	sshrl.u32 s17, $0x2  }
0xe: {  	s7 =	sadd.s32 s19, s7;
	s17 =	simm.s32 $0x80;
	s6 =	sshrl.u32 s6, $0x3  }
0xf: {  	s9 =	sadd.s32 s9, s2;
	s8 =	sadd.s32 $0x35600, s8;
	s23 =	sor.u32 $0x400, s7  }
0x10: {  	s26 =	sadd.s32 $0x800, s7;
	s0 =	sadd.s32 s6, s0;
	s6 =	ssub.s32 s11, s18  }
0x11: {  	[dreg:$0x4] =	wrdreg s8;
	s21 =	sshrl.u32 s10, $0x3;
	s25 =	sshrl.u32 s23, $0x3  }
0x12: {  	[dreg:$0xa] =	wrdreg s26;
	s7 =	sshrl.u32 s9, $0x3;
	s18 =	simm.s32 $0x3000  }
0x13: {  	s26 =	simm.s32 $0x2A00;
	s8 =	simm.s32 $0x2E00;
	s9 =	simm.s32 $0x2E80  }
0x14: {  	s10 =	simm.s32 $0x2F00;
	s1 =	sadd.s32 s1, s21;
	[dreg:$0xc] =	wrdreg s7  }
0x15: {  	s11 =	simm.s32 $0x2F80;
	s22 =	sadd.s32 s5, s21;
	[dreg:$0x6] =	wrdreg s1  }
.Ltmp0:
0x16: {  	s0 =	sadd.s32 $0x5D600, s0;
	[dreg:$0x7] =	wrdreg s22;
	(pc) =	sbr.rel .LBB2_1-.Ltmp0, $4  }
0x17: {  	s24 =	smax.u32 s6, $0x1;
	s21 =	simm.s32 $0x2C00;
	[dreg:$0x8] =	wrdreg s0  }
0x18: {  	s6 =	simm.s32 $0x2D80;
	[dreg:$0x9] =	wrdreg s24;
	s0 =	sadd.s32 s25, s5  }
0x19: {  	s22 =	simm.s32 $0x1;
	s24 =	simm.s32 $0x2;
	s1 =	simm.s32 $0x2D00  }
0x1a: {  	s25 =	simm.s32 $0x0;
	[dreg:$0xb] =	wrdreg s0;
	s0 =	simm.s32 $0x2C80  }
.LBB2_4:
0x1b: {  	[bflag:$0x0] =	sbarrier.arrive $0xFFFF  }
0x1c: {  	s12 =	rddreg [dreg:$0x5]  }
0x1d: {  	s3 =	rddreg [dreg:$0x8]  }
0x1e: {  	s7 =	rddreg [dreg:$0xc]  }
0x1f: {  	[hbm:s3], [sflag:s12] =	dma.local [spmem:s7], $0x2800  }
0x20: {  	_ =	swait.ge [sflag:s15], $0x2800  }
0x21: {  	s13 =	rddreg [dreg:$0xd]  }
0x22: {  	s23 =	rddreg [dreg:$0x9];
	s13 =	sadd.s32 $0x1, s13  }
0x23: {  	p0 =	sne.s32 s13, s23  }
.Ltmp1:
0x24: {  	_ = 	snop;
	(pc) =	sbr.rel @!p0 .LBB2_5-.Ltmp1, $3  }
0x25: {  	_ =	sdelay $0x1  }
0x26: {  	[sflag:s15] =	ssyncset.done $0x0  }
0x27: {  	[sflag:s15] =	ssyncadd.s32 $0xFFFFD800  }
.LBB2_1:
0x28: {  	[dreg:$0xd] =	wrdreg s13  }
0x29: {  	s3 =	rddreg [dreg:$0x4]  }
0x2a: {  	[spmem:s7], [sflag:s12] =	dma.local [hbm:s3], $0x2800  }
0x2b: {  	_ =	swait.ge [sflag:s15], $0x2800  }
0x2c: {  	[sflag:s15] =	ssyncset.done $0x0  }
0x2d: {  	s13 =	simm.s32 $0x0;
	s14 =	rddreg [dreg:$0x6];
	[sflag:s15] =	ssyncadd.s32 $0xFFFFD800  }
0x2e: {  	[tilespmem:s13], [sflag:$0x5] =	stream.linear.gather [hbm4b:s14+s13], $0x2800, $0x38;
	[tilespmem:$0x1F000] =	vst v63  }
0x2f: {  	_ =	swait.ge [sflag:s15], $0x2800  }
0x30: {  	[sflag:s15] =	ssyncset.done $0x0  }
0x31: {  	s19 =	simm.s32 $0x2800;
	s16 =	rddreg [dreg:$0x7];
	[sflag:s15] =	ssyncadd.s32 $0xFFFFD800  }
0x32: {  	[tilespmem:s19], [sflag:$0x5] =	stream.linear.gather [hbm4b:s16+s13], $0x400, $0x38;
	[tilespmem:$0x1F000] =	vst v63  }
0x33: {  	_ =	swait.ge [sflag:s15], $0x400  }
0x34: {  	[sflag:s15] =	ssyncset.done $0x0  }
0x35: {  	[sflag:s15] =	ssyncadd.s32 $0xFFFFFC00  }
0x36: {  	[bflag:$0x0] =	sbarrier.arrive $0xFFFF  }
0x37: {  	[tilespmem:s18], [sflag:$0x1] =	stream.indirect.gather [hbm4b:s4+s17], $0x80, s19, s17, $0xb8;
	[tilespmem:$0x1F000] =	vst v63  }
0x38: {  	s13 =	rddreg [dreg:$0xb]  }
0x39: {  	s23 =	simm.s32 $0x2880;
	s12 =	simm.s32 $0x0;
	s7 =	rddreg [dreg:$0xa]  }
0x3a: {  	[tilespmem:s20], [sflag:$0x2] =	stream.indirect.gather [hbm4b:s4+s17], $0x80, s23, s17, $0xb8;
	[tilespmem:$0x1F000] =	vst v63  }
.LBB2_2:
0x3b: {  	[tilespmem:s21], [sflag:$0x4] =	stream.linear.gather [hbm4b:s13+s25], $0x400, $0x38;
	[tilespmem:$0x1F000] =	vst v63  }
0x3c: {  	_ =	swait.ge [sflag:s22], $0x4000  }
0x3d: {  	[sflag:s22] =	ssyncset.done $0x0  }
0x3e: {  	s14 =	sshra.s32 s12, $0x2;
	[sflag:s22] =	ssyncadd.s32 $0xFFFFC000  }
0x3f: {  	[spmem:s2] =	stream.indirect.scatter.add.f32 [tilespmem:s18], [sflag:$0x5], $0x80, s14, s17, $0xb8;
	[tilespmem:$0x1F000] =	vst v63  }
0x40: {  	_ =	swait.ge [sflag:s15], $0x4000  }
0x41: {  	[sflag:s15] =	ssyncset.done $0x0  }
0x42: {  	s3 =	simm.s32 $0x2900;
	[sflag:s15] =	ssyncadd.s32 $0xFFFFC000  }
0x43: {  	[tilespmem:s18], [sflag:$0x1] =	stream.indirect.gather [hbm4b:s4+s17], $0x80, s3, s17, $0xb8;
	[tilespmem:$0x1F000] =	vst v63  }
0x44: {  	_ =	swait.ge [sflag:s24], $0x4000  }
0x45: {  	[sflag:s24] =	ssyncset.done $0x0  }
0x46: {  	s16 =	sadd.s32 $0x80, s14;
	[sflag:s24] =	ssyncadd.s32 $0xFFFFC000  }
0x47: {  	[spmem:s2] =	stream.indirect.scatter.add.f32 [tilespmem:s20], [sflag:$0x5], $0x80, s16, s17, $0xb8;
	[tilespmem:$0x1F000] =	vst v63  }
0x48: {  	_ =	swait.ge [sflag:s15], $0x4000  }
0x49: {  	[sflag:s15] =	ssyncset.done $0x0  }
0x4a: {  	s19 =	simm.s32 $0x2980;
	[sflag:s15] =	ssyncadd.s32 $0xFFFFC000  }
0x4b: {  	[tilespmem:s20], [sflag:$0x2] =	stream.indirect.gather [hbm4b:s4+s17], $0x80, s19, s17, $0xb8;
	[tilespmem:$0x1F000] =	vst v63  }
0x4c: {  	_ =	swait.ge [sflag:s22], $0x4000  }
0x4d: {  	[sflag:s22] =	ssyncset.done $0x0  }
0x4e: {  	s23 =	sadd.s32 $0x100, s14;
	[sflag:s22] =	ssyncadd.s32 $0xFFFFC000  }
0x4f: {  	[spmem:s2] =	stream.indirect.scatter.add.f32 [tilespmem:s18], [sflag:$0x5], $0x80, s23, s17, $0xb8;
	[tilespmem:$0x1F000] =	vst v63  }
0x50: {  	_ =	swait.ge [sflag:s15], $0x4000  }
0x51: {  	[sflag:s15] =	ssyncset.done $0x0  }
0x52: {  	[sflag:s15] =	ssyncadd.s32 $0xFFFFC000  }
0x53: {  	[tilespmem:s18], [sflag:$0x1] =	stream.indirect.gather [hbm4b:s4+s17], $0x80, s26, s17, $0xb8;
	[tilespmem:$0x1F000] =	vst v63  }
0x54: {  	_ =	swait.ge [sflag:s24], $0x4000  }
0x55: {  	[sflag:s24] =	ssyncset.done $0x0  }
0x56: {  	s3 =	sadd.s32 $0x180, s14;
	[sflag:s24] =	ssyncadd.s32 $0xFFFFC000  }
0x57: {  	[spmem:s2] =	stream.indirect.scatter.add.f32 [tilespmem:s20], [sflag:$0x5], $0x80, s3, s17, $0xb8;
	[tilespmem:$0x1F000] =	vst v63  }
0x58: {  	_ =	swait.ge [sflag:s15], $0x4000  }
0x59: {  	[sflag:s15] =	ssyncset.done $0x0  }
0x5a: {  	[sflag:s15] =	ssyncadd.s32 $0xFFFFC000  }
0x5b: {  	[tilespmem:s20], [sflag:$0x2] =	stream.indirect.gather [hbm4b:s4+s17], $0x80, s28, s17, $0xb8;
	[tilespmem:$0x1F000] =	vst v63  }
0x5c: {  	_ =	swait.ge [sflag:s22], $0x4000  }
0x5d: {  	[sflag:s22] =	ssyncset.done $0x0  }
0x5e: {  	s19 =	sadd.s32 $0x200, s14;
	[sflag:s22] =	ssyncadd.s32 $0xFFFFC000  }
0x5f: {  	[spmem:s2] =	stream.indirect.scatter.add.f32 [tilespmem:s18], [sflag:$0x5], $0x80, s19, s17, $0xb8;
	[tilespmem:$0x1F000] =	vst v63  }
0x60: {  	_ =	swait.ge [sflag:s15], $0x4000  }
0x61: {  	[sflag:s15] =	ssyncset.done $0x0  }
0x62: {  	[sflag:s15] =	ssyncadd.s32 $0xFFFFC000  }
0x63: {  	[tilespmem:s18], [sflag:$0x1] =	stream.indirect.gather [hbm4b:s4+s17], $0x80, s29, s17, $0xb8;
	[tilespmem:$0x1F000] =	vst v63  }
0x64: {  	_ =	swait.ge [sflag:s24], $0x4000  }
0x65: {  	[sflag:s24] =	ssyncset.done $0x0  }
0x66: {  	s23 =	sadd.s32 $0x280, s14;
	[sflag:s24] =	ssyncadd.s32 $0xFFFFC000  }
0x67: {  	[spmem:s2] =	stream.indirect.scatter.add.f32 [tilespmem:s20], [sflag:$0x5], $0x80, s23, s17, $0xb8;
	[tilespmem:$0x1F000] =	vst v63  }
0x68: {  	_ =	swait.ge [sflag:s15], $0x4000  }
0x69: {  	[sflag:s15] =	ssyncset.done $0x0  }
0x6a: {  	[sflag:s15] =	ssyncadd.s32 $0xFFFFC000  }
0x6b: {  	[tilespmem:s20], [sflag:$0x2] =	stream.indirect.gather [hbm4b:s4+s17], $0x80, s30, s17, $0xb8;
	[tilespmem:$0x1F000] =	vst v63  }
0x6c: {  	_ =	swait.ge [sflag:s31], $0x400  }
0x6d: {  	[sflag:s31] =	ssyncset.done $0x0  }
0x6e: {  	[sflag:s31] =	ssyncadd.s32 $0xFFFFFC00  }
0x6f: {  	_ =	swait.ge [sflag:s22], $0x4000  }
0x70: {  	[sflag:s22] =	ssyncset.done $0x0  }
0x71: {  	s3 =	sadd.s32 $0x300, s14;
	[sflag:s22] =	ssyncadd.s32 $0xFFFFC000  }
0x72: {  	[spmem:s2] =	stream.indirect.scatter.add.f32 [tilespmem:s18], [sflag:$0x5], $0x80, s3, s17, $0xb8;
	[tilespmem:$0x1F000] =	vst v63  }
0x73: {  	_ =	swait.ge [sflag:s15], $0x4000  }
0x74: {  	[sflag:s15] =	ssyncset.done $0x0  }
0x75: {  	[sflag:s15] =	ssyncadd.s32 $0xFFFFC000  }
0x76: {  	[tilespmem:s18], [sflag:$0x1] =	stream.indirect.gather [hbm4b:s4+s17], $0x80, s21, s17, $0xb8;
	[tilespmem:$0x1F000] =	vst v63  }
0x77: {  	_ =	swait.ge [sflag:s24], $0x4000  }
0x78: {  	[sflag:s24] =	ssyncset.done $0x0  }
0x79: {  	s19 =	sadd.s32 $0x380, s14;
	[sflag:s24] =	ssyncadd.s32 $0xFFFFC000  }
0x7a: {  	[spmem:s2] =	stream.indirect.scatter.add.f32 [tilespmem:s20], [sflag:$0x5], $0x80, s19, s17, $0xb8;
	[tilespmem:$0x1F000] =	vst v63  }
0x7b: {  	_ =	swait.ge [sflag:s15], $0x4000  }
0x7c: {  	p0 =	seq.s32 s12, $0x8000;
	[sflag:s15] =	ssyncset.done $0x0  }
0x7d: {  	s16 =	sshrl.u32 @!p0 s7, $0x3;
	[sflag:s15] =	ssyncadd.s32 $0xFFFFC000  }
0x7e: {  	[tilespmem:s20], [sflag:$0x2] =	stream.indirect.gather [hbm4b:s4+s17], $0x80, s0, s17, $0xb8;
	[tilespmem:$0x1F000] =	vst v63  }
0x7f: {  	s3 =	sadd.s32 @!p0 s5, s16;
	s16 =	simm.s32 @!p0 $0x2800;
	s19 =	simm.s32 @!p0 $0x0  }
0x80: {  	[tilespmem:s16], [sflag:$0x3] =	stream.linear.gather @!p0 [hbm4b:s3+s19], $0x400, $0x38;
	[tilespmem:$0x1F000] =	vst v63  }
0x81: {  	_ =	swait.ge [sflag:s22], $0x4000  }
0x82: {  	[sflag:s22] =	ssyncset.done $0x0  }
0x83: {  	s23 =	sadd.s32 $0x400, s14;
	[sflag:s22] =	ssyncadd.s32 $0xFFFFC000  }
0x84: {  	[spmem:s2] =	stream.indirect.scatter.add.f32 [tilespmem:s18], [sflag:$0x5], $0x80, s23, s17, $0xb8;
	[tilespmem:$0x1F000] =	vst v63  }
0x85: {  	_ =	swait.ge [sflag:s15], $0x4000  }
0x86: {  	[sflag:s15] =	ssyncset.done $0x0  }
0x87: {  	[sflag:s15] =	ssyncadd.s32 $0xFFFFC000  }
0x88: {  	[tilespmem:s18], [sflag:$0x1] =	stream.indirect.gather [hbm4b:s4+s17], $0x80, s1, s17, $0xb8;
	[tilespmem:$0x1F000] =	vst v63  }
0x89: {  	_ =	swait.ge [sflag:s24], $0x4000  }
0x8a: {  	[sflag:s24] =	ssyncset.done $0x0  }
0x8b: {  	s19 =	sadd.s32 $0x480, s14;
	[sflag:s24] =	ssyncadd.s32 $0xFFFFC000  }
0x8c: {  	[spmem:s2] =	stream.indirect.scatter.add.f32 [tilespmem:s20], [sflag:$0x5], $0x80, s19, s17, $0xb8;
	[tilespmem:$0x1F000] =	vst v63  }
0x8d: {  	_ =	swait.ge [sflag:s15], $0x4000  }
0x8e: {  	[sflag:s15] =	ssyncset.done $0x0  }
0x8f: {  	[sflag:s15] =	ssyncadd.s32 $0xFFFFC000  }
0x90: {  	[tilespmem:s20], [sflag:$0x2] =	stream.indirect.gather [hbm4b:s4+s17], $0x80, s6, s17, $0xb8;
	[tilespmem:$0x1F000] =	vst v63  }
0x91: {  	_ =	swait.ge [sflag:s22], $0x4000  }
0x92: {  	[sflag:s22] =	ssyncset.done $0x0  }
0x93: {  	s23 =	sadd.s32 $0x500, s14;
	[sflag:s22] =	ssyncadd.s32 $0xFFFFC000  }
0x94: {  	[spmem:s2] =	stream.indirect.scatter.add.f32 [tilespmem:s18], [sflag:$0x5], $0x80, s23, s17, $0xb8;
	[tilespmem:$0x1F000] =	vst v63  }
0x95: {  	_ =	swait.ge [sflag:s15], $0x4000  }
0x96: {  	[sflag:s15] =	ssyncset.done $0x0  }
0x97: {  	[sflag:s15] =	ssyncadd.s32 $0xFFFFC000  }
0x98: {  	[tilespmem:s18], [sflag:$0x1] =	stream.indirect.gather [hbm4b:s4+s17], $0x80, s8, s17, $0xb8;
	[tilespmem:$0x1F000] =	vst v63  }
0x99: {  	_ =	swait.ge [sflag:s24], $0x4000  }
0x9a: {  	[sflag:s24] =	ssyncset.done $0x0  }
0x9b: {  	s19 =	sadd.s32 $0x580, s14;
	[sflag:s24] =	ssyncadd.s32 $0xFFFFC000  }
0x9c: {  	[spmem:s2] =	stream.indirect.scatter.add.f32 [tilespmem:s20], [sflag:$0x5], $0x80, s19, s17, $0xb8;
	[tilespmem:$0x1F000] =	vst v63  }
0x9d: {  	_ =	swait.ge [sflag:s15], $0x4000  }
0x9e: {  	[sflag:s15] =	ssyncset.done $0x0  }
0x9f: {  	[sflag:s15] =	ssyncadd.s32 $0xFFFFC000  }
0xa0: {  	[tilespmem:s20], [sflag:$0x2] =	stream.indirect.gather [hbm4b:s4+s17], $0x80, s9, s17, $0xb8;
	[tilespmem:$0x1F000] =	vst v63  }
0xa1: {  	_ =	swait.ge [sflag:s22], $0x4000  }
0xa2: {  	[sflag:s22] =	ssyncset.done $0x0  }
0xa3: {  	s23 =	sadd.s32 $0x600, s14;
	[sflag:s22] =	ssyncadd.s32 $0xFFFFC000  }
0xa4: {  	[spmem:s2] =	stream.indirect.scatter.add.f32 [tilespmem:s18], [sflag:$0x5], $0x80, s23, s17, $0xb8;
	[tilespmem:$0x1F000] =	vst v63  }
0xa5: {  	_ =	swait.ge [sflag:s15], $0x4000  }
0xa6: {  	[sflag:s15] =	ssyncset.done $0x0  }
0xa7: {  	[sflag:s15] =	ssyncadd.s32 $0xFFFFC000  }
0xa8: {  	[tilespmem:s18], [sflag:$0x1] =	stream.indirect.gather [hbm4b:s4+s17], $0x80, s10, s17, $0xb8;
	[tilespmem:$0x1F000] =	vst v63  }
0xa9: {  	_ =	swait.ge [sflag:s24], $0x4000  }
0xaa: {  	[sflag:s24] =	ssyncset.done $0x0  }
0xab: {  	s19 =	sadd.s32 $0x680, s14;
	[sflag:s24] =	ssyncadd.s32 $0xFFFFC000  }
0xac: {  	[spmem:s2] =	stream.indirect.scatter.add.f32 [tilespmem:s20], [sflag:$0x5], $0x80, s19, s17, $0xb8;
	[tilespmem:$0x1F000] =	vst v63  }
0xad: {  	_ =	swait.ge [sflag:s15], $0x4000  }
0xae: {  	[sflag:s15] =	ssyncset.done $0x0  }
0xaf: {  	s3 =	simm.s32 @p0 $0x1;
	[sflag:s15] =	ssyncadd.s32 $0xFFFFC000  }
0xb0: {  	[tilespmem:s20], [sflag:$0x2] =	stream.indirect.gather [hbm4b:s4+s17], $0x80, s11, s17, $0xb8;
	[tilespmem:$0x1F000] =	vst v63  }
0xb1: {  	_ =	swait.ge @p0 [sflag:s3], $0x4000  }
0xb2: {  	[sflag:s3] =	ssyncset.done @p0 $0x0  }
0xb3: {  	[sflag:s3] =	ssyncadd.s32 @p0 $0xFFFFC000;
	s3 =	sshra.s32 @p0 s12, $0x2  }
0xb4: {  	s23 =	simm.s32 @p0 $0x3000;
	s19 =	simm.s32 @p0 $0x80;
	s3 =	sadd.s32 @p0 $0x700, s3  }
0xb5: {  	[spmem:s2] =	stream.indirect.scatter.add.f32 @p0 [tilespmem:s23], [sflag:$0x5], $0x80, s3, s19, $0xb8;
	[tilespmem:$0x1F000] =	vst v63  }
0xb6: {  	s3 =	simm.s32 @p0 $0x5  }
0xb7: {  	_ =	swait.ge @p0 [sflag:s3], $0x4000  }
0xb8: {  	[sflag:s3] =	ssyncset.done @p0 $0x0  }
0xb9: {  	[sflag:s3] =	ssyncadd.s32 @p0 $0xFFFFC000;
	s3 =	simm.s32 @!p0 $0x3  }
0xba: {  	_ =	swait.ge @!p0 [sflag:s3], $0x400  }
0xbb: {  	[sflag:s3] =	ssyncset.done @!p0 $0x0  }
0xbc: {  	[sflag:s3] =	ssyncadd.s32 @!p0 $0xFFFFFC00;
	s3 =	simm.s32 @!p0 $0x1  }
0xbd: {  	_ =	swait.ge @!p0 [sflag:s3], $0x4000  }
0xbe: {  	[sflag:s3] =	ssyncset.done @!p0 $0x0  }
0xbf: {  	[sflag:s3] =	ssyncadd.s32 @!p0 $0xFFFFC000;
	s3 =	sshra.s32 @!p0 s12, $0x2  }
0xc0: {  	s19 =	simm.s32 @!p0 $0x80;
	s23 =	simm.s32 @!p0 $0x3000;
	s3 =	sadd.s32 @!p0 $0x700, s3  }
0xc1: {  	[spmem:s2] =	stream.indirect.scatter.add.f32 @!p0 [tilespmem:s23], [sflag:$0x5], $0x80, s3, s19, $0xb8;
	[tilespmem:$0x1F000] =	vst v63  }
0xc2: {  	s3 =	simm.s32 @!p0 $0x5  }
0xc3: {  	_ =	swait.ge @!p0 [sflag:s3], $0x4000  }
0xc4: {  	[sflag:s3] =	ssyncset.done @!p0 $0x0  }
0xc5: {  	[sflag:s3] =	ssyncadd.s32 @!p0 $0xFFFFC000  }
0xc6: {  	[tilespmem:s23], [sflag:$0x1] =	stream.indirect.gather @!p0 [hbm4b:s4+s19], $0x80, s16, s19, $0xb8;
	[tilespmem:$0x1F000] =	vst v63  }
0xc7: {  	_ =	swait.ge [sflag:s24], $0x4000  }
0xc8: {  	[sflag:s24] =	ssyncset.done $0x0  }
.Ltmp2:
0xc9: {  	s23 =	sadd.s32 $0x780, s14;
	[sflag:s24] =	ssyncadd.s32 $0xFFFFC000;
	(pc) =	sbr.rel @p0 .LBB2_4-.Ltmp2, $4  }
0xca: {  	[spmem:s2] =	stream.indirect.scatter.add.f32 [tilespmem:s20], [sflag:$0x5], $0x80, s23, s17, $0xb8;
	[tilespmem:$0x1F000] =	vst v63  }
0xcb: {  	_ =	swait.ge [sflag:s15], $0x4000  }
0xcc: {  	[sflag:s15] =	ssyncset.done $0x0  }
0xcd: {  	[sflag:s15] =	ssyncadd.s32 $0xFFFFC000  }
.Ltmp3:
0xce: {  	(pc) =	sbr.rel .LBB2_2-.Ltmp3, $4  }
0xcf: {  	_ = 	snop  }
0xd0: {  	s3 =	simm.s32 $0x2880  }
0xd1: {  	s7 =	sadd.s32 $0x800, s7;
	s12 =	sadd.s32 $0x2000, s12;
	s13 =	sadd.s32 $0x100, s13  }
0xd2: {  	[tilespmem:s20], [sflag:$0x2] =	stream.indirect.gather [hbm4b:s4+s17], $0x80, s3, s17, $0xb8;
	[tilespmem:$0x1F000] =	vst v63  }
.LBB2_5:
0xd3: {  	_ =	sfence.sel $0x180000  }
0xd4: {  	[bflag:$0x0] =	sbarrier.arrive $0xFFFF  }
0xd5: {  	_ =	strace $0x9000004D  }
0xd6: {  	s0 =	stileid.u32;
	[bflag:$0x2] =	sbarrier.arrive $0xFFFF  }
0xd7: {  	p0 =	sne.s32 s0, $0x0;
	s0 =	rddreg [dreg:$0x3]  }
0xd8: {  	s0 =	sadd.s32 @!p0 $0x100000, s0  }
0xd9: {  	[sflag:s0] =	ssyncadd.tile.s32 @!p0 $0x1;
	_ =	shalt  }
.Lfunc_end2:
_tile_overlayer_lowered:
.L_overlay_start_2:
0xda: {  	(tag) =	ssettag $0x2  }
0xdb: {  	s0 =	rddreg [dreg:$0x0];
	s2 =	stileid.u32  }
0xdc: {  	s1 =	rddreg [dreg:$0x1];
	p0 =	sne.s32 s2, $0x0  }
0xdd: {  	s3 =	rddreg [dreg:$0x2];
	[bflag:$0x3] =	sbarrier.arrive $0xFFFF;
	s2 =	simm.s32 @!p0 $0x1C05  }
0xde: {  	[timem:s3], [sflag:s2] =	dma.local @!p0 [hbm:s0], s1  }
0xdf: {  	s0 =	simm.s32 @!p0 $0x5  }
0xe0: {  	_ =	swait.ge @!p0 [sflag:s0], s1  }
0xe1: {  	s1 =	ssub.s32 @!p0 $0x0, s1;
	[sflag:s0] =	ssyncset.done @!p0 $0x0  }
0xe2: {  	[sflag:s0] =	ssyncadd.s32 @!p0 s1  }
0xe3: {  	[bflag:$0x3] =	sbarrier.arrive $0xFFFF  }
0xe4: {  	_ =	shalt  }

// kernel: kernel.19.cloned.1.call-start
scs
__scs_entry_jumppad:
0x0: {  	(pc) =	sbr.rel $0x88, $3  }
0x1: {  	(tag) =	ssettag $0x0;
	lr =	simm.s32 $0x1  }
0x2: {  	[smem:$0x3F95] =	sst lr;
	_ =	strace $0xD0000000  }
0x3: {  	_ = 	snop  }
0x4: {  	_ = 	snop  }
0x5: {  	_ = 	snop  }
0x6: {  	_ = 	snop  }
0x7: {  	_ = 	snop  }
__scs_overlays_trampoline_lowered:
0x8: {  	[smem:$0x3FA4] =	sst s0  }
0x9: {  	[smem:$0x3FA5] =	sst s1  }
0xa: {  	[smem:$0x3FA6] =	sst s2  }
0xb: {  	[smem:$0x3FA7] =	sst s3  }
0xc: {  	[smem:$0x3FA8] =	sst s4  }
0xd: {  	[smem:$0x3FA9] =	sst s5  }
0xe: {  	[smem:$0x3FAA] =	sst s6  }
0xf: {  	[smem:$0x3FAB] =	sst s7  }
0x10: {  	[smem:$0x3FAC] =	sst s8  }
0x11: {  	[smem:$0x3FAD] =	sst s9;
	s0 =	simm.s32 @!p0 $0x0  }
0x12: {  	s1 =	sld [smem:$0x3F93];
	s0 =	simm.s32 @p0 $0x1  }
0x13: {  	[smem:$0x3FAE] =	sst s0;
	s0 =	simm.s32 @!p1 $0x0  }
0x14: {  	s2 =	sld [smem:$0x3F92];
	s0 =	simm.s32 @p1 $0x1  }
0x15: {  	[smem:$0x3FAF] =	sst s0;
	s0 =	simm.s32 @!p2 $0x0  }
0x16: {  	s3 =	sld [smem:$0x3FDB];
	s0 =	simm.s32 @p2 $0x1  }
0x17: {  	s4 =	simm.s32 $0x1BF5;
	[smem:$0x3FB1] =	sst s0  }
0x18: {  	s0 =	sld [smem:$0x3F94];
	_ =	swait.ge [sflag:s4], $0x0  }
0x19: {  	s7 =	sld [smem:$0x3F95]  }
0x1a: {  	s8 =	sadd.s32 $0xFFFFE003, lr  }
0x1b: {  	s9 =	sadd.s32 $0xFFFFFEF7, lr;
	s5 =	simm.s32 $0xFFFFFFFF;
	p2 =	slt.u32 s8, $0xFFFFF086  }
0x1c: {  	p1 =	slt.u32 s9, $0xF7A;
	s5 =	simm.s32 @!p2 $0x0  }
0x1d: {  	s5 =	simm.s32 @p1 $0x1;
	p0 =	seq.s32 s7, s2  }
0x1e: {  	s7 =	smul.u32 @!p0 $0xF7A, s2;
	p2 =	seq.s32 @!p0 s5, $0x0  }
0x1f: {  	s9 =	smul.u32 $0xF7A, s1;
	s8 =	simm.s32 @!p0 $0x1BF5;
	p2 =	por !p2, p0  }
0x20: {  	[sflag:s8] =	ssyncset.s32 @!p0 $0xFFFFF086;
	s6 =	sadd.s32 @!p0 s3, s7;
	s7 =	simm.s32 @!p0 $0x108  }
0x21: {  	s3 =	sadd.s32 s3, s9;
	s6 =	sadd.s32 @!p0 $0x88, s6;
	s7 =	simm.s32 @p2 $0x1082  }
0x22: {  	[simem:s7], [sflag:s8] =	dma.local @!p0 [hbm:s6], $0xF7A  }
0x23: {  	s9 =	sor.u32 $0xD0000000, s2;
	s6 =	simm.s32 $0x108;
	_ =	swait.ge @!p0 [sflag:s8], $0x0  }
0x24: {  	s3 =	sadd.s32 $0x88, s3;
	s6 =	simm.s32 @!p1 $0x1082;
	[sflag:s4] =	ssyncset.s32 $0xFFFFF086  }
0x25: {  	[simem:s6], [sflag:s4] =	dma.local [hbm:s3], $0xF7A  }
0x26: {  	[smem:$0x3F95] =	sst s1;
	(tag) =	ssettag s2;
	_ =	strace s9  }
0x27: {  	s1 =	sld [smem:$0x3FA5]  }
0x28: {  	s2 =	sld [smem:$0x3FA6]  }
0x29: {  	s4 =	sld [smem:$0x3FA8]  }
0x2a: {  	p0 =	seq.s32 s5, $0x0;
	s5 =	sld [smem:$0x3FA9]  }
0x2b: {  	s6 =	sld [smem:$0x3FAA]  }
0x2c: {  	s7 =	sld [smem:$0x3FAB]  }
0x2d: {  	s3 =	simm.s32 $0x108;
	s8 =	sld [smem:$0x3FAC]  }
0x2e: {  	s3 =	simm.s32 @!p0 $0x1082;
	s9 =	sld [smem:$0x3FAD]  }
0x2f: {  	lr =	sadd.s32 s0, s3;
	s0 =	sld [smem:$0x3FA4]  }
0x30: {  	s3 =	sld [smem:$0x3FA7]  }
0x31: {  	[smem:$0x3FB0] =	sst s10  }
0x32: {  	s10 =	sld [smem:$0x3FAE];
	_ =	sdelay $0x3  }
0x33: {  	p0 =	seq.s32 s10, $0x1;
	s10 =	sld [smem:$0x3FB0];
	_ =	sdelay $0x3  }
0x34: {  	[smem:$0x3FB0] =	sst s10  }
0x35: {  	s10 =	sld [smem:$0x3FAF];
	_ =	sdelay $0x3  }
0x36: {  	p1 =	seq.s32 s10, $0x1;
	s10 =	sld [smem:$0x3FB0];
	_ =	sdelay $0x3  }
0x37: {  	[smem:$0x3FB0] =	sst s10  }
0x38: {  	s10 =	sld [smem:$0x3FB1]  }
0x39: {  	_ = 	snop;
	(pc) =	sbr.ind lr, $3  }
0x3a: {  	_ = 	snop  }
0x3b: {  	_ = 	snop  }
0x3c: {  	p2 =	seq.s32 s10, $0x1;
	s10 =	sld [smem:$0x3FB0]  }
0x3d: {  	_ =	shalt  }
0x3e: {  	_ =	shalt  }
0x3f: {  	_ =	shalt  }
0x40: {  	_ =	shalt  }
0x41: {  	_ =	shalt  }
0x42: {  	_ =	shalt  }
0x43: {  	_ =	shalt  }
0x44: {  	_ =	shalt  }
0x45: {  	_ =	shalt  }
0x46: {  	_ =	shalt  }
0x47: {  	_ =	shalt  }
0x48: {  	_ =	shalt  }
0x49: {  	_ =	shalt  }
0x4a: {  	_ =	shalt  }
0x4b: {  	_ =	shalt  }
0x4c: {  	_ =	shalt  }
0x4d: {  	_ =	shalt  }
0x4e: {  	_ =	shalt  }
0x4f: {  	_ =	shalt  }
0x50: {  	_ =	shalt  }
0x51: {  	_ =	shalt  }
0x52: {  	_ =	shalt  }
0x53: {  	_ =	shalt  }
0x54: {  	_ =	shalt  }
0x55: {  	_ =	shalt  }
0x56: {  	_ =	shalt  }
0x57: {  	_ =	shalt  }
0x58: {  	_ =	shalt  }
0x59: {  	_ =	shalt  }
0x5a: {  	_ =	shalt  }
0x5b: {  	_ =	shalt  }
0x5c: {  	_ =	shalt  }
0x5d: {  	_ =	shalt  }
0x5e: {  	_ =	shalt  }
0x5f: {  	_ =	shalt  }
0x60: {  	_ =	shalt  }
0x61: {  	_ =	shalt  }
0x62: {  	_ =	shalt  }
0x63: {  	_ =	shalt  }
0x64: {  	_ =	shalt  }
0x65: {  	_ =	shalt  }
0x66: {  	_ =	shalt  }
0x67: {  	_ =	shalt  }
0x68: {  	_ =	shalt  }
0x69: {  	_ =	shalt  }
0x6a: {  	_ =	shalt  }
0x6b: {  	_ =	shalt  }
0x6c: {  	_ =	shalt  }
0x6d: {  	_ =	shalt  }
0x6e: {  	_ =	shalt  }
0x6f: {  	_ =	shalt  }
0x70: {  	_ =	shalt  }
0x71: {  	_ =	shalt  }
0x72: {  	_ =	shalt  }
0x73: {  	_ =	shalt  }
0x74: {  	_ =	shalt  }
0x75: {  	_ =	shalt  }
0x76: {  	_ =	shalt  }
0x77: {  	_ =	shalt  }
0x78: {  	_ =	shalt  }
0x79: {  	_ =	shalt  }
0x7a: {  	_ =	shalt  }
0x7b: {  	_ =	shalt  }
0x7c: {  	_ =	shalt  }
0x7d: {  	_ =	shalt  }
0x7e: {  	_ =	shalt  }
0x7f: {  	_ =	shalt  }
0x80: {  	_ =	shalt  }
0x81: {  	_ =	shalt  }
0x82: {  	_ =	shalt  }
0x83: {  	_ =	shalt  }
0x84: {  	_ =	shalt  }
0x85: {  	_ =	shalt  }
0x86: {  	_ =	shalt  }
0x87: {  	_ =	shalt  }
.Lfunc_end0:
.L_simem_size_0:
called_computation.3_lowered:
.L_overlay_start_0:
0x88: {  	s2 =	sld [smem:$0x3FD9]  }
0x89: {  	s3 =	sld [smem:$0x3FFE];
	_ =	sdelay $0x1  }
0x8a: {  	s1 =	srdreg.scid  }
0x8b: {  	s0 =	sand.u32 $0x1, s1  }
0x8c: {  	s17 =	sshll.u32 s0, $0xA;
	s2 =	sadd.s32 s3, s2  }
0x8d: {  	s2 =	sadd.s32 s2, s17  }
0x8e: {  	[smem:$0x3FBC] =	sst s2  }
0x8f: {  	_ = 	snop  }
0x90: {  	s2 =	sld [smem:$0x3FD0];
	(tm) =	ssettm $0x1  }
0x91: {  	s18 =	sld [smem:$0x3FFB];
	_ =	sdelay $0x3  }
0x92: {  	_ =	strace s18  }
0x93: {  	s3 =	sld [smem:$0x3FFC];
	_ =	sdelay $0x3  }
0x94: {  	_ =	strace s3  }
0x95: {  	s3 =	sld [smem:$0x3FFD];
	_ =	sdelay $0x3  }
0x96: {  	_ =	strace s3  }
0x97: {  	_ =	strace $0x8FFFFFFF  }
0x98: {  	s19 =	sld [smem:$0x3FDB];
	_ =	sdelay $0x1  }
0x99: {  	s4 =	simm.s32 $_scs_section_size  }
0x9a: {  	s5 =	simm.s32 $_size__tile_overlayer_lowered;
	s6 =	simm.s32 $_tile_overlayer_lowered  }
0x9b: {  	s22 =	simm.s32 $0x1BFF;
	s21 =	sshll.u32 s6, $0x1;
	s3 =	sadd.s32 s4, s19  }
0x9c: {  	s7 =	simm.s32 $0x0;
	s20 =	sshll.u32 s5, $0x1;
	s5 =	sadd.s32 s21, s3  }
0x9d: {  	[timem:s7], [sflag:s22] =	dma.local [hbm:s5], s20  }
0x9e: {  	_ =	swait.ge [sflag:s22], s20  }
0x9f: {  	s4 =	ssub.s32 $0x0, s20;
	[sflag:s22] =	ssyncset.done $0x0  }
0xa0: {  	[sflag:s22] =	ssyncadd.s32 s4;
	_ =	sdelay $0x1  }
0xa1: {  	s23 =	simm.s32 $0x1B8B  }
0xa2: {  	_ =	swait.ge [sflag:s23], $0x1  }
0xa3: {  	[sflag:s23] =	ssyncset.done $0x0  }
0xa4: {  	s25 =	simm.s32 $0x1B8E;
	s24 =	sld [smem:$0x3FFE];
	[sflag:s23] =	ssyncadd.s32 $0xFFFFFFFF  }
0xa5: {  	s26 =	simm.s32 $execute0_lowered;
	[smem:$0x3FD2] =	sst s25  }
0xa6: {  	s5 =	sshll.u32 s26, $0x1;
	_ =	strace $0x8000004F;
	[dreg:$0x1] =	wrdreg $0xFFFFFFFF  }
0xa7: {  	s28 =	simm.s32 $_size_execute0_lowered;
	s3 =	sadd.s32 s3, s5;
	[dreg:$0x0] =	wrdreg $0x0  }
0xa8: {  	s5 =	sshll.u32 s28, $0x1;
	[dreg:$0x2] =	wrdreg s3  }
0xa9: {  	[dreg:$0x3] =	wrdreg s5  }
0xaa: {  	[dreg:$0x4] =	wrdreg $0xC0  }
0xab: {  	_ =	task [dreg:s7], $0x5FFFF  }
0xac: {  	[dreg:$0x1] =	wrdreg $0xFFFFFFFF  }
0xad: {  	[dreg:$0x0] =	wrdreg $0x60  }
0xae: {  	[dreg:$0x2] =	wrdreg s24  }
0xaf: {  	[dreg:$0x3] =	wrdreg s2  }
0xb0: {  	[dreg:$0x4] =	wrdreg $0xB0000  }
0xb1: {  	[dreg:$0x5] =	wrdreg $0x9  }
0xb2: {  	_ =	task.clear_ibuf [dreg:s7], $0x6FFFF;
	_ =	strace $0x9000004F  }
0xb3: {  	s29 =	simm.s32 $0x9;
	_ =	strace $0x80000051  }
0xb4: {  	_ =	swait.ge [sflag:s29], $0x1  }
0xb5: {  	[sflag:s29] =	ssyncadd.s32 $0xFFFFFFFF  }
0xb6: {  	_ =	strace $0x90000051  }
0xb7: {  	_ =	sfence  }
0xb8: {  	s30 =	sld [smem:$0x0];
	_ =	sdelay $0x2  }
0xb9: {  	s31 =	sshll.u32 s1, $0xD;
	s1 =	sshrl.u32 s1, $0x2  }
0xba: {  	s3 =	sand.u32 $0x4000, s31;
	s1 =	sadd.s32 s1, s30  }
0xbb: {  	s0 =	sor.u32 s3, s0;
	s1 =	sshll.u32 s1, $0x11  }
0xbc: {  	s0 =	sor.u32 s1, s0  }
0xbd: {  	s0 =	sadd.s32 $0x8F2B, s0  }
0xbe: {  	[sflag:s0] =	ssyncadd.remote.s32 $0x1  }
0xbf: {  	_ =	sfence.sel $0xFFFF  }
0xc0: {  	[dreg:$0x0] =	wrdreg $0xFFFFFFFF;
	(pc) =	sbr.abs _section_cstart, $3  }
0xc1: {  	[dreg:$0x1] =	wrdreg $0xFFFFFFFF  }
0xc2: {  	_ =	task.clear_ibuf [dreg:s7], $0x2FFFF;
	_ =	strace $0x9FFFFFFF  }
0xc3: {  	(tm) =	ssettm $0x7FFFFFFF  }
tec
execute0_lowered:
.L_overlay_start_1:
0x0: {  	(tag) =	ssettag $0x1  }
0x1: {  	s0 =	rddreg [dreg:$0x0]  }
0x2: {  	s1 =	rddreg [dreg:$0x1]  }
0x3: {  	s2 =	rddreg [dreg:$0x2];
	s3 =	simm.s32 $0x0;
	s16 =	stileid.u32  }
0x4: {  	s4 =	srdreg.scid;
	s15 =	simm.s32 $0x5;
	s28 =	simm.s32 $0x2A80  }
0x5: {  	s29 =	simm.s32 $0x2B00;
	s30 =	simm.s32 $0x2B80;
	s31 =	simm.s32 $0x4  }
0x6: {  	s13 =	simm.s32 $0x0;
	[smem:$0x7FF] =	sst s3;
	s6 =	smul.u32 $0x14000, s16  }
0x7: {  	s7 =	sand.u32 $0x1, s4;
	s4 =	sadd.s32 $0xE400, s0;
	s17 =	smul.u32 $0x50000, s16  }
0x8: {  	s5 =	sadd.s32 $0x4400, s0;
	s19 =	smul.u32 $0x2800, s16;
	s20 =	sshll.u32 s16, $0x6  }
0x9: {  	_ =	strace $0x80000050;
	s9 =	smul.u32 $0x140000, s7;
	s10 =	sshll.u32 s7, $0x4  }
0xa: {  	s11 =	ssub.s32 $0x2, s7;
	s7 =	smul.u32 $0x28000, s7;
	s12 =	sor.u32 $0x1C05, s20  }
0xb: {  	s20 =	simm.s32 $0x7000;
	s8 =	sshrl.u32 s6, $0x3;
	s10 =	sor.u32 s16, s10  }
0xc: {  	s18 =	sshrl.u32 s11, $0x1;
	[dreg:$0x5] =	wrdreg s12;
	s8 =	sadd.s32 s8, s0  }
0xd: {  	s6 =	sadd.s32 s6, s9;
	s10 =	smul.u32 $0x2800, s10;
	s9 =	sshrl.u32 s17, $0x2  }
0xe: {  	s7 =	sadd.s32 s19, s7;
	s17 =	simm.s32 $0x80;
	s6 =	sshrl.u32 s6, $0x3  }
0xf: {  	s9 =	sadd.s32 s9, s2;
	s8 =	sadd.s32 $0x35600, s8;
	s23 =	sor.u32 $0x400, s7  }
0x10: {  	s26 =	sadd.s32 $0x800, s7;
	s0 =	sadd.s32 s6, s0;
	s6 =	ssub.s32 s11, s18  }
0x11: {  	[dreg:$0x4] =	wrdreg s8;
	s21 =	sshrl.u32 s10, $0x3;
	s25 =	sshrl.u32 s23, $0x3  }
0x12: {  	[dreg:$0xa] =	wrdreg s26;
	s7 =	sshrl.u32 s9, $0x3;
	s18 =	simm.s32 $0x3000  }
0x13: {  	s26 =	simm.s32 $0x2A00;
	s8 =	simm.s32 $0x2E00;
	s9 =	simm.s32 $0x2E80  }
0x14: {  	s10 =	simm.s32 $0x2F00;
	s1 =	sadd.s32 s1, s21;
	[dreg:$0xc] =	wrdreg s7  }
0x15: {  	s11 =	simm.s32 $0x2F80;
	s22 =	sadd.s32 s5, s21;
	[dreg:$0x6] =	wrdreg s1  }
.Ltmp0:
0x16: {  	s0 =	sadd.s32 $0x84800, s0;
	[dreg:$0x7] =	wrdreg s22;
	(pc) =	sbr.rel .LBB2_1-.Ltmp0, $4  }
0x17: {  	s24 =	smax.u32 s6, $0x1;
	s21 =	simm.s32 $0x2C00;
	[dreg:$0x8] =	wrdreg s0  }
0x18: {  	s6 =	simm.s32 $0x2D80;
	[dreg:$0x9] =	wrdreg s24;
	s0 =	sadd.s32 s25, s5  }
0x19: {  	s22 =	simm.s32 $0x1;
	s24 =	simm.s32 $0x2;
	s1 =	simm.s32 $0x2D00  }
0x1a: {  	s25 =	simm.s32 $0x0;
	[dreg:$0xb] =	wrdreg s0;
	s0 =	simm.s32 $0x2C80  }
.LBB2_4:
0x1b: {  	[bflag:$0x0] =	sbarrier.arrive $0xFFFF  }
0x1c: {  	s12 =	rddreg [dreg:$0x5]  }
0x1d: {  	s3 =	rddreg [dreg:$0x8]  }
0x1e: {  	s7 =	rddreg [dreg:$0xc]  }
0x1f: {  	[hbm:s3], [sflag:s12] =	dma.local [spmem:s7], $0x2800  }
0x20: {  	_ =	swait.ge [sflag:s15], $0x2800  }
0x21: {  	s13 =	rddreg [dreg:$0xd]  }
0x22: {  	s23 =	rddreg [dreg:$0x9];
	s13 =	sadd.s32 $0x1, s13  }
0x23: {  	p0 =	sne.s32 s13, s23  }
.Ltmp1:
0x24: {  	_ = 	snop;
	(pc) =	sbr.rel @!p0 .LBB2_5-.Ltmp1, $3  }
0x25: {  	_ =	sdelay $0x1  }
0x26: {  	[sflag:s15] =	ssyncset.done $0x0  }
0x27: {  	[sflag:s15] =	ssyncadd.s32 $0xFFFFD800  }
.LBB2_1:
0x28: {  	[dreg:$0xd] =	wrdreg s13  }
0x29: {  	s3 =	rddreg [dreg:$0x4]  }
0x2a: {  	[spmem:s7], [sflag:s12] =	dma.local [hbm:s3], $0x2800  }
0x2b: {  	_ =	swait.ge [sflag:s15], $0x2800  }
0x2c: {  	[sflag:s15] =	ssyncset.done $0x0  }
0x2d: {  	s13 =	simm.s32 $0x0;
	s14 =	rddreg [dreg:$0x6];
	[sflag:s15] =	ssyncadd.s32 $0xFFFFD800  }
0x2e: {  	[tilespmem:s13], [sflag:$0x5] =	stream.linear.gather [hbm4b:s14+s13], $0x2800, $0x38;
	[tilespmem:$0x1F000] =	vst v63  }
0x2f: {  	_ =	swait.ge [sflag:s15], $0x2800  }
0x30: {  	[sflag:s15] =	ssyncset.done $0x0  }
0x31: {  	s19 =	simm.s32 $0x2800;
	s16 =	rddreg [dreg:$0x7];
	[sflag:s15] =	ssyncadd.s32 $0xFFFFD800  }
0x32: {  	[tilespmem:s19], [sflag:$0x5] =	stream.linear.gather [hbm4b:s16+s13], $0x400, $0x38;
	[tilespmem:$0x1F000] =	vst v63  }
0x33: {  	_ =	swait.ge [sflag:s15], $0x400  }
0x34: {  	[sflag:s15] =	ssyncset.done $0x0  }
0x35: {  	[sflag:s15] =	ssyncadd.s32 $0xFFFFFC00  }
0x36: {  	[bflag:$0x0] =	sbarrier.arrive $0xFFFF  }
0x37: {  	[tilespmem:s18], [sflag:$0x1] =	stream.indirect.gather [hbm4b:s4+s17], $0x80, s19, s17, $0xb8;
	[tilespmem:$0x1F000] =	vst v63  }
0x38: {  	s13 =	rddreg [dreg:$0xb]  }
0x39: {  	s23 =	simm.s32 $0x2880;
	s12 =	simm.s32 $0x0;
	s7 =	rddreg [dreg:$0xa]  }
0x3a: {  	[tilespmem:s20], [sflag:$0x2] =	stream.indirect.gather [hbm4b:s4+s17], $0x80, s23, s17, $0xb8;
	[tilespmem:$0x1F000] =	vst v63  }
.LBB2_2:
0x3b: {  	[tilespmem:s21], [sflag:$0x4] =	stream.linear.gather [hbm4b:s13+s25], $0x400, $0x38;
	[tilespmem:$0x1F000] =	vst v63  }
0x3c: {  	_ =	swait.ge [sflag:s22], $0x4000  }
0x3d: {  	[sflag:s22] =	ssyncset.done $0x0  }
0x3e: {  	s14 =	sshra.s32 s12, $0x2;
	[sflag:s22] =	ssyncadd.s32 $0xFFFFC000  }
0x3f: {  	[spmem:s2] =	stream.indirect.scatter.add.f32 [tilespmem:s18], [sflag:$0x5], $0x80, s14, s17, $0xb8;
	[tilespmem:$0x1F000] =	vst v63  }
0x40: {  	_ =	swait.ge [sflag:s15], $0x4000  }
0x41: {  	[sflag:s15] =	ssyncset.done $0x0  }
0x42: {  	s3 =	simm.s32 $0x2900;
	[sflag:s15] =	ssyncadd.s32 $0xFFFFC000  }
0x43: {  	[tilespmem:s18], [sflag:$0x1] =	stream.indirect.gather [hbm4b:s4+s17], $0x80, s3, s17, $0xb8;
	[tilespmem:$0x1F000] =	vst v63  }
0x44: {  	_ =	swait.ge [sflag:s24], $0x4000  }
0x45: {  	[sflag:s24] =	ssyncset.done $0x0  }
0x46: {  	s16 =	sadd.s32 $0x80, s14;
	[sflag:s24] =	ssyncadd.s32 $0xFFFFC000  }
0x47: {  	[spmem:s2] =	stream.indirect.scatter.add.f32 [tilespmem:s20], [sflag:$0x5], $0x80, s16, s17, $0xb8;
	[tilespmem:$0x1F000] =	vst v63  }
0x48: {  	_ =	swait.ge [sflag:s15], $0x4000  }
0x49: {  	[sflag:s15] =	ssyncset.done $0x0  }
0x4a: {  	s19 =	simm.s32 $0x2980;
	[sflag:s15] =	ssyncadd.s32 $0xFFFFC000  }
0x4b: {  	[tilespmem:s20], [sflag:$0x2] =	stream.indirect.gather [hbm4b:s4+s17], $0x80, s19, s17, $0xb8;
	[tilespmem:$0x1F000] =	vst v63  }
0x4c: {  	_ =	swait.ge [sflag:s22], $0x4000  }
0x4d: {  	[sflag:s22] =	ssyncset.done $0x0  }
0x4e: {  	s23 =	sadd.s32 $0x100, s14;
	[sflag:s22] =	ssyncadd.s32 $0xFFFFC000  }
0x4f: {  	[spmem:s2] =	stream.indirect.scatter.add.f32 [tilespmem:s18], [sflag:$0x5], $0x80, s23, s17, $0xb8;
	[tilespmem:$0x1F000] =	vst v63  }
0x50: {  	_ =	swait.ge [sflag:s15], $0x4000  }
0x51: {  	[sflag:s15] =	ssyncset.done $0x0  }
0x52: {  	[sflag:s15] =	ssyncadd.s32 $0xFFFFC000  }
0x53: {  	[tilespmem:s18], [sflag:$0x1] =	stream.indirect.gather [hbm4b:s4+s17], $0x80, s26, s17, $0xb8;
	[tilespmem:$0x1F000] =	vst v63  }
0x54: {  	_ =	swait.ge [sflag:s24], $0x4000  }
0x55: {  	[sflag:s24] =	ssyncset.done $0x0  }
0x56: {  	s3 =	sadd.s32 $0x180, s14;
	[sflag:s24] =	ssyncadd.s32 $0xFFFFC000  }
0x57: {  	[spmem:s2] =	stream.indirect.scatter.add.f32 [tilespmem:s20], [sflag:$0x5], $0x80, s3, s17, $0xb8;
	[tilespmem:$0x1F000] =	vst v63  }
0x58: {  	_ =	swait.ge [sflag:s15], $0x4000  }
0x59: {  	[sflag:s15] =	ssyncset.done $0x0  }
0x5a: {  	[sflag:s15] =	ssyncadd.s32 $0xFFFFC000  }
0x5b: {  	[tilespmem:s20], [sflag:$0x2] =	stream.indirect.gather [hbm4b:s4+s17], $0x80, s28, s17, $0xb8;
	[tilespmem:$0x1F000] =	vst v63  }
0x5c: {  	_ =	swait.ge [sflag:s22], $0x4000  }
0x5d: {  	[sflag:s22] =	ssyncset.done $0x0  }
0x5e: {  	s19 =	sadd.s32 $0x200, s14;
	[sflag:s22] =	ssyncadd.s32 $0xFFFFC000  }
0x5f: {  	[spmem:s2] =	stream.indirect.scatter.add.f32 [tilespmem:s18], [sflag:$0x5], $0x80, s19, s17, $0xb8;
	[tilespmem:$0x1F000] =	vst v63  }
0x60: {  	_ =	swait.ge [sflag:s15], $0x4000  }
0x61: {  	[sflag:s15] =	ssyncset.done $0x0  }
0x62: {  	[sflag:s15] =	ssyncadd.s32 $0xFFFFC000  }
0x63: {  	[tilespmem:s18], [sflag:$0x1] =	stream.indirect.gather [hbm4b:s4+s17], $0x80, s29, s17, $0xb8;
	[tilespmem:$0x1F000] =	vst v63  }
0x64: {  	_ =	swait.ge [sflag:s24], $0x4000  }
0x65: {  	[sflag:s24] =	ssyncset.done $0x0  }
0x66: {  	s23 =	sadd.s32 $0x280, s14;
	[sflag:s24] =	ssyncadd.s32 $0xFFFFC000  }
0x67: {  	[spmem:s2] =	stream.indirect.scatter.add.f32 [tilespmem:s20], [sflag:$0x5], $0x80, s23, s17, $0xb8;
	[tilespmem:$0x1F000] =	vst v63  }
0x68: {  	_ =	swait.ge [sflag:s15], $0x4000  }
0x69: {  	[sflag:s15] =	ssyncset.done $0x0  }
0x6a: {  	[sflag:s15] =	ssyncadd.s32 $0xFFFFC000  }
0x6b: {  	[tilespmem:s20], [sflag:$0x2] =	stream.indirect.gather [hbm4b:s4+s17], $0x80, s30, s17, $0xb8;
	[tilespmem:$0x1F000] =	vst v63  }
0x6c: {  	_ =	swait.ge [sflag:s31], $0x400  }
0x6d: {  	[sflag:s31] =	ssyncset.done $0x0  }
0x6e: {  	[sflag:s31] =	ssyncadd.s32 $0xFFFFFC00  }
0x6f: {  	_ =	swait.ge [sflag:s22], $0x4000  }
0x70: {  	[sflag:s22] =	ssyncset.done $0x0  }
0x71: {  	s3 =	sadd.s32 $0x300, s14;
	[sflag:s22] =	ssyncadd.s32 $0xFFFFC000  }
0x72: {  	[spmem:s2] =	stream.indirect.scatter.add.f32 [tilespmem:s18], [sflag:$0x5], $0x80, s3, s17, $0xb8;
	[tilespmem:$0x1F000] =	vst v63  }
0x73: {  	_ =	swait.ge [sflag:s15], $0x4000  }
0x74: {  	[sflag:s15] =	ssyncset.done $0x0  }
0x75: {  	[sflag:s15] =	ssyncadd.s32 $0xFFFFC000  }
0x76: {  	[tilespmem:s18], [sflag:$0x1] =	stream.indirect.gather [hbm4b:s4+s17], $0x80, s21, s17, $0xb8;
	[tilespmem:$0x1F000] =	vst v63  }
0x77: {  	_ =	swait.ge [sflag:s24], $0x4000  }
0x78: {  	[sflag:s24] =	ssyncset.done $0x0  }
0x79: {  	s19 =	sadd.s32 $0x380, s14;
	[sflag:s24] =	ssyncadd.s32 $0xFFFFC000  }
0x7a: {  	[spmem:s2] =	stream.indirect.scatter.add.f32 [tilespmem:s20], [sflag:$0x5], $0x80, s19, s17, $0xb8;
	[tilespmem:$0x1F000] =	vst v63  }
0x7b: {  	_ =	swait.ge [sflag:s15], $0x4000  }
0x7c: {  	p0 =	seq.s32 s12, $0x8000;
	[sflag:s15] =	ssyncset.done $0x0  }
0x7d: {  	s16 =	sshrl.u32 @!p0 s7, $0x3;
	[sflag:s15] =	ssyncadd.s32 $0xFFFFC000  }
0x7e: {  	[tilespmem:s20], [sflag:$0x2] =	stream.indirect.gather [hbm4b:s4+s17], $0x80, s0, s17, $0xb8;
	[tilespmem:$0x1F000] =	vst v63  }
0x7f: {  	s3 =	sadd.s32 @!p0 s5, s16;
	s16 =	simm.s32 @!p0 $0x2800;
	s19 =	simm.s32 @!p0 $0x0  }
0x80: {  	[tilespmem:s16], [sflag:$0x3] =	stream.linear.gather @!p0 [hbm4b:s3+s19], $0x400, $0x38;
	[tilespmem:$0x1F000] =	vst v63  }
0x81: {  	_ =	swait.ge [sflag:s22], $0x4000  }
0x82: {  	[sflag:s22] =	ssyncset.done $0x0  }
0x83: {  	s23 =	sadd.s32 $0x400, s14;
	[sflag:s22] =	ssyncadd.s32 $0xFFFFC000  }
0x84: {  	[spmem:s2] =	stream.indirect.scatter.add.f32 [tilespmem:s18], [sflag:$0x5], $0x80, s23, s17, $0xb8;
	[tilespmem:$0x1F000] =	vst v63  }
0x85: {  	_ =	swait.ge [sflag:s15], $0x4000  }
0x86: {  	[sflag:s15] =	ssyncset.done $0x0  }
0x87: {  	[sflag:s15] =	ssyncadd.s32 $0xFFFFC000  }
0x88: {  	[tilespmem:s18], [sflag:$0x1] =	stream.indirect.gather [hbm4b:s4+s17], $0x80, s1, s17, $0xb8;
	[tilespmem:$0x1F000] =	vst v63  }
0x89: {  	_ =	swait.ge [sflag:s24], $0x4000  }
0x8a: {  	[sflag:s24] =	ssyncset.done $0x0  }
0x8b: {  	s19 =	sadd.s32 $0x480, s14;
	[sflag:s24] =	ssyncadd.s32 $0xFFFFC000  }
0x8c: {  	[spmem:s2] =	stream.indirect.scatter.add.f32 [tilespmem:s20], [sflag:$0x5], $0x80, s19, s17, $0xb8;
	[tilespmem:$0x1F000] =	vst v63  }
0x8d: {  	_ =	swait.ge [sflag:s15], $0x4000  }
0x8e: {  	[sflag:s15] =	ssyncset.done $0x0  }
0x8f: {  	[sflag:s15] =	ssyncadd.s32 $0xFFFFC000  }
0x90: {  	[tilespmem:s20], [sflag:$0x2] =	stream.indirect.gather [hbm4b:s4+s17], $0x80, s6, s17, $0xb8;
	[tilespmem:$0x1F000] =	vst v63  }
0x91: {  	_ =	swait.ge [sflag:s22], $0x4000  }
0x92: {  	[sflag:s22] =	ssyncset.done $0x0  }
0x93: {  	s23 =	sadd.s32 $0x500, s14;
	[sflag:s22] =	ssyncadd.s32 $0xFFFFC000  }
0x94: {  	[spmem:s2] =	stream.indirect.scatter.add.f32 [tilespmem:s18], [sflag:$0x5], $0x80, s23, s17, $0xb8;
	[tilespmem:$0x1F000] =	vst v63  }
0x95: {  	_ =	swait.ge [sflag:s15], $0x4000  }
0x96: {  	[sflag:s15] =	ssyncset.done $0x0  }
0x97: {  	[sflag:s15] =	ssyncadd.s32 $0xFFFFC000  }
0x98: {  	[tilespmem:s18], [sflag:$0x1] =	stream.indirect.gather [hbm4b:s4+s17], $0x80, s8, s17, $0xb8;
	[tilespmem:$0x1F000] =	vst v63  }
0x99: {  	_ =	swait.ge [sflag:s24], $0x4000  }
0x9a: {  	[sflag:s24] =	ssyncset.done $0x0  }
0x9b: {  	s19 =	sadd.s32 $0x580, s14;
	[sflag:s24] =	ssyncadd.s32 $0xFFFFC000  }
0x9c: {  	[spmem:s2] =	stream.indirect.scatter.add.f32 [tilespmem:s20], [sflag:$0x5], $0x80, s19, s17, $0xb8;
	[tilespmem:$0x1F000] =	vst v63  }
0x9d: {  	_ =	swait.ge [sflag:s15], $0x4000  }
0x9e: {  	[sflag:s15] =	ssyncset.done $0x0  }
0x9f: {  	[sflag:s15] =	ssyncadd.s32 $0xFFFFC000  }
0xa0: {  	[tilespmem:s20], [sflag:$0x2] =	stream.indirect.gather [hbm4b:s4+s17], $0x80, s9, s17, $0xb8;
	[tilespmem:$0x1F000] =	vst v63  }
0xa1: {  	_ =	swait.ge [sflag:s22], $0x4000  }
0xa2: {  	[sflag:s22] =	ssyncset.done $0x0  }
0xa3: {  	s23 =	sadd.s32 $0x600, s14;
	[sflag:s22] =	ssyncadd.s32 $0xFFFFC000  }
0xa4: {  	[spmem:s2] =	stream.indirect.scatter.add.f32 [tilespmem:s18], [sflag:$0x5], $0x80, s23, s17, $0xb8;
	[tilespmem:$0x1F000] =	vst v63  }
0xa5: {  	_ =	swait.ge [sflag:s15], $0x4000  }
0xa6: {  	[sflag:s15] =	ssyncset.done $0x0  }
0xa7: {  	[sflag:s15] =	ssyncadd.s32 $0xFFFFC000  }
0xa8: {  	[tilespmem:s18], [sflag:$0x1] =	stream.indirect.gather [hbm4b:s4+s17], $0x80, s10, s17, $0xb8;
	[tilespmem:$0x1F000] =	vst v63  }
0xa9: {  	_ =	swait.ge [sflag:s24], $0x4000  }
0xaa: {  	[sflag:s24] =	ssyncset.done $0x0  }
0xab: {  	s19 =	sadd.s32 $0x680, s14;
	[sflag:s24] =	ssyncadd.s32 $0xFFFFC000  }
0xac: {  	[spmem:s2] =	stream.indirect.scatter.add.f32 [tilespmem:s20], [sflag:$0x5], $0x80, s19, s17, $0xb8;
	[tilespmem:$0x1F000] =	vst v63  }
0xad: {  	_ =	swait.ge [sflag:s15], $0x4000  }
0xae: {  	[sflag:s15] =	ssyncset.done $0x0  }
0xaf: {  	s3 =	simm.s32 @p0 $0x1;
	[sflag:s15] =	ssyncadd.s32 $0xFFFFC000  }
0xb0: {  	[tilespmem:s20], [sflag:$0x2] =	stream.indirect.gather [hbm4b:s4+s17], $0x80, s11, s17, $0xb8;
	[tilespmem:$0x1F000] =	vst v63  }
0xb1: {  	_ =	swait.ge @p0 [sflag:s3], $0x4000  }
0xb2: {  	[sflag:s3] =	ssyncset.done @p0 $0x0  }
0xb3: {  	[sflag:s3] =	ssyncadd.s32 @p0 $0xFFFFC000;
	s3 =	sshra.s32 @p0 s12, $0x2  }
0xb4: {  	s23 =	simm.s32 @p0 $0x3000;
	s19 =	simm.s32 @p0 $0x80;
	s3 =	sadd.s32 @p0 $0x700, s3  }
0xb5: {  	[spmem:s2] =	stream.indirect.scatter.add.f32 @p0 [tilespmem:s23], [sflag:$0x5], $0x80, s3, s19, $0xb8;
	[tilespmem:$0x1F000] =	vst v63  }
0xb6: {  	s3 =	simm.s32 @p0 $0x5  }
0xb7: {  	_ =	swait.ge @p0 [sflag:s3], $0x4000  }
0xb8: {  	[sflag:s3] =	ssyncset.done @p0 $0x0  }
0xb9: {  	[sflag:s3] =	ssyncadd.s32 @p0 $0xFFFFC000;
	s3 =	simm.s32 @!p0 $0x3  }
0xba: {  	_ =	swait.ge @!p0 [sflag:s3], $0x400  }
0xbb: {  	[sflag:s3] =	ssyncset.done @!p0 $0x0  }
0xbc: {  	[sflag:s3] =	ssyncadd.s32 @!p0 $0xFFFFFC00;
	s3 =	simm.s32 @!p0 $0x1  }
0xbd: {  	_ =	swait.ge @!p0 [sflag:s3], $0x4000  }
0xbe: {  	[sflag:s3] =	ssyncset.done @!p0 $0x0  }
0xbf: {  	[sflag:s3] =	ssyncadd.s32 @!p0 $0xFFFFC000;
	s3 =	sshra.s32 @!p0 s12, $0x2  }
0xc0: {  	s19 =	simm.s32 @!p0 $0x80;
	s23 =	simm.s32 @!p0 $0x3000;
	s3 =	sadd.s32 @!p0 $0x700, s3  }
0xc1: {  	[spmem:s2] =	stream.indirect.scatter.add.f32 @!p0 [tilespmem:s23], [sflag:$0x5], $0x80, s3, s19, $0xb8;
	[tilespmem:$0x1F000] =	vst v63  }
0xc2: {  	s3 =	simm.s32 @!p0 $0x5  }
0xc3: {  	_ =	swait.ge @!p0 [sflag:s3], $0x4000  }
0xc4: {  	[sflag:s3] =	ssyncset.done @!p0 $0x0  }
0xc5: {  	[sflag:s3] =	ssyncadd.s32 @!p0 $0xFFFFC000  }
0xc6: {  	[tilespmem:s23], [sflag:$0x1] =	stream.indirect.gather @!p0 [hbm4b:s4+s19], $0x80, s16, s19, $0xb8;
	[tilespmem:$0x1F000] =	vst v63  }
0xc7: {  	_ =	swait.ge [sflag:s24], $0x4000  }
0xc8: {  	[sflag:s24] =	ssyncset.done $0x0  }
.Ltmp2:
0xc9: {  	s23 =	sadd.s32 $0x780, s14;
	[sflag:s24] =	ssyncadd.s32 $0xFFFFC000;
	(pc) =	sbr.rel @p0 .LBB2_4-.Ltmp2, $4  }
0xca: {  	[spmem:s2] =	stream.indirect.scatter.add.f32 [tilespmem:s20], [sflag:$0x5], $0x80, s23, s17, $0xb8;
	[tilespmem:$0x1F000] =	vst v63  }
0xcb: {  	_ =	swait.ge [sflag:s15], $0x4000  }
0xcc: {  	[sflag:s15] =	ssyncset.done $0x0  }
0xcd: {  	[sflag:s15] =	ssyncadd.s32 $0xFFFFC000  }
.Ltmp3:
0xce: {  	(pc) =	sbr.rel .LBB2_2-.Ltmp3, $4  }
0xcf: {  	_ = 	snop  }
0xd0: {  	s3 =	simm.s32 $0x2880  }
0xd1: {  	s7 =	sadd.s32 $0x800, s7;
	s12 =	sadd.s32 $0x2000, s12;
	s13 =	sadd.s32 $0x100, s13  }
0xd2: {  	[tilespmem:s20], [sflag:$0x2] =	stream.indirect.gather [hbm4b:s4+s17], $0x80, s3, s17, $0xb8;
	[tilespmem:$0x1F000] =	vst v63  }
.LBB2_5:
0xd3: {  	_ =	sfence.sel $0x180000  }
0xd4: {  	[bflag:$0x0] =	sbarrier.arrive $0xFFFF  }
0xd5: {  	_ =	strace $0x90000050  }
0xd6: {  	s0 =	stileid.u32;
	[bflag:$0x2] =	sbarrier.arrive $0xFFFF  }
0xd7: {  	p0 =	sne.s32 s0, $0x0;
	s0 =	rddreg [dreg:$0x3]  }
0xd8: {  	s0 =	sadd.s32 @!p0 $0x100000, s0  }
0xd9: {  	[sflag:s0] =	ssyncadd.tile.s32 @!p0 $0x1;
	_ =	shalt  }
.Lfunc_end2:
_tile_overlayer_lowered:
.L_overlay_start_2:
0xda: {  	(tag) =	ssettag $0x2  }
0xdb: {  	s0 =	rddreg [dreg:$0x0];
	s2 =	stileid.u32  }
0xdc: {  	s1 =	rddreg [dreg:$0x1];
	p0 =	sne.s32 s2, $0x0  }
0xdd: {  	s3 =	rddreg [dreg:$0x2];
	[bflag:$0x3] =	sbarrier.arrive $0xFFFF;
	s2 =	simm.s32 @!p0 $0x1C05  }
0xde: {  	[timem:s3], [sflag:s2] =	dma.local @!p0 [hbm:s0], s1  }
0xdf: {  	s0 =	simm.s32 @!p0 $0x5  }
0xe0: {  	_ =	swait.ge @!p0 [sflag:s0], s1  }
0xe1: {  	s1 =	ssub.s32 @!p0 $0x0, s1;
	[sflag:s0] =	ssyncset.done @!p0 $0x0  }
0xe2: {  	[sflag:s0] =	ssyncadd.s32 @!p0 s1  }
0xe3: {  	[bflag:$0x3] =	sbarrier.arrive $0xFFFF  }
0xe4: {  	_ =	shalt  }

</sc_bundles>
